<compile_context>
chip_gen: v7x
topology: tpu7x:2x2x1
jax: 0.10.2.dev20260603
libtpu: 0.0.44.dev20260713+nightly
codegen_flags: <defaults>
</compile_context>

<pallas_src>
import functools

import jax
import jax.numpy as jnp
from jax import lax
from jax.experimental import pallas as pl
from jax.experimental.pallas import tpu as pltpu
from jax.experimental.pallas import tpu_sc as plsc

BATCH = 16384
VOCAB = 1000000
EMBED_DIM = 16
LANES = 128

_NW = 32
_BPW = BATCH // _NW
_W = 16
_NWAVES = _BPW // _W


def _make_lookup():
    mesh = plsc.VectorSubcoreMesh(core_axis_name="c", subcore_axis_name="s")

    @functools.partial(
        pl.kernel,
        mesh=mesh,
        out_type=jax.ShapeDtypeStruct((EMBED_DIM, BATCH), jnp.float32),
        scratch_types=[
            pltpu.VMEM((_BPW,), jnp.int32),
            pltpu.VMEM((2, _W, EMBED_DIM, LANES), jnp.float32),
            pltpu.VMEM((EMBED_DIM, _BPW), jnp.float32),
            pltpu.SemaphoreType.DMA,
            pltpu.SemaphoreType.DMA,
            pltpu.SemaphoreType.DMA,
        ],
        compiler_params=pltpu.CompilerParams(needs_layout_passes=False),
    )
    def lookup(idx_hbm, table_hbm, out_hbm, idx_v, rows_v, obuf,
               sem0, sem1, osem):
        wid = lax.axis_index("s") * 2 + lax.axis_index("c")
        base = wid * _BPW
        lane = lax.iota(jnp.int32, 16)
        pltpu.sync_copy(idx_hbm.at[pl.ds(base, _BPW)], idx_v)
        sems = [sem0, sem1]

        def fire(w, parity):
            sem = sems[0] if parity == 0 else sems[1]
            offv = jnp.bitwise_and(idx_v[pl.ds(w * _W, _W)], jnp.int32(-LANES))
            for k in range(_W):
                off_s = jnp.max(jnp.where(lane == k, offv, jnp.int32(0)))
                off = pl.multiple_of(off_s, LANES)
                pltpu.async_copy(
                    table_hbm.at[pl.ds(0, 8), pl.ds(off, LANES)],
                    rows_v.at[parity, k, pl.ds(0, 8)], sem)
                pltpu.async_copy(
                    table_hbm.at[pl.ds(8, 8), pl.ds(off, LANES)],
                    rows_v.at[parity, k, pl.ds(8, 8)], sem)

        def drain(parity):
            sem = sems[0] if parity == 0 else sems[1]
            for k in range(_W):
                pltpu.make_async_copy(table_hbm.at[:, pl.ds(0, LANES)],
                                      rows_v.at[parity, k], sem).wait()

        def run_wave(w, parity):
            @pl.when(w + 1 < _NWAVES)
            def _():
                fire(w + 1, 1 - parity)

            drain(parity)
            psplat = jnp.full((16,), parity, dtype=jnp.int32)
            for k in range(_W):
                b = w * _W + k
                bsplat = lax.broadcast(b, (16,))
                lsplat = jnp.bitwise_and(
                    plsc.load_gather(idx_v, [bsplat]), jnp.int32(LANES - 1))
                ksplat = jnp.full((16,), k, dtype=jnp.int32)
                vals = plsc.load_gather(rows_v, [psplat, ksplat, lane, lsplat])
                plsc.store_scatter(obuf, [lane, bsplat], vals)

        fire(0, 0)

        def body(w, carry):
            run_wave(2 * w, 0)
            run_wave(2 * w + 1, 1)
            return carry

        lax.fori_loop(0, _NWAVES // 2, body, 0)
        pltpu.async_copy(obuf, out_hbm.at[:, pl.ds(base, _BPW)], osem).wait()

    return lookup


_lookup = _make_lookup()


@jax.jit
def kernel(inputs, embedding_table):
    input_shape = inputs.shape
    flat = jnp.reshape(inputs, (-1,)).astype(jnp.int32)
    table_t = jnp.transpose(embedding_table)
    out_t = _lookup(flat, table_t)
    return jnp.reshape(jnp.transpose(out_t), input_shape + (EMBED_DIM,))

# --- scband reference (transcript-rebuilt; emitter-appended) ---
"""Pipeline reference for scband-shallow-encoder-52776558133621 (READ-ONLY COPY).

The authoritative reference and input builder live on the scoring server;
editing this copy changes nothing except your own understanding.
"""

import jax, jax.numpy as jnp
import numpy as np

BATCH = 16384
VOCAB = 1000000  # max_id + 1
EMBED_DIM = 16

def setup_inputs(seed: int = 0) -> dict:
    key = jax.random.key(seed)
    k_idx, k_tab = jax.random.split(key)
    inputs = jax.random.randint(k_idx, (BATCH,), 0, VOCAB, dtype=jnp.int64 if jax.config.jax_enable_x64 else jnp.int32)
    # Embedding table for node-id embedding: (max_id + 1, embedding_dim)
    embedding_table = jax.random.normal(k_tab, (VOCAB, EMBED_DIM), dtype=jnp.float32) * 0.05
    return {"inputs": inputs, "embedding_table": embedding_table}

def reference(inputs, embedding_table):
    # ShallowEncoder with only use_id=True, combiner='concat', dim=None:
    # flatten ids, embed, concat (single embedding -> identity), reshape back
    input_shape = inputs.shape
    flat = jnp.reshape(inputs, (-1,))
    emb = jnp.take(embedding_table, flat, axis=0)  # gather -> SparseCore embedding lookup
    out = jnp.reshape(emb, input_shape + (EMBED_DIM,))
    return out

if __name__ == "__main__":
    import jax
    _d = setup_inputs()
    print(jax.jit(kernel)(*tuple(_d.values())))

</pallas_src>

<mosaic_0001>
#map = affine_map<(d0, d1) -> (0)>
#map1 = affine_map<(d0, d1) -> (0, 0)>
module attributes {stable_mosaic.version = 14 : i64} {
  func.func @lookup(%arg0: i32, %arg1: i32, %arg2: memref<16384xi32, #tpu.memory_space<hbm>>, %arg3: memref<16x1000000xf32, #tpu.memory_space<hbm>>, %arg4: memref<16x16384xf32, #tpu.memory_space<hbm>>, %arg5: memref<512xi32, #tpu.memory_space<vmem>>, %arg6: memref<2x16x16x128xf32, #tpu.memory_space<vmem>>, %arg7: memref<16x512xf32, #tpu.memory_space<vmem>>, %arg8: memref<!tpu.dma_semaphore, #tpu.memory_space<semaphore_mem>>, %arg9: memref<!tpu.dma_semaphore, #tpu.memory_space<semaphore_mem>>, %arg10: memref<!tpu.dma_semaphore, #tpu.memory_space<semaphore_mem>>) attributes {dimension_semantics = [#tpu.dimension_semantics<core_parallel>, #tpu.dimension_semantics<subcore_parallel>], iteration_bounds = array<i64: 2, 16>, scalar_prefetch = 0 : i64, scratch_operands = 6 : i64, tpu.core_type = #tpu.core_type<sc_vector_subcore>, window_params = [{transform_indices = #map}, {transform_indices = #map1}, {transform_indices = #map1}]} {
    %mul3A = arith.constant 2 : i32
    %mul3A_0 = arith.muli %arg1, %mul3A : i32
    %add3A = arith.addi %mul3A_0, %arg0 : i32
    %mul3A_1 = arith.constant 512 : i32
    %mul3A_2 = arith.muli %add3A, %mul3A_1 : i32
    %iota3A = tpu.iota {dimensions = array<i32: 0>} : vector<16xi32>
    "tpu.region"() ({
      %run_scoped3A = tpu.sem_alloc : memref<!tpu.dma_semaphore, #tpu.memory_space<semaphore_mem>>
      %dma_start3A_699 = tpu.memref_slice %arg2[%mul3A_2] : memref<16384xi32, #tpu.memory_space<hbm>> -> memref<512xi32, #tpu.memory_space<hbm>>
      %dma_start3A_700 = tpu.memref_slice %arg2[%mul3A_2] : memref<16384xi32, #tpu.memory_space<hbm>> -> memref<512xi32, #tpu.memory_space<hbm>>
      tpu.enqueue_dma source(%dma_start3A_700 : memref<512xi32, #tpu.memory_space<hbm>>) target(%arg5 : memref<512xi32, #tpu.memory_space<vmem>>) target_semaphore(%run_scoped3A : memref<!tpu.dma_semaphore, #tpu.memory_space<semaphore_mem>>)
      %dma_wait3A_701 = tpu.memref_slice %arg2[%mul3A_2] : memref<16384xi32, #tpu.memory_space<hbm>> -> memref<512xi32, #tpu.memory_space<hbm>>
      %dma_wait3A_702 = tpu.memref_slice %arg2[%mul3A_2] : memref<16384xi32, #tpu.memory_space<hbm>> -> memref<512xi32, #tpu.memory_space<hbm>>
      tpu.wait_dma2 semaphore(%run_scoped3A : memref<!tpu.dma_semaphore, #tpu.memory_space<semaphore_mem>>) src(%dma_wait3A_702 : memref<512xi32, #tpu.memory_space<hbm>>) dst(%arg5 : memref<512xi32, #tpu.memory_space<vmem>>)
      tpu.yield
    }) : () -> ()
    %get3A = arith.constant 0 : index
    %get3A_3 = tpu.vector_load %arg5[%get3A] {strides = array<i32>} : memref<512xi32, #tpu.memory_space<vmem>>, vector<16xi32>,
    %and3A = arith.constant -128 : i32
    %and3A_4 = vector.broadcast %and3A : i32 to vector<16xi32>
    %and3A_5 = arith.andi %get3A_3, %and3A_4 : vector<16xi32>
    %eq3A = arith.constant 0 : i32
    %eq3A_6 = vector.broadcast %eq3A : i32 to vector<16xi32>
    %eq3A_7 = arith.cmpi eq, %iota3A, %eq3A_6 : vector<16xi32>
    %jit3A = arith.constant 0 : i32
    %broadcast_in_dim3A = vector.broadcast %jit3A : i32 to vector<16xi32>
    %select_n3A = arith.select %eq3A_7, %and3A_5, %broadcast_in_dim3A : vector<16xi1>, vector<16xi32>
    %reduce_max3A = arith.constant true
    %reduce_max3A_8 = vector.broadcast %reduce_max3A : i1 to vector<16xi1>
    %reduce_max3A_9 = arith.constant -2147483648 : i32
    %reduce_max3A_10 = vector.broadcast %reduce_max3A_9 : i32 to vector<16xi32>
    %reduce_max3A_11 = arith.xori %select_n3A, %reduce_max3A_10 : vector<16xi32>
    %reduce_max3A_12 = tpu.scan <max>, %reduce_max3A_11 masked %reduce_max3A_8 : vector<16xi32>, vector<16xi1> -> vector<16xi32>
    %reduce_max3A_13 = arith.xori %reduce_max3A_12, %reduce_max3A_10 : vector<16xi32>
    %reduce_max3A_14 = vector.extract %reduce_max3A_13[15] : i32 from vector<16xi32>
    %multiple_of3A = tpu.assume_multiple %reduce_max3A_14, 128 : i32
    %dma_start3A = arith.constant 0 : i32
    %dma_start3A_15 = arith.constant 0 : i32
    %dma_start3A_16 = arith.constant 0 : i32
    %dma_start3A_17 = arith.constant 0 : i32
    %dma_start3A_18 = tpu.memref_slice %arg6[%dma_start3A, %dma_start3A_15, %dma_start3A_16, %dma_start3A_17] : memref<2x16x16x128xf32, #tpu.memory_space<vmem>> -> memref<1x1x8x128xf32, #tpu.memory_space<vmem>>
    %dma_start3A_19 = tpu.memref_squeeze %dma_start3A_18 : memref<1x1x8x128xf32, #tpu.memory_space<vmem>> -> memref<8x128xf32, #tpu.memory_space<vmem>>
    %dma_start3A_20 = arith.constant 0 : i32
    %dma_start3A_21 = tpu.memref_slice %arg3[%dma_start3A_20, %multiple_of3A] : memref<16x1000000xf32, #tpu.memory_space<hbm>> -> memref<8x128xf32, #tpu.memory_space<hbm>>
    %dma_start3A_22 = arith.constant 0 : i32
    %dma_start3A_23 = arith.constant 0 : i32
    %dma_start3A_24 = tpu.memref_slice %arg6[%dma_start3A, %dma_start3A_15, %dma_start3A_22, %dma_start3A_23] : memref<2x16x16x128xf32, #tpu.memory_space<vmem>> -> memref<1x1x8x128xf32, #tpu.memory_space<vmem>>
    %dma_start3A_25 = tpu.memref_squeeze %dma_start3A_24 : memref<1x1x8x128xf32, #tpu.memory_space<vmem>> -> memref<8x128xf32, #tpu.memory_space<vmem>>
    %dma_start3A_26 = arith.constant 0 : i32
    %dma_start3A_27 = tpu.memref_slice %arg3[%dma_start3A_26, %multiple_of3A] : memref<16x1000000xf32, #tpu.memory_space<hbm>> -> memref<8x128xf32, #tpu.memory_space<hbm>>
    tpu.enqueue_dma source(%dma_start3A_27 : memref<8x128xf32, #tpu.memory_space<hbm>>) target(%dma_start3A_25 : memref<8x128xf32, #tpu.memory_space<vmem>>) target_semaphore(%arg8 : memref<!tpu.dma_semaphore, #tpu.memory_space<semaphore_mem>>)
    %dma_start3A_28 = arith.constant 0 : i32
    %dma_start3A_29 = arith.constant 0 : i32
    %dma_start3A_30 = arith.constant 8 : i32
    %dma_start3A_31 = arith.constant 0 : i32
    %dma_start3A_32 = tpu.memref_slice %arg6[%dma_start3A_28, %dma_start3A_29, %dma_start3A_30, %dma_start3A_31] : memref<2x16x16x128xf32, #tpu.memory_space<vmem>> -> memref<1x1x8x128xf32, #tpu.memory_space<vmem>>
    %dma_start3A_33 = tpu.memref_squeeze %dma_start3A_32 : memref<1x1x8x128xf32, #tpu.memory_space<vmem>> -> memref<8x128xf32, #tpu.memory_space<vmem>>
    %dma_start3A_34 = arith.constant 8 : i32
    %dma_start3A_35 = tpu.memref_slice %arg3[%dma_start3A_34, %multiple_of3A] : memref<16x1000000xf32, #tpu.memory_space<hbm>> -> memref<8x128xf32, #tpu.memory_space<hbm>>
    %dma_start3A_36 = arith.constant 8 : i32
    %dma_start3A_37 = arith.constant 0 : i32
    %dma_start3A_38 = tpu.memref_slice %arg6[%dma_start3A_28, %dma_start3A_29, %dma_start3A_36, %dma_start3A_37] : memref<2x16x16x128xf32, #tpu.memory_space<vmem>> -> memref<1x1x8x128xf32, #tpu.memory_space<vmem>>
    %dma_start3A_39 = tpu.memref_squeeze %dma_start3A_38 : memref<1x1x8x128xf32, #tpu.memory_space<vmem>> -> memref<8x128xf32, #tpu.memory_space<vmem>>
    %dma_start3A_40 = arith.constant 8 : i32
    %dma_start3A_41 = tpu.memref_slice %arg3[%dma_start3A_40, %multiple_of3A] : memref<16x1000000xf32, #tpu.memory_space<hbm>> -> memref<8x128xf32, #tpu.memory_space<hbm>>
    tpu.enqueue_dma source(%dma_start3A_41 : memref<8x128xf32, #tpu.memory_space<hbm>>) target(%dma_start3A_39 : memref<8x128xf32, #tpu.memory_space<vmem>>) target_semaphore(%arg8 : memref<!tpu.dma_semaphore, #tpu.memory_space<semaphore_mem>>)
    %eq3A_42 = arith.constant 1 : i32
    %eq3A_43 = vector.broadcast %eq3A_42 : i32 to vector<16xi32>
    %eq3A_44 = arith.cmpi eq, %iota3A, %eq3A_43 : vector<16xi32>
    %jit3A_45 = arith.constant 0 : i32
    %broadcast_in_dim3A_46 = vector.broadcast %jit3A_45 : i32 to vector<16xi32>
    %select_n3A_47 = arith.select %eq3A_44, %and3A_5, %broadcast_in_dim3A_46 : vector<16xi1>, vector<16xi32>
    %reduce_max3A_48 = arith.constant true
    %reduce_max3A_49 = vector.broadcast %reduce_max3A_48 : i1 to vector<16xi1>
    %reduce_max3A_50 = arith.constant -2147483648 : i32
    %reduce_max3A_51 = vector.broadcast %reduce_max3A_50 : i32 to vector<16xi32>
    %reduce_max3A_52 = arith.xori %select_n3A_47, %reduce_max3A_51 : vector<16xi32>
    %reduce_max3A_53 = tpu.scan <max>, %reduce_max3A_52 masked %reduce_max3A_49 : vector<16xi32>, vector<16xi1> -> vector<16xi32>
    %reduce_max3A_54 = arith.xori %reduce_max3A_53, %reduce_max3A_51 : vector<16xi32>
    %reduce_max3A_55 = vector.extract %reduce_max3A_54[15] : i32 from vector<16xi32>
    %multiple_of3A_56 = tpu.assume_multiple %reduce_max3A_55, 128 : i32
    %dma_start3A_57 = arith.constant 0 : i32
    %dma_start3A_58 = arith.constant 1 : i32
    %dma_start3A_59 = arith.constant 0 : i32
    %dma_start3A_60 = arith.constant 0 : i32
    %dma_start3A_61 = tpu.memref_slice %arg6[%dma_start3A_57, %dma_start3A_58, %dma_start3A_59, %dma_start3A_60] : memref<2x16x16x128xf32, #tpu.memory_space<vmem>> -> memref<1x1x8x128xf32, #tpu.memory_space<vmem>>
    %dma_start3A_62 = tpu.memref_squeeze %dma_start3A_61 : memref<1x1x8x128xf32, #tpu.memory_space<vmem>> -> memref<8x128xf32, #tpu.memory_space<vmem>>
    %dma_start3A_63 = arith.constant 0 : i32
    %dma_start3A_64 = tpu.memref_slice %arg3[%dma_start3A_63, %multiple_of3A_56] : memref<16x1000000xf32, #tpu.memory_space<hbm>> -> memref<8x128xf32, #tpu.memory_space<hbm>>
    %dma_start3A_65 = arith.constant 0 : i32
    %dma_start3A_66 = arith.constant 0 : i32
    %dma_start3A_67 = tpu.memref_slice %arg6[%dma_start3A_57, %dma_start3A_58, %dma_start3A_65, %dma_start3A_66] : memref<2x16x16x128xf32, #tpu.memory_space<vmem>> -> memref<1x1x8x128xf32, #tpu.memory_space<vmem>>
    %dma_start3A_68 = tpu.memref_squeeze %dma_start3A_67 : memref<1x1x8x128xf32, #tpu.memory_space<vmem>> -> memref<8x128xf32, #tpu.memory_space<vmem>>
    %dma_start3A_69 = arith.constant 0 : i32
    %dma_start3A_70 = tpu.memref_slice %arg3[%dma_start3A_69, %multiple_of3A_56] : memref<16x1000000xf32, #tpu.memory_space<hbm>> -> memref<8x128xf32, #tpu.memory_space<hbm>>
    tpu.enqueue_dma source(%dma_start3A_70 : memref<8x128xf32, #tpu.memory_space<hbm>>) target(%dma_start3A_68 : memref<8x128xf32, #tpu.memory_space<vmem>>) target_semaphore(%arg8 : memref<!tpu.dma_semaphore, #tpu.memory_space<semaphore_mem>>)
    %dma_start3A_71 = arith.constant 0 : i32
    %dma_start3A_72 = arith.constant 1 : i32
    %dma_start3A_73 = arith.constant 8 : i32
    %dma_start3A_74 = arith.constant 0 : i32
    %dma_start3A_75 = tpu.memref_slice %arg6[%dma_start3A_71, %dma_start3A_72, %dma_start3A_73, %dma_start3A_74] : memref<2x16x16x128xf32, #tpu.memory_space<vmem>> -> memref<1x1x8x128xf32, #tpu.memory_space<vmem>>
    %dma_start3A_76 = tpu.memref_squeeze %dma_start3A_75 : memref<1x1x8x128xf32, #tpu.memory_space<vmem>> -> memref<8x128xf32, #tpu.memory_space<vmem>>
    %dma_start3A_77 = arith.constant 8 : i32
    %dma_start3A_78 = tpu.memref_slice %arg3[%dma_start3A_77, %multiple_of3A_56] : memref<16x1000000xf32, #tpu.memory_space<hbm>> -> memref<8x128xf32, #tpu.memory_space<hbm>>
    %dma_start3A_79 = arith.constant 8 : i32
    %dma_start3A_80 = arith.constant 0 : i32
    %dma_start3A_81 = tpu.memref_slice %arg6[%dma_start3A_71, %dma_start3A_72, %dma_start3A_79, %dma_start3A_80] : memref<2x16x16x128xf32, #tpu.memory_space<vmem>> -> memref<1x1x8x128xf32, #tpu.memory_space<vmem>>
    %dma_start3A_82 = tpu.memref_squeeze %dma_start3A_81 : memref<1x1x8x128xf32, #tpu.memory_space<vmem>> -> memref<8x128xf32, #tpu.memory_space<vmem>>
    %dma_start3A_83 = arith.constant 8 : i32
    %dma_start3A_84 = tpu.memref_slice %arg3[%dma_start3A_83, %multiple_of3A_56] : memref<16x1000000xf32, #tpu.memory_space<hbm>> -> memref<8x128xf32, #tpu.memory_space<hbm>>
    tpu.enqueue_dma source(%dma_start3A_84 : memref<8x128xf32, #tpu.memory_space<hbm>>) target(%dma_start3A_82 : memref<8x128xf32, #tpu.memory_space<vmem>>) target_semaphore(%arg8 : memref<!tpu.dma_semaphore, #tpu.memory_space<semaphore_mem>>)
    %eq3A_85 = arith.constant 2 : i32
    %eq3A_86 = vector.broadcast %eq3A_85 : i32 to vector<16xi32>
    %eq3A_87 = arith.cmpi eq, %iota3A, %eq3A_86 : vector<16xi32>
    %jit3A_88 = arith.constant 0 : i32
    %broadcast_in_dim3A_89 = vector.broadcast %jit3A_88 : i32 to vector<16xi32>
    %select_n3A_90 = arith.select %eq3A_87, %and3A_5, %broadcast_in_dim3A_89 : vector<16xi1>, vector<16xi32>
    %reduce_max3A_91 = arith.constant true
    %reduce_max3A_92 = vector.broadcast %reduce_max3A_91 : i1 to vector<16xi1>
    %reduce_max3A_93 = arith.constant -2147483648 : i32
    %reduce_max3A_94 = vector.broadcast %reduce_max3A_93 : i32 to vector<16xi32>
    %reduce_max3A_95 = arith.xori %select_n3A_90, %reduce_max3A_94 : vector<16xi32>
    %reduce_max3A_96 = tpu.scan <max>, %reduce_max3A_95 masked %reduce_max3A_92 : vector<16xi32>, vector<16xi1> -> vector<16xi32>
    %reduce_max3A_97 = arith.xori %reduce_max3A_96, %reduce_max3A_94 : vector<16xi32>
    %reduce_max3A_98 = vector.extract %reduce_max3A_97[15] : i32 from vector<16xi32>
    %multiple_of3A_99 = tpu.assume_multiple %reduce_max3A_98, 128 : i32
    %dma_start3A_100 = arith.constant 0 : i32
    %dma_start3A_101 = arith.constant 2 : i32
    %dma_start3A_102 = arith.constant 0 : i32
    %dma_start3A_103 = arith.constant 0 : i32
    %dma_start3A_104 = tpu.memref_slice %arg6[%dma_start3A_100, %dma_start3A_101, %dma_start3A_102, %dma_start3A_103] : memref<2x16x16x128xf32, #tpu.memory_space<vmem>> -> memref<1x1x8x128xf32, #tpu.memory_space<vmem>>
    %dma_start3A_105 = tpu.memref_squeeze %dma_start3A_104 : memref<1x1x8x128xf32, #tpu.memory_space<vmem>> -> memref<8x128xf32, #tpu.memory_space<vmem>>
    %dma_start3A_106 = arith.constant 0 : i32
    %dma_start3A_107 = tpu.memref_slice %arg3[%dma_start3A_106, %multiple_of3A_99] : memref<16x1000000xf32, #tpu.memory_space<hbm>> -> memref<8x128xf32, #tpu.memory_space<hbm>>
    %dma_start3A_108 = arith.constant 0 : i32
    %dma_start3A_109 = arith.constant 0 : i32
    %dma_start3A_110 = tpu.memref_slice %arg6[%dma_start3A_100, %dma_start3A_101, %dma_start3A_108, %dma_start3A_109] : memref<2x16x16x128xf32, #tpu.memory_space<vmem>> -> memref<1x1x8x128xf32, #tpu.memory_space<vmem>>
    %dma_start3A_111 = tpu.memref_squeeze %dma_start3A_110 : memref<1x1x8x128xf32, #tpu.memory_space<vmem>> -> memref<8x128xf32, #tpu.memory_space<vmem>>
    %dma_start3A_112 = arith.constant 0 : i32
    %dma_start3A_113 = tpu.memref_slice %arg3[%dma_start3A_112, %multiple_of3A_99] : memref<16x1000000xf32, #tpu.memory_space<hbm>> -> memref<8x128xf32, #tpu.memory_space<hbm>>
    tpu.enqueue_dma source(%dma_start3A_113 : memref<8x128xf32, #tpu.memory_space<hbm>>) target(%dma_start3A_111 : memref<8x128xf32, #tpu.memory_space<vmem>>) target_semaphore(%arg8 : memref<!tpu.dma_semaphore, #tpu.memory_space<semaphore_mem>>)
    %dma_start3A_114 = arith.constant 0 : i32
    %dma_start3A_115 = arith.constant 2 : i32
    %dma_start3A_116 = arith.constant 8 : i32
    %dma_start3A_117 = arith.constant 0 : i32
    %dma_start3A_118 = tpu.memref_slice %arg6[%dma_start3A_114, %dma_start3A_115, %dma_start3A_116, %dma_start3A_117] : memref<2x16x16x128xf32, #tpu.memory_space<vmem>> -> memref<1x1x8x128xf32, #tpu.memory_space<vmem>>
    %dma_start3A_119 = tpu.memref_squeeze %dma_start3A_118 : memref<1x1x8x128xf32, #tpu.memory_space<vmem>> -> memref<8x128xf32, #tpu.memory_space<vmem>>
    %dma_start3A_120 = arith.constant 8 : i32
    %dma_start3A_121 = tpu.memref_slice %arg3[%dma_start3A_120, %multiple_of3A_99] : memref<16x1000000xf32, #tpu.memory_space<hbm>> -> memref<8x128xf32, #tpu.memory_space<hbm>>
    %dma_start3A_122 = arith.constant 8 : i32
    %dma_start3A_123 = arith.constant 0 : i32
    %dma_start3A_124 = tpu.memref_slice %arg6[%dma_start3A_114, %dma_start3A_115, %dma_start3A_122, %dma_start3A_123] : memref<2x16x16x128xf32, #tpu.memory_space<vmem>> -> memref<1x1x8x128xf32, #tpu.memory_space<vmem>>
    %dma_start3A_125 = tpu.memref_squeeze %dma_start3A_124 : memref<1x1x8x128xf32, #tpu.memory_space<vmem>> -> memref<8x128xf32, #tpu.memory_space<vmem>>
    %dma_start3A_126 = arith.constant 8 : i32
    %dma_start3A_127 = tpu.memref_slice %arg3[%dma_start3A_126, %multiple_of3A_99] : memref<16x1000000xf32, #tpu.memory_space<hbm>> -> memref<8x128xf32, #tpu.memory_space<hbm>>
    tpu.enqueue_dma source(%dma_start3A_127 : memref<8x128xf32, #tpu.memory_space<hbm>>) target(%dma_start3A_125 : memref<8x128xf32, #tpu.memory_space<vmem>>) target_semaphore(%arg8 : memref<!tpu.dma_semaphore, #tpu.memory_space<semaphore_mem>>)
    %eq3A_128 = arith.constant 3 : i32
    %eq3A_129 = vector.broadcast %eq3A_128 : i32 to vector<16xi32>
    %eq3A_130 = arith.cmpi eq, %iota3A, %eq3A_129 : vector<16xi32>
    %jit3A_131 = arith.constant 0 : i32
    %broadcast_in_dim3A_132 = vector.broadcast %jit3A_131 : i32 to vector<16xi32>
    %select_n3A_133 = arith.select %eq3A_130, %and3A_5, %broadcast_in_dim3A_132 : vector<16xi1>, vector<16xi32>
    %reduce_max3A_134 = arith.constant true
    %reduce_max3A_135 = vector.broadcast %reduce_max3A_134 : i1 to vector<16xi1>
    %reduce_max3A_136 = arith.constant -2147483648 : i32
    %reduce_max3A_137 = vector.broadcast %reduce_max3A_136 : i32 to vector<16xi32>
    %reduce_max3A_138 = arith.xori %select_n3A_133, %reduce_max3A_137 : vector<16xi32>
    %reduce_max3A_139 = tpu.scan <max>, %reduce_max3A_138 masked %reduce_max3A_135 : vector<16xi32>, vector<16xi1> -> vector<16xi32>
    %reduce_max3A_140 = arith.xori %reduce_max3A_139, %reduce_max3A_137 : vector<16xi32>
    %reduce_max3A_141 = vector.extract %reduce_max3A_140[15] : i32 from vector<16xi32>
    %multiple_of3A_142 = tpu.assume_multiple %reduce_max3A_141, 128 : i32
    %dma_start3A_143 = arith.constant 0 : i32
    %dma_start3A_144 = arith.constant 3 : i32
    %dma_start3A_145 = arith.constant 0 : i32
    %dma_start3A_146 = arith.constant 0 : i32
    %dma_start3A_147 = tpu.memref_slice %arg6[%dma_start3A_143, %dma_start3A_144, %dma_start3A_145, %dma_start3A_146] : memref<2x16x16x128xf32, #tpu.memory_space<vmem>> -> memref<1x1x8x128xf32, #tpu.memory_space<vmem>>
    %dma_start3A_148 = tpu.memref_squeeze %dma_start3A_147 : memref<1x1x8x128xf32, #tpu.memory_space<vmem>> -> memref<8x128xf32, #tpu.memory_space<vmem>>
    %dma_start3A_149 = arith.constant 0 : i32
    %dma_start3A_150 = tpu.memref_slice %arg3[%dma_start3A_149, %multiple_of3A_142] : memref<16x1000000xf32, #tpu.memory_space<hbm>> -> memref<8x128xf32, #tpu.memory_space<hbm>>
    %dma_start3A_151 = arith.constant 0 : i32
    %dma_start3A_152 = arith.constant 0 : i32
    %dma_start3A_153 = tpu.memref_slice %arg6[%dma_start3A_143, %dma_start3A_144, %dma_start3A_151, %dma_start3A_152] : memref<2x16x16x128xf32, #tpu.memory_space<vmem>> -> memref<1x1x8x128xf32, #tpu.memory_space<vmem>>
    %dma_start3A_154 = tpu.memref_squeeze %dma_start3A_153 : memref<1x1x8x128xf32, #tpu.memory_space<vmem>> -> memref<8x128xf32, #tpu.memory_space<vmem>>
    %dma_start3A_155 = arith.constant 0 : i32
    %dma_start3A_156 = tpu.memref_slice %arg3[%dma_start3A_155, %multiple_of3A_142] : memref<16x1000000xf32, #tpu.memory_space<hbm>> -> memref<8x128xf32, #tpu.memory_space<hbm>>
    tpu.enqueue_dma source(%dma_start3A_156 : memref<8x128xf32, #tpu.memory_space<hbm>>) target(%dma_start3A_154 : memref<8x128xf32, #tpu.memory_space<vmem>>) target_semaphore(%arg8 : memref<!tpu.dma_semaphore, #tpu.memory_space<semaphore_mem>>)
    %dma_start3A_157 = arith.constant 0 : i32
    %dma_start3A_158 = arith.constant 3 : i32
    %dma_start3A_159 = arith.constant 8 : i32
    %dma_start3A_160 = arith.constant 0 : i32
    %dma_start3A_161 = tpu.memref_slice %arg6[%dma_start3A_157, %dma_start3A_158, %dma_start3A_159, %dma_start3A_160] : memref<2x16x16x128xf32, #tpu.memory_space<vmem>> -> memref<1x1x8x128xf32, #tpu.memory_space<vmem>>
    %dma_start3A_162 = tpu.memref_squeeze %dma_start3A_161 : memref<1x1x8x128xf32, #tpu.memory_space<vmem>> -> memref<8x128xf32, #tpu.memory_space<vmem>>
    %dma_start3A_163 = arith.constant 8 : i32
    %dma_start3A_164 = tpu.memref_slice %arg3[%dma_start3A_163, %multiple_of3A_142] : memref<16x1000000xf32, #tpu.memory_space<hbm>> -> memref<8x128xf32, #tpu.memory_space<hbm>>
    %dma_start3A_165 = arith.constant 8 : i32
    %dma_start3A_166 = arith.constant 0 : i32
    %dma_start3A_167 = tpu.memref_slice %arg6[%dma_start3A_157, %dma_start3A_158, %dma_start3A_165, %dma_start3A_166] : memref<2x16x16x128xf32, #tpu.memory_space<vmem>> -> memref<1x1x8x128xf32, #tpu.memory_space<vmem>>
    %dma_start3A_168 = tpu.memref_squeeze %dma_start3A_167 : memref<1x1x8x128xf32, #tpu.memory_space<vmem>> -> memref<8x128xf32, #tpu.memory_space<vmem>>
    %dma_start3A_169 = arith.constant 8 : i32
    %dma_start3A_170 = tpu.memref_slice %arg3[%dma_start3A_169, %multiple_of3A_142] : memref<16x1000000xf32, #tpu.memory_space<hbm>> -> memref<8x128xf32, #tpu.memory_space<hbm>>
    tpu.enqueue_dma source(%dma_start3A_170 : memref<8x128xf32, #tpu.memory_space<hbm>>) target(%dma_start3A_168 : memref<8x128xf32, #tpu.memory_space<vmem>>) target_semaphore(%arg8 : memref<!tpu.dma_semaphore, #tpu.memory_space<semaphore_mem>>)
    %eq3A_171 = arith.constant 4 : i32
    %eq3A_172 = vector.broadcast %eq3A_171 : i32 to vector<16xi32>
    %eq3A_173 = arith.cmpi eq, %iota3A, %eq3A_172 : vector<16xi32>
    %jit3A_174 = arith.constant 0 : i32
    %broadcast_in_dim3A_175 = vector.broadcast %jit3A_174 : i32 to vector<16xi32>
    %select_n3A_176 = arith.select %eq3A_173, %and3A_5, %broadcast_in_dim3A_175 : vector<16xi1>, vector<16xi32>
    %reduce_max3A_177 = arith.constant true
    %reduce_max3A_178 = vector.broadcast %reduce_max3A_177 : i1 to vector<16xi1>
    %reduce_max3A_179 = arith.constant -2147483648 : i32
    %reduce_max3A_180 = vector.broadcast %reduce_max3A_179 : i32 to vector<16xi32>
    %reduce_max3A_181 = arith.xori %select_n3A_176, %reduce_max3A_180 : vector<16xi32>
    %reduce_max3A_182 = tpu.scan <max>, %reduce_max3A_181 masked %reduce_max3A_178 : vector<16xi32>, vector<16xi1> -> vector<16xi32>
    %reduce_max3A_183 = arith.xori %reduce_max3A_182, %reduce_max3A_180 : vector<16xi32>
    %reduce_max3A_184 = vector.extract %reduce_max3A_183[15] : i32 from vector<16xi32>
    %multiple_of3A_185 = tpu.assume_multiple %reduce_max3A_184, 128 : i32
    %dma_start3A_186 = arith.constant 0 : i32
    %dma_start3A_187 = arith.constant 4 : i32
    %dma_start3A_188 = arith.constant 0 : i32
    %dma_start3A_189 = arith.constant 0 : i32
    %dma_start3A_190 = tpu.memref_slice %arg6[%dma_start3A_186, %dma_start3A_187, %dma_start3A_188, %dma_start3A_189] : memref<2x16x16x128xf32, #tpu.memory_space<vmem>> -> memref<1x1x8x128xf32, #tpu.memory_space<vmem>>
    %dma_start3A_191 = tpu.memref_squeeze %dma_start3A_190 : memref<1x1x8x128xf32, #tpu.memory_space<vmem>> -> memref<8x128xf32, #tpu.memory_space<vmem>>
    %dma_start3A_192 = arith.constant 0 : i32
    %dma_start3A_193 = tpu.memref_slice %arg3[%dma_start3A_192, %multiple_of3A_185] : memref<16x1000000xf32, #tpu.memory_space<hbm>> -> memref<8x128xf32, #tpu.memory_space<hbm>>
    %dma_start3A_194 = arith.constant 0 : i32
    %dma_start3A_195 = arith.constant 0 : i32
    %dma_start3A_196 = tpu.memref_slice %arg6[%dma_start3A_186, %dma_start3A_187, %dma_start3A_194, %dma_start3A_195] : memref<2x16x16x128xf32, #tpu.memory_space<vmem>> -> memref<1x1x8x128xf32, #tpu.memory_space<vmem>>
    %dma_start3A_197 = tpu.memref_squeeze %dma_start3A_196 : memref<1x1x8x128xf32, #tpu.memory_space<vmem>> -> memref<8x128xf32, #tpu.memory_space<vmem>>
    %dma_start3A_198 = arith.constant 0 : i32
    %dma_start3A_199 = tpu.memref_slice %arg3[%dma_start3A_198, %multiple_of3A_185] : memref<16x1000000xf32, #tpu.memory_space<hbm>> -> memref<8x128xf32, #tpu.memory_space<hbm>>
    tpu.enqueue_dma source(%dma_start3A_199 : memref<8x128xf32, #tpu.memory_space<hbm>>) target(%dma_start3A_197 : memref<8x128xf32, #tpu.memory_space<vmem>>) target_semaphore(%arg8 : memref<!tpu.dma_semaphore, #tpu.memory_space<semaphore_mem>>)
    %dma_start3A_200 = arith.constant 0 : i32
    %dma_start3A_201 = arith.constant 4 : i32
    %dma_start3A_202 = arith.constant 8 : i32
    %dma_start3A_203 = arith.constant 0 : i32
    %dma_start3A_204 = tpu.memref_slice %arg6[%dma_start3A_200, %dma_start3A_201, %dma_start3A_202, %dma_start3A_203] : memref<2x16x16x128xf32, #tpu.memory_space<vmem>> -> memref<1x1x8x128xf32, #tpu.memory_space<vmem>>
    %dma_start3A_205 = tpu.memref_squeeze %dma_start3A_204 : memref<1x1x8x128xf32, #tpu.memory_space<vmem>> -> memref<8x128xf32, #tpu.memory_space<vmem>>
    %dma_start3A_206 = arith.constant 8 : i32
    %dma_start3A_207 = tpu.memref_slice %arg3[%dma_start3A_206, %multiple_of3A_185] : memref<16x1000000xf32, #tpu.memory_space<hbm>> -> memref<8x128xf32, #tpu.memory_space<hbm>>
    %dma_start3A_208 = arith.constant 8 : i32
    %dma_start3A_209 = arith.constant 0 : i32
    %dma_start3A_210 = tpu.memref_slice %arg6[%dma_start3A_200, %dma_start3A_201, %dma_start3A_208, %dma_start3A_209] : memref<2x16x16x128xf32, #tpu.memory_space<vmem>> -> memref<1x1x8x128xf32, #tpu.memory_space<vmem>>
    %dma_start3A_211 = tpu.memref_squeeze %dma_start3A_210 : memref<1x1x8x128xf32, #tpu.memory_space<vmem>> -> memref<8x128xf32, #tpu.memory_space<vmem>>
    %dma_start3A_212 = arith.constant 8 : i32
    %dma_start3A_213 = tpu.memref_slice %arg3[%dma_start3A_212, %multiple_of3A_185] : memref<16x1000000xf32, #tpu.memory_space<hbm>> -> memref<8x128xf32, #tpu.memory_space<hbm>>
    tpu.enqueue_dma source(%dma_start3A_213 : memref<8x128xf32, #tpu.memory_space<hbm>>) target(%dma_start3A_211 : memref<8x128xf32, #tpu.memory_space<vmem>>) target_semaphore(%arg8 : memref<!tpu.dma_semaphore, #tpu.memory_space<semaphore_mem>>)
    %eq3A_214 = arith.constant 5 : i32
    %eq3A_215 = vector.broadcast %eq3A_214 : i32 to vector<16xi32>
    %eq3A_216 = arith.cmpi eq, %iota3A, %eq3A_215 : vector<16xi32>
    %jit3A_217 = arith.constant 0 : i32
    %broadcast_in_dim3A_218 = vector.broadcast %jit3A_217 : i32 to vector<16xi32>
    %select_n3A_219 = arith.select %eq3A_216, %and3A_5, %broadcast_in_dim3A_218 : vector<16xi1>, vector<16xi32>
    %reduce_max3A_220 = arith.constant true
    %reduce_max3A_221 = vector.broadcast %reduce_max3A_220 : i1 to vector<16xi1>
    %reduce_max3A_222 = arith.constant -2147483648 : i32
    %reduce_max3A_223 = vector.broadcast %reduce_max3A_222 : i32 to vector<16xi32>
    %reduce_max3A_224 = arith.xori %select_n3A_219, %reduce_max3A_223 : vector<16xi32>
    %reduce_max3A_225 = tpu.scan <max>, %reduce_max3A_224 masked %reduce_max3A_221 : vector<16xi32>, vector<16xi1> -> vector<16xi32>
    %reduce_max3A_226 = arith.xori %reduce_max3A_225, %reduce_max3A_223 : vector<16xi32>
    %reduce_max3A_227 = vector.extract %reduce_max3A_226[15] : i32 from vector<16xi32>
    %multiple_of3A_228 = tpu.assume_multiple %reduce_max3A_227, 128 : i32
    %dma_start3A_229 = arith.constant 0 : i32
    %dma_start3A_230 = arith.constant 5 : i32
    %dma_start3A_231 = arith.constant 0 : i32
    %dma_start3A_232 = arith.constant 0 : i32
    %dma_start3A_233 = tpu.memref_slice %arg6[%dma_start3A_229, %dma_start3A_230, %dma_start3A_231, %dma_start3A_232] : memref<2x16x16x128xf32, #tpu.memory_space<vmem>> -> memref<1x1x8x128xf32, #tpu.memory_space<vmem>>
    %dma_start3A_234 = tpu.memref_squeeze %dma_start3A_233 : memref<1x1x8x128xf32, #tpu.memory_space<vmem>> -> memref<8x128xf32, #tpu.memory_space<vmem>>
    %dma_start3A_235 = arith.constant 0 : i32
    %dma_start3A_236 = tpu.memref_slice %arg3[%dma_start3A_235, %multiple_of3A_228] : memref<16x1000000xf32, #tpu.memory_space<hbm>> -> memref<8x128xf32, #tpu.memory_space<hbm>>
    %dma_start3A_237 = arith.constant 0 : i32
    %dma_start3A_238 = arith.constant 0 : i32
    %dma_start3A_239 = tpu.memref_slice %arg6[%dma_start3A_229, %dma_start3A_230, %dma_start3A_237, %dma_start3A_238] : memref<2x16x16x128xf32, #tpu.memory_space<vmem>> -> memref<1x1x8x128xf32, #tpu.memory_space<vmem>>
    %dma_start3A_240 = tpu.memref_squeeze %dma_start3A_239 : memref<1x1x8x128xf32, #tpu.memory_space<vmem>> -> memref<8x128xf32, #tpu.memory_space<vmem>>
    %dma_start3A_241 = arith.constant 0 : i32
    %dma_start3A_242 = tpu.memref_slice %arg3[%dma_start3A_241, %multiple_of3A_228] : memref<16x1000000xf32, #tpu.memory_space<hbm>> -> memref<8x128xf32, #tpu.memory_space<hbm>>
    tpu.enqueue_dma source(%dma_start3A_242 : memref<8x128xf32, #tpu.memory_space<hbm>>) target(%dma_start3A_240 : memref<8x128xf32, #tpu.memory_space<vmem>>) target_semaphore(%arg8 : memref<!tpu.dma_semaphore, #tpu.memory_space<semaphore_mem>>)
    %dma_start3A_243 = arith.constant 0 : i32
    %dma_start3A_244 = arith.constant 5 : i32
    %dma_start3A_245 = arith.constant 8 : i32
    %dma_start3A_246 = arith.constant 0 : i32
    %dma_start3A_247 = tpu.memref_slice %arg6[%dma_start3A_243, %dma_start3A_244, %dma_start3A_245, %dma_start3A_246] : memref<2x16x16x128xf32, #tpu.memory_space<vmem>> -> memref<1x1x8x128xf32, #tpu.memory_space<vmem>>
    %dma_start3A_248 = tpu.memref_squeeze %dma_start3A_247 : memref<1x1x8x128xf32, #tpu.memory_space<vmem>> -> memref<8x128xf32, #tpu.memory_space<vmem>>
    %dma_start3A_249 = arith.constant 8 : i32
    %dma_start3A_250 = tpu.memref_slice %arg3[%dma_start3A_249, %multiple_of3A_228] : memref<16x1000000xf32, #tpu.memory_space<hbm>> -> memref<8x128xf32, #tpu.memory_space<hbm>>
    %dma_start3A_251 = arith.constant 8 : i32
    %dma_start3A_252 = arith.constant 0 : i32
    %dma_start3A_253 = tpu.memref_slice %arg6[%dma_start3A_243, %dma_start3A_244, %dma_start3A_251, %dma_start3A_252] : memref<2x16x16x128xf32, #tpu.memory_space<vmem>> -> memref<1x1x8x128xf32, #tpu.memory_space<vmem>>
    %dma_start3A_254 = tpu.memref_squeeze %dma_start3A_253 : memref<1x1x8x128xf32, #tpu.memory_space<vmem>> -> memref<8x128xf32, #tpu.memory_space<vmem>>
    %dma_start3A_255 = arith.constant 8 : i32
    %dma_start3A_256 = tpu.memref_slice %arg3[%dma_start3A_255, %multiple_of3A_228] : memref<16x1000000xf32, #tpu.memory_space<hbm>> -> memref<8x128xf32, #tpu.memory_space<hbm>>
    tpu.enqueue_dma source(%dma_start3A_256 : memref<8x128xf32, #tpu.memory_space<hbm>>) target(%dma_start3A_254 : memref<8x128xf32, #tpu.memory_space<vmem>>) target_semaphore(%arg8 : memref<!tpu.dma_semaphore, #tpu.memory_space<semaphore_mem>>)
    %eq3A_257 = arith.constant 6 : i32
    %eq3A_258 = vector.broadcast %eq3A_257 : i32 to vector<16xi32>
    %eq3A_259 = arith.cmpi eq, %iota3A, %eq3A_258 : vector<16xi32>
    %jit3A_260 = arith.constant 0 : i32
    %broadcast_in_dim3A_261 = vector.broadcast %jit3A_260 : i32 to vector<16xi32>
    %select_n3A_262 = arith.select %eq3A_259, %and3A_5, %broadcast_in_dim3A_261 : vector<16xi1>, vector<16xi32>
    %reduce_max3A_263 = arith.constant true
    %reduce_max3A_264 = vector.broadcast %reduce_max3A_263 : i1 to vector<16xi1>
    %reduce_max3A_265 = arith.constant -2147483648 : i32
    %reduce_max3A_266 = vector.broadcast %reduce_max3A_265 : i32 to vector<16xi32>
    %reduce_max3A_267 = arith.xori %select_n3A_262, %reduce_max3A_266 : vector<16xi32>
    %reduce_max3A_268 = tpu.scan <max>, %reduce_max3A_267 masked %reduce_max3A_264 : vector<16xi32>, vector<16xi1> -> vector<16xi32>
    %reduce_max3A_269 = arith.xori %reduce_max3A_268, %reduce_max3A_266 : vector<16xi32>
    %reduce_max3A_270 = vector.extract %reduce_max3A_269[15] : i32 from vector<16xi32>
    %multiple_of3A_271 = tpu.assume_multiple %reduce_max3A_270, 128 : i32
    %dma_start3A_272 = arith.constant 0 : i32
    %dma_start3A_273 = arith.constant 6 : i32
    %dma_start3A_274 = arith.constant 0 : i32
    %dma_start3A_275 = arith.constant 0 : i32
    %dma_start3A_276 = tpu.memref_slice %arg6[%dma_start3A_272, %dma_start3A_273, %dma_start3A_274, %dma_start3A_275] : memref<2x16x16x128xf32, #tpu.memory_space<vmem>> -> memref<1x1x8x128xf32, #tpu.memory_space<vmem>>
    %dma_start3A_277 = tpu.memref_squeeze %dma_start3A_276 : memref<1x1x8x128xf32, #tpu.memory_space<vmem>> -> memref<8x128xf32, #tpu.memory_space<vmem>>
    %dma_start3A_278 = arith.constant 0 : i32
    %dma_start3A_279 = tpu.memref_slice %arg3[%dma_start3A_278, %multiple_of3A_271] : memref<16x1000000xf32, #tpu.memory_space<hbm>> -> memref<8x128xf32, #tpu.memory_space<hbm>>
    %dma_start3A_280 = arith.constant 0 : i32
    %dma_start3A_281 = arith.constant 0 : i32
    %dma_start3A_282 = tpu.memref_slice %arg6[%dma_start3A_272, %dma_start3A_273, %dma_start3A_280, %dma_start3A_281] : memref<2x16x16x128xf32, #tpu.memory_space<vmem>> -> memref<1x1x8x128xf32, #tpu.memory_space<vmem>>
    %dma_start3A_283 = tpu.memref_squeeze %dma_start3A_282 : memref<1x1x8x128xf32, #tpu.memory_space<vmem>> -> memref<8x128xf32, #tpu.memory_space<vmem>>
    %dma_start3A_284 = arith.constant 0 : i32
    %dma_start3A_285 = tpu.memref_slice %arg3[%dma_start3A_284, %multiple_of3A_271] : memref<16x1000000xf32, #tpu.memory_space<hbm>> -> memref<8x128xf32, #tpu.memory_space<hbm>>
    tpu.enqueue_dma source(%dma_start3A_285 : memref<8x128xf32, #tpu.memory_space<hbm>>) target(%dma_start3A_283 : memref<8x128xf32, #tpu.memory_space<vmem>>) target_semaphore(%arg8 : memref<!tpu.dma_semaphore, #tpu.memory_space<semaphore_mem>>)
    %dma_start3A_286 = arith.constant 0 : i32
    %dma_start3A_287 = arith.constant 6 : i32
    %dma_start3A_288 = arith.constant 8 : i32
    %dma_start3A_289 = arith.constant 0 : i32
    %dma_start3A_290 = tpu.memref_slice %arg6[%dma_start3A_286, %dma_start3A_287, %dma_start3A_288, %dma_start3A_289] : memref<2x16x16x128xf32, #tpu.memory_space<vmem>> -> memref<1x1x8x128xf32, #tpu.memory_space<vmem>>
    %dma_start3A_291 = tpu.memref_squeeze %dma_start3A_290 : memref<1x1x8x128xf32, #tpu.memory_space<vmem>> -> memref<8x128xf32, #tpu.memory_space<vmem>>
    %dma_start3A_292 = arith.constant 8 : i32
    %dma_start3A_293 = tpu.memref_slice %arg3[%dma_start3A_292, %multiple_of3A_271] : memref<16x1000000xf32, #tpu.memory_space<hbm>> -> memref<8x128xf32, #tpu.memory_space<hbm>>
    %dma_start3A_294 = arith.constant 8 : i32
    %dma_start3A_295 = arith.constant 0 : i32
    %dma_start3A_296 = tpu.memref_slice %arg6[%dma_start3A_286, %dma_start3A_287, %dma_start3A_294, %dma_start3A_295] : memref<2x16x16x128xf32, #tpu.memory_space<vmem>> -> memref<1x1x8x128xf32, #tpu.memory_space<vmem>>
    %dma_start3A_297 = tpu.memref_squeeze %dma_start3A_296 : memref<1x1x8x128xf32, #tpu.memory_space<vmem>> -> memref<8x128xf32, #tpu.memory_space<vmem>>
    %dma_start3A_298 = arith.constant 8 : i32
    %dma_start3A_299 = tpu.memref_slice %arg3[%dma_start3A_298, %multiple_of3A_271] : memref<16x1000000xf32, #tpu.memory_space<hbm>> -> memref<8x128xf32, #tpu.memory_space<hbm>>
    tpu.enqueue_dma source(%dma_start3A_299 : memref<8x128xf32, #tpu.memory_space<hbm>>) target(%dma_start3A_297 : memref<8x128xf32, #tpu.memory_space<vmem>>) target_semaphore(%arg8 : memref<!tpu.dma_semaphore, #tpu.memory_space<semaphore_mem>>)
    %eq3A_300 = arith.constant 7 : i32
    %eq3A_301 = vector.broadcast %eq3A_300 : i32 to vector<16xi32>
    %eq3A_302 = arith.cmpi eq, %iota3A, %eq3A_301 : vector<16xi32>
    %jit3A_303 = arith.constant 0 : i32
    %broadcast_in_dim3A_304 = vector.broadcast %jit3A_303 : i32 to vector<16xi32>
    %select_n3A_305 = arith.select %eq3A_302, %and3A_5, %broadcast_in_dim3A_304 : vector<16xi1>, vector<16xi32>
    %reduce_max3A_306 = arith.constant true
    %reduce_max3A_307 = vector.broadcast %reduce_max3A_306 : i1 to vector<16xi1>
    %reduce_max3A_308 = arith.constant -2147483648 : i32
    %reduce_max3A_309 = vector.broadcast %reduce_max3A_308 : i32 to vector<16xi32>
    %reduce_max3A_310 = arith.xori %select_n3A_305, %reduce_max3A_309 : vector<16xi32>
    %reduce_max3A_311 = tpu.scan <max>, %reduce_max3A_310 masked %reduce_max3A_307 : vector<16xi32>, vector<16xi1> -> vector<16xi32>
    %reduce_max3A_312 = arith.xori %reduce_max3A_311, %reduce_max3A_309 : vector<16xi32>
    %reduce_max3A_313 = vector.extract %reduce_max3A_312[15] : i32 from vector<16xi32>
    %multiple_of3A_314 = tpu.assume_multiple %reduce_max3A_313, 128 : i32
    %dma_start3A_315 = arith.constant 0 : i32
    %dma_start3A_316 = arith.constant 7 : i32
    %dma_start3A_317 = arith.constant 0 : i32
    %dma_start3A_318 = arith.constant 0 : i32
    %dma_start3A_319 = tpu.memref_slice %arg6[%dma_start3A_315, %dma_start3A_316, %dma_start3A_317, %dma_start3A_318] : memref<2x16x16x128xf32, #tpu.memory_space<vmem>> -> memref<1x1x8x128xf32, #tpu.memory_space<vmem>>
    %dma_start3A_320 = tpu.memref_squeeze %dma_start3A_319 : memref<1x1x8x128xf32, #tpu.memory_space<vmem>> -> memref<8x128xf32, #tpu.memory_space<vmem>>
    %dma_start3A_321 = arith.constant 0 : i32
    %dma_start3A_322 = tpu.memref_slice %arg3[%dma_start3A_321, %multiple_of3A_314] : memref<16x1000000xf32, #tpu.memory_space<hbm>> -> memref<8x128xf32, #tpu.memory_space<hbm>>
    %dma_start3A_323 = arith.constant 0 : i32
    %dma_start3A_324 = arith.constant 0 : i32
    %dma_start3A_325 = tpu.memref_slice %arg6[%dma_start3A_315, %dma_start3A_316, %dma_start3A_323, %dma_start3A_324] : memref<2x16x16x128xf32, #tpu.memory_space<vmem>> -> memref<1x1x8x128xf32, #tpu.memory_space<vmem>>
    %dma_start3A_326 = tpu.memref_squeeze %dma_start3A_325 : memref<1x1x8x128xf32, #tpu.memory_space<vmem>> -> memref<8x128xf32, #tpu.memory_space<vmem>>
    %dma_start3A_327 = arith.constant 0 : i32
    %dma_start3A_328 = tpu.memref_slice %arg3[%dma_start3A_327, %multiple_of3A_314] : memref<16x1000000xf32, #tpu.memory_space<hbm>> -> memref<8x128xf32, #tpu.memory_space<hbm>>
    tpu.enqueue_dma source(%dma_start3A_328 : memref<8x128xf32, #tpu.memory_space<hbm>>) target(%dma_start3A_326 : memref<8x128xf32, #tpu.memory_space<vmem>>) target_semaphore(%arg8 : memref<!tpu.dma_semaphore, #tpu.memory_space<semaphore_mem>>)
    %dma_start3A_329 = arith.constant 0 : i32
    %dma_start3A_330 = arith.constant 7 : i32
    %dma_start3A_331 = arith.constant 8 : i32
    %dma_start3A_332 = arith.constant 0 : i32
    %dma_start3A_333 = tpu.memref_slice %arg6[%dma_start3A_329, %dma_start3A_330, %dma_start3A_331, %dma_start3A_332] : memref<2x16x16x128xf32, #tpu.memory_space<vmem>> -> memref<1x1x8x128xf32, #tpu.memory_space<vmem>>
    %dma_start3A_334 = tpu.memref_squeeze %dma_start3A_333 : memref<1x1x8x128xf32, #tpu.memory_space<vmem>> -> memref<8x128xf32, #tpu.memory_space<vmem>>
    %dma_start3A_335 = arith.constant 8 : i32
    %dma_start3A_336 = tpu.memref_slice %arg3[%dma_start3A_335, %multiple_of3A_314] : memref<16x1000000xf32, #tpu.memory_space<hbm>> -> memref<8x128xf32, #tpu.memory_space<hbm>>
    %dma_start3A_337 = arith.constant 8 : i32
    %dma_start3A_338 = arith.constant 0 : i32
    %dma_start3A_339 = tpu.memref_slice %arg6[%dma_start3A_329, %dma_start3A_330, %dma_start3A_337, %dma_start3A_338] : memref<2x16x16x128xf32, #tpu.memory_space<vmem>> -> memref<1x1x8x128xf32, #tpu.memory_space<vmem>>
    %dma_start3A_340 = tpu.memref_squeeze %dma_start3A_339 : memref<1x1x8x128xf32, #tpu.memory_space<vmem>> -> memref<8x128xf32, #tpu.memory_space<vmem>>
    %dma_start3A_341 = arith.constant 8 : i32
    %dma_start3A_342 = tpu.memref_slice %arg3[%dma_start3A_341, %multiple_of3A_314] : memref<16x1000000xf32, #tpu.memory_space<hbm>> -> memref<8x128xf32, #tpu.memory_space<hbm>>
    tpu.enqueue_dma source(%dma_start3A_342 : memref<8x128xf32, #tpu.memory_space<hbm>>) target(%dma_start3A_340 : memref<8x128xf32, #tpu.memory_space<vmem>>) target_semaphore(%arg8 : memref<!tpu.dma_semaphore, #tpu.memory_space<semaphore_mem>>)
    %eq3A_343 = arith.constant 8 : i32
    %eq3A_344 = vector.broadcast %eq3A_343 : i32 to vector<16xi32>
    %eq3A_345 = arith.cmpi eq, %iota3A, %eq3A_344 : vector<16xi32>
    %jit3A_346 = arith.constant 0 : i32
    %broadcast_in_dim3A_347 = vector.broadcast %jit3A_346 : i32 to vector<16xi32>
    %select_n3A_348 = arith.select %eq3A_345, %and3A_5, %broadcast_in_dim3A_347 : vector<16xi1>, vector<16xi32>
    %reduce_max3A_349 = arith.constant true
    %reduce_max3A_350 = vector.broadcast %reduce_max3A_349 : i1 to vector<16xi1>
    %reduce_max3A_351 = arith.constant -2147483648 : i32
    %reduce_max3A_352 = vector.broadcast %reduce_max3A_351 : i32 to vector<16xi32>
    %reduce_max3A_353 = arith.xori %select_n3A_348, %reduce_max3A_352 : vector<16xi32>
    %reduce_max3A_354 = tpu.scan <max>, %reduce_max3A_353 masked %reduce_max3A_350 : vector<16xi32>, vector<16xi1> -> vector<16xi32>
    %reduce_max3A_355 = arith.xori %reduce_max3A_354, %reduce_max3A_352 : vector<16xi32>
    %reduce_max3A_356 = vector.extract %reduce_max3A_355[15] : i32 from vector<16xi32>
    %multiple_of3A_357 = tpu.assume_multiple %reduce_max3A_356, 128 : i32
    %dma_start3A_358 = arith.constant 0 : i32
    %dma_start3A_359 = arith.constant 8 : i32
    %dma_start3A_360 = arith.constant 0 : i32
    %dma_start3A_361 = arith.constant 0 : i32
    %dma_start3A_362 = tpu.memref_slice %arg6[%dma_start3A_358, %dma_start3A_359, %dma_start3A_360, %dma_start3A_361] : memref<2x16x16x128xf32, #tpu.memory_space<vmem>> -> memref<1x1x8x128xf32, #tpu.memory_space<vmem>>
    %dma_start3A_363 = tpu.memref_squeeze %dma_start3A_362 : memref<1x1x8x128xf32, #tpu.memory_space<vmem>> -> memref<8x128xf32, #tpu.memory_space<vmem>>
    %dma_start3A_364 = arith.constant 0 : i32
    %dma_start3A_365 = tpu.memref_slice %arg3[%dma_start3A_364, %multiple_of3A_357] : memref<16x1000000xf32, #tpu.memory_space<hbm>> -> memref<8x128xf32, #tpu.memory_space<hbm>>
    %dma_start3A_366 = arith.constant 0 : i32
    %dma_start3A_367 = arith.constant 0 : i32
    %dma_start3A_368 = tpu.memref_slice %arg6[%dma_start3A_358, %dma_start3A_359, %dma_start3A_366, %dma_start3A_367] : memref<2x16x16x128xf32, #tpu.memory_space<vmem>> -> memref<1x1x8x128xf32, #tpu.memory_space<vmem>>
    %dma_start3A_369 = tpu.memref_squeeze %dma_start3A_368 : memref<1x1x8x128xf32, #tpu.memory_space<vmem>> -> memref<8x128xf32, #tpu.memory_space<vmem>>
    %dma_start3A_370 = arith.constant 0 : i32
    %dma_start3A_371 = tpu.memref_slice %arg3[%dma_start3A_370, %multiple_of3A_357] : memref<16x1000000xf32, #tpu.memory_space<hbm>> -> memref<8x128xf32, #tpu.memory_space<hbm>>
    tpu.enqueue_dma source(%dma_start3A_371 : memref<8x128xf32, #tpu.memory_space<hbm>>) target(%dma_start3A_369 : memref<8x128xf32, #tpu.memory_space<vmem>>) target_semaphore(%arg8 : memref<!tpu.dma_semaphore, #tpu.memory_space<semaphore_mem>>)
    %dma_start3A_372 = arith.constant 0 : i32
    %dma_start3A_373 = arith.constant 8 : i32
    %dma_start3A_374 = arith.constant 8 : i32
    %dma_start3A_375 = arith.constant 0 : i32
    %dma_start3A_376 = tpu.memref_slice %arg6[%dma_start3A_372, %dma_start3A_373, %dma_start3A_374, %dma_start3A_375] : memref<2x16x16x128xf32, #tpu.memory_space<vmem>> -> memref<1x1x8x128xf32, #tpu.memory_space<vmem>>
    %dma_start3A_377 = tpu.memref_squeeze %dma_start3A_376 : memref<1x1x8x128xf32, #tpu.memory_space<vmem>> -> memref<8x128xf32, #tpu.memory_space<vmem>>
    %dma_start3A_378 = arith.constant 8 : i32
    %dma_start3A_379 = tpu.memref_slice %arg3[%dma_start3A_378, %multiple_of3A_357] : memref<16x1000000xf32, #tpu.memory_space<hbm>> -> memref<8x128xf32, #tpu.memory_space<hbm>>
    %dma_start3A_380 = arith.constant 8 : i32
    %dma_start3A_381 = arith.constant 0 : i32
    %dma_start3A_382 = tpu.memref_slice %arg6[%dma_start3A_372, %dma_start3A_373, %dma_start3A_380, %dma_start3A_381] : memref<2x16x16x128xf32, #tpu.memory_space<vmem>> -> memref<1x1x8x128xf32, #tpu.memory_space<vmem>>
    %dma_start3A_383 = tpu.memref_squeeze %dma_start3A_382 : memref<1x1x8x128xf32, #tpu.memory_space<vmem>> -> memref<8x128xf32, #tpu.memory_space<vmem>>
    %dma_start3A_384 = arith.constant 8 : i32
    %dma_start3A_385 = tpu.memref_slice %arg3[%dma_start3A_384, %multiple_of3A_357] : memref<16x1000000xf32, #tpu.memory_space<hbm>> -> memref<8x128xf32, #tpu.memory_space<hbm>>
    tpu.enqueue_dma source(%dma_start3A_385 : memref<8x128xf32, #tpu.memory_space<hbm>>) target(%dma_start3A_383 : memref<8x128xf32, #tpu.memory_space<vmem>>) target_semaphore(%arg8 : memref<!tpu.dma_semaphore, #tpu.memory_space<semaphore_mem>>)
    %eq3A_386 = arith.constant 9 : i32
    %eq3A_387 = vector.broadcast %eq3A_386 : i32 to vector<16xi32>
    %eq3A_388 = arith.cmpi eq, %iota3A, %eq3A_387 : vector<16xi32>
    %jit3A_389 = arith.constant 0 : i32
    %broadcast_in_dim3A_390 = vector.broadcast %jit3A_389 : i32 to vector<16xi32>
    %select_n3A_391 = arith.select %eq3A_388, %and3A_5, %broadcast_in_dim3A_390 : vector<16xi1>, vector<16xi32>
    %reduce_max3A_392 = arith.constant true
    %reduce_max3A_393 = vector.broadcast %reduce_max3A_392 : i1 to vector<16xi1>
    %reduce_max3A_394 = arith.constant -2147483648 : i32
    %reduce_max3A_395 = vector.broadcast %reduce_max3A_394 : i32 to vector<16xi32>
    %reduce_max3A_396 = arith.xori %select_n3A_391, %reduce_max3A_395 : vector<16xi32>
    %reduce_max3A_397 = tpu.scan <max>, %reduce_max3A_396 masked %reduce_max3A_393 : vector<16xi32>, vector<16xi1> -> vector<16xi32>
    %reduce_max3A_398 = arith.xori %reduce_max3A_397, %reduce_max3A_395 : vector<16xi32>
    %reduce_max3A_399 = vector.extract %reduce_max3A_398[15] : i32 from vector<16xi32>
    %multiple_of3A_400 = tpu.assume_multiple %reduce_max3A_399, 128 : i32
    %dma_start3A_401 = arith.constant 0 : i32
    %dma_start3A_402 = arith.constant 9 : i32
    %dma_start3A_403 = arith.constant 0 : i32
    %dma_start3A_404 = arith.constant 0 : i32
    %dma_start3A_405 = tpu.memref_slice %arg6[%dma_start3A_401, %dma_start3A_402, %dma_start3A_403, %dma_start3A_404] : memref<2x16x16x128xf32, #tpu.memory_space<vmem>> -> memref<1x1x8x128xf32, #tpu.memory_space<vmem>>
    %dma_start3A_406 = tpu.memref_squeeze %dma_start3A_405 : memref<1x1x8x128xf32, #tpu.memory_space<vmem>> -> memref<8x128xf32, #tpu.memory_space<vmem>>
    %dma_start3A_407 = arith.constant 0 : i32
    %dma_start3A_408 = tpu.memref_slice %arg3[%dma_start3A_407, %multiple_of3A_400] : memref<16x1000000xf32, #tpu.memory_space<hbm>> -> memref<8x128xf32, #tpu.memory_space<hbm>>
    %dma_start3A_409 = arith.constant 0 : i32
    %dma_start3A_410 = arith.constant 0 : i32
    %dma_start3A_411 = tpu.memref_slice %arg6[%dma_start3A_401, %dma_start3A_402, %dma_start3A_409, %dma_start3A_410] : memref<2x16x16x128xf32, #tpu.memory_space<vmem>> -> memref<1x1x8x128xf32, #tpu.memory_space<vmem>>
    %dma_start3A_412 = tpu.memref_squeeze %dma_start3A_411 : memref<1x1x8x128xf32, #tpu.memory_space<vmem>> -> memref<8x128xf32, #tpu.memory_space<vmem>>
    %dma_start3A_413 = arith.constant 0 : i32
    %dma_start3A_414 = tpu.memref_slice %arg3[%dma_start3A_413, %multiple_of3A_400] : memref<16x1000000xf32, #tpu.memory_space<hbm>> -> memref<8x128xf32, #tpu.memory_space<hbm>>
    tpu.enqueue_dma source(%dma_start3A_414 : memref<8x128xf32, #tpu.memory_space<hbm>>) target(%dma_start3A_412 : memref<8x128xf32, #tpu.memory_space<vmem>>) target_semaphore(%arg8 : memref<!tpu.dma_semaphore, #tpu.memory_space<semaphore_mem>>)
    %dma_start3A_415 = arith.constant 0 : i32
    %dma_start3A_416 = arith.constant 9 : i32
    %dma_start3A_417 = arith.constant 8 : i32
    %dma_start3A_418 = arith.constant 0 : i32
    %dma_start3A_419 = tpu.memref_slice %arg6[%dma_start3A_415, %dma_start3A_416, %dma_start3A_417, %dma_start3A_418] : memref<2x16x16x128xf32, #tpu.memory_space<vmem>> -> memref<1x1x8x128xf32, #tpu.memory_space<vmem>>
    %dma_start3A_420 = tpu.memref_squeeze %dma_start3A_419 : memref<1x1x8x128xf32, #tpu.memory_space<vmem>> -> memref<8x128xf32, #tpu.memory_space<vmem>>
    %dma_start3A_421 = arith.constant 8 : i32
    %dma_start3A_422 = tpu.memref_slice %arg3[%dma_start3A_421, %multiple_of3A_400] : memref<16x1000000xf32, #tpu.memory_space<hbm>> -> memref<8x128xf32, #tpu.memory_space<hbm>>
    %dma_start3A_423 = arith.constant 8 : i32
    %dma_start3A_424 = arith.constant 0 : i32
    %dma_start3A_425 = tpu.memref_slice %arg6[%dma_start3A_415, %dma_start3A_416, %dma_start3A_423, %dma_start3A_424] : memref<2x16x16x128xf32, #tpu.memory_space<vmem>> -> memref<1x1x8x128xf32, #tpu.memory_space<vmem>>
    %dma_start3A_426 = tpu.memref_squeeze %dma_start3A_425 : memref<1x1x8x128xf32, #tpu.memory_space<vmem>> -> memref<8x128xf32, #tpu.memory_space<vmem>>
    %dma_start3A_427 = arith.constant 8 : i32
    %dma_start3A_428 = tpu.memref_slice %arg3[%dma_start3A_427, %multiple_of3A_400] : memref<16x1000000xf32, #tpu.memory_space<hbm>> -> memref<8x128xf32, #tpu.memory_space<hbm>>
    tpu.enqueue_dma source(%dma_start3A_428 : memref<8x128xf32, #tpu.memory_space<hbm>>) target(%dma_start3A_426 : memref<8x128xf32, #tpu.memory_space<vmem>>) target_semaphore(%arg8 : memref<!tpu.dma_semaphore, #tpu.memory_space<semaphore_mem>>)
    %eq3A_429 = arith.constant 10 : i32
    %eq3A_430 = vector.broadcast %eq3A_429 : i32 to vector<16xi32>
    %eq3A_431 = arith.cmpi eq, %iota3A, %eq3A_430 : vector<16xi32>
    %jit3A_432 = arith.constant 0 : i32
    %broadcast_in_dim3A_433 = vector.broadcast %jit3A_432 : i32 to vector<16xi32>
    %select_n3A_434 = arith.select %eq3A_431, %and3A_5, %broadcast_in_dim3A_433 : vector<16xi1>, vector<16xi32>
    %reduce_max3A_435 = arith.constant true
    %reduce_max3A_436 = vector.broadcast %reduce_max3A_435 : i1 to vector<16xi1>
    %reduce_max3A_437 = arith.constant -2147483648 : i32
    %reduce_max3A_438 = vector.broadcast %reduce_max3A_437 : i32 to vector<16xi32>
    %reduce_max3A_439 = arith.xori %select_n3A_434, %reduce_max3A_438 : vector<16xi32>
    %reduce_max3A_440 = tpu.scan <max>, %reduce_max3A_439 masked %reduce_max3A_436 : vector<16xi32>, vector<16xi1> -> vector<16xi32>
    %reduce_max3A_441 = arith.xori %reduce_max3A_440, %reduce_max3A_438 : vector<16xi32>
    %reduce_max3A_442 = vector.extract %reduce_max3A_441[15] : i32 from vector<16xi32>
    %multiple_of3A_443 = tpu.assume_multiple %reduce_max3A_442, 128 : i32
    %dma_start3A_444 = arith.constant 0 : i32
    %dma_start3A_445 = arith.constant 10 : i32
    %dma_start3A_446 = arith.constant 0 : i32
    %dma_start3A_447 = arith.constant 0 : i32
    %dma_start3A_448 = tpu.memref_slice %arg6[%dma_start3A_444, %dma_start3A_445, %dma_start3A_446, %dma_start3A_447] : memref<2x16x16x128xf32, #tpu.memory_space<vmem>> -> memref<1x1x8x128xf32, #tpu.memory_space<vmem>>
    %dma_start3A_449 = tpu.memref_squeeze %dma_start3A_448 : memref<1x1x8x128xf32, #tpu.memory_space<vmem>> -> memref<8x128xf32, #tpu.memory_space<vmem>>
    %dma_start3A_450 = arith.constant 0 : i32
    %dma_start3A_451 = tpu.memref_slice %arg3[%dma_start3A_450, %multiple_of3A_443] : memref<16x1000000xf32, #tpu.memory_space<hbm>> -> memref<8x128xf32, #tpu.memory_space<hbm>>
    %dma_start3A_452 = arith.constant 0 : i32
    %dma_start3A_453 = arith.constant 0 : i32
    %dma_start3A_454 = tpu.memref_slice %arg6[%dma_start3A_444, %dma_start3A_445, %dma_start3A_452, %dma_start3A_453] : memref<2x16x16x128xf32, #tpu.memory_space<vmem>> -> memref<1x1x8x128xf32, #tpu.memory_space<vmem>>
    %dma_start3A_455 = tpu.memref_squeeze %dma_start3A_454 : memref<1x1x8x128xf32, #tpu.memory_space<vmem>> -> memref<8x128xf32, #tpu.memory_space<vmem>>
    %dma_start3A_456 = arith.constant 0 : i32
    %dma_start3A_457 = tpu.memref_slice %arg3[%dma_start3A_456, %multiple_of3A_443] : memref<16x1000000xf32, #tpu.memory_space<hbm>> -> memref<8x128xf32, #tpu.memory_space<hbm>>
    tpu.enqueue_dma source(%dma_start3A_457 : memref<8x128xf32, #tpu.memory_space<hbm>>) target(%dma_start3A_455 : memref<8x128xf32, #tpu.memory_space<vmem>>) target_semaphore(%arg8 : memref<!tpu.dma_semaphore, #tpu.memory_space<semaphore_mem>>)
    %dma_start3A_458 = arith.constant 0 : i32
    %dma_start3A_459 = arith.constant 10 : i32
    %dma_start3A_460 = arith.constant 8 : i32
    %dma_start3A_461 = arith.constant 0 : i32
    %dma_start3A_462 = tpu.memref_slice %arg6[%dma_start3A_458, %dma_start3A_459, %dma_start3A_460, %dma_start3A_461] : memref<2x16x16x128xf32, #tpu.memory_space<vmem>> -> memref<1x1x8x128xf32, #tpu.memory_space<vmem>>
    %dma_start3A_463 = tpu.memref_squeeze %dma_start3A_462 : memref<1x1x8x128xf32, #tpu.memory_space<vmem>> -> memref<8x128xf32, #tpu.memory_space<vmem>>
    %dma_start3A_464 = arith.constant 8 : i32
    %dma_start3A_465 = tpu.memref_slice %arg3[%dma_start3A_464, %multiple_of3A_443] : memref<16x1000000xf32, #tpu.memory_space<hbm>> -> memref<8x128xf32, #tpu.memory_space<hbm>>
    %dma_start3A_466 = arith.constant 8 : i32
    %dma_start3A_467 = arith.constant 0 : i32
    %dma_start3A_468 = tpu.memref_slice %arg6[%dma_start3A_458, %dma_start3A_459, %dma_start3A_466, %dma_start3A_467] : memref<2x16x16x128xf32, #tpu.memory_space<vmem>> -> memref<1x1x8x128xf32, #tpu.memory_space<vmem>>
    %dma_start3A_469 = tpu.memref_squeeze %dma_start3A_468 : memref<1x1x8x128xf32, #tpu.memory_space<vmem>> -> memref<8x128xf32, #tpu.memory_space<vmem>>
    %dma_start3A_470 = arith.constant 8 : i32
    %dma_start3A_471 = tpu.memref_slice %arg3[%dma_start3A_470, %multiple_of3A_443] : memref<16x1000000xf32, #tpu.memory_space<hbm>> -> memref<8x128xf32, #tpu.memory_space<hbm>>
    tpu.enqueue_dma source(%dma_start3A_471 : memref<8x128xf32, #tpu.memory_space<hbm>>) target(%dma_start3A_469 : memref<8x128xf32, #tpu.memory_space<vmem>>) target_semaphore(%arg8 : memref<!tpu.dma_semaphore, #tpu.memory_space<semaphore_mem>>)
    %eq3A_472 = arith.constant 11 : i32
    %eq3A_473 = vector.broadcast %eq3A_472 : i32 to vector<16xi32>
    %eq3A_474 = arith.cmpi eq, %iota3A, %eq3A_473 : vector<16xi32>
    %jit3A_475 = arith.constant 0 : i32
    %broadcast_in_dim3A_476 = vector.broadcast %jit3A_475 : i32 to vector<16xi32>
    %select_n3A_477 = arith.select %eq3A_474, %and3A_5, %broadcast_in_dim3A_476 : vector<16xi1>, vector<16xi32>
    %reduce_max3A_478 = arith.constant true
    %reduce_max3A_479 = vector.broadcast %reduce_max3A_478 : i1 to vector<16xi1>
    %reduce_max3A_480 = arith.constant -2147483648 : i32
    %reduce_max3A_481 = vector.broadcast %reduce_max3A_480 : i32 to vector<16xi32>
    %reduce_max3A_482 = arith.xori %select_n3A_477, %reduce_max3A_481 : vector<16xi32>
    %reduce_max3A_483 = tpu.scan <max>, %reduce_max3A_482 masked %reduce_max3A_479 : vector<16xi32>, vector<16xi1> -> vector<16xi32>
    %reduce_max3A_484 = arith.xori %reduce_max3A_483, %reduce_max3A_481 : vector<16xi32>
    %reduce_max3A_485 = vector.extract %reduce_max3A_484[15] : i32 from vector<16xi32>
    %multiple_of3A_486 = tpu.assume_multiple %reduce_max3A_485, 128 : i32
    %dma_start3A_487 = arith.constant 0 : i32
    %dma_start3A_488 = arith.constant 11 : i32
    %dma_start3A_489 = arith.constant 0 : i32
    %dma_start3A_490 = arith.constant 0 : i32
    %dma_start3A_491 = tpu.memref_slice %arg6[%dma_start3A_487, %dma_start3A_488, %dma_start3A_489, %dma_start3A_490] : memref<2x16x16x128xf32, #tpu.memory_space<vmem>> -> memref<1x1x8x128xf32, #tpu.memory_space<vmem>>
    %dma_start3A_492 = tpu.memref_squeeze %dma_start3A_491 : memref<1x1x8x128xf32, #tpu.memory_space<vmem>> -> memref<8x128xf32, #tpu.memory_space<vmem>>
    %dma_start3A_493 = arith.constant 0 : i32
    %dma_start3A_494 = tpu.memref_slice %arg3[%dma_start3A_493, %multiple_of3A_486] : memref<16x1000000xf32, #tpu.memory_space<hbm>> -> memref<8x128xf32, #tpu.memory_space<hbm>>
    %dma_start3A_495 = arith.constant 0 : i32
    %dma_start3A_496 = arith.constant 0 : i32
    %dma_start3A_497 = tpu.memref_slice %arg6[%dma_start3A_487, %dma_start3A_488, %dma_start3A_495, %dma_start3A_496] : memref<2x16x16x128xf32, #tpu.memory_space<vmem>> -> memref<1x1x8x128xf32, #tpu.memory_space<vmem>>
    %dma_start3A_498 = tpu.memref_squeeze %dma_start3A_497 : memref<1x1x8x128xf32, #tpu.memory_space<vmem>> -> memref<8x128xf32, #tpu.memory_space<vmem>>
    %dma_start3A_499 = arith.constant 0 : i32
    %dma_start3A_500 = tpu.memref_slice %arg3[%dma_start3A_499, %multiple_of3A_486] : memref<16x1000000xf32, #tpu.memory_space<hbm>> -> memref<8x128xf32, #tpu.memory_space<hbm>>
    tpu.enqueue_dma source(%dma_start3A_500 : memref<8x128xf32, #tpu.memory_space<hbm>>) target(%dma_start3A_498 : memref<8x128xf32, #tpu.memory_space<vmem>>) target_semaphore(%arg8 : memref<!tpu.dma_semaphore, #tpu.memory_space<semaphore_mem>>)
    %dma_start3A_501 = arith.constant 0 : i32
    %dma_start3A_502 = arith.constant 11 : i32
    %dma_start3A_503 = arith.constant 8 : i32
    %dma_start3A_504 = arith.constant 0 : i32
    %dma_start3A_505 = tpu.memref_slice %arg6[%dma_start3A_501, %dma_start3A_502, %dma_start3A_503, %dma_start3A_504] : memref<2x16x16x128xf32, #tpu.memory_space<vmem>> -> memref<1x1x8x128xf32, #tpu.memory_space<vmem>>
    %dma_start3A_506 = tpu.memref_squeeze %dma_start3A_505 : memref<1x1x8x128xf32, #tpu.memory_space<vmem>> -> memref<8x128xf32, #tpu.memory_space<vmem>>
    %dma_start3A_507 = arith.constant 8 : i32
    %dma_start3A_508 = tpu.memref_slice %arg3[%dma_start3A_507, %multiple_of3A_486] : memref<16x1000000xf32, #tpu.memory_space<hbm>> -> memref<8x128xf32, #tpu.memory_space<hbm>>
    %dma_start3A_509 = arith.constant 8 : i32
    %dma_start3A_510 = arith.constant 0 : i32
    %dma_start3A_511 = tpu.memref_slice %arg6[%dma_start3A_501, %dma_start3A_502, %dma_start3A_509, %dma_start3A_510] : memref<2x16x16x128xf32, #tpu.memory_space<vmem>> -> memref<1x1x8x128xf32, #tpu.memory_space<vmem>>
    %dma_start3A_512 = tpu.memref_squeeze %dma_start3A_511 : memref<1x1x8x128xf32, #tpu.memory_space<vmem>> -> memref<8x128xf32, #tpu.memory_space<vmem>>
    %dma_start3A_513 = arith.constant 8 : i32
    %dma_start3A_514 = tpu.memref_slice %arg3[%dma_start3A_513, %multiple_of3A_486] : memref<16x1000000xf32, #tpu.memory_space<hbm>> -> memref<8x128xf32, #tpu.memory_space<hbm>>
    tpu.enqueue_dma source(%dma_start3A_514 : memref<8x128xf32, #tpu.memory_space<hbm>>) target(%dma_start3A_512 : memref<8x128xf32, #tpu.memory_space<vmem>>) target_semaphore(%arg8 : memref<!tpu.dma_semaphore, #tpu.memory_space<semaphore_mem>>)
    %eq3A_515 = arith.constant 12 : i32
    %eq3A_516 = vector.broadcast %eq3A_515 : i32 to vector<16xi32>
    %eq3A_517 = arith.cmpi eq, %iota3A, %eq3A_516 : vector<16xi32>
    %jit3A_518 = arith.constant 0 : i32
    %broadcast_in_dim3A_519 = vector.broadcast %jit3A_518 : i32 to vector<16xi32>
    %select_n3A_520 = arith.select %eq3A_517, %and3A_5, %broadcast_in_dim3A_519 : vector<16xi1>, vector<16xi32>
    %reduce_max3A_521 = arith.constant true
    %reduce_max3A_522 = vector.broadcast %reduce_max3A_521 : i1 to vector<16xi1>
    %reduce_max3A_523 = arith.constant -2147483648 : i32
    %reduce_max3A_524 = vector.broadcast %reduce_max3A_523 : i32 to vector<16xi32>
    %reduce_max3A_525 = arith.xori %select_n3A_520, %reduce_max3A_524 : vector<16xi32>
    %reduce_max3A_526 = tpu.scan <max>, %reduce_max3A_525 masked %reduce_max3A_522 : vector<16xi32>, vector<16xi1> -> vector<16xi32>
    %reduce_max3A_527 = arith.xori %reduce_max3A_526, %reduce_max3A_524 : vector<16xi32>
    %reduce_max3A_528 = vector.extract %reduce_max3A_527[15] : i32 from vector<16xi32>
    %multiple_of3A_529 = tpu.assume_multiple %reduce_max3A_528, 128 : i32
    %dma_start3A_530 = arith.constant 0 : i32
    %dma_start3A_531 = arith.constant 12 : i32
    %dma_start3A_532 = arith.constant 0 : i32
    %dma_start3A_533 = arith.constant 0 : i32
    %dma_start3A_534 = tpu.memref_slice %arg6[%dma_start3A_530, %dma_start3A_531, %dma_start3A_532, %dma_start3A_533] : memref<2x16x16x128xf32, #tpu.memory_space<vmem>> -> memref<1x1x8x128xf32, #tpu.memory_space<vmem>>
    %dma_start3A_535 = tpu.memref_squeeze %dma_start3A_534 : memref<1x1x8x128xf32, #tpu.memory_space<vmem>> -> memref<8x128xf32, #tpu.memory_space<vmem>>
    %dma_start3A_536 = arith.constant 0 : i32
    %dma_start3A_537 = tpu.memref_slice %arg3[%dma_start3A_536, %multiple_of3A_529] : memref<16x1000000xf32, #tpu.memory_space<hbm>> -> memref<8x128xf32, #tpu.memory_space<hbm>>
    %dma_start3A_538 = arith.constant 0 : i32
    %dma_start3A_539 = arith.constant 0 : i32
    %dma_start3A_540 = tpu.memref_slice %arg6[%dma_start3A_530, %dma_start3A_531, %dma_start3A_538, %dma_start3A_539] : memref<2x16x16x128xf32, #tpu.memory_space<vmem>> -> memref<1x1x8x128xf32, #tpu.memory_space<vmem>>
    %dma_start3A_541 = tpu.memref_squeeze %dma_start3A_540 : memref<1x1x8x128xf32, #tpu.memory_space<vmem>> -> memref<8x128xf32, #tpu.memory_space<vmem>>
    %dma_start3A_542 = arith.constant 0 : i32
    %dma_start3A_543 = tpu.memref_slice %arg3[%dma_start3A_542, %multiple_of3A_529] : memref<16x1000000xf32, #tpu.memory_space<hbm>> -> memref<8x128xf32, #tpu.memory_space<hbm>>
    tpu.enqueue_dma source(%dma_start3A_543 : memref<8x128xf32, #tpu.memory_space<hbm>>) target(%dma_start3A_541 : memref<8x128xf32, #tpu.memory_space<vmem>>) target_semaphore(%arg8 : memref<!tpu.dma_semaphore, #tpu.memory_space<semaphore_mem>>)
    %dma_start3A_544 = arith.constant 0 : i32
    %dma_start3A_545 = arith.constant 12 : i32
    %dma_start3A_546 = arith.constant 8 : i32
    %dma_start3A_547 = arith.constant 0 : i32
    %dma_start3A_548 = tpu.memref_slice %arg6[%dma_start3A_544, %dma_start3A_545, %dma_start3A_546, %dma_start3A_547] : memref<2x16x16x128xf32, #tpu.memory_space<vmem>> -> memref<1x1x8x128xf32, #tpu.memory_space<vmem>>
    %dma_start3A_549 = tpu.memref_squeeze %dma_start3A_548 : memref<1x1x8x128xf32, #tpu.memory_space<vmem>> -> memref<8x128xf32, #tpu.memory_space<vmem>>
    %dma_start3A_550 = arith.constant 8 : i32
    %dma_start3A_551 = tpu.memref_slice %arg3[%dma_start3A_550, %multiple_of3A_529] : memref<16x1000000xf32, #tpu.memory_space<hbm>> -> memref<8x128xf32, #tpu.memory_space<hbm>>
    %dma_start3A_552 = arith.constant 8 : i32
    %dma_start3A_553 = arith.constant 0 : i32
    %dma_start3A_554 = tpu.memref_slice %arg6[%dma_start3A_544, %dma_start3A_545, %dma_start3A_552, %dma_start3A_553] : memref<2x16x16x128xf32, #tpu.memory_space<vmem>> -> memref<1x1x8x128xf32, #tpu.memory_space<vmem>>
    %dma_start3A_555 = tpu.memref_squeeze %dma_start3A_554 : memref<1x1x8x128xf32, #tpu.memory_space<vmem>> -> memref<8x128xf32, #tpu.memory_space<vmem>>
    %dma_start3A_556 = arith.constant 8 : i32
    %dma_start3A_557 = tpu.memref_slice %arg3[%dma_start3A_556, %multiple_of3A_529] : memref<16x1000000xf32, #tpu.memory_space<hbm>> -> memref<8x128xf32, #tpu.memory_space<hbm>>
    tpu.enqueue_dma source(%dma_start3A_557 : memref<8x128xf32, #tpu.memory_space<hbm>>) target(%dma_start3A_555 : memref<8x128xf32, #tpu.memory_space<vmem>>) target_semaphore(%arg8 : memref<!tpu.dma_semaphore, #tpu.memory_space<semaphore_mem>>)
    %eq3A_558 = arith.constant 13 : i32
    %eq3A_559 = vector.broadcast %eq3A_558 : i32 to vector<16xi32>
    %eq3A_560 = arith.cmpi eq, %iota3A, %eq3A_559 : vector<16xi32>
    %jit3A_561 = arith.constant 0 : i32
    %broadcast_in_dim3A_562 = vector.broadcast %jit3A_561 : i32 to vector<16xi32>
    %select_n3A_563 = arith.select %eq3A_560, %and3A_5, %broadcast_in_dim3A_562 : vector<16xi1>, vector<16xi32>
    %reduce_max3A_564 = arith.constant true
    %reduce_max3A_565 = vector.broadcast %reduce_max3A_564 : i1 to vector<16xi1>
    %reduce_max3A_566 = arith.constant -2147483648 : i32
    %reduce_max3A_567 = vector.broadcast %reduce_max3A_566 : i32 to vector<16xi32>
    %reduce_max3A_568 = arith.xori %select_n3A_563, %reduce_max3A_567 : vector<16xi32>
    %reduce_max3A_569 = tpu.scan <max>, %reduce_max3A_568 masked %reduce_max3A_565 : vector<16xi32>, vector<16xi1> -> vector<16xi32>
    %reduce_max3A_570 = arith.xori %reduce_max3A_569, %reduce_max3A_567 : vector<16xi32>
    %reduce_max3A_571 = vector.extract %reduce_max3A_570[15] : i32 from vector<16xi32>
    %multiple_of3A_572 = tpu.assume_multiple %reduce_max3A_571, 128 : i32
    %dma_start3A_573 = arith.constant 0 : i32
    %dma_start3A_574 = arith.constant 13 : i32
    %dma_start3A_575 = arith.constant 0 : i32
    %dma_start3A_576 = arith.constant 0 : i32
    %dma_start3A_577 = tpu.memref_slice %arg6[%dma_start3A_573, %dma_start3A_574, %dma_start3A_575, %dma_start3A_576] : memref<2x16x16x128xf32, #tpu.memory_space<vmem>> -> memref<1x1x8x128xf32, #tpu.memory_space<vmem>>
    %dma_start3A_578 = tpu.memref_squeeze %dma_start3A_577 : memref<1x1x8x128xf32, #tpu.memory_space<vmem>> -> memref<8x128xf32, #tpu.memory_space<vmem>>
    %dma_start3A_579 = arith.constant 0 : i32
    %dma_start3A_580 = tpu.memref_slice %arg3[%dma_start3A_579, %multiple_of3A_572] : memref<16x1000000xf32, #tpu.memory_space<hbm>> -> memref<8x128xf32, #tpu.memory_space<hbm>>
    %dma_start3A_581 = arith.constant 0 : i32
    %dma_start3A_582 = arith.constant 0 : i32
    %dma_start3A_583 = tpu.memref_slice %arg6[%dma_start3A_573, %dma_start3A_574, %dma_start3A_581, %dma_start3A_582] : memref<2x16x16x128xf32, #tpu.memory_space<vmem>> -> memref<1x1x8x128xf32, #tpu.memory_space<vmem>>
    %dma_start3A_584 = tpu.memref_squeeze %dma_start3A_583 : memref<1x1x8x128xf32, #tpu.memory_space<vmem>> -> memref<8x128xf32, #tpu.memory_space<vmem>>
    %dma_start3A_585 = arith.constant 0 : i32
    %dma_start3A_586 = tpu.memref_slice %arg3[%dma_start3A_585, %multiple_of3A_572] : memref<16x1000000xf32, #tpu.memory_space<hbm>> -> memref<8x128xf32, #tpu.memory_space<hbm>>
    tpu.enqueue_dma source(%dma_start3A_586 : memref<8x128xf32, #tpu.memory_space<hbm>>) target(%dma_start3A_584 : memref<8x128xf32, #tpu.memory_space<vmem>>) target_semaphore(%arg8 : memref<!tpu.dma_semaphore, #tpu.memory_space<semaphore_mem>>)
    %dma_start3A_587 = arith.constant 0 : i32
    %dma_start3A_588 = arith.constant 13 : i32
    %dma_start3A_589 = arith.constant 8 : i32
    %dma_start3A_590 = arith.constant 0 : i32
    %dma_start3A_591 = tpu.memref_slice %arg6[%dma_start3A_587, %dma_start3A_588, %dma_start3A_589, %dma_start3A_590] : memref<2x16x16x128xf32, #tpu.memory_space<vmem>> -> memref<1x1x8x128xf32, #tpu.memory_space<vmem>>
    %dma_start3A_592 = tpu.memref_squeeze %dma_start3A_591 : memref<1x1x8x128xf32, #tpu.memory_space<vmem>> -> memref<8x128xf32, #tpu.memory_space<vmem>>
    %dma_start3A_593 = arith.constant 8 : i32
    %dma_start3A_594 = tpu.memref_slice %arg3[%dma_start3A_593, %multiple_of3A_572] : memref<16x1000000xf32, #tpu.memory_space<hbm>> -> memref<8x128xf32, #tpu.memory_space<hbm>>
    %dma_start3A_595 = arith.constant 8 : i32
    %dma_start3A_596 = arith.constant 0 : i32
    %dma_start3A_597 = tpu.memref_slice %arg6[%dma_start3A_587, %dma_start3A_588, %dma_start3A_595, %dma_start3A_596] : memref<2x16x16x128xf32, #tpu.memory_space<vmem>> -> memref<1x1x8x128xf32, #tpu.memory_space<vmem>>
    %dma_start3A_598 = tpu.memref_squeeze %dma_start3A_597 : memref<1x1x8x128xf32, #tpu.memory_space<vmem>> -> memref<8x128xf32, #tpu.memory_space<vmem>>
    %dma_start3A_599 = arith.constant 8 : i32
    %dma_start3A_600 = tpu.memref_slice %arg3[%dma_start3A_599, %multiple_of3A_572] : memref<16x1000000xf32, #tpu.memory_space<hbm>> -> memref<8x128xf32, #tpu.memory_space<hbm>>
    tpu.enqueue_dma source(%dma_start3A_600 : memref<8x128xf32, #tpu.memory_space<hbm>>) target(%dma_start3A_598 : memref<8x128xf32, #tpu.memory_space<vmem>>) target_semaphore(%arg8 : memref<!tpu.dma_semaphore, #tpu.memory_space<semaphore_mem>>)
    %eq3A_601 = arith.constant 14 : i32
    %eq3A_602 = vector.broadcast %eq3A_601 : i32 to vector<16xi32>
    %eq3A_603 = arith.cmpi eq, %iota3A, %eq3A_602 : vector<16xi32>
    %jit3A_604 = arith.constant 0 : i32
    %broadcast_in_dim3A_605 = vector.broadcast %jit3A_604 : i32 to vector<16xi32>
    %select_n3A_606 = arith.select %eq3A_603, %and3A_5, %broadcast_in_dim3A_605 : vector<16xi1>, vector<16xi32>
    %reduce_max3A_607 = arith.constant true
    %reduce_max3A_608 = vector.broadcast %reduce_max3A_607 : i1 to vector<16xi1>
    %reduce_max3A_609 = arith.constant -2147483648 : i32
    %reduce_max3A_610 = vector.broadcast %reduce_max3A_609 : i32 to vector<16xi32>
    %reduce_max3A_611 = arith.xori %select_n3A_606, %reduce_max3A_610 : vector<16xi32>
    %reduce_max3A_612 = tpu.scan <max>, %reduce_max3A_611 masked %reduce_max3A_608 : vector<16xi32>, vector<16xi1> -> vector<16xi32>
    %reduce_max3A_613 = arith.xori %reduce_max3A_612, %reduce_max3A_610 : vector<16xi32>
    %reduce_max3A_614 = vector.extract %reduce_max3A_613[15] : i32 from vector<16xi32>
    %multiple_of3A_615 = tpu.assume_multiple %reduce_max3A_614, 128 : i32
    %dma_start3A_616 = arith.constant 0 : i32
    %dma_start3A_617 = arith.constant 14 : i32
    %dma_start3A_618 = arith.constant 0 : i32
    %dma_start3A_619 = arith.constant 0 : i32
    %dma_start3A_620 = tpu.memref_slice %arg6[%dma_start3A_616, %dma_start3A_617, %dma_start3A_618, %dma_start3A_619] : memref<2x16x16x128xf32, #tpu.memory_space<vmem>> -> memref<1x1x8x128xf32, #tpu.memory_space<vmem>>
    %dma_start3A_621 = tpu.memref_squeeze %dma_start3A_620 : memref<1x1x8x128xf32, #tpu.memory_space<vmem>> -> memref<8x128xf32, #tpu.memory_space<vmem>>
    %dma_start3A_622 = arith.constant 0 : i32
    %dma_start3A_623 = tpu.memref_slice %arg3[%dma_start3A_622, %multiple_of3A_615] : memref<16x1000000xf32, #tpu.memory_space<hbm>> -> memref<8x128xf32, #tpu.memory_space<hbm>>
    %dma_start3A_624 = arith.constant 0 : i32
    %dma_start3A_625 = arith.constant 0 : i32
    %dma_start3A_626 = tpu.memref_slice %arg6[%dma_start3A_616, %dma_start3A_617, %dma_start3A_624, %dma_start3A_625] : memref<2x16x16x128xf32, #tpu.memory_space<vmem>> -> memref<1x1x8x128xf32, #tpu.memory_space<vmem>>
    %dma_start3A_627 = tpu.memref_squeeze %dma_start3A_626 : memref<1x1x8x128xf32, #tpu.memory_space<vmem>> -> memref<8x128xf32, #tpu.memory_space<vmem>>
    %dma_start3A_628 = arith.constant 0 : i32
    %dma_start3A_629 = tpu.memref_slice %arg3[%dma_start3A_628, %multiple_of3A_615] : memref<16x1000000xf32, #tpu.memory_space<hbm>> -> memref<8x128xf32, #tpu.memory_space<hbm>>
    tpu.enqueue_dma source(%dma_start3A_629 : memref<8x128xf32, #tpu.memory_space<hbm>>) target(%dma_start3A_627 : memref<8x128xf32, #tpu.memory_space<vmem>>) target_semaphore(%arg8 : memref<!tpu.dma_semaphore, #tpu.memory_space<semaphore_mem>>)
    %dma_start3A_630 = arith.constant 0 : i32
    %dma_start3A_631 = arith.constant 14 : i32
    %dma_start3A_632 = arith.constant 8 : i32
    %dma_start3A_633 = arith.constant 0 : i32
    %dma_start3A_634 = tpu.memref_slice %arg6[%dma_start3A_630, %dma_start3A_631, %dma_start3A_632, %dma_start3A_633] : memref<2x16x16x128xf32, #tpu.memory_space<vmem>> -> memref<1x1x8x128xf32, #tpu.memory_space<vmem>>
    %dma_start3A_635 = tpu.memref_squeeze %dma_start3A_634 : memref<1x1x8x128xf32, #tpu.memory_space<vmem>> -> memref<8x128xf32, #tpu.memory_space<vmem>>
    %dma_start3A_636 = arith.constant 8 : i32
    %dma_start3A_637 = tpu.memref_slice %arg3[%dma_start3A_636, %multiple_of3A_615] : memref<16x1000000xf32, #tpu.memory_space<hbm>> -> memref<8x128xf32, #tpu.memory_space<hbm>>
    %dma_start3A_638 = arith.constant 8 : i32
    %dma_start3A_639 = arith.constant 0 : i32
    %dma_start3A_640 = tpu.memref_slice %arg6[%dma_start3A_630, %dma_start3A_631, %dma_start3A_638, %dma_start3A_639] : memref<2x16x16x128xf32, #tpu.memory_space<vmem>> -> memref<1x1x8x128xf32, #tpu.memory_space<vmem>>
    %dma_start3A_641 = tpu.memref_squeeze %dma_start3A_640 : memref<1x1x8x128xf32, #tpu.memory_space<vmem>> -> memref<8x128xf32, #tpu.memory_space<vmem>>
    %dma_start3A_642 = arith.constant 8 : i32
    %dma_start3A_643 = tpu.memref_slice %arg3[%dma_start3A_642, %multiple_of3A_615] : memref<16x1000000xf32, #tpu.memory_space<hbm>> -> memref<8x128xf32, #tpu.memory_space<hbm>>
    tpu.enqueue_dma source(%dma_start3A_643 : memref<8x128xf32, #tpu.memory_space<hbm>>) target(%dma_start3A_641 : memref<8x128xf32, #tpu.memory_space<vmem>>) target_semaphore(%arg8 : memref<!tpu.dma_semaphore, #tpu.memory_space<semaphore_mem>>)
    %eq3A_644 = arith.constant 15 : i32
    %eq3A_645 = vector.broadcast %eq3A_644 : i32 to vector<16xi32>
    %eq3A_646 = arith.cmpi eq, %iota3A, %eq3A_645 : vector<16xi32>
    %jit3A_647 = arith.constant 0 : i32
    %broadcast_in_dim3A_648 = vector.broadcast %jit3A_647 : i32 to vector<16xi32>
    %select_n3A_649 = arith.select %eq3A_646, %and3A_5, %broadcast_in_dim3A_648 : vector<16xi1>, vector<16xi32>
    %reduce_max3A_650 = arith.constant true
    %reduce_max3A_651 = vector.broadcast %reduce_max3A_650 : i1 to vector<16xi1>
    %reduce_max3A_652 = arith.constant -2147483648 : i32
    %reduce_max3A_653 = vector.broadcast %reduce_max3A_652 : i32 to vector<16xi32>
    %reduce_max3A_654 = arith.xori %select_n3A_649, %reduce_max3A_653 : vector<16xi32>
    %reduce_max3A_655 = tpu.scan <max>, %reduce_max3A_654 masked %reduce_max3A_651 : vector<16xi32>, vector<16xi1> -> vector<16xi32>
    %reduce_max3A_656 = arith.xori %reduce_max3A_655, %reduce_max3A_653 : vector<16xi32>
    %reduce_max3A_657 = vector.extract %reduce_max3A_656[15] : i32 from vector<16xi32>
    %multiple_of3A_658 = tpu.assume_multiple %reduce_max3A_657, 128 : i32
    %dma_start3A_659 = arith.constant 0 : i32
    %dma_start3A_660 = arith.constant 15 : i32
    %dma_start3A_661 = arith.constant 0 : i32
    %dma_start3A_662 = arith.constant 0 : i32
    %dma_start3A_663 = tpu.memref_slice %arg6[%dma_start3A_659, %dma_start3A_660, %dma_start3A_661, %dma_start3A_662] : memref<2x16x16x128xf32, #tpu.memory_space<vmem>> -> memref<1x1x8x128xf32, #tpu.memory_space<vmem>>
    %dma_start3A_664 = tpu.memref_squeeze %dma_start3A_663 : memref<1x1x8x128xf32, #tpu.memory_space<vmem>> -> memref<8x128xf32, #tpu.memory_space<vmem>>
    %dma_start3A_665 = arith.constant 0 : i32
    %dma_start3A_666 = tpu.memref_slice %arg3[%dma_start3A_665, %multiple_of3A_658] : memref<16x1000000xf32, #tpu.memory_space<hbm>> -> memref<8x128xf32, #tpu.memory_space<hbm>>
    %dma_start3A_667 = arith.constant 0 : i32
    %dma_start3A_668 = arith.constant 0 : i32
    %dma_start3A_669 = tpu.memref_slice %arg6[%dma_start3A_659, %dma_start3A_660, %dma_start3A_667, %dma_start3A_668] : memref<2x16x16x128xf32, #tpu.memory_space<vmem>> -> memref<1x1x8x128xf32, #tpu.memory_space<vmem>>
    %dma_start3A_670 = tpu.memref_squeeze %dma_start3A_669 : memref<1x1x8x128xf32, #tpu.memory_space<vmem>> -> memref<8x128xf32, #tpu.memory_space<vmem>>
    %dma_start3A_671 = arith.constant 0 : i32
    %dma_start3A_672 = tpu.memref_slice %arg3[%dma_start3A_671, %multiple_of3A_658] : memref<16x1000000xf32, #tpu.memory_space<hbm>> -> memref<8x128xf32, #tpu.memory_space<hbm>>
    tpu.enqueue_dma source(%dma_start3A_672 : memref<8x128xf32, #tpu.memory_space<hbm>>) target(%dma_start3A_670 : memref<8x128xf32, #tpu.memory_space<vmem>>) target_semaphore(%arg8 : memref<!tpu.dma_semaphore, #tpu.memory_space<semaphore_mem>>)
    %dma_start3A_673 = arith.constant 0 : i32
    %dma_start3A_674 = arith.constant 15 : i32
    %dma_start3A_675 = arith.constant 8 : i32
    %dma_start3A_676 = arith.constant 0 : i32
    %dma_start3A_677 = tpu.memref_slice %arg6[%dma_start3A_673, %dma_start3A_674, %dma_start3A_675, %dma_start3A_676] : memref<2x16x16x128xf32, #tpu.memory_space<vmem>> -> memref<1x1x8x128xf32, #tpu.memory_space<vmem>>
    %dma_start3A_678 = tpu.memref_squeeze %dma_start3A_677 : memref<1x1x8x128xf32, #tpu.memory_space<vmem>> -> memref<8x128xf32, #tpu.memory_space<vmem>>
    %dma_start3A_679 = arith.constant 8 : i32
    %dma_start3A_680 = tpu.memref_slice %arg3[%dma_start3A_679, %multiple_of3A_658] : memref<16x1000000xf32, #tpu.memory_space<hbm>> -> memref<8x128xf32, #tpu.memory_space<hbm>>
    %dma_start3A_681 = arith.constant 8 : i32
    %dma_start3A_682 = arith.constant 0 : i32
    %dma_start3A_683 = tpu.memref_slice %arg6[%dma_start3A_673, %dma_start3A_674, %dma_start3A_681, %dma_start3A_682] : memref<2x16x16x128xf32, #tpu.memory_space<vmem>> -> memref<1x1x8x128xf32, #tpu.memory_space<vmem>>
    %dma_start3A_684 = tpu.memref_squeeze %dma_start3A_683 : memref<1x1x8x128xf32, #tpu.memory_space<vmem>> -> memref<8x128xf32, #tpu.memory_space<vmem>>
    %dma_start3A_685 = arith.constant 8 : i32
    %dma_start3A_686 = tpu.memref_slice %arg3[%dma_start3A_685, %multiple_of3A_658] : memref<16x1000000xf32, #tpu.memory_space<hbm>> -> memref<8x128xf32, #tpu.memory_space<hbm>>
    tpu.enqueue_dma source(%dma_start3A_686 : memref<8x128xf32, #tpu.memory_space<hbm>>) target(%dma_start3A_684 : memref<8x128xf32, #tpu.memory_space<vmem>>) target_semaphore(%arg8 : memref<!tpu.dma_semaphore, #tpu.memory_space<semaphore_mem>>)
    %scan3A = arith.constant 0 : i32
    %scan3A_687 = arith.constant 0 : i32
    %scan3A_688 = arith.constant 16 : i32
    %scan3A_689 = arith.addi %scan3A_687, %scan3A_688 : i32
    %scan3A_690 = arith.constant 1 : i32
    scf.for %scan3A_699 = %scan3A_687 to %scan3A_689 step %scan3A_690  : i32 {
      %mul3A_700 = arith.constant 2 : i32
      %mul3A_701 = arith.muli %mul3A_700, %scan3A_699 : i32
      %add3A_702 = arith.constant 1 : i32
      %add3A_703 = arith.addi %mul3A_701, %add3A_702 : i32
      %lt3A = arith.constant 32 : i32
      %lt3A_704 = arith.cmpi slt, %add3A_703, %lt3A : i32
      %convert_element_type3A = arith.extui %lt3A_704 : i1 to i32
      %cond3A = arith.constant 0 : i32
      %cond3A_705 = arith.cmpi ne, %convert_element_type3A, %cond3A : i32
      scf.if %cond3A_705 {
        %add3A_1616 = arith.constant 1 : i32
        %add3A_1617 = arith.addi %mul3A_701, %add3A_1616 : i32
        %mul3A_1618 = arith.constant 16 : i32
        %mul3A_1619 = arith.muli %add3A_1617, %mul3A_1618 : i32
        %get3A_1620 = arith.index_cast %mul3A_1619 : i32 to index
        %get3A_1621 = tpu.vector_load %arg5[%get3A_1620] {strides = array<i32>} : memref<512xi32, #tpu.memory_space<vmem>>, vector<16xi32>,
        %and3A_1622 = arith.constant -128 : i32
        %and3A_1623 = vector.broadcast %and3A_1622 : i32 to vector<16xi32>
        %and3A_1624 = arith.andi %get3A_1621, %and3A_1623 : vector<16xi32>
        %eq3A_1625 = arith.constant 0 : i32
        %eq3A_1626 = vector.broadcast %eq3A_1625 : i32 to vector<16xi32>
        %eq3A_1627 = arith.cmpi eq, %iota3A, %eq3A_1626 : vector<16xi32>
        %jit3A_1628 = arith.constant 0 : i32
        %broadcast_in_dim3A_1629 = vector.broadcast %jit3A_1628 : i32 to vector<16xi32>
        %select_n3A_1630 = arith.select %eq3A_1627, %and3A_1624, %broadcast_in_dim3A_1629 : vector<16xi1>, vector<16xi32>
        %reduce_max3A_1631 = arith.constant true
        %reduce_max3A_1632 = vector.broadcast %reduce_max3A_1631 : i1 to vector<16xi1>
        %reduce_max3A_1633 = arith.constant -2147483648 : i32
        %reduce_max3A_1634 = vector.broadcast %reduce_max3A_1633 : i32 to vector<16xi32>
        %reduce_max3A_1635 = arith.xori %select_n3A_1630, %reduce_max3A_1634 : vector<16xi32>
        %reduce_max3A_1636 = tpu.scan <max>, %reduce_max3A_1635 masked %reduce_max3A_1632 : vector<16xi32>, vector<16xi1> -> vector<16xi32>
        %reduce_max3A_1637 = arith.xori %reduce_max3A_1636, %reduce_max3A_1634 : vector<16xi32>
        %reduce_max3A_1638 = vector.extract %reduce_max3A_1637[15] : i32 from vector<16xi32>
        %multiple_of3A_1639 = tpu.assume_multiple %reduce_max3A_1638, 128 : i32
        %dma_start3A_1640 = arith.constant 1 : i32
        %dma_start3A_1641 = arith.constant 0 : i32
        %dma_start3A_1642 = arith.constant 0 : i32
        %dma_start3A_1643 = arith.constant 0 : i32
        %dma_start3A_1644 = tpu.memref_slice %arg6[%dma_start3A_1640, %dma_start3A_1641, %dma_start3A_1642, %dma_start3A_1643] : memref<2x16x16x128xf32, #tpu.memory_space<vmem>> -> memref<1x1x8x128xf32, #tpu.memory_space<vmem>>
        %dma_start3A_1645 = tpu.memref_squeeze %dma_start3A_1644 : memref<1x1x8x128xf32, #tpu.memory_space<vmem>> -> memref<8x128xf32, #tpu.memory_space<vmem>>
        %dma_start3A_1646 = arith.constant 0 : i32
        %dma_start3A_1647 = tpu.memref_slice %arg3[%dma_start3A_1646, %multiple_of3A_1639] : memref<16x1000000xf32, #tpu.memory_space<hbm>> -> memref<8x128xf32, #tpu.memory_space<hbm>>
        %dma_start3A_1648 = arith.constant 0 : i32
        %dma_start3A_1649 = arith.constant 0 : i32
        %dma_start3A_1650 = tpu.memref_slice %arg6[%dma_start3A_1640, %dma_start3A_1641, %dma_start3A_1648, %dma_start3A_1649] : memref<2x16x16x128xf32, #tpu.memory_space<vmem>> -> memref<1x1x8x128xf32, #tpu.memory_space<vmem>>
        %dma_start3A_1651 = tpu.memref_squeeze %dma_start3A_1650 : memref<1x1x8x128xf32, #tpu.memory_space<vmem>> -> memref<8x128xf32, #tpu.memory_space<vmem>>
        %dma_start3A_1652 = arith.constant 0 : i32
        %dma_start3A_1653 = tpu.memref_slice %arg3[%dma_start3A_1652, %multiple_of3A_1639] : memref<16x1000000xf32, #tpu.memory_space<hbm>> -> memref<8x128xf32, #tpu.memory_space<hbm>>
        tpu.enqueue_dma source(%dma_start3A_1653 : memref<8x128xf32, #tpu.memory_space<hbm>>) target(%dma_start3A_1651 : memref<8x128xf32, #tpu.memory_space<vmem>>) target_semaphore(%arg9 : memref<!tpu.dma_semaphore, #tpu.memory_space<semaphore_mem>>)
        %dma_start3A_1654 = arith.constant 1 : i32
        %dma_start3A_1655 = arith.constant 0 : i32
        %dma_start3A_1656 = arith.constant 8 : i32
        %dma_start3A_1657 = arith.constant 0 : i32
        %dma_start3A_1658 = tpu.memref_slice %arg6[%dma_start3A_1654, %dma_start3A_1655, %dma_start3A_1656, %dma_start3A_1657] : memref<2x16x16x128xf32, #tpu.memory_space<vmem>> -> memref<1x1x8x128xf32, #tpu.memory_space<vmem>>
        %dma_start3A_1659 = tpu.memref_squeeze %dma_start3A_1658 : memref<1x1x8x128xf32, #tpu.memory_space<vmem>> -> memref<8x128xf32, #tpu.memory_space<vmem>>
        %dma_start3A_1660 = arith.constant 8 : i32
        %dma_start3A_1661 = tpu.memref_slice %arg3[%dma_start3A_1660, %multiple_of3A_1639] : memref<16x1000000xf32, #tpu.memory_space<hbm>> -> memref<8x128xf32, #tpu.memory_space<hbm>>
        %dma_start3A_1662 = arith.constant 8 : i32
        %dma_start3A_1663 = arith.constant 0 : i32
        %dma_start3A_1664 = tpu.memref_slice %arg6[%dma_start3A_1654, %dma_start3A_1655, %dma_start3A_1662, %dma_start3A_1663] : memref<2x16x16x128xf32, #tpu.memory_space<vmem>> -> memref<1x1x8x128xf32, #tpu.memory_space<vmem>>
        %dma_start3A_1665 = tpu.memref_squeeze %dma_start3A_1664 : memref<1x1x8x128xf32, #tpu.memory_space<vmem>> -> memref<8x128xf32, #tpu.memory_space<vmem>>
        %dma_start3A_1666 = arith.constant 8 : i32
        %dma_start3A_1667 = tpu.memref_slice %arg3[%dma_start3A_1666, %multiple_of3A_1639] : memref<16x1000000xf32, #tpu.memory_space<hbm>> -> memref<8x128xf32, #tpu.memory_space<hbm>>
        tpu.enqueue_dma source(%dma_start3A_1667 : memref<8x128xf32, #tpu.memory_space<hbm>>) target(%dma_start3A_1665 : memref<8x128xf32, #tpu.memory_space<vmem>>) target_semaphore(%arg9 : memref<!tpu.dma_semaphore, #tpu.memory_space<semaphore_mem>>)
        %eq3A_1668 = arith.constant 1 : i32
        %eq3A_1669 = vector.broadcast %eq3A_1668 : i32 to vector<16xi32>
        %eq3A_1670 = arith.cmpi eq, %iota3A, %eq3A_1669 : vector<16xi32>
        %jit3A_1671 = arith.constant 0 : i32
        %broadcast_in_dim3A_1672 = vector.broadcast %jit3A_1671 : i32 to vector<16xi32>
        %select_n3A_1673 = arith.select %eq3A_1670, %and3A_1624, %broadcast_in_dim3A_1672 : vector<16xi1>, vector<16xi32>
        %reduce_max3A_1674 = arith.constant true
        %reduce_max3A_1675 = vector.broadcast %reduce_max3A_1674 : i1 to vector<16xi1>
        %reduce_max3A_1676 = arith.constant -2147483648 : i32
        %reduce_max3A_1677 = vector.broadcast %reduce_max3A_1676 : i32 to vector<16xi32>
        %reduce_max3A_1678 = arith.xori %select_n3A_1673, %reduce_max3A_1677 : vector<16xi32>
        %reduce_max3A_1679 = tpu.scan <max>, %reduce_max3A_1678 masked %reduce_max3A_1675 : vector<16xi32>, vector<16xi1> -> vector<16xi32>
        %reduce_max3A_1680 = arith.xori %reduce_max3A_1679, %reduce_max3A_1677 : vector<16xi32>
        %reduce_max3A_1681 = vector.extract %reduce_max3A_1680[15] : i32 from vector<16xi32>
        %multiple_of3A_1682 = tpu.assume_multiple %reduce_max3A_1681, 128 : i32
        %dma_start3A_1683 = arith.constant 1 : i32
        %dma_start3A_1684 = arith.constant 1 : i32
        %dma_start3A_1685 = arith.constant 0 : i32
        %dma_start3A_1686 = arith.constant 0 : i32
        %dma_start3A_1687 = tpu.memref_slice %arg6[%dma_start3A_1683, %dma_start3A_1684, %dma_start3A_1685, %dma_start3A_1686] : memref<2x16x16x128xf32, #tpu.memory_space<vmem>> -> memref<1x1x8x128xf32, #tpu.memory_space<vmem>>
        %dma_start3A_1688 = tpu.memref_squeeze %dma_start3A_1687 : memref<1x1x8x128xf32, #tpu.memory_space<vmem>> -> memref<8x128xf32, #tpu.memory_space<vmem>>
        %dma_start3A_1689 = arith.constant 0 : i32
        %dma_start3A_1690 = tpu.memref_slice %arg3[%dma_start3A_1689, %multiple_of3A_1682] : memref<16x1000000xf32, #tpu.memory_space<hbm>> -> memref<8x128xf32, #tpu.memory_space<hbm>>
        %dma_start3A_1691 = arith.constant 0 : i32
        %dma_start3A_1692 = arith.constant 0 : i32
        %dma_start3A_1693 = tpu.memref_slice %arg6[%dma_start3A_1683, %dma_start3A_1684, %dma_start3A_1691, %dma_start3A_1692] : memref<2x16x16x128xf32, #tpu.memory_space<vmem>> -> memref<1x1x8x128xf32, #tpu.memory_space<vmem>>
        %dma_start3A_1694 = tpu.memref_squeeze %dma_start3A_1693 : memref<1x1x8x128xf32, #tpu.memory_space<vmem>> -> memref<8x128xf32, #tpu.memory_space<vmem>>
        %dma_start3A_1695 = arith.constant 0 : i32
        %dma_start3A_1696 = tpu.memref_slice %arg3[%dma_start3A_1695, %multiple_of3A_1682] : memref<16x1000000xf32, #tpu.memory_space<hbm>> -> memref<8x128xf32, #tpu.memory_space<hbm>>
        tpu.enqueue_dma source(%dma_start3A_1696 : memref<8x128xf32, #tpu.memory_space<hbm>>) target(%dma_start3A_1694 : memref<8x128xf32, #tpu.memory_space<vmem>>) target_semaphore(%arg9 : memref<!tpu.dma_semaphore, #tpu.memory_space<semaphore_mem>>)
        %dma_start3A_1697 = arith.constant 1 : i32
        %dma_start3A_1698 = arith.constant 1 : i32
        %dma_start3A_1699 = arith.constant 8 : i32
        %dma_start3A_1700 = arith.constant 0 : i32
        %dma_start3A_1701 = tpu.memref_slice %arg6[%dma_start3A_1697, %dma_start3A_1698, %dma_start3A_1699, %dma_start3A_1700] : memref<2x16x16x128xf32, #tpu.memory_space<vmem>> -> memref<1x1x8x128xf32, #tpu.memory_space<vmem>>
        %dma_start3A_1702 = tpu.memref_squeeze %dma_start3A_1701 : memref<1x1x8x128xf32, #tpu.memory_space<vmem>> -> memref<8x128xf32, #tpu.memory_space<vmem>>
        %dma_start3A_1703 = arith.constant 8 : i32
        %dma_start3A_1704 = tpu.memref_slice %arg3[%dma_start3A_1703, %multiple_of3A_1682] : memref<16x1000000xf32, #tpu.memory_space<hbm>> -> memref<8x128xf32, #tpu.memory_space<hbm>>
        %dma_start3A_1705 = arith.constant 8 : i32
        %dma_start3A_1706 = arith.constant 0 : i32
        %dma_start3A_1707 = tpu.memref_slice %arg6[%dma_start3A_1697, %dma_start3A_1698, %dma_start3A_1705, %dma_start3A_1706] : memref<2x16x16x128xf32, #tpu.memory_space<vmem>> -> memref<1x1x8x128xf32, #tpu.memory_space<vmem>>
        %dma_start3A_1708 = tpu.memref_squeeze %dma_start3A_1707 : memref<1x1x8x128xf32, #tpu.memory_space<vmem>> -> memref<8x128xf32, #tpu.memory_space<vmem>>
        %dma_start3A_1709 = arith.constant 8 : i32
        %dma_start3A_1710 = tpu.memref_slice %arg3[%dma_start3A_1709, %multiple_of3A_1682] : memref<16x1000000xf32, #tpu.memory_space<hbm>> -> memref<8x128xf32, #tpu.memory_space<hbm>>
        tpu.enqueue_dma source(%dma_start3A_1710 : memref<8x128xf32, #tpu.memory_space<hbm>>) target(%dma_start3A_1708 : memref<8x128xf32, #tpu.memory_space<vmem>>) target_semaphore(%arg9 : memref<!tpu.dma_semaphore, #tpu.memory_space<semaphore_mem>>)
        %eq3A_1711 = arith.constant 2 : i32
        %eq3A_1712 = vector.broadcast %eq3A_1711 : i32 to vector<16xi32>
        %eq3A_1713 = arith.cmpi eq, %iota3A, %eq3A_1712 : vector<16xi32>
        %jit3A_1714 = arith.constant 0 : i32
        %broadcast_in_dim3A_1715 = vector.broadcast %jit3A_1714 : i32 to vector<16xi32>
        %select_n3A_1716 = arith.select %eq3A_1713, %and3A_1624, %broadcast_in_dim3A_1715 : vector<16xi1>, vector<16xi32>
        %reduce_max3A_1717 = arith.constant true
        %reduce_max3A_1718 = vector.broadcast %reduce_max3A_1717 : i1 to vector<16xi1>
        %reduce_max3A_1719 = arith.constant -2147483648 : i32
        %reduce_max3A_1720 = vector.broadcast %reduce_max3A_1719 : i32 to vector<16xi32>
        %reduce_max3A_1721 = arith.xori %select_n3A_1716, %reduce_max3A_1720 : vector<16xi32>
        %reduce_max3A_1722 = tpu.scan <max>, %reduce_max3A_1721 masked %reduce_max3A_1718 : vector<16xi32>, vector<16xi1> -> vector<16xi32>
        %reduce_max3A_1723 = arith.xori %reduce_max3A_1722, %reduce_max3A_1720 : vector<16xi32>
        %reduce_max3A_1724 = vector.extract %reduce_max3A_1723[15] : i32 from vector<16xi32>
        %multiple_of3A_1725 = tpu.assume_multiple %reduce_max3A_1724, 128 : i32
        %dma_start3A_1726 = arith.constant 1 : i32
        %dma_start3A_1727 = arith.constant 2 : i32
        %dma_start3A_1728 = arith.constant 0 : i32
        %dma_start3A_1729 = arith.constant 0 : i32
        %dma_start3A_1730 = tpu.memref_slice %arg6[%dma_start3A_1726, %dma_start3A_1727, %dma_start3A_1728, %dma_start3A_1729] : memref<2x16x16x128xf32, #tpu.memory_space<vmem>> -> memref<1x1x8x128xf32, #tpu.memory_space<vmem>>
        %dma_start3A_1731 = tpu.memref_squeeze %dma_start3A_1730 : memref<1x1x8x128xf32, #tpu.memory_space<vmem>> -> memref<8x128xf32, #tpu.memory_space<vmem>>
        %dma_start3A_1732 = arith.constant 0 : i32
        %dma_start3A_1733 = tpu.memref_slice %arg3[%dma_start3A_1732, %multiple_of3A_1725] : memref<16x1000000xf32, #tpu.memory_space<hbm>> -> memref<8x128xf32, #tpu.memory_space<hbm>>
        %dma_start3A_1734 = arith.constant 0 : i32
        %dma_start3A_1735 = arith.constant 0 : i32
        %dma_start3A_1736 = tpu.memref_slice %arg6[%dma_start3A_1726, %dma_start3A_1727, %dma_start3A_1734, %dma_start3A_1735] : memref<2x16x16x128xf32, #tpu.memory_space<vmem>> -> memref<1x1x8x128xf32, #tpu.memory_space<vmem>>
        %dma_start3A_1737 = tpu.memref_squeeze %dma_start3A_1736 : memref<1x1x8x128xf32, #tpu.memory_space<vmem>> -> memref<8x128xf32, #tpu.memory_space<vmem>>
        %dma_start3A_1738 = arith.constant 0 : i32
        %dma_start3A_1739 = tpu.memref_slice %arg3[%dma_start3A_1738, %multiple_of3A_1725] : memref<16x1000000xf32, #tpu.memory_space<hbm>> -> memref<8x128xf32, #tpu.memory_space<hbm>>
        tpu.enqueue_dma source(%dma_start3A_1739 : memref<8x128xf32, #tpu.memory_space<hbm>>) target(%dma_start3A_1737 : memref<8x128xf32, #tpu.memory_space<vmem>>) target_semaphore(%arg9 : memref<!tpu.dma_semaphore, #tpu.memory_space<semaphore_mem>>)
        %dma_start3A_1740 = arith.constant 1 : i32
        %dma_start3A_1741 = arith.constant 2 : i32
        %dma_start3A_1742 = arith.constant 8 : i32
        %dma_start3A_1743 = arith.constant 0 : i32
        %dma_start3A_1744 = tpu.memref_slice %arg6[%dma_start3A_1740, %dma_start3A_1741, %dma_start3A_1742, %dma_start3A_1743] : memref<2x16x16x128xf32, #tpu.memory_space<vmem>> -> memref<1x1x8x128xf32, #tpu.memory_space<vmem>>
        %dma_start3A_1745 = tpu.memref_squeeze %dma_start3A_1744 : memref<1x1x8x128xf32, #tpu.memory_space<vmem>> -> memref<8x128xf32, #tpu.memory_space<vmem>>
        %dma_start3A_1746 = arith.constant 8 : i32
        %dma_start3A_1747 = tpu.memref_slice %arg3[%dma_start3A_1746, %multiple_of3A_1725] : memref<16x1000000xf32, #tpu.memory_space<hbm>> -> memref<8x128xf32, #tpu.memory_space<hbm>>
        %dma_start3A_1748 = arith.constant 8 : i32
        %dma_start3A_1749 = arith.constant 0 : i32
        %dma_start3A_1750 = tpu.memref_slice %arg6[%dma_start3A_1740, %dma_start3A_1741, %dma_start3A_1748, %dma_start3A_1749] : memref<2x16x16x128xf32, #tpu.memory_space<vmem>> -> memref<1x1x8x128xf32, #tpu.memory_space<vmem>>
        %dma_start3A_1751 = tpu.memref_squeeze %dma_start3A_1750 : memref<1x1x8x128xf32, #tpu.memory_space<vmem>> -> memref<8x128xf32, #tpu.memory_space<vmem>>
        %dma_start3A_1752 = arith.constant 8 : i32
        %dma_start3A_1753 = tpu.memref_slice %arg3[%dma_start3A_1752, %multiple_of3A_1725] : memref<16x1000000xf32, #tpu.memory_space<hbm>> -> memref<8x128xf32, #tpu.memory_space<hbm>>
        tpu.enqueue_dma source(%dma_start3A_1753 : memref<8x128xf32, #tpu.memory_space<hbm>>) target(%dma_start3A_1751 : memref<8x128xf32, #tpu.memory_space<vmem>>) target_semaphore(%arg9 : memref<!tpu.dma_semaphore, #tpu.memory_space<semaphore_mem>>)
        %eq3A_1754 = arith.constant 3 : i32
        %eq3A_1755 = vector.broadcast %eq3A_1754 : i32 to vector<16xi32>
        %eq3A_1756 = arith.cmpi eq, %iota3A, %eq3A_1755 : vector<16xi32>
        %jit3A_1757 = arith.constant 0 : i32
        %broadcast_in_dim3A_1758 = vector.broadcast %jit3A_1757 : i32 to vector<16xi32>
        %select_n3A_1759 = arith.select %eq3A_1756, %and3A_1624, %broadcast_in_dim3A_1758 : vector<16xi1>, vector<16xi32>
        %reduce_max3A_1760 = arith.constant true
        %reduce_max3A_1761 = vector.broadcast %reduce_max3A_1760 : i1 to vector<16xi1>
        %reduce_max3A_1762 = arith.constant -2147483648 : i32
        %reduce_max3A_1763 = vector.broadcast %reduce_max3A_1762 : i32 to vector<16xi32>
        %reduce_max3A_1764 = arith.xori %select_n3A_1759, %reduce_max3A_1763 : vector<16xi32>
        %reduce_max3A_1765 = tpu.scan <max>, %reduce_max3A_1764 masked %reduce_max3A_1761 : vector<16xi32>, vector<16xi1> -> vector<16xi32>
        %reduce_max3A_1766 = arith.xori %reduce_max3A_1765, %reduce_max3A_1763 : vector<16xi32>
        %reduce_max3A_1767 = vector.extract %reduce_max3A_1766[15] : i32 from vector<16xi32>
        %multiple_of3A_1768 = tpu.assume_multiple %reduce_max3A_1767, 128 : i32
        %dma_start3A_1769 = arith.constant 1 : i32
        %dma_start3A_1770 = arith.constant 3 : i32
        %dma_start3A_1771 = arith.constant 0 : i32
        %dma_start3A_1772 = arith.constant 0 : i32
        %dma_start3A_1773 = tpu.memref_slice %arg6[%dma_start3A_1769, %dma_start3A_1770, %dma_start3A_1771, %dma_start3A_1772] : memref<2x16x16x128xf32, #tpu.memory_space<vmem>> -> memref<1x1x8x128xf32, #tpu.memory_space<vmem>>
        %dma_start3A_1774 = tpu.memref_squeeze %dma_start3A_1773 : memref<1x1x8x128xf32, #tpu.memory_space<vmem>> -> memref<8x128xf32, #tpu.memory_space<vmem>>
        %dma_start3A_1775 = arith.constant 0 : i32
        %dma_start3A_1776 = tpu.memref_slice %arg3[%dma_start3A_1775, %multiple_of3A_1768] : memref<16x1000000xf32, #tpu.memory_space<hbm>> -> memref<8x128xf32, #tpu.memory_space<hbm>>
        %dma_start3A_1777 = arith.constant 0 : i32
        %dma_start3A_1778 = arith.constant 0 : i32
        %dma_start3A_1779 = tpu.memref_slice %arg6[%dma_start3A_1769, %dma_start3A_1770, %dma_start3A_1777, %dma_start3A_1778] : memref<2x16x16x128xf32, #tpu.memory_space<vmem>> -> memref<1x1x8x128xf32, #tpu.memory_space<vmem>>
        %dma_start3A_1780 = tpu.memref_squeeze %dma_start3A_1779 : memref<1x1x8x128xf32, #tpu.memory_space<vmem>> -> memref<8x128xf32, #tpu.memory_space<vmem>>
        %dma_start3A_1781 = arith.constant 0 : i32
        %dma_start3A_1782 = tpu.memref_slice %arg3[%dma_start3A_1781, %multiple_of3A_1768] : memref<16x1000000xf32, #tpu.memory_space<hbm>> -> memref<8x128xf32, #tpu.memory_space<hbm>>
        tpu.enqueue_dma source(%dma_start3A_1782 : memref<8x128xf32, #tpu.memory_space<hbm>>) target(%dma_start3A_1780 : memref<8x128xf32, #tpu.memory_space<vmem>>) target_semaphore(%arg9 : memref<!tpu.dma_semaphore, #tpu.memory_space<semaphore_mem>>)
        %dma_start3A_1783 = arith.constant 1 : i32
        %dma_start3A_1784 = arith.constant 3 : i32
        %dma_start3A_1785 = arith.constant 8 : i32
        %dma_start3A_1786 = arith.constant 0 : i32
        %dma_start3A_1787 = tpu.memref_slice %arg6[%dma_start3A_1783, %dma_start3A_1784, %dma_start3A_1785, %dma_start3A_1786] : memref<2x16x16x128xf32, #tpu.memory_space<vmem>> -> memref<1x1x8x128xf32, #tpu.memory_space<vmem>>
        %dma_start3A_1788 = tpu.memref_squeeze %dma_start3A_1787 : memref<1x1x8x128xf32, #tpu.memory_space<vmem>> -> memref<8x128xf32, #tpu.memory_space<vmem>>
        %dma_start3A_1789 = arith.constant 8 : i32
        %dma_start3A_1790 = tpu.memref_slice %arg3[%dma_start3A_1789, %multiple_of3A_1768] : memref<16x1000000xf32, #tpu.memory_space<hbm>> -> memref<8x128xf32, #tpu.memory_space<hbm>>
        %dma_start3A_1791 = arith.constant 8 : i32
        %dma_start3A_1792 = arith.constant 0 : i32
        %dma_start3A_1793 = tpu.memref_slice %arg6[%dma_start3A_1783, %dma_start3A_1784, %dma_start3A_1791, %dma_start3A_1792] : memref<2x16x16x128xf32, #tpu.memory_space<vmem>> -> memref<1x1x8x128xf32, #tpu.memory_space<vmem>>
        %dma_start3A_1794 = tpu.memref_squeeze %dma_start3A_1793 : memref<1x1x8x128xf32, #tpu.memory_space<vmem>> -> memref<8x128xf32, #tpu.memory_space<vmem>>
        %dma_start3A_1795 = arith.constant 8 : i32
        %dma_start3A_1796 = tpu.memref_slice %arg3[%dma_start3A_1795, %multiple_of3A_1768] : memref<16x1000000xf32, #tpu.memory_space<hbm>> -> memref<8x128xf32, #tpu.memory_space<hbm>>
        tpu.enqueue_dma source(%dma_start3A_1796 : memref<8x128xf32, #tpu.memory_space<hbm>>) target(%dma_start3A_1794 : memref<8x128xf32, #tpu.memory_space<vmem>>) target_semaphore(%arg9 : memref<!tpu.dma_semaphore, #tpu.memory_space<semaphore_mem>>)
        %eq3A_1797 = arith.constant 4 : i32
        %eq3A_1798 = vector.broadcast %eq3A_1797 : i32 to vector<16xi32>
        %eq3A_1799 = arith.cmpi eq, %iota3A, %eq3A_1798 : vector<16xi32>
        %jit3A_1800 = arith.constant 0 : i32
        %broadcast_in_dim3A_1801 = vector.broadcast %jit3A_1800 : i32 to vector<16xi32>
        %select_n3A_1802 = arith.select %eq3A_1799, %and3A_1624, %broadcast_in_dim3A_1801 : vector<16xi1>, vector<16xi32>
        %reduce_max3A_1803 = arith.constant true
        %reduce_max3A_1804 = vector.broadcast %reduce_max3A_1803 : i1 to vector<16xi1>
        %reduce_max3A_1805 = arith.constant -2147483648 : i32
        %reduce_max3A_1806 = vector.broadcast %reduce_max3A_1805 : i32 to vector<16xi32>
        %reduce_max3A_1807 = arith.xori %select_n3A_1802, %reduce_max3A_1806 : vector<16xi32>
        %reduce_max3A_1808 = tpu.scan <max>, %reduce_max3A_1807 masked %reduce_max3A_1804 : vector<16xi32>, vector<16xi1> -> vector<16xi32>
        %reduce_max3A_1809 = arith.xori %reduce_max3A_1808, %reduce_max3A_1806 : vector<16xi32>
        %reduce_max3A_1810 = vector.extract %reduce_max3A_1809[15] : i32 from vector<16xi32>
        %multiple_of3A_1811 = tpu.assume_multiple %reduce_max3A_1810, 128 : i32
        %dma_start3A_1812 = arith.constant 1 : i32
        %dma_start3A_1813 = arith.constant 4 : i32
        %dma_start3A_1814 = arith.constant 0 : i32
        %dma_start3A_1815 = arith.constant 0 : i32
        %dma_start3A_1816 = tpu.memref_slice %arg6[%dma_start3A_1812, %dma_start3A_1813, %dma_start3A_1814, %dma_start3A_1815] : memref<2x16x16x128xf32, #tpu.memory_space<vmem>> -> memref<1x1x8x128xf32, #tpu.memory_space<vmem>>
        %dma_start3A_1817 = tpu.memref_squeeze %dma_start3A_1816 : memref<1x1x8x128xf32, #tpu.memory_space<vmem>> -> memref<8x128xf32, #tpu.memory_space<vmem>>
        %dma_start3A_1818 = arith.constant 0 : i32
        %dma_start3A_1819 = tpu.memref_slice %arg3[%dma_start3A_1818, %multiple_of3A_1811] : memref<16x1000000xf32, #tpu.memory_space<hbm>> -> memref<8x128xf32, #tpu.memory_space<hbm>>
        %dma_start3A_1820 = arith.constant 0 : i32
        %dma_start3A_1821 = arith.constant 0 : i32
        %dma_start3A_1822 = tpu.memref_slice %arg6[%dma_start3A_1812, %dma_start3A_1813, %dma_start3A_1820, %dma_start3A_1821] : memref<2x16x16x128xf32, #tpu.memory_space<vmem>> -> memref<1x1x8x128xf32, #tpu.memory_space<vmem>>
        %dma_start3A_1823 = tpu.memref_squeeze %dma_start3A_1822 : memref<1x1x8x128xf32, #tpu.memory_space<vmem>> -> memref<8x128xf32, #tpu.memory_space<vmem>>
        %dma_start3A_1824 = arith.constant 0 : i32
        %dma_start3A_1825 = tpu.memref_slice %arg3[%dma_start3A_1824, %multiple_of3A_1811] : memref<16x1000000xf32, #tpu.memory_space<hbm>> -> memref<8x128xf32, #tpu.memory_space<hbm>>
        tpu.enqueue_dma source(%dma_start3A_1825 : memref<8x128xf32, #tpu.memory_space<hbm>>) target(%dma_start3A_1823 : memref<8x128xf32, #tpu.memory_space<vmem>>) target_semaphore(%arg9 : memref<!tpu.dma_semaphore, #tpu.memory_space<semaphore_mem>>)
        %dma_start3A_1826 = arith.constant 1 : i32
        %dma_start3A_1827 = arith.constant 4 : i32
        %dma_start3A_1828 = arith.constant 8 : i32
        %dma_start3A_1829 = arith.constant 0 : i32
        %dma_start3A_1830 = tpu.memref_slice %arg6[%dma_start3A_1826, %dma_start3A_1827, %dma_start3A_1828, %dma_start3A_1829] : memref<2x16x16x128xf32, #tpu.memory_space<vmem>> -> memref<1x1x8x128xf32, #tpu.memory_space<vmem>>
        %dma_start3A_1831 = tpu.memref_squeeze %dma_start3A_1830 : memref<1x1x8x128xf32, #tpu.memory_space<vmem>> -> memref<8x128xf32, #tpu.memory_space<vmem>>
        %dma_start3A_1832 = arith.constant 8 : i32
        %dma_start3A_1833 = tpu.memref_slice %arg3[%dma_start3A_1832, %multiple_of3A_1811] : memref<16x1000000xf32, #tpu.memory_space<hbm>> -> memref<8x128xf32, #tpu.memory_space<hbm>>
        %dma_start3A_1834 = arith.constant 8 : i32
        %dma_start3A_1835 = arith.constant 0 : i32
        %dma_start3A_1836 = tpu.memref_slice %arg6[%dma_start3A_1826, %dma_start3A_1827, %dma_start3A_1834, %dma_start3A_1835] : memref<2x16x16x128xf32, #tpu.memory_space<vmem>> -> memref<1x1x8x128xf32, #tpu.memory_space<vmem>>
        %dma_start3A_1837 = tpu.memref_squeeze %dma_start3A_1836 : memref<1x1x8x128xf32, #tpu.memory_space<vmem>> -> memref<8x128xf32, #tpu.memory_space<vmem>>
        %dma_start3A_1838 = arith.constant 8 : i32
        %dma_start3A_1839 = tpu.memref_slice %arg3[%dma_start3A_1838, %multiple_of3A_1811] : memref<16x1000000xf32, #tpu.memory_space<hbm>> -> memref<8x128xf32, #tpu.memory_space<hbm>>
        tpu.enqueue_dma source(%dma_start3A_1839 : memref<8x128xf32, #tpu.memory_space<hbm>>) target(%dma_start3A_1837 : memref<8x128xf32, #tpu.memory_space<vmem>>) target_semaphore(%arg9 : memref<!tpu.dma_semaphore, #tpu.memory_space<semaphore_mem>>)
        %eq3A_1840 = arith.constant 5 : i32
        %eq3A_1841 = vector.broadcast %eq3A_1840 : i32 to vector<16xi32>
        %eq3A_1842 = arith.cmpi eq, %iota3A, %eq3A_1841 : vector<16xi32>
        %jit3A_1843 = arith.constant 0 : i32
        %broadcast_in_dim3A_1844 = vector.broadcast %jit3A_1843 : i32 to vector<16xi32>
        %select_n3A_1845 = arith.select %eq3A_1842, %and3A_1624, %broadcast_in_dim3A_1844 : vector<16xi1>, vector<16xi32>
        %reduce_max3A_1846 = arith.constant true
        %reduce_max3A_1847 = vector.broadcast %reduce_max3A_1846 : i1 to vector<16xi1>
        %reduce_max3A_1848 = arith.constant -2147483648 : i32
        %reduce_max3A_1849 = vector.broadcast %reduce_max3A_1848 : i32 to vector<16xi32>
        %reduce_max3A_1850 = arith.xori %select_n3A_1845, %reduce_max3A_1849 : vector<16xi32>
        %reduce_max3A_1851 = tpu.scan <max>, %reduce_max3A_1850 masked %reduce_max3A_1847 : vector<16xi32>, vector<16xi1> -> vector<16xi32>
        %reduce_max3A_1852 = arith.xori %reduce_max3A_1851, %reduce_max3A_1849 : vector<16xi32>
        %reduce_max3A_1853 = vector.extract %reduce_max3A_1852[15] : i32 from vector<16xi32>
        %multiple_of3A_1854 = tpu.assume_multiple %reduce_max3A_1853, 128 : i32
        %dma_start3A_1855 = arith.constant 1 : i32
        %dma_start3A_1856 = arith.constant 5 : i32
        %dma_start3A_1857 = arith.constant 0 : i32
        %dma_start3A_1858 = arith.constant 0 : i32
        %dma_start3A_1859 = tpu.memref_slice %arg6[%dma_start3A_1855, %dma_start3A_1856, %dma_start3A_1857, %dma_start3A_1858] : memref<2x16x16x128xf32, #tpu.memory_space<vmem>> -> memref<1x1x8x128xf32, #tpu.memory_space<vmem>>
        %dma_start3A_1860 = tpu.memref_squeeze %dma_start3A_1859 : memref<1x1x8x128xf32, #tpu.memory_space<vmem>> -> memref<8x128xf32, #tpu.memory_space<vmem>>
        %dma_start3A_1861 = arith.constant 0 : i32
        %dma_start3A_1862 = tpu.memref_slice %arg3[%dma_start3A_1861, %multiple_of3A_1854] : memref<16x1000000xf32, #tpu.memory_space<hbm>> -> memref<8x128xf32, #tpu.memory_space<hbm>>
        %dma_start3A_1863 = arith.constant 0 : i32
        %dma_start3A_1864 = arith.constant 0 : i32
        %dma_start3A_1865 = tpu.memref_slice %arg6[%dma_start3A_1855, %dma_start3A_1856, %dma_start3A_1863, %dma_start3A_1864] : memref<2x16x16x128xf32, #tpu.memory_space<vmem>> -> memref<1x1x8x128xf32, #tpu.memory_space<vmem>>
        %dma_start3A_1866 = tpu.memref_squeeze %dma_start3A_1865 : memref<1x1x8x128xf32, #tpu.memory_space<vmem>> -> memref<8x128xf32, #tpu.memory_space<vmem>>
        %dma_start3A_1867 = arith.constant 0 : i32
        %dma_start3A_1868 = tpu.memref_slice %arg3[%dma_start3A_1867, %multiple_of3A_1854] : memref<16x1000000xf32, #tpu.memory_space<hbm>> -> memref<8x128xf32, #tpu.memory_space<hbm>>
        tpu.enqueue_dma source(%dma_start3A_1868 : memref<8x128xf32, #tpu.memory_space<hbm>>) target(%dma_start3A_1866 : memref<8x128xf32, #tpu.memory_space<vmem>>) target_semaphore(%arg9 : memref<!tpu.dma_semaphore, #tpu.memory_space<semaphore_mem>>)
        %dma_start3A_1869 = arith.constant 1 : i32
        %dma_start3A_1870 = arith.constant 5 : i32
        %dma_start3A_1871 = arith.constant 8 : i32
        %dma_start3A_1872 = arith.constant 0 : i32
        %dma_start3A_1873 = tpu.memref_slice %arg6[%dma_start3A_1869, %dma_start3A_1870, %dma_start3A_1871, %dma_start3A_1872] : memref<2x16x16x128xf32, #tpu.memory_space<vmem>> -> memref<1x1x8x128xf32, #tpu.memory_space<vmem>>
        %dma_start3A_1874 = tpu.memref_squeeze %dma_start3A_1873 : memref<1x1x8x128xf32, #tpu.memory_space<vmem>> -> memref<8x128xf32, #tpu.memory_space<vmem>>
        %dma_start3A_1875 = arith.constant 8 : i32
        %dma_start3A_1876 = tpu.memref_slice %arg3[%dma_start3A_1875, %multiple_of3A_1854] : memref<16x1000000xf32, #tpu.memory_space<hbm>> -> memref<8x128xf32, #tpu.memory_space<hbm>>
        %dma_start3A_1877 = arith.constant 8 : i32
        %dma_start3A_1878 = arith.constant 0 : i32
        %dma_start3A_1879 = tpu.memref_slice %arg6[%dma_start3A_1869, %dma_start3A_1870, %dma_start3A_1877, %dma_start3A_1878] : memref<2x16x16x128xf32, #tpu.memory_space<vmem>> -> memref<1x1x8x128xf32, #tpu.memory_space<vmem>>
        %dma_start3A_1880 = tpu.memref_squeeze %dma_start3A_1879 : memref<1x1x8x128xf32, #tpu.memory_space<vmem>> -> memref<8x128xf32, #tpu.memory_space<vmem>>
        %dma_start3A_1881 = arith.constant 8 : i32
        %dma_start3A_1882 = tpu.memref_slice %arg3[%dma_start3A_1881, %multiple_of3A_1854] : memref<16x1000000xf32, #tpu.memory_space<hbm>> -> memref<8x128xf32, #tpu.memory_space<hbm>>
        tpu.enqueue_dma source(%dma_start3A_1882 : memref<8x128xf32, #tpu.memory_space<hbm>>) target(%dma_start3A_1880 : memref<8x128xf32, #tpu.memory_space<vmem>>) target_semaphore(%arg9 : memref<!tpu.dma_semaphore, #tpu.memory_space<semaphore_mem>>)
        %eq3A_1883 = arith.constant 6 : i32
        %eq3A_1884 = vector.broadcast %eq3A_1883 : i32 to vector<16xi32>
        %eq3A_1885 = arith.cmpi eq, %iota3A, %eq3A_1884 : vector<16xi32>
        %jit3A_1886 = arith.constant 0 : i32
        %broadcast_in_dim3A_1887 = vector.broadcast %jit3A_1886 : i32 to vector<16xi32>
        %select_n3A_1888 = arith.select %eq3A_1885, %and3A_1624, %broadcast_in_dim3A_1887 : vector<16xi1>, vector<16xi32>
        %reduce_max3A_1889 = arith.constant true
        %reduce_max3A_1890 = vector.broadcast %reduce_max3A_1889 : i1 to vector<16xi1>
        %reduce_max3A_1891 = arith.constant -2147483648 : i32
        %reduce_max3A_1892 = vector.broadcast %reduce_max3A_1891 : i32 to vector<16xi32>
        %reduce_max3A_1893 = arith.xori %select_n3A_1888, %reduce_max3A_1892 : vector<16xi32>
        %reduce_max3A_1894 = tpu.scan <max>, %reduce_max3A_1893 masked %reduce_max3A_1890 : vector<16xi32>, vector<16xi1> -> vector<16xi32>
        %reduce_max3A_1895 = arith.xori %reduce_max3A_1894, %reduce_max3A_1892 : vector<16xi32>
        %reduce_max3A_1896 = vector.extract %reduce_max3A_1895[15] : i32 from vector<16xi32>
        %multiple_of3A_1897 = tpu.assume_multiple %reduce_max3A_1896, 128 : i32
        %dma_start3A_1898 = arith.constant 1 : i32
        %dma_start3A_1899 = arith.constant 6 : i32
        %dma_start3A_1900 = arith.constant 0 : i32
        %dma_start3A_1901 = arith.constant 0 : i32
        %dma_start3A_1902 = tpu.memref_slice %arg6[%dma_start3A_1898, %dma_start3A_1899, %dma_start3A_1900, %dma_start3A_1901] : memref<2x16x16x128xf32, #tpu.memory_space<vmem>> -> memref<1x1x8x128xf32, #tpu.memory_space<vmem>>
        %dma_start3A_1903 = tpu.memref_squeeze %dma_start3A_1902 : memref<1x1x8x128xf32, #tpu.memory_space<vmem>> -> memref<8x128xf32, #tpu.memory_space<vmem>>
        %dma_start3A_1904 = arith.constant 0 : i32
        %dma_start3A_1905 = tpu.memref_slice %arg3[%dma_start3A_1904, %multiple_of3A_1897] : memref<16x1000000xf32, #tpu.memory_space<hbm>> -> memref<8x128xf32, #tpu.memory_space<hbm>>
        %dma_start3A_1906 = arith.constant 0 : i32
        %dma_start3A_1907 = arith.constant 0 : i32
        %dma_start3A_1908 = tpu.memref_slice %arg6[%dma_start3A_1898, %dma_start3A_1899, %dma_start3A_1906, %dma_start3A_1907] : memref<2x16x16x128xf32, #tpu.memory_space<vmem>> -> memref<1x1x8x128xf32, #tpu.memory_space<vmem>>
        %dma_start3A_1909 = tpu.memref_squeeze %dma_start3A_1908 : memref<1x1x8x128xf32, #tpu.memory_space<vmem>> -> memref<8x128xf32, #tpu.memory_space<vmem>>
        %dma_start3A_1910 = arith.constant 0 : i32
        %dma_start3A_1911 = tpu.memref_slice %arg3[%dma_start3A_1910, %multiple_of3A_1897] : memref<16x1000000xf32, #tpu.memory_space<hbm>> -> memref<8x128xf32, #tpu.memory_space<hbm>>
        tpu.enqueue_dma source(%dma_start3A_1911 : memref<8x128xf32, #tpu.memory_space<hbm>>) target(%dma_start3A_1909 : memref<8x128xf32, #tpu.memory_space<vmem>>) target_semaphore(%arg9 : memref<!tpu.dma_semaphore, #tpu.memory_space<semaphore_mem>>)
        %dma_start3A_1912 = arith.constant 1 : i32
        %dma_start3A_1913 = arith.constant 6 : i32
        %dma_start3A_1914 = arith.constant 8 : i32
        %dma_start3A_1915 = arith.constant 0 : i32
        %dma_start3A_1916 = tpu.memref_slice %arg6[%dma_start3A_1912, %dma_start3A_1913, %dma_start3A_1914, %dma_start3A_1915] : memref<2x16x16x128xf32, #tpu.memory_space<vmem>> -> memref<1x1x8x128xf32, #tpu.memory_space<vmem>>
        %dma_start3A_1917 = tpu.memref_squeeze %dma_start3A_1916 : memref<1x1x8x128xf32, #tpu.memory_space<vmem>> -> memref<8x128xf32, #tpu.memory_space<vmem>>
        %dma_start3A_1918 = arith.constant 8 : i32
        %dma_start3A_1919 = tpu.memref_slice %arg3[%dma_start3A_1918, %multiple_of3A_1897] : memref<16x1000000xf32, #tpu.memory_space<hbm>> -> memref<8x128xf32, #tpu.memory_space<hbm>>
        %dma_start3A_1920 = arith.constant 8 : i32
        %dma_start3A_1921 = arith.constant 0 : i32
        %dma_start3A_1922 = tpu.memref_slice %arg6[%dma_start3A_1912, %dma_start3A_1913, %dma_start3A_1920, %dma_start3A_1921] : memref<2x16x16x128xf32, #tpu.memory_space<vmem>> -> memref<1x1x8x128xf32, #tpu.memory_space<vmem>>
        %dma_start3A_1923 = tpu.memref_squeeze %dma_start3A_1922 : memref<1x1x8x128xf32, #tpu.memory_space<vmem>> -> memref<8x128xf32, #tpu.memory_space<vmem>>
        %dma_start3A_1924 = arith.constant 8 : i32
        %dma_start3A_1925 = tpu.memref_slice %arg3[%dma_start3A_1924, %multiple_of3A_1897] : memref<16x1000000xf32, #tpu.memory_space<hbm>> -> memref<8x128xf32, #tpu.memory_space<hbm>>
        tpu.enqueue_dma source(%dma_start3A_1925 : memref<8x128xf32, #tpu.memory_space<hbm>>) target(%dma_start3A_1923 : memref<8x128xf32, #tpu.memory_space<vmem>>) target_semaphore(%arg9 : memref<!tpu.dma_semaphore, #tpu.memory_space<semaphore_mem>>)
        %eq3A_1926 = arith.constant 7 : i32
        %eq3A_1927 = vector.broadcast %eq3A_1926 : i32 to vector<16xi32>
        %eq3A_1928 = arith.cmpi eq, %iota3A, %eq3A_1927 : vector<16xi32>
        %jit3A_1929 = arith.constant 0 : i32
        %broadcast_in_dim3A_1930 = vector.broadcast %jit3A_1929 : i32 to vector<16xi32>
        %select_n3A_1931 = arith.select %eq3A_1928, %and3A_1624, %broadcast_in_dim3A_1930 : vector<16xi1>, vector<16xi32>
        %reduce_max3A_1932 = arith.constant true
        %reduce_max3A_1933 = vector.broadcast %reduce_max3A_1932 : i1 to vector<16xi1>
        %reduce_max3A_1934 = arith.constant -2147483648 : i32
        %reduce_max3A_1935 = vector.broadcast %reduce_max3A_1934 : i32 to vector<16xi32>
        %reduce_max3A_1936 = arith.xori %select_n3A_1931, %reduce_max3A_1935 : vector<16xi32>
        %reduce_max3A_1937 = tpu.scan <max>, %reduce_max3A_1936 masked %reduce_max3A_1933 : vector<16xi32>, vector<16xi1> -> vector<16xi32>
        %reduce_max3A_1938 = arith.xori %reduce_max3A_1937, %reduce_max3A_1935 : vector<16xi32>
        %reduce_max3A_1939 = vector.extract %reduce_max3A_1938[15] : i32 from vector<16xi32>
        %multiple_of3A_1940 = tpu.assume_multiple %reduce_max3A_1939, 128 : i32
        %dma_start3A_1941 = arith.constant 1 : i32
        %dma_start3A_1942 = arith.constant 7 : i32
        %dma_start3A_1943 = arith.constant 0 : i32
        %dma_start3A_1944 = arith.constant 0 : i32
        %dma_start3A_1945 = tpu.memref_slice %arg6[%dma_start3A_1941, %dma_start3A_1942, %dma_start3A_1943, %dma_start3A_1944] : memref<2x16x16x128xf32, #tpu.memory_space<vmem>> -> memref<1x1x8x128xf32, #tpu.memory_space<vmem>>
        %dma_start3A_1946 = tpu.memref_squeeze %dma_start3A_1945 : memref<1x1x8x128xf32, #tpu.memory_space<vmem>> -> memref<8x128xf32, #tpu.memory_space<vmem>>
        %dma_start3A_1947 = arith.constant 0 : i32
        %dma_start3A_1948 = tpu.memref_slice %arg3[%dma_start3A_1947, %multiple_of3A_1940] : memref<16x1000000xf32, #tpu.memory_space<hbm>> -> memref<8x128xf32, #tpu.memory_space<hbm>>
        %dma_start3A_1949 = arith.constant 0 : i32
        %dma_start3A_1950 = arith.constant 0 : i32
        %dma_start3A_1951 = tpu.memref_slice %arg6[%dma_start3A_1941, %dma_start3A_1942, %dma_start3A_1949, %dma_start3A_1950] : memref<2x16x16x128xf32, #tpu.memory_space<vmem>> -> memref<1x1x8x128xf32, #tpu.memory_space<vmem>>
        %dma_start3A_1952 = tpu.memref_squeeze %dma_start3A_1951 : memref<1x1x8x128xf32, #tpu.memory_space<vmem>> -> memref<8x128xf32, #tpu.memory_space<vmem>>
        %dma_start3A_1953 = arith.constant 0 : i32
        %dma_start3A_1954 = tpu.memref_slice %arg3[%dma_start3A_1953, %multiple_of3A_1940] : memref<16x1000000xf32, #tpu.memory_space<hbm>> -> memref<8x128xf32, #tpu.memory_space<hbm>>
        tpu.enqueue_dma source(%dma_start3A_1954 : memref<8x128xf32, #tpu.memory_space<hbm>>) target(%dma_start3A_1952 : memref<8x128xf32, #tpu.memory_space<vmem>>) target_semaphore(%arg9 : memref<!tpu.dma_semaphore, #tpu.memory_space<semaphore_mem>>)
        %dma_start3A_1955 = arith.constant 1 : i32
        %dma_start3A_1956 = arith.constant 7 : i32
        %dma_start3A_1957 = arith.constant 8 : i32
        %dma_start3A_1958 = arith.constant 0 : i32
        %dma_start3A_1959 = tpu.memref_slice %arg6[%dma_start3A_1955, %dma_start3A_1956, %dma_start3A_1957, %dma_start3A_1958] : memref<2x16x16x128xf32, #tpu.memory_space<vmem>> -> memref<1x1x8x128xf32, #tpu.memory_space<vmem>>
        %dma_start3A_1960 = tpu.memref_squeeze %dma_start3A_1959 : memref<1x1x8x128xf32, #tpu.memory_space<vmem>> -> memref<8x128xf32, #tpu.memory_space<vmem>>
        %dma_start3A_1961 = arith.constant 8 : i32
        %dma_start3A_1962 = tpu.memref_slice %arg3[%dma_start3A_1961, %multiple_of3A_1940] : memref<16x1000000xf32, #tpu.memory_space<hbm>> -> memref<8x128xf32, #tpu.memory_space<hbm>>
        %dma_start3A_1963 = arith.constant 8 : i32
        %dma_start3A_1964 = arith.constant 0 : i32
        %dma_start3A_1965 = tpu.memref_slice %arg6[%dma_start3A_1955, %dma_start3A_1956, %dma_start3A_1963, %dma_start3A_1964] : memref<2x16x16x128xf32, #tpu.memory_space<vmem>> -> memref<1x1x8x128xf32, #tpu.memory_space<vmem>>
        %dma_start3A_1966 = tpu.memref_squeeze %dma_start3A_1965 : memref<1x1x8x128xf32, #tpu.memory_space<vmem>> -> memref<8x128xf32, #tpu.memory_space<vmem>>
        %dma_start3A_1967 = arith.constant 8 : i32
        %dma_start3A_1968 = tpu.memref_slice %arg3[%dma_start3A_1967, %multiple_of3A_1940] : memref<16x1000000xf32, #tpu.memory_space<hbm>> -> memref<8x128xf32, #tpu.memory_space<hbm>>
        tpu.enqueue_dma source(%dma_start3A_1968 : memref<8x128xf32, #tpu.memory_space<hbm>>) target(%dma_start3A_1966 : memref<8x128xf32, #tpu.memory_space<vmem>>) target_semaphore(%arg9 : memref<!tpu.dma_semaphore, #tpu.memory_space<semaphore_mem>>)
        %eq3A_1969 = arith.constant 8 : i32
        %eq3A_1970 = vector.broadcast %eq3A_1969 : i32 to vector<16xi32>
        %eq3A_1971 = arith.cmpi eq, %iota3A, %eq3A_1970 : vector<16xi32>
        %jit3A_1972 = arith.constant 0 : i32
        %broadcast_in_dim3A_1973 = vector.broadcast %jit3A_1972 : i32 to vector<16xi32>
        %select_n3A_1974 = arith.select %eq3A_1971, %and3A_1624, %broadcast_in_dim3A_1973 : vector<16xi1>, vector<16xi32>
        %reduce_max3A_1975 = arith.constant true
        %reduce_max3A_1976 = vector.broadcast %reduce_max3A_1975 : i1 to vector<16xi1>
        %reduce_max3A_1977 = arith.constant -2147483648 : i32
        %reduce_max3A_1978 = vector.broadcast %reduce_max3A_1977 : i32 to vector<16xi32>
        %reduce_max3A_1979 = arith.xori %select_n3A_1974, %reduce_max3A_1978 : vector<16xi32>
        %reduce_max3A_1980 = tpu.scan <max>, %reduce_max3A_1979 masked %reduce_max3A_1976 : vector<16xi32>, vector<16xi1> -> vector<16xi32>
        %reduce_max3A_1981 = arith.xori %reduce_max3A_1980, %reduce_max3A_1978 : vector<16xi32>
        %reduce_max3A_1982 = vector.extract %reduce_max3A_1981[15] : i32 from vector<16xi32>
        %multiple_of3A_1983 = tpu.assume_multiple %reduce_max3A_1982, 128 : i32
        %dma_start3A_1984 = arith.constant 1 : i32
        %dma_start3A_1985 = arith.constant 8 : i32
        %dma_start3A_1986 = arith.constant 0 : i32
        %dma_start3A_1987 = arith.constant 0 : i32
        %dma_start3A_1988 = tpu.memref_slice %arg6[%dma_start3A_1984, %dma_start3A_1985, %dma_start3A_1986, %dma_start3A_1987] : memref<2x16x16x128xf32, #tpu.memory_space<vmem>> -> memref<1x1x8x128xf32, #tpu.memory_space<vmem>>
        %dma_start3A_1989 = tpu.memref_squeeze %dma_start3A_1988 : memref<1x1x8x128xf32, #tpu.memory_space<vmem>> -> memref<8x128xf32, #tpu.memory_space<vmem>>
        %dma_start3A_1990 = arith.constant 0 : i32
        %dma_start3A_1991 = tpu.memref_slice %arg3[%dma_start3A_1990, %multiple_of3A_1983] : memref<16x1000000xf32, #tpu.memory_space<hbm>> -> memref<8x128xf32, #tpu.memory_space<hbm>>
        %dma_start3A_1992 = arith.constant 0 : i32
        %dma_start3A_1993 = arith.constant 0 : i32
        %dma_start3A_1994 = tpu.memref_slice %arg6[%dma_start3A_1984, %dma_start3A_1985, %dma_start3A_1992, %dma_start3A_1993] : memref<2x16x16x128xf32, #tpu.memory_space<vmem>> -> memref<1x1x8x128xf32, #tpu.memory_space<vmem>>
        %dma_start3A_1995 = tpu.memref_squeeze %dma_start3A_1994 : memref<1x1x8x128xf32, #tpu.memory_space<vmem>> -> memref<8x128xf32, #tpu.memory_space<vmem>>
        %dma_start3A_1996 = arith.constant 0 : i32
        %dma_start3A_1997 = tpu.memref_slice %arg3[%dma_start3A_1996, %multiple_of3A_1983] : memref<16x1000000xf32, #tpu.memory_space<hbm>> -> memref<8x128xf32, #tpu.memory_space<hbm>>
        tpu.enqueue_dma source(%dma_start3A_1997 : memref<8x128xf32, #tpu.memory_space<hbm>>) target(%dma_start3A_1995 : memref<8x128xf32, #tpu.memory_space<vmem>>) target_semaphore(%arg9 : memref<!tpu.dma_semaphore, #tpu.memory_space<semaphore_mem>>)
        %dma_start3A_1998 = arith.constant 1 : i32
        %dma_start3A_1999 = arith.constant 8 : i32
        %dma_start3A_2000 = arith.constant 8 : i32
        %dma_start3A_2001 = arith.constant 0 : i32
        %dma_start3A_2002 = tpu.memref_slice %arg6[%dma_start3A_1998, %dma_start3A_1999, %dma_start3A_2000, %dma_start3A_2001] : memref<2x16x16x128xf32, #tpu.memory_space<vmem>> -> memref<1x1x8x128xf32, #tpu.memory_space<vmem>>
        %dma_start3A_2003 = tpu.memref_squeeze %dma_start3A_2002 : memref<1x1x8x128xf32, #tpu.memory_space<vmem>> -> memref<8x128xf32, #tpu.memory_space<vmem>>
        %dma_start3A_2004 = arith.constant 8 : i32
        %dma_start3A_2005 = tpu.memref_slice %arg3[%dma_start3A_2004, %multiple_of3A_1983] : memref<16x1000000xf32, #tpu.memory_space<hbm>> -> memref<8x128xf32, #tpu.memory_space<hbm>>
        %dma_start3A_2006 = arith.constant 8 : i32
        %dma_start3A_2007 = arith.constant 0 : i32
        %dma_start3A_2008 = tpu.memref_slice %arg6[%dma_start3A_1998, %dma_start3A_1999, %dma_start3A_2006, %dma_start3A_2007] : memref<2x16x16x128xf32, #tpu.memory_space<vmem>> -> memref<1x1x8x128xf32, #tpu.memory_space<vmem>>
        %dma_start3A_2009 = tpu.memref_squeeze %dma_start3A_2008 : memref<1x1x8x128xf32, #tpu.memory_space<vmem>> -> memref<8x128xf32, #tpu.memory_space<vmem>>
        %dma_start3A_2010 = arith.constant 8 : i32
        %dma_start3A_2011 = tpu.memref_slice %arg3[%dma_start3A_2010, %multiple_of3A_1983] : memref<16x1000000xf32, #tpu.memory_space<hbm>> -> memref<8x128xf32, #tpu.memory_space<hbm>>
        tpu.enqueue_dma source(%dma_start3A_2011 : memref<8x128xf32, #tpu.memory_space<hbm>>) target(%dma_start3A_2009 : memref<8x128xf32, #tpu.memory_space<vmem>>) target_semaphore(%arg9 : memref<!tpu.dma_semaphore, #tpu.memory_space<semaphore_mem>>)
        %eq3A_2012 = arith.constant 9 : i32
        %eq3A_2013 = vector.broadcast %eq3A_2012 : i32 to vector<16xi32>
        %eq3A_2014 = arith.cmpi eq, %iota3A, %eq3A_2013 : vector<16xi32>
        %jit3A_2015 = arith.constant 0 : i32
        %broadcast_in_dim3A_2016 = vector.broadcast %jit3A_2015 : i32 to vector<16xi32>
        %select_n3A_2017 = arith.select %eq3A_2014, %and3A_1624, %broadcast_in_dim3A_2016 : vector<16xi1>, vector<16xi32>
        %reduce_max3A_2018 = arith.constant true
        %reduce_max3A_2019 = vector.broadcast %reduce_max3A_2018 : i1 to vector<16xi1>
        %reduce_max3A_2020 = arith.constant -2147483648 : i32
        %reduce_max3A_2021 = vector.broadcast %reduce_max3A_2020 : i32 to vector<16xi32>
        %reduce_max3A_2022 = arith.xori %select_n3A_2017, %reduce_max3A_2021 : vector<16xi32>
        %reduce_max3A_2023 = tpu.scan <max>, %reduce_max3A_2022 masked %reduce_max3A_2019 : vector<16xi32>, vector<16xi1> -> vector<16xi32>
        %reduce_max3A_2024 = arith.xori %reduce_max3A_2023, %reduce_max3A_2021 : vector<16xi32>
        %reduce_max3A_2025 = vector.extract %reduce_max3A_2024[15] : i32 from vector<16xi32>
        %multiple_of3A_2026 = tpu.assume_multiple %reduce_max3A_2025, 128 : i32
        %dma_start3A_2027 = arith.constant 1 : i32
        %dma_start3A_2028 = arith.constant 9 : i32
        %dma_start3A_2029 = arith.constant 0 : i32
        %dma_start3A_2030 = arith.constant 0 : i32
        %dma_start3A_2031 = tpu.memref_slice %arg6[%dma_start3A_2027, %dma_start3A_2028, %dma_start3A_2029, %dma_start3A_2030] : memref<2x16x16x128xf32, #tpu.memory_space<vmem>> -> memref<1x1x8x128xf32, #tpu.memory_space<vmem>>
        %dma_start3A_2032 = tpu.memref_squeeze %dma_start3A_2031 : memref<1x1x8x128xf32, #tpu.memory_space<vmem>> -> memref<8x128xf32, #tpu.memory_space<vmem>>
        %dma_start3A_2033 = arith.constant 0 : i32
        %dma_start3A_2034 = tpu.memref_slice %arg3[%dma_start3A_2033, %multiple_of3A_2026] : memref<16x1000000xf32, #tpu.memory_space<hbm>> -> memref<8x128xf32, #tpu.memory_space<hbm>>
        %dma_start3A_2035 = arith.constant 0 : i32
        %dma_start3A_2036 = arith.constant 0 : i32
        %dma_start3A_2037 = tpu.memref_slice %arg6[%dma_start3A_2027, %dma_start3A_2028, %dma_start3A_2035, %dma_start3A_2036] : memref<2x16x16x128xf32, #tpu.memory_space<vmem>> -> memref<1x1x8x128xf32, #tpu.memory_space<vmem>>
        %dma_start3A_2038 = tpu.memref_squeeze %dma_start3A_2037 : memref<1x1x8x128xf32, #tpu.memory_space<vmem>> -> memref<8x128xf32, #tpu.memory_space<vmem>>
        %dma_start3A_2039 = arith.constant 0 : i32
        %dma_start3A_2040 = tpu.memref_slice %arg3[%dma_start3A_2039, %multiple_of3A_2026] : memref<16x1000000xf32, #tpu.memory_space<hbm>> -> memref<8x128xf32, #tpu.memory_space<hbm>>
        tpu.enqueue_dma source(%dma_start3A_2040 : memref<8x128xf32, #tpu.memory_space<hbm>>) target(%dma_start3A_2038 : memref<8x128xf32, #tpu.memory_space<vmem>>) target_semaphore(%arg9 : memref<!tpu.dma_semaphore, #tpu.memory_space<semaphore_mem>>)
        %dma_start3A_2041 = arith.constant 1 : i32
        %dma_start3A_2042 = arith.constant 9 : i32
        %dma_start3A_2043 = arith.constant 8 : i32
        %dma_start3A_2044 = arith.constant 0 : i32
        %dma_start3A_2045 = tpu.memref_slice %arg6[%dma_start3A_2041, %dma_start3A_2042, %dma_start3A_2043, %dma_start3A_2044] : memref<2x16x16x128xf32, #tpu.memory_space<vmem>> -> memref<1x1x8x128xf32, #tpu.memory_space<vmem>>
        %dma_start3A_2046 = tpu.memref_squeeze %dma_start3A_2045 : memref<1x1x8x128xf32, #tpu.memory_space<vmem>> -> memref<8x128xf32, #tpu.memory_space<vmem>>
        %dma_start3A_2047 = arith.constant 8 : i32
        %dma_start3A_2048 = tpu.memref_slice %arg3[%dma_start3A_2047, %multiple_of3A_2026] : memref<16x1000000xf32, #tpu.memory_space<hbm>> -> memref<8x128xf32, #tpu.memory_space<hbm>>
        %dma_start3A_2049 = arith.constant 8 : i32
        %dma_start3A_2050 = arith.constant 0 : i32
        %dma_start3A_2051 = tpu.memref_slice %arg6[%dma_start3A_2041, %dma_start3A_2042, %dma_start3A_2049, %dma_start3A_2050] : memref<2x16x16x128xf32, #tpu.memory_space<vmem>> -> memref<1x1x8x128xf32, #tpu.memory_space<vmem>>
        %dma_start3A_2052 = tpu.memref_squeeze %dma_start3A_2051 : memref<1x1x8x128xf32, #tpu.memory_space<vmem>> -> memref<8x128xf32, #tpu.memory_space<vmem>>
        %dma_start3A_2053 = arith.constant 8 : i32
        %dma_start3A_2054 = tpu.memref_slice %arg3[%dma_start3A_2053, %multiple_of3A_2026] : memref<16x1000000xf32, #tpu.memory_space<hbm>> -> memref<8x128xf32, #tpu.memory_space<hbm>>
        tpu.enqueue_dma source(%dma_start3A_2054 : memref<8x128xf32, #tpu.memory_space<hbm>>) target(%dma_start3A_2052 : memref<8x128xf32, #tpu.memory_space<vmem>>) target_semaphore(%arg9 : memref<!tpu.dma_semaphore, #tpu.memory_space<semaphore_mem>>)
        %eq3A_2055 = arith.constant 10 : i32
        %eq3A_2056 = vector.broadcast %eq3A_2055 : i32 to vector<16xi32>
        %eq3A_2057 = arith.cmpi eq, %iota3A, %eq3A_2056 : vector<16xi32>
        %jit3A_2058 = arith.constant 0 : i32
        %broadcast_in_dim3A_2059 = vector.broadcast %jit3A_2058 : i32 to vector<16xi32>
        %select_n3A_2060 = arith.select %eq3A_2057, %and3A_1624, %broadcast_in_dim3A_2059 : vector<16xi1>, vector<16xi32>
        %reduce_max3A_2061 = arith.constant true
        %reduce_max3A_2062 = vector.broadcast %reduce_max3A_2061 : i1 to vector<16xi1>
        %reduce_max3A_2063 = arith.constant -2147483648 : i32
        %reduce_max3A_2064 = vector.broadcast %reduce_max3A_2063 : i32 to vector<16xi32>
        %reduce_max3A_2065 = arith.xori %select_n3A_2060, %reduce_max3A_2064 : vector<16xi32>
        %reduce_max3A_2066 = tpu.scan <max>, %reduce_max3A_2065 masked %reduce_max3A_2062 : vector<16xi32>, vector<16xi1> -> vector<16xi32>
        %reduce_max3A_2067 = arith.xori %reduce_max3A_2066, %reduce_max3A_2064 : vector<16xi32>
        %reduce_max3A_2068 = vector.extract %reduce_max3A_2067[15] : i32 from vector<16xi32>
        %multiple_of3A_2069 = tpu.assume_multiple %reduce_max3A_2068, 128 : i32
        %dma_start3A_2070 = arith.constant 1 : i32
        %dma_start3A_2071 = arith.constant 10 : i32
        %dma_start3A_2072 = arith.constant 0 : i32
        %dma_start3A_2073 = arith.constant 0 : i32
        %dma_start3A_2074 = tpu.memref_slice %arg6[%dma_start3A_2070, %dma_start3A_2071, %dma_start3A_2072, %dma_start3A_2073] : memref<2x16x16x128xf32, #tpu.memory_space<vmem>> -> memref<1x1x8x128xf32, #tpu.memory_space<vmem>>
        %dma_start3A_2075 = tpu.memref_squeeze %dma_start3A_2074 : memref<1x1x8x128xf32, #tpu.memory_space<vmem>> -> memref<8x128xf32, #tpu.memory_space<vmem>>
        %dma_start3A_2076 = arith.constant 0 : i32
        %dma_start3A_2077 = tpu.memref_slice %arg3[%dma_start3A_2076, %multiple_of3A_2069] : memref<16x1000000xf32, #tpu.memory_space<hbm>> -> memref<8x128xf32, #tpu.memory_space<hbm>>
        %dma_start3A_2078 = arith.constant 0 : i32
        %dma_start3A_2079 = arith.constant 0 : i32
        %dma_start3A_2080 = tpu.memref_slice %arg6[%dma_start3A_2070, %dma_start3A_2071, %dma_start3A_2078, %dma_start3A_2079] : memref<2x16x16x128xf32, #tpu.memory_space<vmem>> -> memref<1x1x8x128xf32, #tpu.memory_space<vmem>>
        %dma_start3A_2081 = tpu.memref_squeeze %dma_start3A_2080 : memref<1x1x8x128xf32, #tpu.memory_space<vmem>> -> memref<8x128xf32, #tpu.memory_space<vmem>>
        %dma_start3A_2082 = arith.constant 0 : i32
        %dma_start3A_2083 = tpu.memref_slice %arg3[%dma_start3A_2082, %multiple_of3A_2069] : memref<16x1000000xf32, #tpu.memory_space<hbm>> -> memref<8x128xf32, #tpu.memory_space<hbm>>
        tpu.enqueue_dma source(%dma_start3A_2083 : memref<8x128xf32, #tpu.memory_space<hbm>>) target(%dma_start3A_2081 : memref<8x128xf32, #tpu.memory_space<vmem>>) target_semaphore(%arg9 : memref<!tpu.dma_semaphore, #tpu.memory_space<semaphore_mem>>)
        %dma_start3A_2084 = arith.constant 1 : i32
        %dma_start3A_2085 = arith.constant 10 : i32
        %dma_start3A_2086 = arith.constant 8 : i32
        %dma_start3A_2087 = arith.constant 0 : i32
        %dma_start3A_2088 = tpu.memref_slice %arg6[%dma_start3A_2084, %dma_start3A_2085, %dma_start3A_2086, %dma_start3A_2087] : memref<2x16x16x128xf32, #tpu.memory_space<vmem>> -> memref<1x1x8x128xf32, #tpu.memory_space<vmem>>
        %dma_start3A_2089 = tpu.memref_squeeze %dma_start3A_2088 : memref<1x1x8x128xf32, #tpu.memory_space<vmem>> -> memref<8x128xf32, #tpu.memory_space<vmem>>
        %dma_start3A_2090 = arith.constant 8 : i32
        %dma_start3A_2091 = tpu.memref_slice %arg3[%dma_start3A_2090, %multiple_of3A_2069] : memref<16x1000000xf32, #tpu.memory_space<hbm>> -> memref<8x128xf32, #tpu.memory_space<hbm>>
        %dma_start3A_2092 = arith.constant 8 : i32
        %dma_start3A_2093 = arith.constant 0 : i32
        %dma_start3A_2094 = tpu.memref_slice %arg6[%dma_start3A_2084, %dma_start3A_2085, %dma_start3A_2092, %dma_start3A_2093] : memref<2x16x16x128xf32, #tpu.memory_space<vmem>> -> memref<1x1x8x128xf32, #tpu.memory_space<vmem>>
        %dma_start3A_2095 = tpu.memref_squeeze %dma_start3A_2094 : memref<1x1x8x128xf32, #tpu.memory_space<vmem>> -> memref<8x128xf32, #tpu.memory_space<vmem>>
        %dma_start3A_2096 = arith.constant 8 : i32
        %dma_start3A_2097 = tpu.memref_slice %arg3[%dma_start3A_2096, %multiple_of3A_2069] : memref<16x1000000xf32, #tpu.memory_space<hbm>> -> memref<8x128xf32, #tpu.memory_space<hbm>>
        tpu.enqueue_dma source(%dma_start3A_2097 : memref<8x128xf32, #tpu.memory_space<hbm>>) target(%dma_start3A_2095 : memref<8x128xf32, #tpu.memory_space<vmem>>) target_semaphore(%arg9 : memref<!tpu.dma_semaphore, #tpu.memory_space<semaphore_mem>>)
        %eq3A_2098 = arith.constant 11 : i32
        %eq3A_2099 = vector.broadcast %eq3A_2098 : i32 to vector<16xi32>
        %eq3A_2100 = arith.cmpi eq, %iota3A, %eq3A_2099 : vector<16xi32>
        %jit3A_2101 = arith.constant 0 : i32
        %broadcast_in_dim3A_2102 = vector.broadcast %jit3A_2101 : i32 to vector<16xi32>
        %select_n3A_2103 = arith.select %eq3A_2100, %and3A_1624, %broadcast_in_dim3A_2102 : vector<16xi1>, vector<16xi32>
        %reduce_max3A_2104 = arith.constant true
        %reduce_max3A_2105 = vector.broadcast %reduce_max3A_2104 : i1 to vector<16xi1>
        %reduce_max3A_2106 = arith.constant -2147483648 : i32
        %reduce_max3A_2107 = vector.broadcast %reduce_max3A_2106 : i32 to vector<16xi32>
        %reduce_max3A_2108 = arith.xori %select_n3A_2103, %reduce_max3A_2107 : vector<16xi32>
        %reduce_max3A_2109 = tpu.scan <max>, %reduce_max3A_2108 masked %reduce_max3A_2105 : vector<16xi32>, vector<16xi1> -> vector<16xi32>
        %reduce_max3A_2110 = arith.xori %reduce_max3A_2109, %reduce_max3A_2107 : vector<16xi32>
        %reduce_max3A_2111 = vector.extract %reduce_max3A_2110[15] : i32 from vector<16xi32>
        %multiple_of3A_2112 = tpu.assume_multiple %reduce_max3A_2111, 128 : i32
        %dma_start3A_2113 = arith.constant 1 : i32
        %dma_start3A_2114 = arith.constant 11 : i32
        %dma_start3A_2115 = arith.constant 0 : i32
        %dma_start3A_2116 = arith.constant 0 : i32
        %dma_start3A_2117 = tpu.memref_slice %arg6[%dma_start3A_2113, %dma_start3A_2114, %dma_start3A_2115, %dma_start3A_2116] : memref<2x16x16x128xf32, #tpu.memory_space<vmem>> -> memref<1x1x8x128xf32, #tpu.memory_space<vmem>>
        %dma_start3A_2118 = tpu.memref_squeeze %dma_start3A_2117 : memref<1x1x8x128xf32, #tpu.memory_space<vmem>> -> memref<8x128xf32, #tpu.memory_space<vmem>>
        %dma_start3A_2119 = arith.constant 0 : i32
        %dma_start3A_2120 = tpu.memref_slice %arg3[%dma_start3A_2119, %multiple_of3A_2112] : memref<16x1000000xf32, #tpu.memory_space<hbm>> -> memref<8x128xf32, #tpu.memory_space<hbm>>
        %dma_start3A_2121 = arith.constant 0 : i32
        %dma_start3A_2122 = arith.constant 0 : i32
        %dma_start3A_2123 = tpu.memref_slice %arg6[%dma_start3A_2113, %dma_start3A_2114, %dma_start3A_2121, %dma_start3A_2122] : memref<2x16x16x128xf32, #tpu.memory_space<vmem>> -> memref<1x1x8x128xf32, #tpu.memory_space<vmem>>
        %dma_start3A_2124 = tpu.memref_squeeze %dma_start3A_2123 : memref<1x1x8x128xf32, #tpu.memory_space<vmem>> -> memref<8x128xf32, #tpu.memory_space<vmem>>
        %dma_start3A_2125 = arith.constant 0 : i32
        %dma_start3A_2126 = tpu.memref_slice %arg3[%dma_start3A_2125, %multiple_of3A_2112] : memref<16x1000000xf32, #tpu.memory_space<hbm>> -> memref<8x128xf32, #tpu.memory_space<hbm>>
        tpu.enqueue_dma source(%dma_start3A_2126 : memref<8x128xf32, #tpu.memory_space<hbm>>) target(%dma_start3A_2124 : memref<8x128xf32, #tpu.memory_space<vmem>>) target_semaphore(%arg9 : memref<!tpu.dma_semaphore, #tpu.memory_space<semaphore_mem>>)
        %dma_start3A_2127 = arith.constant 1 : i32
        %dma_start3A_2128 = arith.constant 11 : i32
        %dma_start3A_2129 = arith.constant 8 : i32
        %dma_start3A_2130 = arith.constant 0 : i32
        %dma_start3A_2131 = tpu.memref_slice %arg6[%dma_start3A_2127, %dma_start3A_2128, %dma_start3A_2129, %dma_start3A_2130] : memref<2x16x16x128xf32, #tpu.memory_space<vmem>> -> memref<1x1x8x128xf32, #tpu.memory_space<vmem>>
        %dma_start3A_2132 = tpu.memref_squeeze %dma_start3A_2131 : memref<1x1x8x128xf32, #tpu.memory_space<vmem>> -> memref<8x128xf32, #tpu.memory_space<vmem>>
        %dma_start3A_2133 = arith.constant 8 : i32
        %dma_start3A_2134 = tpu.memref_slice %arg3[%dma_start3A_2133, %multiple_of3A_2112] : memref<16x1000000xf32, #tpu.memory_space<hbm>> -> memref<8x128xf32, #tpu.memory_space<hbm>>
        %dma_start3A_2135 = arith.constant 8 : i32
        %dma_start3A_2136 = arith.constant 0 : i32
        %dma_start3A_2137 = tpu.memref_slice %arg6[%dma_start3A_2127, %dma_start3A_2128, %dma_start3A_2135, %dma_start3A_2136] : memref<2x16x16x128xf32, #tpu.memory_space<vmem>> -> memref<1x1x8x128xf32, #tpu.memory_space<vmem>>
        %dma_start3A_2138 = tpu.memref_squeeze %dma_start3A_2137 : memref<1x1x8x128xf32, #tpu.memory_space<vmem>> -> memref<8x128xf32, #tpu.memory_space<vmem>>
        %dma_start3A_2139 = arith.constant 8 : i32
        %dma_start3A_2140 = tpu.memref_slice %arg3[%dma_start3A_2139, %multiple_of3A_2112] : memref<16x1000000xf32, #tpu.memory_space<hbm>> -> memref<8x128xf32, #tpu.memory_space<hbm>>
        tpu.enqueue_dma source(%dma_start3A_2140 : memref<8x128xf32, #tpu.memory_space<hbm>>) target(%dma_start3A_2138 : memref<8x128xf32, #tpu.memory_space<vmem>>) target_semaphore(%arg9 : memref<!tpu.dma_semaphore, #tpu.memory_space<semaphore_mem>>)
        %eq3A_2141 = arith.constant 12 : i32
        %eq3A_2142 = vector.broadcast %eq3A_2141 : i32 to vector<16xi32>
        %eq3A_2143 = arith.cmpi eq, %iota3A, %eq3A_2142 : vector<16xi32>
        %jit3A_2144 = arith.constant 0 : i32
        %broadcast_in_dim3A_2145 = vector.broadcast %jit3A_2144 : i32 to vector<16xi32>
        %select_n3A_2146 = arith.select %eq3A_2143, %and3A_1624, %broadcast_in_dim3A_2145 : vector<16xi1>, vector<16xi32>
        %reduce_max3A_2147 = arith.constant true
        %reduce_max3A_2148 = vector.broadcast %reduce_max3A_2147 : i1 to vector<16xi1>
        %reduce_max3A_2149 = arith.constant -2147483648 : i32
        %reduce_max3A_2150 = vector.broadcast %reduce_max3A_2149 : i32 to vector<16xi32>
        %reduce_max3A_2151 = arith.xori %select_n3A_2146, %reduce_max3A_2150 : vector<16xi32>
        %reduce_max3A_2152 = tpu.scan <max>, %reduce_max3A_2151 masked %reduce_max3A_2148 : vector<16xi32>, vector<16xi1> -> vector<16xi32>
        %reduce_max3A_2153 = arith.xori %reduce_max3A_2152, %reduce_max3A_2150 : vector<16xi32>
        %reduce_max3A_2154 = vector.extract %reduce_max3A_2153[15] : i32 from vector<16xi32>
        %multiple_of3A_2155 = tpu.assume_multiple %reduce_max3A_2154, 128 : i32
        %dma_start3A_2156 = arith.constant 1 : i32
        %dma_start3A_2157 = arith.constant 12 : i32
        %dma_start3A_2158 = arith.constant 0 : i32
        %dma_start3A_2159 = arith.constant 0 : i32
        %dma_start3A_2160 = tpu.memref_slice %arg6[%dma_start3A_2156, %dma_start3A_2157, %dma_start3A_2158, %dma_start3A_2159] : memref<2x16x16x128xf32, #tpu.memory_space<vmem>> -> memref<1x1x8x128xf32, #tpu.memory_space<vmem>>
        %dma_start3A_2161 = tpu.memref_squeeze %dma_start3A_2160 : memref<1x1x8x128xf32, #tpu.memory_space<vmem>> -> memref<8x128xf32, #tpu.memory_space<vmem>>
        %dma_start3A_2162 = arith.constant 0 : i32
        %dma_start3A_2163 = tpu.memref_slice %arg3[%dma_start3A_2162, %multiple_of3A_2155] : memref<16x1000000xf32, #tpu.memory_space<hbm>> -> memref<8x128xf32, #tpu.memory_space<hbm>>
        %dma_start3A_2164 = arith.constant 0 : i32
        %dma_start3A_2165 = arith.constant 0 : i32
        %dma_start3A_2166 = tpu.memref_slice %arg6[%dma_start3A_2156, %dma_start3A_2157, %dma_start3A_2164, %dma_start3A_2165] : memref<2x16x16x128xf32, #tpu.memory_space<vmem>> -> memref<1x1x8x128xf32, #tpu.memory_space<vmem>>
        %dma_start3A_2167 = tpu.memref_squeeze %dma_start3A_2166 : memref<1x1x8x128xf32, #tpu.memory_space<vmem>> -> memref<8x128xf32, #tpu.memory_space<vmem>>
        %dma_start3A_2168 = arith.constant 0 : i32
        %dma_start3A_2169 = tpu.memref_slice %arg3[%dma_start3A_2168, %multiple_of3A_2155] : memref<16x1000000xf32, #tpu.memory_space<hbm>> -> memref<8x128xf32, #tpu.memory_space<hbm>>
        tpu.enqueue_dma source(%dma_start3A_2169 : memref<8x128xf32, #tpu.memory_space<hbm>>) target(%dma_start3A_2167 : memref<8x128xf32, #tpu.memory_space<vmem>>) target_semaphore(%arg9 : memref<!tpu.dma_semaphore, #tpu.memory_space<semaphore_mem>>)
        %dma_start3A_2170 = arith.constant 1 : i32
        %dma_start3A_2171 = arith.constant 12 : i32
        %dma_start3A_2172 = arith.constant 8 : i32
        %dma_start3A_2173 = arith.constant 0 : i32
        %dma_start3A_2174 = tpu.memref_slice %arg6[%dma_start3A_2170, %dma_start3A_2171, %dma_start3A_2172, %dma_start3A_2173] : memref<2x16x16x128xf32, #tpu.memory_space<vmem>> -> memref<1x1x8x128xf32, #tpu.memory_space<vmem>>
        %dma_start3A_2175 = tpu.memref_squeeze %dma_start3A_2174 : memref<1x1x8x128xf32, #tpu.memory_space<vmem>> -> memref<8x128xf32, #tpu.memory_space<vmem>>
        %dma_start3A_2176 = arith.constant 8 : i32
        %dma_start3A_2177 = tpu.memref_slice %arg3[%dma_start3A_2176, %multiple_of3A_2155] : memref<16x1000000xf32, #tpu.memory_space<hbm>> -> memref<8x128xf32, #tpu.memory_space<hbm>>
        %dma_start3A_2178 = arith.constant 8 : i32
        %dma_start3A_2179 = arith.constant 0 : i32
        %dma_start3A_2180 = tpu.memref_slice %arg6[%dma_start3A_2170, %dma_start3A_2171, %dma_start3A_2178, %dma_start3A_2179] : memref<2x16x16x128xf32, #tpu.memory_space<vmem>> -> memref<1x1x8x128xf32, #tpu.memory_space<vmem>>
        %dma_start3A_2181 = tpu.memref_squeeze %dma_start3A_2180 : memref<1x1x8x128xf32, #tpu.memory_space<vmem>> -> memref<8x128xf32, #tpu.memory_space<vmem>>
        %dma_start3A_2182 = arith.constant 8 : i32
        %dma_start3A_2183 = tpu.memref_slice %arg3[%dma_start3A_2182, %multiple_of3A_2155] : memref<16x1000000xf32, #tpu.memory_space<hbm>> -> memref<8x128xf32, #tpu.memory_space<hbm>>
        tpu.enqueue_dma source(%dma_start3A_2183 : memref<8x128xf32, #tpu.memory_space<hbm>>) target(%dma_start3A_2181 : memref<8x128xf32, #tpu.memory_space<vmem>>) target_semaphore(%arg9 : memref<!tpu.dma_semaphore, #tpu.memory_space<semaphore_mem>>)
        %eq3A_2184 = arith.constant 13 : i32
        %eq3A_2185 = vector.broadcast %eq3A_2184 : i32 to vector<16xi32>
        %eq3A_2186 = arith.cmpi eq, %iota3A, %eq3A_2185 : vector<16xi32>
        %jit3A_2187 = arith.constant 0 : i32
        %broadcast_in_dim3A_2188 = vector.broadcast %jit3A_2187 : i32 to vector<16xi32>
        %select_n3A_2189 = arith.select %eq3A_2186, %and3A_1624, %broadcast_in_dim3A_2188 : vector<16xi1>, vector<16xi32>
        %reduce_max3A_2190 = arith.constant true
        %reduce_max3A_2191 = vector.broadcast %reduce_max3A_2190 : i1 to vector<16xi1>
        %reduce_max3A_2192 = arith.constant -2147483648 : i32
        %reduce_max3A_2193 = vector.broadcast %reduce_max3A_2192 : i32 to vector<16xi32>
        %reduce_max3A_2194 = arith.xori %select_n3A_2189, %reduce_max3A_2193 : vector<16xi32>
        %reduce_max3A_2195 = tpu.scan <max>, %reduce_max3A_2194 masked %reduce_max3A_2191 : vector<16xi32>, vector<16xi1> -> vector<16xi32>
        %reduce_max3A_2196 = arith.xori %reduce_max3A_2195, %reduce_max3A_2193 : vector<16xi32>
        %reduce_max3A_2197 = vector.extract %reduce_max3A_2196[15] : i32 from vector<16xi32>
        %multiple_of3A_2198 = tpu.assume_multiple %reduce_max3A_2197, 128 : i32
        %dma_start3A_2199 = arith.constant 1 : i32
        %dma_start3A_2200 = arith.constant 13 : i32
        %dma_start3A_2201 = arith.constant 0 : i32
        %dma_start3A_2202 = arith.constant 0 : i32
        %dma_start3A_2203 = tpu.memref_slice %arg6[%dma_start3A_2199, %dma_start3A_2200, %dma_start3A_2201, %dma_start3A_2202] : memref<2x16x16x128xf32, #tpu.memory_space<vmem>> -> memref<1x1x8x128xf32, #tpu.memory_space<vmem>>
        %dma_start3A_2204 = tpu.memref_squeeze %dma_start3A_2203 : memref<1x1x8x128xf32, #tpu.memory_space<vmem>> -> memref<8x128xf32, #tpu.memory_space<vmem>>
        %dma_start3A_2205 = arith.constant 0 : i32
        %dma_start3A_2206 = tpu.memref_slice %arg3[%dma_start3A_2205, %multiple_of3A_2198] : memref<16x1000000xf32, #tpu.memory_space<hbm>> -> memref<8x128xf32, #tpu.memory_space<hbm>>
        %dma_start3A_2207 = arith.constant 0 : i32
        %dma_start3A_2208 = arith.constant 0 : i32
        %dma_start3A_2209 = tpu.memref_slice %arg6[%dma_start3A_2199, %dma_start3A_2200, %dma_start3A_2207, %dma_start3A_2208] : memref<2x16x16x128xf32, #tpu.memory_space<vmem>> -> memref<1x1x8x128xf32, #tpu.memory_space<vmem>>
        %dma_start3A_2210 = tpu.memref_squeeze %dma_start3A_2209 : memref<1x1x8x128xf32, #tpu.memory_space<vmem>> -> memref<8x128xf32, #tpu.memory_space<vmem>>
        %dma_start3A_2211 = arith.constant 0 : i32
        %dma_start3A_2212 = tpu.memref_slice %arg3[%dma_start3A_2211, %multiple_of3A_2198] : memref<16x1000000xf32, #tpu.memory_space<hbm>> -> memref<8x128xf32, #tpu.memory_space<hbm>>
        tpu.enqueue_dma source(%dma_start3A_2212 : memref<8x128xf32, #tpu.memory_space<hbm>>) target(%dma_start3A_2210 : memref<8x128xf32, #tpu.memory_space<vmem>>) target_semaphore(%arg9 : memref<!tpu.dma_semaphore, #tpu.memory_space<semaphore_mem>>)
        %dma_start3A_2213 = arith.constant 1 : i32
        %dma_start3A_2214 = arith.constant 13 : i32
        %dma_start3A_2215 = arith.constant 8 : i32
        %dma_start3A_2216 = arith.constant 0 : i32
        %dma_start3A_2217 = tpu.memref_slice %arg6[%dma_start3A_2213, %dma_start3A_2214, %dma_start3A_2215, %dma_start3A_2216] : memref<2x16x16x128xf32, #tpu.memory_space<vmem>> -> memref<1x1x8x128xf32, #tpu.memory_space<vmem>>
        %dma_start3A_2218 = tpu.memref_squeeze %dma_start3A_2217 : memref<1x1x8x128xf32, #tpu.memory_space<vmem>> -> memref<8x128xf32, #tpu.memory_space<vmem>>
        %dma_start3A_2219 = arith.constant 8 : i32
        %dma_start3A_2220 = tpu.memref_slice %arg3[%dma_start3A_2219, %multiple_of3A_2198] : memref<16x1000000xf32, #tpu.memory_space<hbm>> -> memref<8x128xf32, #tpu.memory_space<hbm>>
        %dma_start3A_2221 = arith.constant 8 : i32
        %dma_start3A_2222 = arith.constant 0 : i32
        %dma_start3A_2223 = tpu.memref_slice %arg6[%dma_start3A_2213, %dma_start3A_2214, %dma_start3A_2221, %dma_start3A_2222] : memref<2x16x16x128xf32, #tpu.memory_space<vmem>> -> memref<1x1x8x128xf32, #tpu.memory_space<vmem>>
        %dma_start3A_2224 = tpu.memref_squeeze %dma_start3A_2223 : memref<1x1x8x128xf32, #tpu.memory_space<vmem>> -> memref<8x128xf32, #tpu.memory_space<vmem>>
        %dma_start3A_2225 = arith.constant 8 : i32
        %dma_start3A_2226 = tpu.memref_slice %arg3[%dma_start3A_2225, %multiple_of3A_2198] : memref<16x1000000xf32, #tpu.memory_space<hbm>> -> memref<8x128xf32, #tpu.memory_space<hbm>>
        tpu.enqueue_dma source(%dma_start3A_2226 : memref<8x128xf32, #tpu.memory_space<hbm>>) target(%dma_start3A_2224 : memref<8x128xf32, #tpu.memory_space<vmem>>) target_semaphore(%arg9 : memref<!tpu.dma_semaphore, #tpu.memory_space<semaphore_mem>>)
        %eq3A_2227 = arith.constant 14 : i32
        %eq3A_2228 = vector.broadcast %eq3A_2227 : i32 to vector<16xi32>
        %eq3A_2229 = arith.cmpi eq, %iota3A, %eq3A_2228 : vector<16xi32>
        %jit3A_2230 = arith.constant 0 : i32
        %broadcast_in_dim3A_2231 = vector.broadcast %jit3A_2230 : i32 to vector<16xi32>
        %select_n3A_2232 = arith.select %eq3A_2229, %and3A_1624, %broadcast_in_dim3A_2231 : vector<16xi1>, vector<16xi32>
        %reduce_max3A_2233 = arith.constant true
        %reduce_max3A_2234 = vector.broadcast %reduce_max3A_2233 : i1 to vector<16xi1>
        %reduce_max3A_2235 = arith.constant -2147483648 : i32
        %reduce_max3A_2236 = vector.broadcast %reduce_max3A_2235 : i32 to vector<16xi32>
        %reduce_max3A_2237 = arith.xori %select_n3A_2232, %reduce_max3A_2236 : vector<16xi32>
        %reduce_max3A_2238 = tpu.scan <max>, %reduce_max3A_2237 masked %reduce_max3A_2234 : vector<16xi32>, vector<16xi1> -> vector<16xi32>
        %reduce_max3A_2239 = arith.xori %reduce_max3A_2238, %reduce_max3A_2236 : vector<16xi32>
        %reduce_max3A_2240 = vector.extract %reduce_max3A_2239[15] : i32 from vector<16xi32>
        %multiple_of3A_2241 = tpu.assume_multiple %reduce_max3A_2240, 128 : i32
        %dma_start3A_2242 = arith.constant 1 : i32
        %dma_start3A_2243 = arith.constant 14 : i32
        %dma_start3A_2244 = arith.constant 0 : i32
        %dma_start3A_2245 = arith.constant 0 : i32
        %dma_start3A_2246 = tpu.memref_slice %arg6[%dma_start3A_2242, %dma_start3A_2243, %dma_start3A_2244, %dma_start3A_2245] : memref<2x16x16x128xf32, #tpu.memory_space<vmem>> -> memref<1x1x8x128xf32, #tpu.memory_space<vmem>>
        %dma_start3A_2247 = tpu.memref_squeeze %dma_start3A_2246 : memref<1x1x8x128xf32, #tpu.memory_space<vmem>> -> memref<8x128xf32, #tpu.memory_space<vmem>>
        %dma_start3A_2248 = arith.constant 0 : i32
        %dma_start3A_2249 = tpu.memref_slice %arg3[%dma_start3A_2248, %multiple_of3A_2241] : memref<16x1000000xf32, #tpu.memory_space<hbm>> -> memref<8x128xf32, #tpu.memory_space<hbm>>
        %dma_start3A_2250 = arith.constant 0 : i32
        %dma_start3A_2251 = arith.constant 0 : i32
        %dma_start3A_2252 = tpu.memref_slice %arg6[%dma_start3A_2242, %dma_start3A_2243, %dma_start3A_2250, %dma_start3A_2251] : memref<2x16x16x128xf32, #tpu.memory_space<vmem>> -> memref<1x1x8x128xf32, #tpu.memory_space<vmem>>
        %dma_start3A_2253 = tpu.memref_squeeze %dma_start3A_2252 : memref<1x1x8x128xf32, #tpu.memory_space<vmem>> -> memref<8x128xf32, #tpu.memory_space<vmem>>
        %dma_start3A_2254 = arith.constant 0 : i32
        %dma_start3A_2255 = tpu.memref_slice %arg3[%dma_start3A_2254, %multiple_of3A_2241] : memref<16x1000000xf32, #tpu.memory_space<hbm>> -> memref<8x128xf32, #tpu.memory_space<hbm>>
        tpu.enqueue_dma source(%dma_start3A_2255 : memref<8x128xf32, #tpu.memory_space<hbm>>) target(%dma_start3A_2253 : memref<8x128xf32, #tpu.memory_space<vmem>>) target_semaphore(%arg9 : memref<!tpu.dma_semaphore, #tpu.memory_space<semaphore_mem>>)
        %dma_start3A_2256 = arith.constant 1 : i32
        %dma_start3A_2257 = arith.constant 14 : i32
        %dma_start3A_2258 = arith.constant 8 : i32
        %dma_start3A_2259 = arith.constant 0 : i32
        %dma_start3A_2260 = tpu.memref_slice %arg6[%dma_start3A_2256, %dma_start3A_2257, %dma_start3A_2258, %dma_start3A_2259] : memref<2x16x16x128xf32, #tpu.memory_space<vmem>> -> memref<1x1x8x128xf32, #tpu.memory_space<vmem>>
        %dma_start3A_2261 = tpu.memref_squeeze %dma_start3A_2260 : memref<1x1x8x128xf32, #tpu.memory_space<vmem>> -> memref<8x128xf32, #tpu.memory_space<vmem>>
        %dma_start3A_2262 = arith.constant 8 : i32
        %dma_start3A_2263 = tpu.memref_slice %arg3[%dma_start3A_2262, %multiple_of3A_2241] : memref<16x1000000xf32, #tpu.memory_space<hbm>> -> memref<8x128xf32, #tpu.memory_space<hbm>>
        %dma_start3A_2264 = arith.constant 8 : i32
        %dma_start3A_2265 = arith.constant 0 : i32
        %dma_start3A_2266 = tpu.memref_slice %arg6[%dma_start3A_2256, %dma_start3A_2257, %dma_start3A_2264, %dma_start3A_2265] : memref<2x16x16x128xf32, #tpu.memory_space<vmem>> -> memref<1x1x8x128xf32, #tpu.memory_space<vmem>>
        %dma_start3A_2267 = tpu.memref_squeeze %dma_start3A_2266 : memref<1x1x8x128xf32, #tpu.memory_space<vmem>> -> memref<8x128xf32, #tpu.memory_space<vmem>>
        %dma_start3A_2268 = arith.constant 8 : i32
        %dma_start3A_2269 = tpu.memref_slice %arg3[%dma_start3A_2268, %multiple_of3A_2241] : memref<16x1000000xf32, #tpu.memory_space<hbm>> -> memref<8x128xf32, #tpu.memory_space<hbm>>
        tpu.enqueue_dma source(%dma_start3A_2269 : memref<8x128xf32, #tpu.memory_space<hbm>>) target(%dma_start3A_2267 : memref<8x128xf32, #tpu.memory_space<vmem>>) target_semaphore(%arg9 : memref<!tpu.dma_semaphore, #tpu.memory_space<semaphore_mem>>)
        %eq3A_2270 = arith.constant 15 : i32
        %eq3A_2271 = vector.broadcast %eq3A_2270 : i32 to vector<16xi32>
        %eq3A_2272 = arith.cmpi eq, %iota3A, %eq3A_2271 : vector<16xi32>
        %jit3A_2273 = arith.constant 0 : i32
        %broadcast_in_dim3A_2274 = vector.broadcast %jit3A_2273 : i32 to vector<16xi32>
        %select_n3A_2275 = arith.select %eq3A_2272, %and3A_1624, %broadcast_in_dim3A_2274 : vector<16xi1>, vector<16xi32>
        %reduce_max3A_2276 = arith.constant true
        %reduce_max3A_2277 = vector.broadcast %reduce_max3A_2276 : i1 to vector<16xi1>
        %reduce_max3A_2278 = arith.constant -2147483648 : i32
        %reduce_max3A_2279 = vector.broadcast %reduce_max3A_2278 : i32 to vector<16xi32>
        %reduce_max3A_2280 = arith.xori %select_n3A_2275, %reduce_max3A_2279 : vector<16xi32>
        %reduce_max3A_2281 = tpu.scan <max>, %reduce_max3A_2280 masked %reduce_max3A_2277 : vector<16xi32>, vector<16xi1> -> vector<16xi32>
        %reduce_max3A_2282 = arith.xori %reduce_max3A_2281, %reduce_max3A_2279 : vector<16xi32>
        %reduce_max3A_2283 = vector.extract %reduce_max3A_2282[15] : i32 from vector<16xi32>
        %multiple_of3A_2284 = tpu.assume_multiple %reduce_max3A_2283, 128 : i32
        %dma_start3A_2285 = arith.constant 1 : i32
        %dma_start3A_2286 = arith.constant 15 : i32
        %dma_start3A_2287 = arith.constant 0 : i32
        %dma_start3A_2288 = arith.constant 0 : i32
        %dma_start3A_2289 = tpu.memref_slice %arg6[%dma_start3A_2285, %dma_start3A_2286, %dma_start3A_2287, %dma_start3A_2288] : memref<2x16x16x128xf32, #tpu.memory_space<vmem>> -> memref<1x1x8x128xf32, #tpu.memory_space<vmem>>
        %dma_start3A_2290 = tpu.memref_squeeze %dma_start3A_2289 : memref<1x1x8x128xf32, #tpu.memory_space<vmem>> -> memref<8x128xf32, #tpu.memory_space<vmem>>
        %dma_start3A_2291 = arith.constant 0 : i32
        %dma_start3A_2292 = tpu.memref_slice %arg3[%dma_start3A_2291, %multiple_of3A_2284] : memref<16x1000000xf32, #tpu.memory_space<hbm>> -> memref<8x128xf32, #tpu.memory_space<hbm>>
        %dma_start3A_2293 = arith.constant 0 : i32
        %dma_start3A_2294 = arith.constant 0 : i32
        %dma_start3A_2295 = tpu.memref_slice %arg6[%dma_start3A_2285, %dma_start3A_2286, %dma_start3A_2293, %dma_start3A_2294] : memref<2x16x16x128xf32, #tpu.memory_space<vmem>> -> memref<1x1x8x128xf32, #tpu.memory_space<vmem>>
        %dma_start3A_2296 = tpu.memref_squeeze %dma_start3A_2295 : memref<1x1x8x128xf32, #tpu.memory_space<vmem>> -> memref<8x128xf32, #tpu.memory_space<vmem>>
        %dma_start3A_2297 = arith.constant 0 : i32
        %dma_start3A_2298 = tpu.memref_slice %arg3[%dma_start3A_2297, %multiple_of3A_2284] : memref<16x1000000xf32, #tpu.memory_space<hbm>> -> memref<8x128xf32, #tpu.memory_space<hbm>>
        tpu.enqueue_dma source(%dma_start3A_2298 : memref<8x128xf32, #tpu.memory_space<hbm>>) target(%dma_start3A_2296 : memref<8x128xf32, #tpu.memory_space<vmem>>) target_semaphore(%arg9 : memref<!tpu.dma_semaphore, #tpu.memory_space<semaphore_mem>>)
        %dma_start3A_2299 = arith.constant 1 : i32
        %dma_start3A_2300 = arith.constant 15 : i32
        %dma_start3A_2301 = arith.constant 8 : i32
        %dma_start3A_2302 = arith.constant 0 : i32
        %dma_start3A_2303 = tpu.memref_slice %arg6[%dma_start3A_2299, %dma_start3A_2300, %dma_start3A_2301, %dma_start3A_2302] : memref<2x16x16x128xf32, #tpu.memory_space<vmem>> -> memref<1x1x8x128xf32, #tpu.memory_space<vmem>>
        %dma_start3A_2304 = tpu.memref_squeeze %dma_start3A_2303 : memref<1x1x8x128xf32, #tpu.memory_space<vmem>> -> memref<8x128xf32, #tpu.memory_space<vmem>>
        %dma_start3A_2305 = arith.constant 8 : i32
        %dma_start3A_2306 = tpu.memref_slice %arg3[%dma_start3A_2305, %multiple_of3A_2284] : memref<16x1000000xf32, #tpu.memory_space<hbm>> -> memref<8x128xf32, #tpu.memory_space<hbm>>
        %dma_start3A_2307 = arith.constant 8 : i32
        %dma_start3A_2308 = arith.constant 0 : i32
        %dma_start3A_2309 = tpu.memref_slice %arg6[%dma_start3A_2299, %dma_start3A_2300, %dma_start3A_2307, %dma_start3A_2308] : memref<2x16x16x128xf32, #tpu.memory_space<vmem>> -> memref<1x1x8x128xf32, #tpu.memory_space<vmem>>
        %dma_start3A_2310 = tpu.memref_squeeze %dma_start3A_2309 : memref<1x1x8x128xf32, #tpu.memory_space<vmem>> -> memref<8x128xf32, #tpu.memory_space<vmem>>
        %dma_start3A_2311 = arith.constant 8 : i32
        %dma_start3A_2312 = tpu.memref_slice %arg3[%dma_start3A_2311, %multiple_of3A_2284] : memref<16x1000000xf32, #tpu.memory_space<hbm>> -> memref<8x128xf32, #tpu.memory_space<hbm>>
        tpu.enqueue_dma source(%dma_start3A_2312 : memref<8x128xf32, #tpu.memory_space<hbm>>) target(%dma_start3A_2310 : memref<8x128xf32, #tpu.memory_space<vmem>>) target_semaphore(%arg9 : memref<!tpu.dma_semaphore, #tpu.memory_space<semaphore_mem>>)
      } else {
      }
      %dma_wait3A_706 = arith.constant 0 : i32
      %dma_wait3A_707 = arith.constant 0 : i32
      %dma_wait3A_708 = arith.constant 0 : i32
      %dma_wait3A_709 = arith.constant 0 : i32
      %dma_wait3A_710 = tpu.memref_slice %arg6[%dma_wait3A_706, %dma_wait3A_707, %dma_wait3A_708, %dma_wait3A_709] : memref<2x16x16x128xf32, #tpu.memory_space<vmem>> -> memref<1x1x16x128xf32, #tpu.memory_space<vmem>>
      %dma_wait3A_711 = tpu.memref_squeeze %dma_wait3A_710 : memref<1x1x16x128xf32, #tpu.memory_space<vmem>> -> memref<16x128xf32, #tpu.memory_space<vmem>>
      %dma_wait3A_712 = arith.constant 0 : i32
      %dma_wait3A_713 = arith.constant 0 : i32
      %dma_wait3A_714 = tpu.memref_slice %arg3[%dma_wait3A_712, %dma_wait3A_713] : memref<16x1000000xf32, #tpu.memory_space<hbm>> -> memref<16x128xf32, #tpu.memory_space<hbm>>
      %dma_wait3A_715 = arith.constant 0 : i32
      %dma_wait3A_716 = arith.constant 0 : i32
      %dma_wait3A_717 = tpu.memref_slice %arg6[%dma_wait3A_706, %dma_wait3A_707, %dma_wait3A_715, %dma_wait3A_716] : memref<2x16x16x128xf32, #tpu.memory_space<vmem>> -> memref<1x1x16x128xf32, #tpu.memory_space<vmem>>
      %dma_wait3A_718 = tpu.memref_squeeze %dma_wait3A_717 : memref<1x1x16x128xf32, #tpu.memory_space<vmem>> -> memref<16x128xf32, #tpu.memory_space<vmem>>
      %dma_wait3A_719 = arith.constant 0 : i32
      %dma_wait3A_720 = arith.constant 0 : i32
      %dma_wait3A_721 = tpu.memref_slice %arg3[%dma_wait3A_719, %dma_wait3A_720] : memref<16x1000000xf32, #tpu.memory_space<hbm>> -> memref<16x128xf32, #tpu.memory_space<hbm>>
      tpu.wait_dma2 semaphore(%arg8 : memref<!tpu.dma_semaphore, #tpu.memory_space<semaphore_mem>>) src(%dma_wait3A_721 : memref<16x128xf32, #tpu.memory_space<hbm>>) dst(%dma_wait3A_718 : memref<16x128xf32, #tpu.memory_space<vmem>>)
      %dma_wait3A_722 = arith.constant 0 : i32
      %dma_wait3A_723 = arith.constant 1 : i32
      %dma_wait3A_724 = arith.constant 0 : i32
      %dma_wait3A_725 = arith.constant 0 : i32
      %dma_wait3A_726 = tpu.memref_slice %arg6[%dma_wait3A_722, %dma_wait3A_723, %dma_wait3A_724, %dma_wait3A_725] : memref<2x16x16x128xf32, #tpu.memory_space<vmem>> -> memref<1x1x16x128xf32, #tpu.memory_space<vmem>>
      %dma_wait3A_727 = tpu.memref_squeeze %dma_wait3A_726 : memref<1x1x16x128xf32, #tpu.memory_space<vmem>> -> memref<16x128xf32, #tpu.memory_space<vmem>>
      %dma_wait3A_728 = arith.constant 0 : i32
      %dma_wait3A_729 = arith.constant 0 : i32
      %dma_wait3A_730 = tpu.memref_slice %arg3[%dma_wait3A_728, %dma_wait3A_729] : memref<16x1000000xf32, #tpu.memory_space<hbm>> -> memref<16x128xf32, #tpu.memory_space<hbm>>
      %dma_wait3A_731 = arith.constant 0 : i32
      %dma_wait3A_732 = arith.constant 0 : i32
      %dma_wait3A_733 = tpu.memref_slice %arg6[%dma_wait3A_722, %dma_wait3A_723, %dma_wait3A_731, %dma_wait3A_732] : memref<2x16x16x128xf32, #tpu.memory_space<vmem>> -> memref<1x1x16x128xf32, #tpu.memory_space<vmem>>
      %dma_wait3A_734 = tpu.memref_squeeze %dma_wait3A_733 : memref<1x1x16x128xf32, #tpu.memory_space<vmem>> -> memref<16x128xf32, #tpu.memory_space<vmem>>
      %dma_wait3A_735 = arith.constant 0 : i32
      %dma_wait3A_736 = arith.constant 0 : i32
      %dma_wait3A_737 = tpu.memref_slice %arg3[%dma_wait3A_735, %dma_wait3A_736] : memref<16x1000000xf32, #tpu.memory_space<hbm>> -> memref<16x128xf32, #tpu.memory_space<hbm>>
      tpu.wait_dma2 semaphore(%arg8 : memref<!tpu.dma_semaphore, #tpu.memory_space<semaphore_mem>>) src(%dma_wait3A_737 : memref<16x128xf32, #tpu.memory_space<hbm>>) dst(%dma_wait3A_734 : memref<16x128xf32, #tpu.memory_space<vmem>>)
      %dma_wait3A_738 = arith.constant 0 : i32
      %dma_wait3A_739 = arith.constant 2 : i32
      %dma_wait3A_740 = arith.constant 0 : i32
      %dma_wait3A_741 = arith.constant 0 : i32
      %dma_wait3A_742 = tpu.memref_slice %arg6[%dma_wait3A_738, %dma_wait3A_739, %dma_wait3A_740, %dma_wait3A_741] : memref<2x16x16x128xf32, #tpu.memory_space<vmem>> -> memref<1x1x16x128xf32, #tpu.memory_space<vmem>>
      %dma_wait3A_743 = tpu.memref_squeeze %dma_wait3A_742 : memref<1x1x16x128xf32, #tpu.memory_space<vmem>> -> memref<16x128xf32, #tpu.memory_space<vmem>>
      %dma_wait3A_744 = arith.constant 0 : i32
      %dma_wait3A_745 = arith.constant 0 : i32
      %dma_wait3A_746 = tpu.memref_slice %arg3[%dma_wait3A_744, %dma_wait3A_745] : memref<16x1000000xf32, #tpu.memory_space<hbm>> -> memref<16x128xf32, #tpu.memory_space<hbm>>
      %dma_wait3A_747 = arith.constant 0 : i32
      %dma_wait3A_748 = arith.constant 0 : i32
      %dma_wait3A_749 = tpu.memref_slice %arg6[%dma_wait3A_738, %dma_wait3A_739, %dma_wait3A_747, %dma_wait3A_748] : memref<2x16x16x128xf32, #tpu.memory_space<vmem>> -> memref<1x1x16x128xf32, #tpu.memory_space<vmem>>
      %dma_wait3A_750 = tpu.memref_squeeze %dma_wait3A_749 : memref<1x1x16x128xf32, #tpu.memory_space<vmem>> -> memref<16x128xf32, #tpu.memory_space<vmem>>
      %dma_wait3A_751 = arith.constant 0 : i32
      %dma_wait3A_752 = arith.constant 0 : i32
      %dma_wait3A_753 = tpu.memref_slice %arg3[%dma_wait3A_751, %dma_wait3A_752] : memref<16x1000000xf32, #tpu.memory_space<hbm>> -> memref<16x128xf32, #tpu.memory_space<hbm>>
      tpu.wait_dma2 semaphore(%arg8 : memref<!tpu.dma_semaphore, #tpu.memory_space<semaphore_mem>>) src(%dma_wait3A_753 : memref<16x128xf32, #tpu.memory_space<hbm>>) dst(%dma_wait3A_750 : memref<16x128xf32, #tpu.memory_space<vmem>>)
      %dma_wait3A_754 = arith.constant 0 : i32
      %dma_wait3A_755 = arith.constant 3 : i32
      %dma_wait3A_756 = arith.constant 0 : i32
      %dma_wait3A_757 = arith.constant 0 : i32
      %dma_wait3A_758 = tpu.memref_slice %arg6[%dma_wait3A_754, %dma_wait3A_755, %dma_wait3A_756, %dma_wait3A_757] : memref<2x16x16x128xf32, #tpu.memory_space<vmem>> -> memref<1x1x16x128xf32, #tpu.memory_space<vmem>>
      %dma_wait3A_759 = tpu.memref_squeeze %dma_wait3A_758 : memref<1x1x16x128xf32, #tpu.memory_space<vmem>> -> memref<16x128xf32, #tpu.memory_space<vmem>>
      %dma_wait3A_760 = arith.constant 0 : i32
      %dma_wait3A_761 = arith.constant 0 : i32
      %dma_wait3A_762 = tpu.memref_slice %arg3[%dma_wait3A_760, %dma_wait3A_761] : memref<16x1000000xf32, #tpu.memory_space<hbm>> -> memref<16x128xf32, #tpu.memory_space<hbm>>
      %dma_wait3A_763 = arith.constant 0 : i32
      %dma_wait3A_764 = arith.constant 0 : i32
      %dma_wait3A_765 = tpu.memref_slice %arg6[%dma_wait3A_754, %dma_wait3A_755, %dma_wait3A_763, %dma_wait3A_764] : memref<2x16x16x128xf32, #tpu.memory_space<vmem>> -> memref<1x1x16x128xf32, #tpu.memory_space<vmem>>
      %dma_wait3A_766 = tpu.memref_squeeze %dma_wait3A_765 : memref<1x1x16x128xf32, #tpu.memory_space<vmem>> -> memref<16x128xf32, #tpu.memory_space<vmem>>
      %dma_wait3A_767 = arith.constant 0 : i32
      %dma_wait3A_768 = arith.constant 0 : i32
      %dma_wait3A_769 = tpu.memref_slice %arg3[%dma_wait3A_767, %dma_wait3A_768] : memref<16x1000000xf32, #tpu.memory_space<hbm>> -> memref<16x128xf32, #tpu.memory_space<hbm>>
      tpu.wait_dma2 semaphore(%arg8 : memref<!tpu.dma_semaphore, #tpu.memory_space<semaphore_mem>>) src(%dma_wait3A_769 : memref<16x128xf32, #tpu.memory_space<hbm>>) dst(%dma_wait3A_766 : memref<16x128xf32, #tpu.memory_space<vmem>>)
      %dma_wait3A_770 = arith.constant 0 : i32
      %dma_wait3A_771 = arith.constant 4 : i32
      %dma_wait3A_772 = arith.constant 0 : i32
      %dma_wait3A_773 = arith.constant 0 : i32
      %dma_wait3A_774 = tpu.memref_slice %arg6[%dma_wait3A_770, %dma_wait3A_771, %dma_wait3A_772, %dma_wait3A_773] : memref<2x16x16x128xf32, #tpu.memory_space<vmem>> -> memref<1x1x16x128xf32, #tpu.memory_space<vmem>>
      %dma_wait3A_775 = tpu.memref_squeeze %dma_wait3A_774 : memref<1x1x16x128xf32, #tpu.memory_space<vmem>> -> memref<16x128xf32, #tpu.memory_space<vmem>>
      %dma_wait3A_776 = arith.constant 0 : i32
      %dma_wait3A_777 = arith.constant 0 : i32
      %dma_wait3A_778 = tpu.memref_slice %arg3[%dma_wait3A_776, %dma_wait3A_777] : memref<16x1000000xf32, #tpu.memory_space<hbm>> -> memref<16x128xf32, #tpu.memory_space<hbm>>
      %dma_wait3A_779 = arith.constant 0 : i32
      %dma_wait3A_780 = arith.constant 0 : i32
      %dma_wait3A_781 = tpu.memref_slice %arg6[%dma_wait3A_770, %dma_wait3A_771, %dma_wait3A_779, %dma_wait3A_780] : memref<2x16x16x128xf32, #tpu.memory_space<vmem>> -> memref<1x1x16x128xf32, #tpu.memory_space<vmem>>
      %dma_wait3A_782 = tpu.memref_squeeze %dma_wait3A_781 : memref<1x1x16x128xf32, #tpu.memory_space<vmem>> -> memref<16x128xf32, #tpu.memory_space<vmem>>
      %dma_wait3A_783 = arith.constant 0 : i32
      %dma_wait3A_784 = arith.constant 0 : i32
      %dma_wait3A_785 = tpu.memref_slice %arg3[%dma_wait3A_783, %dma_wait3A_784] : memref<16x1000000xf32, #tpu.memory_space<hbm>> -> memref<16x128xf32, #tpu.memory_space<hbm>>
      tpu.wait_dma2 semaphore(%arg8 : memref<!tpu.dma_semaphore, #tpu.memory_space<semaphore_mem>>) src(%dma_wait3A_785 : memref<16x128xf32, #tpu.memory_space<hbm>>) dst(%dma_wait3A_782 : memref<16x128xf32, #tpu.memory_space<vmem>>)
      %dma_wait3A_786 = arith.constant 0 : i32
      %dma_wait3A_787 = arith.constant 5 : i32
      %dma_wait3A_788 = arith.constant 0 : i32
      %dma_wait3A_789 = arith.constant 0 : i32
      %dma_wait3A_790 = tpu.memref_slice %arg6[%dma_wait3A_786, %dma_wait3A_787, %dma_wait3A_788, %dma_wait3A_789] : memref<2x16x16x128xf32, #tpu.memory_space<vmem>> -> memref<1x1x16x128xf32, #tpu.memory_space<vmem>>
      %dma_wait3A_791 = tpu.memref_squeeze %dma_wait3A_790 : memref<1x1x16x128xf32, #tpu.memory_space<vmem>> -> memref<16x128xf32, #tpu.memory_space<vmem>>
      %dma_wait3A_792 = arith.constant 0 : i32
      %dma_wait3A_793 = arith.constant 0 : i32
      %dma_wait3A_794 = tpu.memref_slice %arg3[%dma_wait3A_792, %dma_wait3A_793] : memref<16x1000000xf32, #tpu.memory_space<hbm>> -> memref<16x128xf32, #tpu.memory_space<hbm>>
      %dma_wait3A_795 = arith.constant 0 : i32
      %dma_wait3A_796 = arith.constant 0 : i32
      %dma_wait3A_797 = tpu.memref_slice %arg6[%dma_wait3A_786, %dma_wait3A_787, %dma_wait3A_795, %dma_wait3A_796] : memref<2x16x16x128xf32, #tpu.memory_space<vmem>> -> memref<1x1x16x128xf32, #tpu.memory_space<vmem>>
      %dma_wait3A_798 = tpu.memref_squeeze %dma_wait3A_797 : memref<1x1x16x128xf32, #tpu.memory_space<vmem>> -> memref<16x128xf32, #tpu.memory_space<vmem>>
      %dma_wait3A_799 = arith.constant 0 : i32
      %dma_wait3A_800 = arith.constant 0 : i32
      %dma_wait3A_801 = tpu.memref_slice %arg3[%dma_wait3A_799, %dma_wait3A_800] : memref<16x1000000xf32, #tpu.memory_space<hbm>> -> memref<16x128xf32, #tpu.memory_space<hbm>>
      tpu.wait_dma2 semaphore(%arg8 : memref<!tpu.dma_semaphore, #tpu.memory_space<semaphore_mem>>) src(%dma_wait3A_801 : memref<16x128xf32, #tpu.memory_space<hbm>>) dst(%dma_wait3A_798 : memref<16x128xf32, #tpu.memory_space<vmem>>)
      %dma_wait3A_802 = arith.constant 0 : i32
      %dma_wait3A_803 = arith.constant 6 : i32
      %dma_wait3A_804 = arith.constant 0 : i32
      %dma_wait3A_805 = arith.constant 0 : i32
      %dma_wait3A_806 = tpu.memref_slice %arg6[%dma_wait3A_802, %dma_wait3A_803, %dma_wait3A_804, %dma_wait3A_805] : memref<2x16x16x128xf32, #tpu.memory_space<vmem>> -> memref<1x1x16x128xf32, #tpu.memory_space<vmem>>
      %dma_wait3A_807 = tpu.memref_squeeze %dma_wait3A_806 : memref<1x1x16x128xf32, #tpu.memory_space<vmem>> -> memref<16x128xf32, #tpu.memory_space<vmem>>
      %dma_wait3A_808 = arith.constant 0 : i32
      %dma_wait3A_809 = arith.constant 0 : i32
      %dma_wait3A_810 = tpu.memref_slice %arg3[%dma_wait3A_808, %dma_wait3A_809] : memref<16x1000000xf32, #tpu.memory_space<hbm>> -> memref<16x128xf32, #tpu.memory_space<hbm>>
      %dma_wait3A_811 = arith.constant 0 : i32
      %dma_wait3A_812 = arith.constant 0 : i32
      %dma_wait3A_813 = tpu.memref_slice %arg6[%dma_wait3A_802, %dma_wait3A_803, %dma_wait3A_811, %dma_wait3A_812] : memref<2x16x16x128xf32, #tpu.memory_space<vmem>> -> memref<1x1x16x128xf32, #tpu.memory_space<vmem>>
      %dma_wait3A_814 = tpu.memref_squeeze %dma_wait3A_813 : memref<1x1x16x128xf32, #tpu.memory_space<vmem>> -> memref<16x128xf32, #tpu.memory_space<vmem>>
      %dma_wait3A_815 = arith.constant 0 : i32
      %dma_wait3A_816 = arith.constant 0 : i32
      %dma_wait3A_817 = tpu.memref_slice %arg3[%dma_wait3A_815, %dma_wait3A_816] : memref<16x1000000xf32, #tpu.memory_space<hbm>> -> memref<16x128xf32, #tpu.memory_space<hbm>>
      tpu.wait_dma2 semaphore(%arg8 : memref<!tpu.dma_semaphore, #tpu.memory_space<semaphore_mem>>) src(%dma_wait3A_817 : memref<16x128xf32, #tpu.memory_space<hbm>>) dst(%dma_wait3A_814 : memref<16x128xf32, #tpu.memory_space<vmem>>)
      %dma_wait3A_818 = arith.constant 0 : i32
      %dma_wait3A_819 = arith.constant 7 : i32
      %dma_wait3A_820 = arith.constant 0 : i32
      %dma_wait3A_821 = arith.constant 0 : i32
      %dma_wait3A_822 = tpu.memref_slice %arg6[%dma_wait3A_818, %dma_wait3A_819, %dma_wait3A_820, %dma_wait3A_821] : memref<2x16x16x128xf32, #tpu.memory_space<vmem>> -> memref<1x1x16x128xf32, #tpu.memory_space<vmem>>
      %dma_wait3A_823 = tpu.memref_squeeze %dma_wait3A_822 : memref<1x1x16x128xf32, #tpu.memory_space<vmem>> -> memref<16x128xf32, #tpu.memory_space<vmem>>
      %dma_wait3A_824 = arith.constant 0 : i32
      %dma_wait3A_825 = arith.constant 0 : i32
      %dma_wait3A_826 = tpu.memref_slice %arg3[%dma_wait3A_824, %dma_wait3A_825] : memref<16x1000000xf32, #tpu.memory_space<hbm>> -> memref<16x128xf32, #tpu.memory_space<hbm>>
      %dma_wait3A_827 = arith.constant 0 : i32
      %dma_wait3A_828 = arith.constant 0 : i32
      %dma_wait3A_829 = tpu.memref_slice %arg6[%dma_wait3A_818, %dma_wait3A_819, %dma_wait3A_827, %dma_wait3A_828] : memref<2x16x16x128xf32, #tpu.memory_space<vmem>> -> memref<1x1x16x128xf32, #tpu.memory_space<vmem>>
      %dma_wait3A_830 = tpu.memref_squeeze %dma_wait3A_829 : memref<1x1x16x128xf32, #tpu.memory_space<vmem>> -> memref<16x128xf32, #tpu.memory_space<vmem>>
      %dma_wait3A_831 = arith.constant 0 : i32
      %dma_wait3A_832 = arith.constant 0 : i32
      %dma_wait3A_833 = tpu.memref_slice %arg3[%dma_wait3A_831, %dma_wait3A_832] : memref<16x1000000xf32, #tpu.memory_space<hbm>> -> memref<16x128xf32, #tpu.memory_space<hbm>>
      tpu.wait_dma2 semaphore(%arg8 : memref<!tpu.dma_semaphore, #tpu.memory_space<semaphore_mem>>) src(%dma_wait3A_833 : memref<16x128xf32, #tpu.memory_space<hbm>>) dst(%dma_wait3A_830 : memref<16x128xf32, #tpu.memory_space<vmem>>)
      %dma_wait3A_834 = arith.constant 0 : i32
      %dma_wait3A_835 = arith.constant 8 : i32
      %dma_wait3A_836 = arith.constant 0 : i32
      %dma_wait3A_837 = arith.constant 0 : i32
      %dma_wait3A_838 = tpu.memref_slice %arg6[%dma_wait3A_834, %dma_wait3A_835, %dma_wait3A_836, %dma_wait3A_837] : memref<2x16x16x128xf32, #tpu.memory_space<vmem>> -> memref<1x1x16x128xf32, #tpu.memory_space<vmem>>
      %dma_wait3A_839 = tpu.memref_squeeze %dma_wait3A_838 : memref<1x1x16x128xf32, #tpu.memory_space<vmem>> -> memref<16x128xf32, #tpu.memory_space<vmem>>
      %dma_wait3A_840 = arith.constant 0 : i32
      %dma_wait3A_841 = arith.constant 0 : i32
      %dma_wait3A_842 = tpu.memref_slice %arg3[%dma_wait3A_840, %dma_wait3A_841] : memref<16x1000000xf32, #tpu.memory_space<hbm>> -> memref<16x128xf32, #tpu.memory_space<hbm>>
      %dma_wait3A_843 = arith.constant 0 : i32
      %dma_wait3A_844 = arith.constant 0 : i32
      %dma_wait3A_845 = tpu.memref_slice %arg6[%dma_wait3A_834, %dma_wait3A_835, %dma_wait3A_843, %dma_wait3A_844] : memref<2x16x16x128xf32, #tpu.memory_space<vmem>> -> memref<1x1x16x128xf32, #tpu.memory_space<vmem>>
      %dma_wait3A_846 = tpu.memref_squeeze %dma_wait3A_845 : memref<1x1x16x128xf32, #tpu.memory_space<vmem>> -> memref<16x128xf32, #tpu.memory_space<vmem>>
      %dma_wait3A_847 = arith.constant 0 : i32
      %dma_wait3A_848 = arith.constant 0 : i32
      %dma_wait3A_849 = tpu.memref_slice %arg3[%dma_wait3A_847, %dma_wait3A_848] : memref<16x1000000xf32, #tpu.memory_space<hbm>> -> memref<16x128xf32, #tpu.memory_space<hbm>>
      tpu.wait_dma2 semaphore(%arg8 : memref<!tpu.dma_semaphore, #tpu.memory_space<semaphore_mem>>) src(%dma_wait3A_849 : memref<16x128xf32, #tpu.memory_space<hbm>>) dst(%dma_wait3A_846 : memref<16x128xf32, #tpu.memory_space<vmem>>)
      %dma_wait3A_850 = arith.constant 0 : i32
      %dma_wait3A_851 = arith.constant 9 : i32
      %dma_wait3A_852 = arith.constant 0 : i32
      %dma_wait3A_853 = arith.constant 0 : i32
      %dma_wait3A_854 = tpu.memref_slice %arg6[%dma_wait3A_850, %dma_wait3A_851, %dma_wait3A_852, %dma_wait3A_853] : memref<2x16x16x128xf32, #tpu.memory_space<vmem>> -> memref<1x1x16x128xf32, #tpu.memory_space<vmem>>
      %dma_wait3A_855 = tpu.memref_squeeze %dma_wait3A_854 : memref<1x1x16x128xf32, #tpu.memory_space<vmem>> -> memref<16x128xf32, #tpu.memory_space<vmem>>
      %dma_wait3A_856 = arith.constant 0 : i32
      %dma_wait3A_857 = arith.constant 0 : i32
      %dma_wait3A_858 = tpu.memref_slice %arg3[%dma_wait3A_856, %dma_wait3A_857] : memref<16x1000000xf32, #tpu.memory_space<hbm>> -> memref<16x128xf32, #tpu.memory_space<hbm>>
      %dma_wait3A_859 = arith.constant 0 : i32
      %dma_wait3A_860 = arith.constant 0 : i32
      %dma_wait3A_861 = tpu.memref_slice %arg6[%dma_wait3A_850, %dma_wait3A_851, %dma_wait3A_859, %dma_wait3A_860] : memref<2x16x16x128xf32, #tpu.memory_space<vmem>> -> memref<1x1x16x128xf32, #tpu.memory_space<vmem>>
      %dma_wait3A_862 = tpu.memref_squeeze %dma_wait3A_861 : memref<1x1x16x128xf32, #tpu.memory_space<vmem>> -> memref<16x128xf32, #tpu.memory_space<vmem>>
      %dma_wait3A_863 = arith.constant 0 : i32
      %dma_wait3A_864 = arith.constant 0 : i32
      %dma_wait3A_865 = tpu.memref_slice %arg3[%dma_wait3A_863, %dma_wait3A_864] : memref<16x1000000xf32, #tpu.memory_space<hbm>> -> memref<16x128xf32, #tpu.memory_space<hbm>>
      tpu.wait_dma2 semaphore(%arg8 : memref<!tpu.dma_semaphore, #tpu.memory_space<semaphore_mem>>) src(%dma_wait3A_865 : memref<16x128xf32, #tpu.memory_space<hbm>>) dst(%dma_wait3A_862 : memref<16x128xf32, #tpu.memory_space<vmem>>)
      %dma_wait3A_866 = arith.constant 0 : i32
      %dma_wait3A_867 = arith.constant 10 : i32
      %dma_wait3A_868 = arith.constant 0 : i32
      %dma_wait3A_869 = arith.constant 0 : i32
      %dma_wait3A_870 = tpu.memref_slice %arg6[%dma_wait3A_866, %dma_wait3A_867, %dma_wait3A_868, %dma_wait3A_869] : memref<2x16x16x128xf32, #tpu.memory_space<vmem>> -> memref<1x1x16x128xf32, #tpu.memory_space<vmem>>
      %dma_wait3A_871 = tpu.memref_squeeze %dma_wait3A_870 : memref<1x1x16x128xf32, #tpu.memory_space<vmem>> -> memref<16x128xf32, #tpu.memory_space<vmem>>
      %dma_wait3A_872 = arith.constant 0 : i32
      %dma_wait3A_873 = arith.constant 0 : i32
      %dma_wait3A_874 = tpu.memref_slice %arg3[%dma_wait3A_872, %dma_wait3A_873] : memref<16x1000000xf32, #tpu.memory_space<hbm>> -> memref<16x128xf32, #tpu.memory_space<hbm>>
      %dma_wait3A_875 = arith.constant 0 : i32
      %dma_wait3A_876 = arith.constant 0 : i32
      %dma_wait3A_877 = tpu.memref_slice %arg6[%dma_wait3A_866, %dma_wait3A_867, %dma_wait3A_875, %dma_wait3A_876] : memref<2x16x16x128xf32, #tpu.memory_space<vmem>> -> memref<1x1x16x128xf32, #tpu.memory_space<vmem>>
      %dma_wait3A_878 = tpu.memref_squeeze %dma_wait3A_877 : memref<1x1x16x128xf32, #tpu.memory_space<vmem>> -> memref<16x128xf32, #tpu.memory_space<vmem>>
      %dma_wait3A_879 = arith.constant 0 : i32
      %dma_wait3A_880 = arith.constant 0 : i32
      %dma_wait3A_881 = tpu.memref_slice %arg3[%dma_wait3A_879, %dma_wait3A_880] : memref<16x1000000xf32, #tpu.memory_space<hbm>> -> memref<16x128xf32, #tpu.memory_space<hbm>>
      tpu.wait_dma2 semaphore(%arg8 : memref<!tpu.dma_semaphore, #tpu.memory_space<semaphore_mem>>) src(%dma_wait3A_881 : memref<16x128xf32, #tpu.memory_space<hbm>>) dst(%dma_wait3A_878 : memref<16x128xf32, #tpu.memory_space<vmem>>)
      %dma_wait3A_882 = arith.constant 0 : i32
      %dma_wait3A_883 = arith.constant 11 : i32
      %dma_wait3A_884 = arith.constant 0 : i32
      %dma_wait3A_885 = arith.constant 0 : i32
      %dma_wait3A_886 = tpu.memref_slice %arg6[%dma_wait3A_882, %dma_wait3A_883, %dma_wait3A_884, %dma_wait3A_885] : memref<2x16x16x128xf32, #tpu.memory_space<vmem>> -> memref<1x1x16x128xf32, #tpu.memory_space<vmem>>
      %dma_wait3A_887 = tpu.memref_squeeze %dma_wait3A_886 : memref<1x1x16x128xf32, #tpu.memory_space<vmem>> -> memref<16x128xf32, #tpu.memory_space<vmem>>
      %dma_wait3A_888 = arith.constant 0 : i32
      %dma_wait3A_889 = arith.constant 0 : i32
      %dma_wait3A_890 = tpu.memref_slice %arg3[%dma_wait3A_888, %dma_wait3A_889] : memref<16x1000000xf32, #tpu.memory_space<hbm>> -> memref<16x128xf32, #tpu.memory_space<hbm>>
      %dma_wait3A_891 = arith.constant 0 : i32
      %dma_wait3A_892 = arith.constant 0 : i32
      %dma_wait3A_893 = tpu.memref_slice %arg6[%dma_wait3A_882, %dma_wait3A_883, %dma_wait3A_891, %dma_wait3A_892] : memref<2x16x16x128xf32, #tpu.memory_space<vmem>> -> memref<1x1x16x128xf32, #tpu.memory_space<vmem>>
      %dma_wait3A_894 = tpu.memref_squeeze %dma_wait3A_893 : memref<1x1x16x128xf32, #tpu.memory_space<vmem>> -> memref<16x128xf32, #tpu.memory_space<vmem>>
      %dma_wait3A_895 = arith.constant 0 : i32
      %dma_wait3A_896 = arith.constant 0 : i32
      %dma_wait3A_897 = tpu.memref_slice %arg3[%dma_wait3A_895, %dma_wait3A_896] : memref<16x1000000xf32, #tpu.memory_space<hbm>> -> memref<16x128xf32, #tpu.memory_space<hbm>>
      tpu.wait_dma2 semaphore(%arg8 : memref<!tpu.dma_semaphore, #tpu.memory_space<semaphore_mem>>) src(%dma_wait3A_897 : memref<16x128xf32, #tpu.memory_space<hbm>>) dst(%dma_wait3A_894 : memref<16x128xf32, #tpu.memory_space<vmem>>)
      %dma_wait3A_898 = arith.constant 0 : i32
      %dma_wait3A_899 = arith.constant 12 : i32
      %dma_wait3A_900 = arith.constant 0 : i32
      %dma_wait3A_901 = arith.constant 0 : i32
      %dma_wait3A_902 = tpu.memref_slice %arg6[%dma_wait3A_898, %dma_wait3A_899, %dma_wait3A_900, %dma_wait3A_901] : memref<2x16x16x128xf32, #tpu.memory_space<vmem>> -> memref<1x1x16x128xf32, #tpu.memory_space<vmem>>
      %dma_wait3A_903 = tpu.memref_squeeze %dma_wait3A_902 : memref<1x1x16x128xf32, #tpu.memory_space<vmem>> -> memref<16x128xf32, #tpu.memory_space<vmem>>
      %dma_wait3A_904 = arith.constant 0 : i32
      %dma_wait3A_905 = arith.constant 0 : i32
      %dma_wait3A_906 = tpu.memref_slice %arg3[%dma_wait3A_904, %dma_wait3A_905] : memref<16x1000000xf32, #tpu.memory_space<hbm>> -> memref<16x128xf32, #tpu.memory_space<hbm>>
      %dma_wait3A_907 = arith.constant 0 : i32
      %dma_wait3A_908 = arith.constant 0 : i32
      %dma_wait3A_909 = tpu.memref_slice %arg6[%dma_wait3A_898, %dma_wait3A_899, %dma_wait3A_907, %dma_wait3A_908] : memref<2x16x16x128xf32, #tpu.memory_space<vmem>> -> memref<1x1x16x128xf32, #tpu.memory_space<vmem>>
      %dma_wait3A_910 = tpu.memref_squeeze %dma_wait3A_909 : memref<1x1x16x128xf32, #tpu.memory_space<vmem>> -> memref<16x128xf32, #tpu.memory_space<vmem>>
      %dma_wait3A_911 = arith.constant 0 : i32
      %dma_wait3A_912 = arith.constant 0 : i32
      %dma_wait3A_913 = tpu.memref_slice %arg3[%dma_wait3A_911, %dma_wait3A_912] : memref<16x1000000xf32, #tpu.memory_space<hbm>> -> memref<16x128xf32, #tpu.memory_space<hbm>>
      tpu.wait_dma2 semaphore(%arg8 : memref<!tpu.dma_semaphore, #tpu.memory_space<semaphore_mem>>) src(%dma_wait3A_913 : memref<16x128xf32, #tpu.memory_space<hbm>>) dst(%dma_wait3A_910 : memref<16x128xf32, #tpu.memory_space<vmem>>)
      %dma_wait3A_914 = arith.constant 0 : i32
      %dma_wait3A_915 = arith.constant 13 : i32
      %dma_wait3A_916 = arith.constant 0 : i32
      %dma_wait3A_917 = arith.constant 0 : i32
      %dma_wait3A_918 = tpu.memref_slice %arg6[%dma_wait3A_914, %dma_wait3A_915, %dma_wait3A_916, %dma_wait3A_917] : memref<2x16x16x128xf32, #tpu.memory_space<vmem>> -> memref<1x1x16x128xf32, #tpu.memory_space<vmem>>
      %dma_wait3A_919 = tpu.memref_squeeze %dma_wait3A_918 : memref<1x1x16x128xf32, #tpu.memory_space<vmem>> -> memref<16x128xf32, #tpu.memory_space<vmem>>
      %dma_wait3A_920 = arith.constant 0 : i32
      %dma_wait3A_921 = arith.constant 0 : i32
      %dma_wait3A_922 = tpu.memref_slice %arg3[%dma_wait3A_920, %dma_wait3A_921] : memref<16x1000000xf32, #tpu.memory_space<hbm>> -> memref<16x128xf32, #tpu.memory_space<hbm>>
      %dma_wait3A_923 = arith.constant 0 : i32
      %dma_wait3A_924 = arith.constant 0 : i32
      %dma_wait3A_925 = tpu.memref_slice %arg6[%dma_wait3A_914, %dma_wait3A_915, %dma_wait3A_923, %dma_wait3A_924] : memref<2x16x16x128xf32, #tpu.memory_space<vmem>> -> memref<1x1x16x128xf32, #tpu.memory_space<vmem>>
      %dma_wait3A_926 = tpu.memref_squeeze %dma_wait3A_925 : memref<1x1x16x128xf32, #tpu.memory_space<vmem>> -> memref<16x128xf32, #tpu.memory_space<vmem>>
      %dma_wait3A_927 = arith.constant 0 : i32
      %dma_wait3A_928 = arith.constant 0 : i32
      %dma_wait3A_929 = tpu.memref_slice %arg3[%dma_wait3A_927, %dma_wait3A_928] : memref<16x1000000xf32, #tpu.memory_space<hbm>> -> memref<16x128xf32, #tpu.memory_space<hbm>>
      tpu.wait_dma2 semaphore(%arg8 : memref<!tpu.dma_semaphore, #tpu.memory_space<semaphore_mem>>) src(%dma_wait3A_929 : memref<16x128xf32, #tpu.memory_space<hbm>>) dst(%dma_wait3A_926 : memref<16x128xf32, #tpu.memory_space<vmem>>)
      %dma_wait3A_930 = arith.constant 0 : i32
      %dma_wait3A_931 = arith.constant 14 : i32
      %dma_wait3A_932 = arith.constant 0 : i32
      %dma_wait3A_933 = arith.constant 0 : i32
      %dma_wait3A_934 = tpu.memref_slice %arg6[%dma_wait3A_930, %dma_wait3A_931, %dma_wait3A_932, %dma_wait3A_933] : memref<2x16x16x128xf32, #tpu.memory_space<vmem>> -> memref<1x1x16x128xf32, #tpu.memory_space<vmem>>
      %dma_wait3A_935 = tpu.memref_squeeze %dma_wait3A_934 : memref<1x1x16x128xf32, #tpu.memory_space<vmem>> -> memref<16x128xf32, #tpu.memory_space<vmem>>
      %dma_wait3A_936 = arith.constant 0 : i32
      %dma_wait3A_937 = arith.constant 0 : i32
      %dma_wait3A_938 = tpu.memref_slice %arg3[%dma_wait3A_936, %dma_wait3A_937] : memref<16x1000000xf32, #tpu.memory_space<hbm>> -> memref<16x128xf32, #tpu.memory_space<hbm>>
      %dma_wait3A_939 = arith.constant 0 : i32
      %dma_wait3A_940 = arith.constant 0 : i32
      %dma_wait3A_941 = tpu.memref_slice %arg6[%dma_wait3A_930, %dma_wait3A_931, %dma_wait3A_939, %dma_wait3A_940] : memref<2x16x16x128xf32, #tpu.memory_space<vmem>> -> memref<1x1x16x128xf32, #tpu.memory_space<vmem>>
      %dma_wait3A_942 = tpu.memref_squeeze %dma_wait3A_941 : memref<1x1x16x128xf32, #tpu.memory_space<vmem>> -> memref<16x128xf32, #tpu.memory_space<vmem>>
      %dma_wait3A_943 = arith.constant 0 : i32
      %dma_wait3A_944 = arith.constant 0 : i32
      %dma_wait3A_945 = tpu.memref_slice %arg3[%dma_wait3A_943, %dma_wait3A_944] : memref<16x1000000xf32, #tpu.memory_space<hbm>> -> memref<16x128xf32, #tpu.memory_space<hbm>>
      tpu.wait_dma2 semaphore(%arg8 : memref<!tpu.dma_semaphore, #tpu.memory_space<semaphore_mem>>) src(%dma_wait3A_945 : memref<16x128xf32, #tpu.memory_space<hbm>>) dst(%dma_wait3A_942 : memref<16x128xf32, #tpu.memory_space<vmem>>)
      %dma_wait3A_946 = arith.constant 0 : i32
      %dma_wait3A_947 = arith.constant 15 : i32
      %dma_wait3A_948 = arith.constant 0 : i32
      %dma_wait3A_949 = arith.constant 0 : i32
      %dma_wait3A_950 = tpu.memref_slice %arg6[%dma_wait3A_946, %dma_wait3A_947, %dma_wait3A_948, %dma_wait3A_949] : memref<2x16x16x128xf32, #tpu.memory_space<vmem>> -> memref<1x1x16x128xf32, #tpu.memory_space<vmem>>
      %dma_wait3A_951 = tpu.memref_squeeze %dma_wait3A_950 : memref<1x1x16x128xf32, #tpu.memory_space<vmem>> -> memref<16x128xf32, #tpu.memory_space<vmem>>
      %dma_wait3A_952 = arith.constant 0 : i32
      %dma_wait3A_953 = arith.constant 0 : i32
      %dma_wait3A_954 = tpu.memref_slice %arg3[%dma_wait3A_952, %dma_wait3A_953] : memref<16x1000000xf32, #tpu.memory_space<hbm>> -> memref<16x128xf32, #tpu.memory_space<hbm>>
      %dma_wait3A_955 = arith.constant 0 : i32
      %dma_wait3A_956 = arith.constant 0 : i32
      %dma_wait3A_957 = tpu.memref_slice %arg6[%dma_wait3A_946, %dma_wait3A_947, %dma_wait3A_955, %dma_wait3A_956] : memref<2x16x16x128xf32, #tpu.memory_space<vmem>> -> memref<1x1x16x128xf32, #tpu.memory_space<vmem>>
      %dma_wait3A_958 = tpu.memref_squeeze %dma_wait3A_957 : memref<1x1x16x128xf32, #tpu.memory_space<vmem>> -> memref<16x128xf32, #tpu.memory_space<vmem>>
      %dma_wait3A_959 = arith.constant 0 : i32
      %dma_wait3A_960 = arith.constant 0 : i32
      %dma_wait3A_961 = tpu.memref_slice %arg3[%dma_wait3A_959, %dma_wait3A_960] : memref<16x1000000xf32, #tpu.memory_space<hbm>> -> memref<16x128xf32, #tpu.memory_space<hbm>>
      tpu.wait_dma2 semaphore(%arg8 : memref<!tpu.dma_semaphore, #tpu.memory_space<semaphore_mem>>) src(%dma_wait3A_961 : memref<16x128xf32, #tpu.memory_space<hbm>>) dst(%dma_wait3A_958 : memref<16x128xf32, #tpu.memory_space<vmem>>)
      %broadcast_in_dim3A_962 = arith.constant 0 : i32
      %broadcast_in_dim3A_963 = vector.broadcast %broadcast_in_dim3A_962 : i32 to vector<16xi32>
      %mul3A_964 = arith.constant 16 : i32
      %mul3A_965 = arith.muli %mul3A_701, %mul3A_964 : i32
      %add3A_966 = arith.constant 0 : i32
      %add3A_967 = arith.addi %mul3A_965, %add3A_966 : i32
      %broadcast_in_dim3A_968 = vector.broadcast %add3A_967 : i32 to vector<16xi32>
      %gather3A = tpu.vector_load_idx %arg5[%broadcast_in_dim3A_968] : memref<512xi32, #tpu.memory_space<vmem>>[vector<16xi32>], vector<16xi32>,
      %and3A_969 = arith.constant 127 : i32
      %and3A_970 = vector.broadcast %and3A_969 : i32 to vector<16xi32>
      %and3A_971 = arith.andi %gather3A, %and3A_970 : vector<16xi32>
      %broadcast_in_dim3A_972 = arith.constant 0 : i32
      %broadcast_in_dim3A_973 = vector.broadcast %broadcast_in_dim3A_972 : i32 to vector<16xi32>
      %gather3A_974 = tpu.vector_load_idx %arg6[%broadcast_in_dim3A_963, %broadcast_in_dim3A_973, %iota3A, %and3A_971] : memref<2x16x16x128xf32, #tpu.memory_space<vmem>>[vector<16xi32>, vector<16xi32>, vector<16xi32>, vector<16xi32>], vector<16xf32>,
      tpu.vector_store_idx %arg7[%iota3A, %broadcast_in_dim3A_968], %gather3A_974 : memref<16x512xf32, #tpu.memory_space<vmem>>[vector<16xi32>, vector<16xi32>], vector<16xf32>,
      %mul3A_975 = arith.constant 16 : i32
      %mul3A_976 = arith.muli %mul3A_701, %mul3A_975 : i32
      %add3A_977 = arith.constant 1 : i32
      %add3A_978 = arith.addi %mul3A_976, %add3A_977 : i32
      %broadcast_in_dim3A_979 = vector.broadcast %add3A_978 : i32 to vector<16xi32>
      %gather3A_980 = tpu.vector_load_idx %arg5[%broadcast_in_dim3A_979] : memref<512xi32, #tpu.memory_space<vmem>>[vector<16xi32>], vector<16xi32>,
      %and3A_981 = arith.constant 127 : i32
      %and3A_982 = vector.broadcast %and3A_981 : i32 to vector<16xi32>
      %and3A_983 = arith.andi %gather3A_980, %and3A_982 : vector<16xi32>
      %broadcast_in_dim3A_984 = arith.constant 1 : i32
      %broadcast_in_dim3A_985 = vector.broadcast %broadcast_in_dim3A_984 : i32 to vector<16xi32>
      %gather3A_986 = tpu.vector_load_idx %arg6[%broadcast_in_dim3A_963, %broadcast_in_dim3A_985, %iota3A, %and3A_983] : memref<2x16x16x128xf32, #tpu.memory_space<vmem>>[vector<16xi32>, vector<16xi32>, vector<16xi32>, vector<16xi32>], vector<16xf32>,
      tpu.vector_store_idx %arg7[%iota3A, %broadcast_in_dim3A_979], %gather3A_986 : memref<16x512xf32, #tpu.memory_space<vmem>>[vector<16xi32>, vector<16xi32>], vector<16xf32>,
      %mul3A_987 = arith.constant 16 : i32
      %mul3A_988 = arith.muli %mul3A_701, %mul3A_987 : i32
      %add3A_989 = arith.constant 2 : i32
      %add3A_990 = arith.addi %mul3A_988, %add3A_989 : i32
      %broadcast_in_dim3A_991 = vector.broadcast %add3A_990 : i32 to vector<16xi32>
      %gather3A_992 = tpu.vector_load_idx %arg5[%broadcast_in_dim3A_991] : memref<512xi32, #tpu.memory_space<vmem>>[vector<16xi32>], vector<16xi32>,
      %and3A_993 = arith.constant 127 : i32
      %and3A_994 = vector.broadcast %and3A_993 : i32 to vector<16xi32>
      %and3A_995 = arith.andi %gather3A_992, %and3A_994 : vector<16xi32>
      %broadcast_in_dim3A_996 = arith.constant 2 : i32
      %broadcast_in_dim3A_997 = vector.broadcast %broadcast_in_dim3A_996 : i32 to vector<16xi32>
      %gather3A_998 = tpu.vector_load_idx %arg6[%broadcast_in_dim3A_963, %broadcast_in_dim3A_997, %iota3A, %and3A_995] : memref<2x16x16x128xf32, #tpu.memory_space<vmem>>[vector<16xi32>, vector<16xi32>, vector<16xi32>, vector<16xi32>], vector<16xf32>,
      tpu.vector_store_idx %arg7[%iota3A, %broadcast_in_dim3A_991], %gather3A_998 : memref<16x512xf32, #tpu.memory_space<vmem>>[vector<16xi32>, vector<16xi32>], vector<16xf32>,
      %mul3A_999 = arith.constant 16 : i32
      %mul3A_1000 = arith.muli %mul3A_701, %mul3A_999 : i32
      %add3A_1001 = arith.constant 3 : i32
      %add3A_1002 = arith.addi %mul3A_1000, %add3A_1001 : i32
      %broadcast_in_dim3A_1003 = vector.broadcast %add3A_1002 : i32 to vector<16xi32>
      %gather3A_1004 = tpu.vector_load_idx %arg5[%broadcast_in_dim3A_1003] : memref<512xi32, #tpu.memory_space<vmem>>[vector<16xi32>], vector<16xi32>,
      %and3A_1005 = arith.constant 127 : i32
      %and3A_1006 = vector.broadcast %and3A_1005 : i32 to vector<16xi32>
      %and3A_1007 = arith.andi %gather3A_1004, %and3A_1006 : vector<16xi32>
      %broadcast_in_dim3A_1008 = arith.constant 3 : i32
      %broadcast_in_dim3A_1009 = vector.broadcast %broadcast_in_dim3A_1008 : i32 to vector<16xi32>
      %gather3A_1010 = tpu.vector_load_idx %arg6[%broadcast_in_dim3A_963, %broadcast_in_dim3A_1009, %iota3A, %and3A_1007] : memref<2x16x16x128xf32, #tpu.memory_space<vmem>>[vector<16xi32>, vector<16xi32>, vector<16xi32>, vector<16xi32>], vector<16xf32>,
      tpu.vector_store_idx %arg7[%iota3A, %broadcast_in_dim3A_1003], %gather3A_1010 : memref<16x512xf32, #tpu.memory_space<vmem>>[vector<16xi32>, vector<16xi32>], vector<16xf32>,
      %mul3A_1011 = arith.constant 16 : i32
      %mul3A_1012 = arith.muli %mul3A_701, %mul3A_1011 : i32
      %add3A_1013 = arith.constant 4 : i32
      %add3A_1014 = arith.addi %mul3A_1012, %add3A_1013 : i32
      %broadcast_in_dim3A_1015 = vector.broadcast %add3A_1014 : i32 to vector<16xi32>
      %gather3A_1016 = tpu.vector_load_idx %arg5[%broadcast_in_dim3A_1015] : memref<512xi32, #tpu.memory_space<vmem>>[vector<16xi32>], vector<16xi32>,
      %and3A_1017 = arith.constant 127 : i32
      %and3A_1018 = vector.broadcast %and3A_1017 : i32 to vector<16xi32>
      %and3A_1019 = arith.andi %gather3A_1016, %and3A_1018 : vector<16xi32>
      %broadcast_in_dim3A_1020 = arith.constant 4 : i32
      %broadcast_in_dim3A_1021 = vector.broadcast %broadcast_in_dim3A_1020 : i32 to vector<16xi32>
      %gather3A_1022 = tpu.vector_load_idx %arg6[%broadcast_in_dim3A_963, %broadcast_in_dim3A_1021, %iota3A, %and3A_1019] : memref<2x16x16x128xf32, #tpu.memory_space<vmem>>[vector<16xi32>, vector<16xi32>, vector<16xi32>, vector<16xi32>], vector<16xf32>,
      tpu.vector_store_idx %arg7[%iota3A, %broadcast_in_dim3A_1015], %gather3A_1022 : memref<16x512xf32, #tpu.memory_space<vmem>>[vector<16xi32>, vector<16xi32>], vector<16xf32>,
      %mul3A_1023 = arith.constant 16 : i32
      %mul3A_1024 = arith.muli %mul3A_701, %mul3A_1023 : i32
      %add3A_1025 = arith.constant 5 : i32
      %add3A_1026 = arith.addi %mul3A_1024, %add3A_1025 : i32
      %broadcast_in_dim3A_1027 = vector.broadcast %add3A_1026 : i32 to vector<16xi32>
      %gather3A_1028 = tpu.vector_load_idx %arg5[%broadcast_in_dim3A_1027] : memref<512xi32, #tpu.memory_space<vmem>>[vector<16xi32>], vector<16xi32>,
      %and3A_1029 = arith.constant 127 : i32
      %and3A_1030 = vector.broadcast %and3A_1029 : i32 to vector<16xi32>
      %and3A_1031 = arith.andi %gather3A_1028, %and3A_1030 : vector<16xi32>
      %broadcast_in_dim3A_1032 = arith.constant 5 : i32
      %broadcast_in_dim3A_1033 = vector.broadcast %broadcast_in_dim3A_1032 : i32 to vector<16xi32>
      %gather3A_1034 = tpu.vector_load_idx %arg6[%broadcast_in_dim3A_963, %broadcast_in_dim3A_1033, %iota3A, %and3A_1031] : memref<2x16x16x128xf32, #tpu.memory_space<vmem>>[vector<16xi32>, vector<16xi32>, vector<16xi32>, vector<16xi32>], vector<16xf32>,
      tpu.vector_store_idx %arg7[%iota3A, %broadcast_in_dim3A_1027], %gather3A_1034 : memref<16x512xf32, #tpu.memory_space<vmem>>[vector<16xi32>, vector<16xi32>], vector<16xf32>,
      %mul3A_1035 = arith.constant 16 : i32
      %mul3A_1036 = arith.muli %mul3A_701, %mul3A_1035 : i32
      %add3A_1037 = arith.constant 6 : i32
      %add3A_1038 = arith.addi %mul3A_1036, %add3A_1037 : i32
      %broadcast_in_dim3A_1039 = vector.broadcast %add3A_1038 : i32 to vector<16xi32>
      %gather3A_1040 = tpu.vector_load_idx %arg5[%broadcast_in_dim3A_1039] : memref<512xi32, #tpu.memory_space<vmem>>[vector<16xi32>], vector<16xi32>,
      %and3A_1041 = arith.constant 127 : i32
      %and3A_1042 = vector.broadcast %and3A_1041 : i32 to vector<16xi32>
      %and3A_1043 = arith.andi %gather3A_1040, %and3A_1042 : vector<16xi32>
      %broadcast_in_dim3A_1044 = arith.constant 6 : i32
      %broadcast_in_dim3A_1045 = vector.broadcast %broadcast_in_dim3A_1044 : i32 to vector<16xi32>
      %gather3A_1046 = tpu.vector_load_idx %arg6[%broadcast_in_dim3A_963, %broadcast_in_dim3A_1045, %iota3A, %and3A_1043] : memref<2x16x16x128xf32, #tpu.memory_space<vmem>>[vector<16xi32>, vector<16xi32>, vector<16xi32>, vector<16xi32>], vector<16xf32>,
      tpu.vector_store_idx %arg7[%iota3A, %broadcast_in_dim3A_1039], %gather3A_1046 : memref<16x512xf32, #tpu.memory_space<vmem>>[vector<16xi32>, vector<16xi32>], vector<16xf32>,
      %mul3A_1047 = arith.constant 16 : i32
      %mul3A_1048 = arith.muli %mul3A_701, %mul3A_1047 : i32
      %add3A_1049 = arith.constant 7 : i32
      %add3A_1050 = arith.addi %mul3A_1048, %add3A_1049 : i32
      %broadcast_in_dim3A_1051 = vector.broadcast %add3A_1050 : i32 to vector<16xi32>
      %gather3A_1052 = tpu.vector_load_idx %arg5[%broadcast_in_dim3A_1051] : memref<512xi32, #tpu.memory_space<vmem>>[vector<16xi32>], vector<16xi32>,
      %and3A_1053 = arith.constant 127 : i32
      %and3A_1054 = vector.broadcast %and3A_1053 : i32 to vector<16xi32>
      %and3A_1055 = arith.andi %gather3A_1052, %and3A_1054 : vector<16xi32>
      %broadcast_in_dim3A_1056 = arith.constant 7 : i32
      %broadcast_in_dim3A_1057 = vector.broadcast %broadcast_in_dim3A_1056 : i32 to vector<16xi32>
      %gather3A_1058 = tpu.vector_load_idx %arg6[%broadcast_in_dim3A_963, %broadcast_in_dim3A_1057, %iota3A, %and3A_1055] : memref<2x16x16x128xf32, #tpu.memory_space<vmem>>[vector<16xi32>, vector<16xi32>, vector<16xi32>, vector<16xi32>], vector<16xf32>,
      tpu.vector_store_idx %arg7[%iota3A, %broadcast_in_dim3A_1051], %gather3A_1058 : memref<16x512xf32, #tpu.memory_space<vmem>>[vector<16xi32>, vector<16xi32>], vector<16xf32>,
      %mul3A_1059 = arith.constant 16 : i32
      %mul3A_1060 = arith.muli %mul3A_701, %mul3A_1059 : i32
      %add3A_1061 = arith.constant 8 : i32
      %add3A_1062 = arith.addi %mul3A_1060, %add3A_1061 : i32
      %broadcast_in_dim3A_1063 = vector.broadcast %add3A_1062 : i32 to vector<16xi32>
      %gather3A_1064 = tpu.vector_load_idx %arg5[%broadcast_in_dim3A_1063] : memref<512xi32, #tpu.memory_space<vmem>>[vector<16xi32>], vector<16xi32>,
      %and3A_1065 = arith.constant 127 : i32
      %and3A_1066 = vector.broadcast %and3A_1065 : i32 to vector<16xi32>
      %and3A_1067 = arith.andi %gather3A_1064, %and3A_1066 : vector<16xi32>
      %broadcast_in_dim3A_1068 = arith.constant 8 : i32
      %broadcast_in_dim3A_1069 = vector.broadcast %broadcast_in_dim3A_1068 : i32 to vector<16xi32>
      %gather3A_1070 = tpu.vector_load_idx %arg6[%broadcast_in_dim3A_963, %broadcast_in_dim3A_1069, %iota3A, %and3A_1067] : memref<2x16x16x128xf32, #tpu.memory_space<vmem>>[vector<16xi32>, vector<16xi32>, vector<16xi32>, vector<16xi32>], vector<16xf32>,
      tpu.vector_store_idx %arg7[%iota3A, %broadcast_in_dim3A_1063], %gather3A_1070 : memref<16x512xf32, #tpu.memory_space<vmem>>[vector<16xi32>, vector<16xi32>], vector<16xf32>,
      %mul3A_1071 = arith.constant 16 : i32
      %mul3A_1072 = arith.muli %mul3A_701, %mul3A_1071 : i32
      %add3A_1073 = arith.constant 9 : i32
      %add3A_1074 = arith.addi %mul3A_1072, %add3A_1073 : i32
      %broadcast_in_dim3A_1075 = vector.broadcast %add3A_1074 : i32 to vector<16xi32>
      %gather3A_1076 = tpu.vector_load_idx %arg5[%broadcast_in_dim3A_1075] : memref<512xi32, #tpu.memory_space<vmem>>[vector<16xi32>], vector<16xi32>,
      %and3A_1077 = arith.constant 127 : i32
      %and3A_1078 = vector.broadcast %and3A_1077 : i32 to vector<16xi32>
      %and3A_1079 = arith.andi %gather3A_1076, %and3A_1078 : vector<16xi32>
      %broadcast_in_dim3A_1080 = arith.constant 9 : i32
      %broadcast_in_dim3A_1081 = vector.broadcast %broadcast_in_dim3A_1080 : i32 to vector<16xi32>
      %gather3A_1082 = tpu.vector_load_idx %arg6[%broadcast_in_dim3A_963, %broadcast_in_dim3A_1081, %iota3A, %and3A_1079] : memref<2x16x16x128xf32, #tpu.memory_space<vmem>>[vector<16xi32>, vector<16xi32>, vector<16xi32>, vector<16xi32>], vector<16xf32>,
      tpu.vector_store_idx %arg7[%iota3A, %broadcast_in_dim3A_1075], %gather3A_1082 : memref<16x512xf32, #tpu.memory_space<vmem>>[vector<16xi32>, vector<16xi32>], vector<16xf32>,
      %mul3A_1083 = arith.constant 16 : i32
      %mul3A_1084 = arith.muli %mul3A_701, %mul3A_1083 : i32
      %add3A_1085 = arith.constant 10 : i32
      %add3A_1086 = arith.addi %mul3A_1084, %add3A_1085 : i32
      %broadcast_in_dim3A_1087 = vector.broadcast %add3A_1086 : i32 to vector<16xi32>
      %gather3A_1088 = tpu.vector_load_idx %arg5[%broadcast_in_dim3A_1087] : memref<512xi32, #tpu.memory_space<vmem>>[vector<16xi32>], vector<16xi32>,
      %and3A_1089 = arith.constant 127 : i32
      %and3A_1090 = vector.broadcast %and3A_1089 : i32 to vector<16xi32>
      %and3A_1091 = arith.andi %gather3A_1088, %and3A_1090 : vector<16xi32>
      %broadcast_in_dim3A_1092 = arith.constant 10 : i32
      %broadcast_in_dim3A_1093 = vector.broadcast %broadcast_in_dim3A_1092 : i32 to vector<16xi32>
      %gather3A_1094 = tpu.vector_load_idx %arg6[%broadcast_in_dim3A_963, %broadcast_in_dim3A_1093, %iota3A, %and3A_1091] : memref<2x16x16x128xf32, #tpu.memory_space<vmem>>[vector<16xi32>, vector<16xi32>, vector<16xi32>, vector<16xi32>], vector<16xf32>,
      tpu.vector_store_idx %arg7[%iota3A, %broadcast_in_dim3A_1087], %gather3A_1094 : memref<16x512xf32, #tpu.memory_space<vmem>>[vector<16xi32>, vector<16xi32>], vector<16xf32>,
      %mul3A_1095 = arith.constant 16 : i32
      %mul3A_1096 = arith.muli %mul3A_701, %mul3A_1095 : i32
      %add3A_1097 = arith.constant 11 : i32
      %add3A_1098 = arith.addi %mul3A_1096, %add3A_1097 : i32
      %broadcast_in_dim3A_1099 = vector.broadcast %add3A_1098 : i32 to vector<16xi32>
      %gather3A_1100 = tpu.vector_load_idx %arg5[%broadcast_in_dim3A_1099] : memref<512xi32, #tpu.memory_space<vmem>>[vector<16xi32>], vector<16xi32>,
      %and3A_1101 = arith.constant 127 : i32
      %and3A_1102 = vector.broadcast %and3A_1101 : i32 to vector<16xi32>
      %and3A_1103 = arith.andi %gather3A_1100, %and3A_1102 : vector<16xi32>
      %broadcast_in_dim3A_1104 = arith.constant 11 : i32
      %broadcast_in_dim3A_1105 = vector.broadcast %broadcast_in_dim3A_1104 : i32 to vector<16xi32>
      %gather3A_1106 = tpu.vector_load_idx %arg6[%broadcast_in_dim3A_963, %broadcast_in_dim3A_1105, %iota3A, %and3A_1103] : memref<2x16x16x128xf32, #tpu.memory_space<vmem>>[vector<16xi32>, vector<16xi32>, vector<16xi32>, vector<16xi32>], vector<16xf32>,
      tpu.vector_store_idx %arg7[%iota3A, %broadcast_in_dim3A_1099], %gather3A_1106 : memref<16x512xf32, #tpu.memory_space<vmem>>[vector<16xi32>, vector<16xi32>], vector<16xf32>,
      %mul3A_1107 = arith.constant 16 : i32
      %mul3A_1108 = arith.muli %mul3A_701, %mul3A_1107 : i32
      %add3A_1109 = arith.constant 12 : i32
      %add3A_1110 = arith.addi %mul3A_1108, %add3A_1109 : i32
      %broadcast_in_dim3A_1111 = vector.broadcast %add3A_1110 : i32 to vector<16xi32>
      %gather3A_1112 = tpu.vector_load_idx %arg5[%broadcast_in_dim3A_1111] : memref<512xi32, #tpu.memory_space<vmem>>[vector<16xi32>], vector<16xi32>,
      %and3A_1113 = arith.constant 127 : i32
      %and3A_1114 = vector.broadcast %and3A_1113 : i32 to vector<16xi32>
      %and3A_1115 = arith.andi %gather3A_1112, %and3A_1114 : vector<16xi32>
      %broadcast_in_dim3A_1116 = arith.constant 12 : i32
      %broadcast_in_dim3A_1117 = vector.broadcast %broadcast_in_dim3A_1116 : i32 to vector<16xi32>
      %gather3A_1118 = tpu.vector_load_idx %arg6[%broadcast_in_dim3A_963, %broadcast_in_dim3A_1117, %iota3A, %and3A_1115] : memref<2x16x16x128xf32, #tpu.memory_space<vmem>>[vector<16xi32>, vector<16xi32>, vector<16xi32>, vector<16xi32>], vector<16xf32>,
      tpu.vector_store_idx %arg7[%iota3A, %broadcast_in_dim3A_1111], %gather3A_1118 : memref<16x512xf32, #tpu.memory_space<vmem>>[vector<16xi32>, vector<16xi32>], vector<16xf32>,
      %mul3A_1119 = arith.constant 16 : i32
      %mul3A_1120 = arith.muli %mul3A_701, %mul3A_1119 : i32
      %add3A_1121 = arith.constant 13 : i32
      %add3A_1122 = arith.addi %mul3A_1120, %add3A_1121 : i32
      %broadcast_in_dim3A_1123 = vector.broadcast %add3A_1122 : i32 to vector<16xi32>
      %gather3A_1124 = tpu.vector_load_idx %arg5[%broadcast_in_dim3A_1123] : memref<512xi32, #tpu.memory_space<vmem>>[vector<16xi32>], vector<16xi32>,
      %and3A_1125 = arith.constant 127 : i32
      %and3A_1126 = vector.broadcast %and3A_1125 : i32 to vector<16xi32>
      %and3A_1127 = arith.andi %gather3A_1124, %and3A_1126 : vector<16xi32>
      %broadcast_in_dim3A_1128 = arith.constant 13 : i32
      %broadcast_in_dim3A_1129 = vector.broadcast %broadcast_in_dim3A_1128 : i32 to vector<16xi32>
      %gather3A_1130 = tpu.vector_load_idx %arg6[%broadcast_in_dim3A_963, %broadcast_in_dim3A_1129, %iota3A, %and3A_1127] : memref<2x16x16x128xf32, #tpu.memory_space<vmem>>[vector<16xi32>, vector<16xi32>, vector<16xi32>, vector<16xi32>], vector<16xf32>,
      tpu.vector_store_idx %arg7[%iota3A, %broadcast_in_dim3A_1123], %gather3A_1130 : memref<16x512xf32, #tpu.memory_space<vmem>>[vector<16xi32>, vector<16xi32>], vector<16xf32>,
      %mul3A_1131 = arith.constant 16 : i32
      %mul3A_1132 = arith.muli %mul3A_701, %mul3A_1131 : i32
      %add3A_1133 = arith.constant 14 : i32
      %add3A_1134 = arith.addi %mul3A_1132, %add3A_1133 : i32
      %broadcast_in_dim3A_1135 = vector.broadcast %add3A_1134 : i32 to vector<16xi32>
      %gather3A_1136 = tpu.vector_load_idx %arg5[%broadcast_in_dim3A_1135] : memref<512xi32, #tpu.memory_space<vmem>>[vector<16xi32>], vector<16xi32>,
      %and3A_1137 = arith.constant 127 : i32
      %and3A_1138 = vector.broadcast %and3A_1137 : i32 to vector<16xi32>
      %and3A_1139 = arith.andi %gather3A_1136, %and3A_1138 : vector<16xi32>
      %broadcast_in_dim3A_1140 = arith.constant 14 : i32
      %broadcast_in_dim3A_1141 = vector.broadcast %broadcast_in_dim3A_1140 : i32 to vector<16xi32>
      %gather3A_1142 = tpu.vector_load_idx %arg6[%broadcast_in_dim3A_963, %broadcast_in_dim3A_1141, %iota3A, %and3A_1139] : memref<2x16x16x128xf32, #tpu.memory_space<vmem>>[vector<16xi32>, vector<16xi32>, vector<16xi32>, vector<16xi32>], vector<16xf32>,
      tpu.vector_store_idx %arg7[%iota3A, %broadcast_in_dim3A_1135], %gather3A_1142 : memref<16x512xf32, #tpu.memory_space<vmem>>[vector<16xi32>, vector<16xi32>], vector<16xf32>,
      %mul3A_1143 = arith.constant 16 : i32
      %mul3A_1144 = arith.muli %mul3A_701, %mul3A_1143 : i32
      %add3A_1145 = arith.constant 15 : i32
      %add3A_1146 = arith.addi %mul3A_1144, %add3A_1145 : i32
      %broadcast_in_dim3A_1147 = vector.broadcast %add3A_1146 : i32 to vector<16xi32>
      %gather3A_1148 = tpu.vector_load_idx %arg5[%broadcast_in_dim3A_1147] : memref<512xi32, #tpu.memory_space<vmem>>[vector<16xi32>], vector<16xi32>,
      %and3A_1149 = arith.constant 127 : i32
      %and3A_1150 = vector.broadcast %and3A_1149 : i32 to vector<16xi32>
      %and3A_1151 = arith.andi %gather3A_1148, %and3A_1150 : vector<16xi32>
      %broadcast_in_dim3A_1152 = arith.constant 15 : i32
      %broadcast_in_dim3A_1153 = vector.broadcast %broadcast_in_dim3A_1152 : i32 to vector<16xi32>
      %gather3A_1154 = tpu.vector_load_idx %arg6[%broadcast_in_dim3A_963, %broadcast_in_dim3A_1153, %iota3A, %and3A_1151] : memref<2x16x16x128xf32, #tpu.memory_space<vmem>>[vector<16xi32>, vector<16xi32>, vector<16xi32>, vector<16xi32>], vector<16xf32>,
      tpu.vector_store_idx %arg7[%iota3A, %broadcast_in_dim3A_1147], %gather3A_1154 : memref<16x512xf32, #tpu.memory_space<vmem>>[vector<16xi32>, vector<16xi32>], vector<16xf32>,
      %mul3A_1155 = arith.constant 2 : i32
      %mul3A_1156 = arith.muli %mul3A_1155, %scan3A_699 : i32
      %add3A_1157 = arith.constant 1 : i32
      %add3A_1158 = arith.addi %mul3A_1156, %add3A_1157 : i32
      %add3A_1159 = arith.constant 1 : i32
      %add3A_1160 = arith.addi %add3A_1158, %add3A_1159 : i32
      %lt3A_1161 = arith.constant 32 : i32
      %lt3A_1162 = arith.cmpi slt, %add3A_1160, %lt3A_1161 : i32
      %convert_element_type3A_1163 = arith.extui %lt3A_1162 : i1 to i32
      %cond3A_1164 = arith.constant 0 : i32
      %cond3A_1165 = arith.cmpi ne, %convert_element_type3A_1163, %cond3A_1164 : i32
      scf.if %cond3A_1165 {
        %add3A_1616 = arith.constant 1 : i32
        %add3A_1617 = arith.addi %add3A_1158, %add3A_1616 : i32
        %mul3A_1618 = arith.constant 16 : i32
        %mul3A_1619 = arith.muli %add3A_1617, %mul3A_1618 : i32
        %get3A_1620 = arith.index_cast %mul3A_1619 : i32 to index
        %get3A_1621 = tpu.vector_load %arg5[%get3A_1620] {strides = array<i32>} : memref<512xi32, #tpu.memory_space<vmem>>, vector<16xi32>,
        %and3A_1622 = arith.constant -128 : i32
        %and3A_1623 = vector.broadcast %and3A_1622 : i32 to vector<16xi32>
        %and3A_1624 = arith.andi %get3A_1621, %and3A_1623 : vector<16xi32>
        %eq3A_1625 = arith.constant 0 : i32
        %eq3A_1626 = vector.broadcast %eq3A_1625 : i32 to vector<16xi32>
        %eq3A_1627 = arith.cmpi eq, %iota3A, %eq3A_1626 : vector<16xi32>
        %jit3A_1628 = arith.constant 0 : i32
        %broadcast_in_dim3A_1629 = vector.broadcast %jit3A_1628 : i32 to vector<16xi32>
        %select_n3A_1630 = arith.select %eq3A_1627, %and3A_1624, %broadcast_in_dim3A_1629 : vector<16xi1>, vector<16xi32>
        %reduce_max3A_1631 = arith.constant true
        %reduce_max3A_1632 = vector.broadcast %reduce_max3A_1631 : i1 to vector<16xi1>
        %reduce_max3A_1633 = arith.constant -2147483648 : i32
        %reduce_max3A_1634 = vector.broadcast %reduce_max3A_1633 : i32 to vector<16xi32>
        %reduce_max3A_1635 = arith.xori %select_n3A_1630, %reduce_max3A_1634 : vector<16xi32>
        %reduce_max3A_1636 = tpu.scan <max>, %reduce_max3A_1635 masked %reduce_max3A_1632 : vector<16xi32>, vector<16xi1> -> vector<16xi32>
        %reduce_max3A_1637 = arith.xori %reduce_max3A_1636, %reduce_max3A_1634 : vector<16xi32>
        %reduce_max3A_1638 = vector.extract %reduce_max3A_1637[15] : i32 from vector<16xi32>
        %multiple_of3A_1639 = tpu.assume_multiple %reduce_max3A_1638, 128 : i32
        %dma_start3A_1640 = arith.constant 0 : i32
        %dma_start3A_1641 = arith.constant 0 : i32
        %dma_start3A_1642 = arith.constant 0 : i32
        %dma_start3A_1643 = arith.constant 0 : i32
        %dma_start3A_1644 = tpu.memref_slice %arg6[%dma_start3A_1640, %dma_start3A_1641, %dma_start3A_1642, %dma_start3A_1643] : memref<2x16x16x128xf32, #tpu.memory_space<vmem>> -> memref<1x1x8x128xf32, #tpu.memory_space<vmem>>
        %dma_start3A_1645 = tpu.memref_squeeze %dma_start3A_1644 : memref<1x1x8x128xf32, #tpu.memory_space<vmem>> -> memref<8x128xf32, #tpu.memory_space<vmem>>
        %dma_start3A_1646 = arith.constant 0 : i32
        %dma_start3A_1647 = tpu.memref_slice %arg3[%dma_start3A_1646, %multiple_of3A_1639] : memref<16x1000000xf32, #tpu.memory_space<hbm>> -> memref<8x128xf32, #tpu.memory_space<hbm>>
        %dma_start3A_1648 = arith.constant 0 : i32
        %dma_start3A_1649 = arith.constant 0 : i32
        %dma_start3A_1650 = tpu.memref_slice %arg6[%dma_start3A_1640, %dma_start3A_1641, %dma_start3A_1648, %dma_start3A_1649] : memref<2x16x16x128xf32, #tpu.memory_space<vmem>> -> memref<1x1x8x128xf32, #tpu.memory_space<vmem>>
        %dma_start3A_1651 = tpu.memref_squeeze %dma_start3A_1650 : memref<1x1x8x128xf32, #tpu.memory_space<vmem>> -> memref<8x128xf32, #tpu.memory_space<vmem>>
        %dma_start3A_1652 = arith.constant 0 : i32
        %dma_start3A_1653 = tpu.memref_slice %arg3[%dma_start3A_1652, %multiple_of3A_1639] : memref<16x1000000xf32, #tpu.memory_space<hbm>> -> memref<8x128xf32, #tpu.memory_space<hbm>>
        tpu.enqueue_dma source(%dma_start3A_1653 : memref<8x128xf32, #tpu.memory_space<hbm>>) target(%dma_start3A_1651 : memref<8x128xf32, #tpu.memory_space<vmem>>) target_semaphore(%arg8 : memref<!tpu.dma_semaphore, #tpu.memory_space<semaphore_mem>>)
        %dma_start3A_1654 = arith.constant 0 : i32
        %dma_start3A_1655 = arith.constant 0 : i32
        %dma_start3A_1656 = arith.constant 8 : i32
        %dma_start3A_1657 = arith.constant 0 : i32
        %dma_start3A_1658 = tpu.memref_slice %arg6[%dma_start3A_1654, %dma_start3A_1655, %dma_start3A_1656, %dma_start3A_1657] : memref<2x16x16x128xf32, #tpu.memory_space<vmem>> -> memref<1x1x8x128xf32, #tpu.memory_space<vmem>>
        %dma_start3A_1659 = tpu.memref_squeeze %dma_start3A_1658 : memref<1x1x8x128xf32, #tpu.memory_space<vmem>> -> memref<8x128xf32, #tpu.memory_space<vmem>>
        %dma_start3A_1660 = arith.constant 8 : i32
        %dma_start3A_1661 = tpu.memref_slice %arg3[%dma_start3A_1660, %multiple_of3A_1639] : memref<16x1000000xf32, #tpu.memory_space<hbm>> -> memref<8x128xf32, #tpu.memory_space<hbm>>
        %dma_start3A_1662 = arith.constant 8 : i32
        %dma_start3A_1663 = arith.constant 0 : i32
        %dma_start3A_1664 = tpu.memref_slice %arg6[%dma_start3A_1654, %dma_start3A_1655, %dma_start3A_1662, %dma_start3A_1663] : memref<2x16x16x128xf32, #tpu.memory_space<vmem>> -> memref<1x1x8x128xf32, #tpu.memory_space<vmem>>
        %dma_start3A_1665 = tpu.memref_squeeze %dma_start3A_1664 : memref<1x1x8x128xf32, #tpu.memory_space<vmem>> -> memref<8x128xf32, #tpu.memory_space<vmem>>
        %dma_start3A_1666 = arith.constant 8 : i32
        %dma_start3A_1667 = tpu.memref_slice %arg3[%dma_start3A_1666, %multiple_of3A_1639] : memref<16x1000000xf32, #tpu.memory_space<hbm>> -> memref<8x128xf32, #tpu.memory_space<hbm>>
        tpu.enqueue_dma source(%dma_start3A_1667 : memref<8x128xf32, #tpu.memory_space<hbm>>) target(%dma_start3A_1665 : memref<8x128xf32, #tpu.memory_space<vmem>>) target_semaphore(%arg8 : memref<!tpu.dma_semaphore, #tpu.memory_space<semaphore_mem>>)
        %eq3A_1668 = arith.constant 1 : i32
        %eq3A_1669 = vector.broadcast %eq3A_1668 : i32 to vector<16xi32>
        %eq3A_1670 = arith.cmpi eq, %iota3A, %eq3A_1669 : vector<16xi32>
        %jit3A_1671 = arith.constant 0 : i32
        %broadcast_in_dim3A_1672 = vector.broadcast %jit3A_1671 : i32 to vector<16xi32>
        %select_n3A_1673 = arith.select %eq3A_1670, %and3A_1624, %broadcast_in_dim3A_1672 : vector<16xi1>, vector<16xi32>
        %reduce_max3A_1674 = arith.constant true
        %reduce_max3A_1675 = vector.broadcast %reduce_max3A_1674 : i1 to vector<16xi1>
        %reduce_max3A_1676 = arith.constant -2147483648 : i32
        %reduce_max3A_1677 = vector.broadcast %reduce_max3A_1676 : i32 to vector<16xi32>
        %reduce_max3A_1678 = arith.xori %select_n3A_1673, %reduce_max3A_1677 : vector<16xi32>
        %reduce_max3A_1679 = tpu.scan <max>, %reduce_max3A_1678 masked %reduce_max3A_1675 : vector<16xi32>, vector<16xi1> -> vector<16xi32>
        %reduce_max3A_1680 = arith.xori %reduce_max3A_1679, %reduce_max3A_1677 : vector<16xi32>
        %reduce_max3A_1681 = vector.extract %reduce_max3A_1680[15] : i32 from vector<16xi32>
        %multiple_of3A_1682 = tpu.assume_multiple %reduce_max3A_1681, 128 : i32
        %dma_start3A_1683 = arith.constant 0 : i32
        %dma_start3A_1684 = arith.constant 1 : i32
        %dma_start3A_1685 = arith.constant 0 : i32
        %dma_start3A_1686 = arith.constant 0 : i32
        %dma_start3A_1687 = tpu.memref_slice %arg6[%dma_start3A_1683, %dma_start3A_1684, %dma_start3A_1685, %dma_start3A_1686] : memref<2x16x16x128xf32, #tpu.memory_space<vmem>> -> memref<1x1x8x128xf32, #tpu.memory_space<vmem>>
        %dma_start3A_1688 = tpu.memref_squeeze %dma_start3A_1687 : memref<1x1x8x128xf32, #tpu.memory_space<vmem>> -> memref<8x128xf32, #tpu.memory_space<vmem>>
        %dma_start3A_1689 = arith.constant 0 : i32
        %dma_start3A_1690 = tpu.memref_slice %arg3[%dma_start3A_1689, %multiple_of3A_1682] : memref<16x1000000xf32, #tpu.memory_space<hbm>> -> memref<8x128xf32, #tpu.memory_space<hbm>>
        %dma_start3A_1691 = arith.constant 0 : i32
        %dma_start3A_1692 = arith.constant 0 : i32
        %dma_start3A_1693 = tpu.memref_slice %arg6[%dma_start3A_1683, %dma_start3A_1684, %dma_start3A_1691, %dma_start3A_1692] : memref<2x16x16x128xf32, #tpu.memory_space<vmem>> -> memref<1x1x8x128xf32, #tpu.memory_space<vmem>>
        %dma_start3A_1694 = tpu.memref_squeeze %dma_start3A_1693 : memref<1x1x8x128xf32, #tpu.memory_space<vmem>> -> memref<8x128xf32, #tpu.memory_space<vmem>>
        %dma_start3A_1695 = arith.constant 0 : i32
        %dma_start3A_1696 = tpu.memref_slice %arg3[%dma_start3A_1695, %multiple_of3A_1682] : memref<16x1000000xf32, #tpu.memory_space<hbm>> -> memref<8x128xf32, #tpu.memory_space<hbm>>
        tpu.enqueue_dma source(%dma_start3A_1696 : memref<8x128xf32, #tpu.memory_space<hbm>>) target(%dma_start3A_1694 : memref<8x128xf32, #tpu.memory_space<vmem>>) target_semaphore(%arg8 : memref<!tpu.dma_semaphore, #tpu.memory_space<semaphore_mem>>)
        %dma_start3A_1697 = arith.constant 0 : i32
        %dma_start3A_1698 = arith.constant 1 : i32
        %dma_start3A_1699 = arith.constant 8 : i32
        %dma_start3A_1700 = arith.constant 0 : i32
        %dma_start3A_1701 = tpu.memref_slice %arg6[%dma_start3A_1697, %dma_start3A_1698, %dma_start3A_1699, %dma_start3A_1700] : memref<2x16x16x128xf32, #tpu.memory_space<vmem>> -> memref<1x1x8x128xf32, #tpu.memory_space<vmem>>
        %dma_start3A_1702 = tpu.memref_squeeze %dma_start3A_1701 : memref<1x1x8x128xf32, #tpu.memory_space<vmem>> -> memref<8x128xf32, #tpu.memory_space<vmem>>
        %dma_start3A_1703 = arith.constant 8 : i32
        %dma_start3A_1704 = tpu.memref_slice %arg3[%dma_start3A_1703, %multiple_of3A_1682] : memref<16x1000000xf32, #tpu.memory_space<hbm>> -> memref<8x128xf32, #tpu.memory_space<hbm>>
        %dma_start3A_1705 = arith.constant 8 : i32
        %dma_start3A_1706 = arith.constant 0 : i32
        %dma_start3A_1707 = tpu.memref_slice %arg6[%dma_start3A_1697, %dma_start3A_1698, %dma_start3A_1705, %dma_start3A_1706] : memref<2x16x16x128xf32, #tpu.memory_space<vmem>> -> memref<1x1x8x128xf32, #tpu.memory_space<vmem>>
        %dma_start3A_1708 = tpu.memref_squeeze %dma_start3A_1707 : memref<1x1x8x128xf32, #tpu.memory_space<vmem>> -> memref<8x128xf32, #tpu.memory_space<vmem>>
        %dma_start3A_1709 = arith.constant 8 : i32
        %dma_start3A_1710 = tpu.memref_slice %arg3[%dma_start3A_1709, %multiple_of3A_1682] : memref<16x1000000xf32, #tpu.memory_space<hbm>> -> memref<8x128xf32, #tpu.memory_space<hbm>>
        tpu.enqueue_dma source(%dma_start3A_1710 : memref<8x128xf32, #tpu.memory_space<hbm>>) target(%dma_start3A_1708 : memref<8x128xf32, #tpu.memory_space<vmem>>) target_semaphore(%arg8 : memref<!tpu.dma_semaphore, #tpu.memory_space<semaphore_mem>>)
        %eq3A_1711 = arith.constant 2 : i32
        %eq3A_1712 = vector.broadcast %eq3A_1711 : i32 to vector<16xi32>
        %eq3A_1713 = arith.cmpi eq, %iota3A, %eq3A_1712 : vector<16xi32>
        %jit3A_1714 = arith.constant 0 : i32
        %broadcast_in_dim3A_1715 = vector.broadcast %jit3A_1714 : i32 to vector<16xi32>
        %select_n3A_1716 = arith.select %eq3A_1713, %and3A_1624, %broadcast_in_dim3A_1715 : vector<16xi1>, vector<16xi32>
        %reduce_max3A_1717 = arith.constant true
        %reduce_max3A_1718 = vector.broadcast %reduce_max3A_1717 : i1 to vector<16xi1>
        %reduce_max3A_1719 = arith.constant -2147483648 : i32
        %reduce_max3A_1720 = vector.broadcast %reduce_max3A_1719 : i32 to vector<16xi32>
        %reduce_max3A_1721 = arith.xori %select_n3A_1716, %reduce_max3A_1720 : vector<16xi32>
        %reduce_max3A_1722 = tpu.scan <max>, %reduce_max3A_1721 masked %reduce_max3A_1718 : vector<16xi32>, vector<16xi1> -> vector<16xi32>
        %reduce_max3A_1723 = arith.xori %reduce_max3A_1722, %reduce_max3A_1720 : vector<16xi32>
        %reduce_max3A_1724 = vector.extract %reduce_max3A_1723[15] : i32 from vector<16xi32>
        %multiple_of3A_1725 = tpu.assume_multiple %reduce_max3A_1724, 128 : i32
        %dma_start3A_1726 = arith.constant 0 : i32
        %dma_start3A_1727 = arith.constant 2 : i32
        %dma_start3A_1728 = arith.constant 0 : i32
        %dma_start3A_1729 = arith.constant 0 : i32
        %dma_start3A_1730 = tpu.memref_slice %arg6[%dma_start3A_1726, %dma_start3A_1727, %dma_start3A_1728, %dma_start3A_1729] : memref<2x16x16x128xf32, #tpu.memory_space<vmem>> -> memref<1x1x8x128xf32, #tpu.memory_space<vmem>>
        %dma_start3A_1731 = tpu.memref_squeeze %dma_start3A_1730 : memref<1x1x8x128xf32, #tpu.memory_space<vmem>> -> memref<8x128xf32, #tpu.memory_space<vmem>>
        %dma_start3A_1732 = arith.constant 0 : i32
        %dma_start3A_1733 = tpu.memref_slice %arg3[%dma_start3A_1732, %multiple_of3A_1725] : memref<16x1000000xf32, #tpu.memory_space<hbm>> -> memref<8x128xf32, #tpu.memory_space<hbm>>
        %dma_start3A_1734 = arith.constant 0 : i32
        %dma_start3A_1735 = arith.constant 0 : i32
        %dma_start3A_1736 = tpu.memref_slice %arg6[%dma_start3A_1726, %dma_start3A_1727, %dma_start3A_1734, %dma_start3A_1735] : memref<2x16x16x128xf32, #tpu.memory_space<vmem>> -> memref<1x1x8x128xf32, #tpu.memory_space<vmem>>
        %dma_start3A_1737 = tpu.memref_squeeze %dma_start3A_1736 : memref<1x1x8x128xf32, #tpu.memory_space<vmem>> -> memref<8x128xf32, #tpu.memory_space<vmem>>
        %dma_start3A_1738 = arith.constant 0 : i32
        %dma_start3A_1739 = tpu.memref_slice %arg3[%dma_start3A_1738, %multiple_of3A_1725] : memref<16x1000000xf32, #tpu.memory_space<hbm>> -> memref<8x128xf32, #tpu.memory_space<hbm>>
        tpu.enqueue_dma source(%dma_start3A_1739 : memref<8x128xf32, #tpu.memory_space<hbm>>) target(%dma_start3A_1737 : memref<8x128xf32, #tpu.memory_space<vmem>>) target_semaphore(%arg8 : memref<!tpu.dma_semaphore, #tpu.memory_space<semaphore_mem>>)
        %dma_start3A_1740 = arith.constant 0 : i32
        %dma_start3A_1741 = arith.constant 2 : i32
        %dma_start3A_1742 = arith.constant 8 : i32
        %dma_start3A_1743 = arith.constant 0 : i32
        %dma_start3A_1744 = tpu.memref_slice %arg6[%dma_start3A_1740, %dma_start3A_1741, %dma_start3A_1742, %dma_start3A_1743] : memref<2x16x16x128xf32, #tpu.memory_space<vmem>> -> memref<1x1x8x128xf32, #tpu.memory_space<vmem>>
        %dma_start3A_1745 = tpu.memref_squeeze %dma_start3A_1744 : memref<1x1x8x128xf32, #tpu.memory_space<vmem>> -> memref<8x128xf32, #tpu.memory_space<vmem>>
        %dma_start3A_1746 = arith.constant 8 : i32
        %dma_start3A_1747 = tpu.memref_slice %arg3[%dma_start3A_1746, %multiple_of3A_1725] : memref<16x1000000xf32, #tpu.memory_space<hbm>> -> memref<8x128xf32, #tpu.memory_space<hbm>>
        %dma_start3A_1748 = arith.constant 8 : i32
        %dma_start3A_1749 = arith.constant 0 : i32
        %dma_start3A_1750 = tpu.memref_slice %arg6[%dma_start3A_1740, %dma_start3A_1741, %dma_start3A_1748, %dma_start3A_1749] : memref<2x16x16x128xf32, #tpu.memory_space<vmem>> -> memref<1x1x8x128xf32, #tpu.memory_space<vmem>>
        %dma_start3A_1751 = tpu.memref_squeeze %dma_start3A_1750 : memref<1x1x8x128xf32, #tpu.memory_space<vmem>> -> memref<8x128xf32, #tpu.memory_space<vmem>>
        %dma_start3A_1752 = arith.constant 8 : i32
        %dma_start3A_1753 = tpu.memref_slice %arg3[%dma_start3A_1752, %multiple_of3A_1725] : memref<16x1000000xf32, #tpu.memory_space<hbm>> -> memref<8x128xf32, #tpu.memory_space<hbm>>
        tpu.enqueue_dma source(%dma_start3A_1753 : memref<8x128xf32, #tpu.memory_space<hbm>>) target(%dma_start3A_1751 : memref<8x128xf32, #tpu.memory_space<vmem>>) target_semaphore(%arg8 : memref<!tpu.dma_semaphore, #tpu.memory_space<semaphore_mem>>)
        %eq3A_1754 = arith.constant 3 : i32
        %eq3A_1755 = vector.broadcast %eq3A_1754 : i32 to vector<16xi32>
        %eq3A_1756 = arith.cmpi eq, %iota3A, %eq3A_1755 : vector<16xi32>
        %jit3A_1757 = arith.constant 0 : i32
        %broadcast_in_dim3A_1758 = vector.broadcast %jit3A_1757 : i32 to vector<16xi32>
        %select_n3A_1759 = arith.select %eq3A_1756, %and3A_1624, %broadcast_in_dim3A_1758 : vector<16xi1>, vector<16xi32>
        %reduce_max3A_1760 = arith.constant true
        %reduce_max3A_1761 = vector.broadcast %reduce_max3A_1760 : i1 to vector<16xi1>
        %reduce_max3A_1762 = arith.constant -2147483648 : i32
        %reduce_max3A_1763 = vector.broadcast %reduce_max3A_1762 : i32 to vector<16xi32>
        %reduce_max3A_1764 = arith.xori %select_n3A_1759, %reduce_max3A_1763 : vector<16xi32>
        %reduce_max3A_1765 = tpu.scan <max>, %reduce_max3A_1764 masked %reduce_max3A_1761 : vector<16xi32>, vector<16xi1> -> vector<16xi32>
        %reduce_max3A_1766 = arith.xori %reduce_max3A_1765, %reduce_max3A_1763 : vector<16xi32>
        %reduce_max3A_1767 = vector.extract %reduce_max3A_1766[15] : i32 from vector<16xi32>
        %multiple_of3A_1768 = tpu.assume_multiple %reduce_max3A_1767, 128 : i32
        %dma_start3A_1769 = arith.constant 0 : i32
        %dma_start3A_1770 = arith.constant 3 : i32
        %dma_start3A_1771 = arith.constant 0 : i32
        %dma_start3A_1772 = arith.constant 0 : i32
        %dma_start3A_1773 = tpu.memref_slice %arg6[%dma_start3A_1769, %dma_start3A_1770, %dma_start3A_1771, %dma_start3A_1772] : memref<2x16x16x128xf32, #tpu.memory_space<vmem>> -> memref<1x1x8x128xf32, #tpu.memory_space<vmem>>
        %dma_start3A_1774 = tpu.memref_squeeze %dma_start3A_1773 : memref<1x1x8x128xf32, #tpu.memory_space<vmem>> -> memref<8x128xf32, #tpu.memory_space<vmem>>
        %dma_start3A_1775 = arith.constant 0 : i32
        %dma_start3A_1776 = tpu.memref_slice %arg3[%dma_start3A_1775, %multiple_of3A_1768] : memref<16x1000000xf32, #tpu.memory_space<hbm>> -> memref<8x128xf32, #tpu.memory_space<hbm>>
        %dma_start3A_1777 = arith.constant 0 : i32
        %dma_start3A_1778 = arith.constant 0 : i32
        %dma_start3A_1779 = tpu.memref_slice %arg6[%dma_start3A_1769, %dma_start3A_1770, %dma_start3A_1777, %dma_start3A_1778] : memref<2x16x16x128xf32, #tpu.memory_space<vmem>> -> memref<1x1x8x128xf32, #tpu.memory_space<vmem>>
        %dma_start3A_1780 = tpu.memref_squeeze %dma_start3A_1779 : memref<1x1x8x128xf32, #tpu.memory_space<vmem>> -> memref<8x128xf32, #tpu.memory_space<vmem>>
        %dma_start3A_1781 = arith.constant 0 : i32
        %dma_start3A_1782 = tpu.memref_slice %arg3[%dma_start3A_1781, %multiple_of3A_1768] : memref<16x1000000xf32, #tpu.memory_space<hbm>> -> memref<8x128xf32, #tpu.memory_space<hbm>>
        tpu.enqueue_dma source(%dma_start3A_1782 : memref<8x128xf32, #tpu.memory_space<hbm>>) target(%dma_start3A_1780 : memref<8x128xf32, #tpu.memory_space<vmem>>) target_semaphore(%arg8 : memref<!tpu.dma_semaphore, #tpu.memory_space<semaphore_mem>>)
        %dma_start3A_1783 = arith.constant 0 : i32
        %dma_start3A_1784 = arith.constant 3 : i32
        %dma_start3A_1785 = arith.constant 8 : i32
        %dma_start3A_1786 = arith.constant 0 : i32
        %dma_start3A_1787 = tpu.memref_slice %arg6[%dma_start3A_1783, %dma_start3A_1784, %dma_start3A_1785, %dma_start3A_1786] : memref<2x16x16x128xf32, #tpu.memory_space<vmem>> -> memref<1x1x8x128xf32, #tpu.memory_space<vmem>>
        %dma_start3A_1788 = tpu.memref_squeeze %dma_start3A_1787 : memref<1x1x8x128xf32, #tpu.memory_space<vmem>> -> memref<8x128xf32, #tpu.memory_space<vmem>>
        %dma_start3A_1789 = arith.constant 8 : i32
        %dma_start3A_1790 = tpu.memref_slice %arg3[%dma_start3A_1789, %multiple_of3A_1768] : memref<16x1000000xf32, #tpu.memory_space<hbm>> -> memref<8x128xf32, #tpu.memory_space<hbm>>
        %dma_start3A_1791 = arith.constant 8 : i32
        %dma_start3A_1792 = arith.constant 0 : i32
        %dma_start3A_1793 = tpu.memref_slice %arg6[%dma_start3A_1783, %dma_start3A_1784, %dma_start3A_1791, %dma_start3A_1792] : memref<2x16x16x128xf32, #tpu.memory_space<vmem>> -> memref<1x1x8x128xf32, #tpu.memory_space<vmem>>
        %dma_start3A_1794 = tpu.memref_squeeze %dma_start3A_1793 : memref<1x1x8x128xf32, #tpu.memory_space<vmem>> -> memref<8x128xf32, #tpu.memory_space<vmem>>
        %dma_start3A_1795 = arith.constant 8 : i32
        %dma_start3A_1796 = tpu.memref_slice %arg3[%dma_start3A_1795, %multiple_of3A_1768] : memref<16x1000000xf32, #tpu.memory_space<hbm>> -> memref<8x128xf32, #tpu.memory_space<hbm>>
        tpu.enqueue_dma source(%dma_start3A_1796 : memref<8x128xf32, #tpu.memory_space<hbm>>) target(%dma_start3A_1794 : memref<8x128xf32, #tpu.memory_space<vmem>>) target_semaphore(%arg8 : memref<!tpu.dma_semaphore, #tpu.memory_space<semaphore_mem>>)
        %eq3A_1797 = arith.constant 4 : i32
        %eq3A_1798 = vector.broadcast %eq3A_1797 : i32 to vector<16xi32>
        %eq3A_1799 = arith.cmpi eq, %iota3A, %eq3A_1798 : vector<16xi32>
        %jit3A_1800 = arith.constant 0 : i32
        %broadcast_in_dim3A_1801 = vector.broadcast %jit3A_1800 : i32 to vector<16xi32>
        %select_n3A_1802 = arith.select %eq3A_1799, %and3A_1624, %broadcast_in_dim3A_1801 : vector<16xi1>, vector<16xi32>
        %reduce_max3A_1803 = arith.constant true
        %reduce_max3A_1804 = vector.broadcast %reduce_max3A_1803 : i1 to vector<16xi1>
        %reduce_max3A_1805 = arith.constant -2147483648 : i32
        %reduce_max3A_1806 = vector.broadcast %reduce_max3A_1805 : i32 to vector<16xi32>
        %reduce_max3A_1807 = arith.xori %select_n3A_1802, %reduce_max3A_1806 : vector<16xi32>
        %reduce_max3A_1808 = tpu.scan <max>, %reduce_max3A_1807 masked %reduce_max3A_1804 : vector<16xi32>, vector<16xi1> -> vector<16xi32>
        %reduce_max3A_1809 = arith.xori %reduce_max3A_1808, %reduce_max3A_1806 : vector<16xi32>
        %reduce_max3A_1810 = vector.extract %reduce_max3A_1809[15] : i32 from vector<16xi32>
        %multiple_of3A_1811 = tpu.assume_multiple %reduce_max3A_1810, 128 : i32
        %dma_start3A_1812 = arith.constant 0 : i32
        %dma_start3A_1813 = arith.constant 4 : i32
        %dma_start3A_1814 = arith.constant 0 : i32
        %dma_start3A_1815 = arith.constant 0 : i32
        %dma_start3A_1816 = tpu.memref_slice %arg6[%dma_start3A_1812, %dma_start3A_1813, %dma_start3A_1814, %dma_start3A_1815] : memref<2x16x16x128xf32, #tpu.memory_space<vmem>> -> memref<1x1x8x128xf32, #tpu.memory_space<vmem>>
        %dma_start3A_1817 = tpu.memref_squeeze %dma_start3A_1816 : memref<1x1x8x128xf32, #tpu.memory_space<vmem>> -> memref<8x128xf32, #tpu.memory_space<vmem>>
        %dma_start3A_1818 = arith.constant 0 : i32
        %dma_start3A_1819 = tpu.memref_slice %arg3[%dma_start3A_1818, %multiple_of3A_1811] : memref<16x1000000xf32, #tpu.memory_space<hbm>> -> memref<8x128xf32, #tpu.memory_space<hbm>>
        %dma_start3A_1820 = arith.constant 0 : i32
        %dma_start3A_1821 = arith.constant 0 : i32
        %dma_start3A_1822 = tpu.memref_slice %arg6[%dma_start3A_1812, %dma_start3A_1813, %dma_start3A_1820, %dma_start3A_1821] : memref<2x16x16x128xf32, #tpu.memory_space<vmem>> -> memref<1x1x8x128xf32, #tpu.memory_space<vmem>>
        %dma_start3A_1823 = tpu.memref_squeeze %dma_start3A_1822 : memref<1x1x8x128xf32, #tpu.memory_space<vmem>> -> memref<8x128xf32, #tpu.memory_space<vmem>>
        %dma_start3A_1824 = arith.constant 0 : i32
        %dma_start3A_1825 = tpu.memref_slice %arg3[%dma_start3A_1824, %multiple_of3A_1811] : memref<16x1000000xf32, #tpu.memory_space<hbm>> -> memref<8x128xf32, #tpu.memory_space<hbm>>
        tpu.enqueue_dma source(%dma_start3A_1825 : memref<8x128xf32, #tpu.memory_space<hbm>>) target(%dma_start3A_1823 : memref<8x128xf32, #tpu.memory_space<vmem>>) target_semaphore(%arg8 : memref<!tpu.dma_semaphore, #tpu.memory_space<semaphore_mem>>)
        %dma_start3A_1826 = arith.constant 0 : i32
        %dma_start3A_1827 = arith.constant 4 : i32
        %dma_start3A_1828 = arith.constant 8 : i32
        %dma_start3A_1829 = arith.constant 0 : i32
        %dma_start3A_1830 = tpu.memref_slice %arg6[%dma_start3A_1826, %dma_start3A_1827, %dma_start3A_1828, %dma_start3A_1829] : memref<2x16x16x128xf32, #tpu.memory_space<vmem>> -> memref<1x1x8x128xf32, #tpu.memory_space<vmem>>
        %dma_start3A_1831 = tpu.memref_squeeze %dma_start3A_1830 : memref<1x1x8x128xf32, #tpu.memory_space<vmem>> -> memref<8x128xf32, #tpu.memory_space<vmem>>
        %dma_start3A_1832 = arith.constant 8 : i32
        %dma_start3A_1833 = tpu.memref_slice %arg3[%dma_start3A_1832, %multiple_of3A_1811] : memref<16x1000000xf32, #tpu.memory_space<hbm>> -> memref<8x128xf32, #tpu.memory_space<hbm>>
        %dma_start3A_1834 = arith.constant 8 : i32
        %dma_start3A_1835 = arith.constant 0 : i32
        %dma_start3A_1836 = tpu.memref_slice %arg6[%dma_start3A_1826, %dma_start3A_1827, %dma_start3A_1834, %dma_start3A_1835] : memref<2x16x16x128xf32, #tpu.memory_space<vmem>> -> memref<1x1x8x128xf32, #tpu.memory_space<vmem>>
        %dma_start3A_1837 = tpu.memref_squeeze %dma_start3A_1836 : memref<1x1x8x128xf32, #tpu.memory_space<vmem>> -> memref<8x128xf32, #tpu.memory_space<vmem>>
        %dma_start3A_1838 = arith.constant 8 : i32
        %dma_start3A_1839 = tpu.memref_slice %arg3[%dma_start3A_1838, %multiple_of3A_1811] : memref<16x1000000xf32, #tpu.memory_space<hbm>> -> memref<8x128xf32, #tpu.memory_space<hbm>>
        tpu.enqueue_dma source(%dma_start3A_1839 : memref<8x128xf32, #tpu.memory_space<hbm>>) target(%dma_start3A_1837 : memref<8x128xf32, #tpu.memory_space<vmem>>) target_semaphore(%arg8 : memref<!tpu.dma_semaphore, #tpu.memory_space<semaphore_mem>>)
        %eq3A_1840 = arith.constant 5 : i32
        %eq3A_1841 = vector.broadcast %eq3A_1840 : i32 to vector<16xi32>
        %eq3A_1842 = arith.cmpi eq, %iota3A, %eq3A_1841 : vector<16xi32>
        %jit3A_1843 = arith.constant 0 : i32
        %broadcast_in_dim3A_1844 = vector.broadcast %jit3A_1843 : i32 to vector<16xi32>
        %select_n3A_1845 = arith.select %eq3A_1842, %and3A_1624, %broadcast_in_dim3A_1844 : vector<16xi1>, vector<16xi32>
        %reduce_max3A_1846 = arith.constant true
        %reduce_max3A_1847 = vector.broadcast %reduce_max3A_1846 : i1 to vector<16xi1>
        %reduce_max3A_1848 = arith.constant -2147483648 : i32
        %reduce_max3A_1849 = vector.broadcast %reduce_max3A_1848 : i32 to vector<16xi32>
        %reduce_max3A_1850 = arith.xori %select_n3A_1845, %reduce_max3A_1849 : vector<16xi32>
        %reduce_max3A_1851 = tpu.scan <max>, %reduce_max3A_1850 masked %reduce_max3A_1847 : vector<16xi32>, vector<16xi1> -> vector<16xi32>
        %reduce_max3A_1852 = arith.xori %reduce_max3A_1851, %reduce_max3A_1849 : vector<16xi32>
        %reduce_max3A_1853 = vector.extract %reduce_max3A_1852[15] : i32 from vector<16xi32>
        %multiple_of3A_1854 = tpu.assume_multiple %reduce_max3A_1853, 128 : i32
        %dma_start3A_1855 = arith.constant 0 : i32
        %dma_start3A_1856 = arith.constant 5 : i32
        %dma_start3A_1857 = arith.constant 0 : i32
        %dma_start3A_1858 = arith.constant 0 : i32
        %dma_start3A_1859 = tpu.memref_slice %arg6[%dma_start3A_1855, %dma_start3A_1856, %dma_start3A_1857, %dma_start3A_1858] : memref<2x16x16x128xf32, #tpu.memory_space<vmem>> -> memref<1x1x8x128xf32, #tpu.memory_space<vmem>>
        %dma_start3A_1860 = tpu.memref_squeeze %dma_start3A_1859 : memref<1x1x8x128xf32, #tpu.memory_space<vmem>> -> memref<8x128xf32, #tpu.memory_space<vmem>>
        %dma_start3A_1861 = arith.constant 0 : i32
        %dma_start3A_1862 = tpu.memref_slice %arg3[%dma_start3A_1861, %multiple_of3A_1854] : memref<16x1000000xf32, #tpu.memory_space<hbm>> -> memref<8x128xf32, #tpu.memory_space<hbm>>
        %dma_start3A_1863 = arith.constant 0 : i32
        %dma_start3A_1864 = arith.constant 0 : i32
        %dma_start3A_1865 = tpu.memref_slice %arg6[%dma_start3A_1855, %dma_start3A_1856, %dma_start3A_1863, %dma_start3A_1864] : memref<2x16x16x128xf32, #tpu.memory_space<vmem>> -> memref<1x1x8x128xf32, #tpu.memory_space<vmem>>
        %dma_start3A_1866 = tpu.memref_squeeze %dma_start3A_1865 : memref<1x1x8x128xf32, #tpu.memory_space<vmem>> -> memref<8x128xf32, #tpu.memory_space<vmem>>
        %dma_start3A_1867 = arith.constant 0 : i32
        %dma_start3A_1868 = tpu.memref_slice %arg3[%dma_start3A_1867, %multiple_of3A_1854] : memref<16x1000000xf32, #tpu.memory_space<hbm>> -> memref<8x128xf32, #tpu.memory_space<hbm>>
        tpu.enqueue_dma source(%dma_start3A_1868 : memref<8x128xf32, #tpu.memory_space<hbm>>) target(%dma_start3A_1866 : memref<8x128xf32, #tpu.memory_space<vmem>>) target_semaphore(%arg8 : memref<!tpu.dma_semaphore, #tpu.memory_space<semaphore_mem>>)
        %dma_start3A_1869 = arith.constant 0 : i32
        %dma_start3A_1870 = arith.constant 5 : i32
        %dma_start3A_1871 = arith.constant 8 : i32
        %dma_start3A_1872 = arith.constant 0 : i32
        %dma_start3A_1873 = tpu.memref_slice %arg6[%dma_start3A_1869, %dma_start3A_1870, %dma_start3A_1871, %dma_start3A_1872] : memref<2x16x16x128xf32, #tpu.memory_space<vmem>> -> memref<1x1x8x128xf32, #tpu.memory_space<vmem>>
        %dma_start3A_1874 = tpu.memref_squeeze %dma_start3A_1873 : memref<1x1x8x128xf32, #tpu.memory_space<vmem>> -> memref<8x128xf32, #tpu.memory_space<vmem>>
        %dma_start3A_1875 = arith.constant 8 : i32
        %dma_start3A_1876 = tpu.memref_slice %arg3[%dma_start3A_1875, %multiple_of3A_1854] : memref<16x1000000xf32, #tpu.memory_space<hbm>> -> memref<8x128xf32, #tpu.memory_space<hbm>>
        %dma_start3A_1877 = arith.constant 8 : i32
        %dma_start3A_1878 = arith.constant 0 : i32
        %dma_start3A_1879 = tpu.memref_slice %arg6[%dma_start3A_1869, %dma_start3A_1870, %dma_start3A_1877, %dma_start3A_1878] : memref<2x16x16x128xf32, #tpu.memory_space<vmem>> -> memref<1x1x8x128xf32, #tpu.memory_space<vmem>>
        %dma_start3A_1880 = tpu.memref_squeeze %dma_start3A_1879 : memref<1x1x8x128xf32, #tpu.memory_space<vmem>> -> memref<8x128xf32, #tpu.memory_space<vmem>>
        %dma_start3A_1881 = arith.constant 8 : i32
        %dma_start3A_1882 = tpu.memref_slice %arg3[%dma_start3A_1881, %multiple_of3A_1854] : memref<16x1000000xf32, #tpu.memory_space<hbm>> -> memref<8x128xf32, #tpu.memory_space<hbm>>
        tpu.enqueue_dma source(%dma_start3A_1882 : memref<8x128xf32, #tpu.memory_space<hbm>>) target(%dma_start3A_1880 : memref<8x128xf32, #tpu.memory_space<vmem>>) target_semaphore(%arg8 : memref<!tpu.dma_semaphore, #tpu.memory_space<semaphore_mem>>)
        %eq3A_1883 = arith.constant 6 : i32
        %eq3A_1884 = vector.broadcast %eq3A_1883 : i32 to vector<16xi32>
        %eq3A_1885 = arith.cmpi eq, %iota3A, %eq3A_1884 : vector<16xi32>
        %jit3A_1886 = arith.constant 0 : i32
        %broadcast_in_dim3A_1887 = vector.broadcast %jit3A_1886 : i32 to vector<16xi32>
        %select_n3A_1888 = arith.select %eq3A_1885, %and3A_1624, %broadcast_in_dim3A_1887 : vector<16xi1>, vector<16xi32>
        %reduce_max3A_1889 = arith.constant true
        %reduce_max3A_1890 = vector.broadcast %reduce_max3A_1889 : i1 to vector<16xi1>
        %reduce_max3A_1891 = arith.constant -2147483648 : i32
        %reduce_max3A_1892 = vector.broadcast %reduce_max3A_1891 : i32 to vector<16xi32>
        %reduce_max3A_1893 = arith.xori %select_n3A_1888, %reduce_max3A_1892 : vector<16xi32>
        %reduce_max3A_1894 = tpu.scan <max>, %reduce_max3A_1893 masked %reduce_max3A_1890 : vector<16xi32>, vector<16xi1> -> vector<16xi32>
        %reduce_max3A_1895 = arith.xori %reduce_max3A_1894, %reduce_max3A_1892 : vector<16xi32>
        %reduce_max3A_1896 = vector.extract %reduce_max3A_1895[15] : i32 from vector<16xi32>
        %multiple_of3A_1897 = tpu.assume_multiple %reduce_max3A_1896, 128 : i32
        %dma_start3A_1898 = arith.constant 0 : i32
        %dma_start3A_1899 = arith.constant 6 : i32
        %dma_start3A_1900 = arith.constant 0 : i32
        %dma_start3A_1901 = arith.constant 0 : i32
        %dma_start3A_1902 = tpu.memref_slice %arg6[%dma_start3A_1898, %dma_start3A_1899, %dma_start3A_1900, %dma_start3A_1901] : memref<2x16x16x128xf32, #tpu.memory_space<vmem>> -> memref<1x1x8x128xf32, #tpu.memory_space<vmem>>
        %dma_start3A_1903 = tpu.memref_squeeze %dma_start3A_1902 : memref<1x1x8x128xf32, #tpu.memory_space<vmem>> -> memref<8x128xf32, #tpu.memory_space<vmem>>
        %dma_start3A_1904 = arith.constant 0 : i32
        %dma_start3A_1905 = tpu.memref_slice %arg3[%dma_start3A_1904, %multiple_of3A_1897] : memref<16x1000000xf32, #tpu.memory_space<hbm>> -> memref<8x128xf32, #tpu.memory_space<hbm>>
        %dma_start3A_1906 = arith.constant 0 : i32
        %dma_start3A_1907 = arith.constant 0 : i32
        %dma_start3A_1908 = tpu.memref_slice %arg6[%dma_start3A_1898, %dma_start3A_1899, %dma_start3A_1906, %dma_start3A_1907] : memref<2x16x16x128xf32, #tpu.memory_space<vmem>> -> memref<1x1x8x128xf32, #tpu.memory_space<vmem>>
        %dma_start3A_1909 = tpu.memref_squeeze %dma_start3A_1908 : memref<1x1x8x128xf32, #tpu.memory_space<vmem>> -> memref<8x128xf32, #tpu.memory_space<vmem>>
        %dma_start3A_1910 = arith.constant 0 : i32
        %dma_start3A_1911 = tpu.memref_slice %arg3[%dma_start3A_1910, %multiple_of3A_1897] : memref<16x1000000xf32, #tpu.memory_space<hbm>> -> memref<8x128xf32, #tpu.memory_space<hbm>>
        tpu.enqueue_dma source(%dma_start3A_1911 : memref<8x128xf32, #tpu.memory_space<hbm>>) target(%dma_start3A_1909 : memref<8x128xf32, #tpu.memory_space<vmem>>) target_semaphore(%arg8 : memref<!tpu.dma_semaphore, #tpu.memory_space<semaphore_mem>>)
        %dma_start3A_1912 = arith.constant 0 : i32
        %dma_start3A_1913 = arith.constant 6 : i32
        %dma_start3A_1914 = arith.constant 8 : i32
        %dma_start3A_1915 = arith.constant 0 : i32
        %dma_start3A_1916 = tpu.memref_slice %arg6[%dma_start3A_1912, %dma_start3A_1913, %dma_start3A_1914, %dma_start3A_1915] : memref<2x16x16x128xf32, #tpu.memory_space<vmem>> -> memref<1x1x8x128xf32, #tpu.memory_space<vmem>>
        %dma_start3A_1917 = tpu.memref_squeeze %dma_start3A_1916 : memref<1x1x8x128xf32, #tpu.memory_space<vmem>> -> memref<8x128xf32, #tpu.memory_space<vmem>>
        %dma_start3A_1918 = arith.constant 8 : i32
        %dma_start3A_1919 = tpu.memref_slice %arg3[%dma_start3A_1918, %multiple_of3A_1897] : memref<16x1000000xf32, #tpu.memory_space<hbm>> -> memref<8x128xf32, #tpu.memory_space<hbm>>
        %dma_start3A_1920 = arith.constant 8 : i32
        %dma_start3A_1921 = arith.constant 0 : i32
        %dma_start3A_1922 = tpu.memref_slice %arg6[%dma_start3A_1912, %dma_start3A_1913, %dma_start3A_1920, %dma_start3A_1921] : memref<2x16x16x128xf32, #tpu.memory_space<vmem>> -> memref<1x1x8x128xf32, #tpu.memory_space<vmem>>
        %dma_start3A_1923 = tpu.memref_squeeze %dma_start3A_1922 : memref<1x1x8x128xf32, #tpu.memory_space<vmem>> -> memref<8x128xf32, #tpu.memory_space<vmem>>
        %dma_start3A_1924 = arith.constant 8 : i32
        %dma_start3A_1925 = tpu.memref_slice %arg3[%dma_start3A_1924, %multiple_of3A_1897] : memref<16x1000000xf32, #tpu.memory_space<hbm>> -> memref<8x128xf32, #tpu.memory_space<hbm>>
        tpu.enqueue_dma source(%dma_start3A_1925 : memref<8x128xf32, #tpu.memory_space<hbm>>) target(%dma_start3A_1923 : memref<8x128xf32, #tpu.memory_space<vmem>>) target_semaphore(%arg8 : memref<!tpu.dma_semaphore, #tpu.memory_space<semaphore_mem>>)
        %eq3A_1926 = arith.constant 7 : i32
        %eq3A_1927 = vector.broadcast %eq3A_1926 : i32 to vector<16xi32>
        %eq3A_1928 = arith.cmpi eq, %iota3A, %eq3A_1927 : vector<16xi32>
        %jit3A_1929 = arith.constant 0 : i32
        %broadcast_in_dim3A_1930 = vector.broadcast %jit3A_1929 : i32 to vector<16xi32>
        %select_n3A_1931 = arith.select %eq3A_1928, %and3A_1624, %broadcast_in_dim3A_1930 : vector<16xi1>, vector<16xi32>
        %reduce_max3A_1932 = arith.constant true
        %reduce_max3A_1933 = vector.broadcast %reduce_max3A_1932 : i1 to vector<16xi1>
        %reduce_max3A_1934 = arith.constant -2147483648 : i32
        %reduce_max3A_1935 = vector.broadcast %reduce_max3A_1934 : i32 to vector<16xi32>
        %reduce_max3A_1936 = arith.xori %select_n3A_1931, %reduce_max3A_1935 : vector<16xi32>
        %reduce_max3A_1937 = tpu.scan <max>, %reduce_max3A_1936 masked %reduce_max3A_1933 : vector<16xi32>, vector<16xi1> -> vector<16xi32>
        %reduce_max3A_1938 = arith.xori %reduce_max3A_1937, %reduce_max3A_1935 : vector<16xi32>
        %reduce_max3A_1939 = vector.extract %reduce_max3A_1938[15] : i32 from vector<16xi32>
        %multiple_of3A_1940 = tpu.assume_multiple %reduce_max3A_1939, 128 : i32
        %dma_start3A_1941 = arith.constant 0 : i32
        %dma_start3A_1942 = arith.constant 7 : i32
        %dma_start3A_1943 = arith.constant 0 : i32
        %dma_start3A_1944 = arith.constant 0 : i32
        %dma_start3A_1945 = tpu.memref_slice %arg6[%dma_start3A_1941, %dma_start3A_1942, %dma_start3A_1943, %dma_start3A_1944] : memref<2x16x16x128xf32, #tpu.memory_space<vmem>> -> memref<1x1x8x128xf32, #tpu.memory_space<vmem>>
        %dma_start3A_1946 = tpu.memref_squeeze %dma_start3A_1945 : memref<1x1x8x128xf32, #tpu.memory_space<vmem>> -> memref<8x128xf32, #tpu.memory_space<vmem>>
        %dma_start3A_1947 = arith.constant 0 : i32
        %dma_start3A_1948 = tpu.memref_slice %arg3[%dma_start3A_1947, %multiple_of3A_1940] : memref<16x1000000xf32, #tpu.memory_space<hbm>> -> memref<8x128xf32, #tpu.memory_space<hbm>>
        %dma_start3A_1949 = arith.constant 0 : i32
        %dma_start3A_1950 = arith.constant 0 : i32
        %dma_start3A_1951 = tpu.memref_slice %arg6[%dma_start3A_1941, %dma_start3A_1942, %dma_start3A_1949, %dma_start3A_1950] : memref<2x16x16x128xf32, #tpu.memory_space<vmem>> -> memref<1x1x8x128xf32, #tpu.memory_space<vmem>>
        %dma_start3A_1952 = tpu.memref_squeeze %dma_start3A_1951 : memref<1x1x8x128xf32, #tpu.memory_space<vmem>> -> memref<8x128xf32, #tpu.memory_space<vmem>>
        %dma_start3A_1953 = arith.constant 0 : i32
        %dma_start3A_1954 = tpu.memref_slice %arg3[%dma_start3A_1953, %multiple_of3A_1940] : memref<16x1000000xf32, #tpu.memory_space<hbm>> -> memref<8x128xf32, #tpu.memory_space<hbm>>
        tpu.enqueue_dma source(%dma_start3A_1954 : memref<8x128xf32, #tpu.memory_space<hbm>>) target(%dma_start3A_1952 : memref<8x128xf32, #tpu.memory_space<vmem>>) target_semaphore(%arg8 : memref<!tpu.dma_semaphore, #tpu.memory_space<semaphore_mem>>)
        %dma_start3A_1955 = arith.constant 0 : i32
        %dma_start3A_1956 = arith.constant 7 : i32
        %dma_start3A_1957 = arith.constant 8 : i32
        %dma_start3A_1958 = arith.constant 0 : i32
        %dma_start3A_1959 = tpu.memref_slice %arg6[%dma_start3A_1955, %dma_start3A_1956, %dma_start3A_1957, %dma_start3A_1958] : memref<2x16x16x128xf32, #tpu.memory_space<vmem>> -> memref<1x1x8x128xf32, #tpu.memory_space<vmem>>
        %dma_start3A_1960 = tpu.memref_squeeze %dma_start3A_1959 : memref<1x1x8x128xf32, #tpu.memory_space<vmem>> -> memref<8x128xf32, #tpu.memory_space<vmem>>
        %dma_start3A_1961 = arith.constant 8 : i32
        %dma_start3A_1962 = tpu.memref_slice %arg3[%dma_start3A_1961, %multiple_of3A_1940] : memref<16x1000000xf32, #tpu.memory_space<hbm>> -> memref<8x128xf32, #tpu.memory_space<hbm>>
        %dma_start3A_1963 = arith.constant 8 : i32
        %dma_start3A_1964 = arith.constant 0 : i32
        %dma_start3A_1965 = tpu.memref_slice %arg6[%dma_start3A_1955, %dma_start3A_1956, %dma_start3A_1963, %dma_start3A_1964] : memref<2x16x16x128xf32, #tpu.memory_space<vmem>> -> memref<1x1x8x128xf32, #tpu.memory_space<vmem>>
        %dma_start3A_1966 = tpu.memref_squeeze %dma_start3A_1965 : memref<1x1x8x128xf32, #tpu.memory_space<vmem>> -> memref<8x128xf32, #tpu.memory_space<vmem>>
        %dma_start3A_1967 = arith.constant 8 : i32
        %dma_start3A_1968 = tpu.memref_slice %arg3[%dma_start3A_1967, %multiple_of3A_1940] : memref<16x1000000xf32, #tpu.memory_space<hbm>> -> memref<8x128xf32, #tpu.memory_space<hbm>>
        tpu.enqueue_dma source(%dma_start3A_1968 : memref<8x128xf32, #tpu.memory_space<hbm>>) target(%dma_start3A_1966 : memref<8x128xf32, #tpu.memory_space<vmem>>) target_semaphore(%arg8 : memref<!tpu.dma_semaphore, #tpu.memory_space<semaphore_mem>>)
        %eq3A_1969 = arith.constant 8 : i32
        %eq3A_1970 = vector.broadcast %eq3A_1969 : i32 to vector<16xi32>
        %eq3A_1971 = arith.cmpi eq, %iota3A, %eq3A_1970 : vector<16xi32>
        %jit3A_1972 = arith.constant 0 : i32
        %broadcast_in_dim3A_1973 = vector.broadcast %jit3A_1972 : i32 to vector<16xi32>
        %select_n3A_1974 = arith.select %eq3A_1971, %and3A_1624, %broadcast_in_dim3A_1973 : vector<16xi1>, vector<16xi32>
        %reduce_max3A_1975 = arith.constant true
        %reduce_max3A_1976 = vector.broadcast %reduce_max3A_1975 : i1 to vector<16xi1>
        %reduce_max3A_1977 = arith.constant -2147483648 : i32
        %reduce_max3A_1978 = vector.broadcast %reduce_max3A_1977 : i32 to vector<16xi32>
        %reduce_max3A_1979 = arith.xori %select_n3A_1974, %reduce_max3A_1978 : vector<16xi32>
        %reduce_max3A_1980 = tpu.scan <max>, %reduce_max3A_1979 masked %reduce_max3A_1976 : vector<16xi32>, vector<16xi1> -> vector<16xi32>
        %reduce_max3A_1981 = arith.xori %reduce_max3A_1980, %reduce_max3A_1978 : vector<16xi32>
        %reduce_max3A_1982 = vector.extract %reduce_max3A_1981[15] : i32 from vector<16xi32>
        %multiple_of3A_1983 = tpu.assume_multiple %reduce_max3A_1982, 128 : i32
        %dma_start3A_1984 = arith.constant 0 : i32
        %dma_start3A_1985 = arith.constant 8 : i32
        %dma_start3A_1986 = arith.constant 0 : i32
        %dma_start3A_1987 = arith.constant 0 : i32
        %dma_start3A_1988 = tpu.memref_slice %arg6[%dma_start3A_1984, %dma_start3A_1985, %dma_start3A_1986, %dma_start3A_1987] : memref<2x16x16x128xf32, #tpu.memory_space<vmem>> -> memref<1x1x8x128xf32, #tpu.memory_space<vmem>>
        %dma_start3A_1989 = tpu.memref_squeeze %dma_start3A_1988 : memref<1x1x8x128xf32, #tpu.memory_space<vmem>> -> memref<8x128xf32, #tpu.memory_space<vmem>>
        %dma_start3A_1990 = arith.constant 0 : i32
        %dma_start3A_1991 = tpu.memref_slice %arg3[%dma_start3A_1990, %multiple_of3A_1983] : memref<16x1000000xf32, #tpu.memory_space<hbm>> -> memref<8x128xf32, #tpu.memory_space<hbm>>
        %dma_start3A_1992 = arith.constant 0 : i32
        %dma_start3A_1993 = arith.constant 0 : i32
        %dma_start3A_1994 = tpu.memref_slice %arg6[%dma_start3A_1984, %dma_start3A_1985, %dma_start3A_1992, %dma_start3A_1993] : memref<2x16x16x128xf32, #tpu.memory_space<vmem>> -> memref<1x1x8x128xf32, #tpu.memory_space<vmem>>
        %dma_start3A_1995 = tpu.memref_squeeze %dma_start3A_1994 : memref<1x1x8x128xf32, #tpu.memory_space<vmem>> -> memref<8x128xf32, #tpu.memory_space<vmem>>
        %dma_start3A_1996 = arith.constant 0 : i32
        %dma_start3A_1997 = tpu.memref_slice %arg3[%dma_start3A_1996, %multiple_of3A_1983] : memref<16x1000000xf32, #tpu.memory_space<hbm>> -> memref<8x128xf32, #tpu.memory_space<hbm>>
        tpu.enqueue_dma source(%dma_start3A_1997 : memref<8x128xf32, #tpu.memory_space<hbm>>) target(%dma_start3A_1995 : memref<8x128xf32, #tpu.memory_space<vmem>>) target_semaphore(%arg8 : memref<!tpu.dma_semaphore, #tpu.memory_space<semaphore_mem>>)
        %dma_start3A_1998 = arith.constant 0 : i32
        %dma_start3A_1999 = arith.constant 8 : i32
        %dma_start3A_2000 = arith.constant 8 : i32
        %dma_start3A_2001 = arith.constant 0 : i32
        %dma_start3A_2002 = tpu.memref_slice %arg6[%dma_start3A_1998, %dma_start3A_1999, %dma_start3A_2000, %dma_start3A_2001] : memref<2x16x16x128xf32, #tpu.memory_space<vmem>> -> memref<1x1x8x128xf32, #tpu.memory_space<vmem>>
        %dma_start3A_2003 = tpu.memref_squeeze %dma_start3A_2002 : memref<1x1x8x128xf32, #tpu.memory_space<vmem>> -> memref<8x128xf32, #tpu.memory_space<vmem>>
        %dma_start3A_2004 = arith.constant 8 : i32
        %dma_start3A_2005 = tpu.memref_slice %arg3[%dma_start3A_2004, %multiple_of3A_1983] : memref<16x1000000xf32, #tpu.memory_space<hbm>> -> memref<8x128xf32, #tpu.memory_space<hbm>>
        %dma_start3A_2006 = arith.constant 8 : i32
        %dma_start3A_2007 = arith.constant 0 : i32
        %dma_start3A_2008 = tpu.memref_slice %arg6[%dma_start3A_1998, %dma_start3A_1999, %dma_start3A_2006, %dma_start3A_2007] : memref<2x16x16x128xf32, #tpu.memory_space<vmem>> -> memref<1x1x8x128xf32, #tpu.memory_space<vmem>>
        %dma_start3A_2009 = tpu.memref_squeeze %dma_start3A_2008 : memref<1x1x8x128xf32, #tpu.memory_space<vmem>> -> memref<8x128xf32, #tpu.memory_space<vmem>>
        %dma_start3A_2010 = arith.constant 8 : i32
        %dma_start3A_2011 = tpu.memref_slice %arg3[%dma_start3A_2010, %multiple_of3A_1983] : memref<16x1000000xf32, #tpu.memory_space<hbm>> -> memref<8x128xf32, #tpu.memory_space<hbm>>
        tpu.enqueue_dma source(%dma_start3A_2011 : memref<8x128xf32, #tpu.memory_space<hbm>>) target(%dma_start3A_2009 : memref<8x128xf32, #tpu.memory_space<vmem>>) target_semaphore(%arg8 : memref<!tpu.dma_semaphore, #tpu.memory_space<semaphore_mem>>)
        %eq3A_2012 = arith.constant 9 : i32
        %eq3A_2013 = vector.broadcast %eq3A_2012 : i32 to vector<16xi32>
        %eq3A_2014 = arith.cmpi eq, %iota3A, %eq3A_2013 : vector<16xi32>
        %jit3A_2015 = arith.constant 0 : i32
        %broadcast_in_dim3A_2016 = vector.broadcast %jit3A_2015 : i32 to vector<16xi32>
        %select_n3A_2017 = arith.select %eq3A_2014, %and3A_1624, %broadcast_in_dim3A_2016 : vector<16xi1>, vector<16xi32>
        %reduce_max3A_2018 = arith.constant true
        %reduce_max3A_2019 = vector.broadcast %reduce_max3A_2018 : i1 to vector<16xi1>
        %reduce_max3A_2020 = arith.constant -2147483648 : i32
        %reduce_max3A_2021 = vector.broadcast %reduce_max3A_2020 : i32 to vector<16xi32>
        %reduce_max3A_2022 = arith.xori %select_n3A_2017, %reduce_max3A_2021 : vector<16xi32>
        %reduce_max3A_2023 = tpu.scan <max>, %reduce_max3A_2022 masked %reduce_max3A_2019 : vector<16xi32>, vector<16xi1> -> vector<16xi32>
        %reduce_max3A_2024 = arith.xori %reduce_max3A_2023, %reduce_max3A_2021 : vector<16xi32>
        %reduce_max3A_2025 = vector.extract %reduce_max3A_2024[15] : i32 from vector<16xi32>
        %multiple_of3A_2026 = tpu.assume_multiple %reduce_max3A_2025, 128 : i32
        %dma_start3A_2027 = arith.constant 0 : i32
        %dma_start3A_2028 = arith.constant 9 : i32
        %dma_start3A_2029 = arith.constant 0 : i32
        %dma_start3A_2030 = arith.constant 0 : i32
        %dma_start3A_2031 = tpu.memref_slice %arg6[%dma_start3A_2027, %dma_start3A_2028, %dma_start3A_2029, %dma_start3A_2030] : memref<2x16x16x128xf32, #tpu.memory_space<vmem>> -> memref<1x1x8x128xf32, #tpu.memory_space<vmem>>
        %dma_start3A_2032 = tpu.memref_squeeze %dma_start3A_2031 : memref<1x1x8x128xf32, #tpu.memory_space<vmem>> -> memref<8x128xf32, #tpu.memory_space<vmem>>
        %dma_start3A_2033 = arith.constant 0 : i32
        %dma_start3A_2034 = tpu.memref_slice %arg3[%dma_start3A_2033, %multiple_of3A_2026] : memref<16x1000000xf32, #tpu.memory_space<hbm>> -> memref<8x128xf32, #tpu.memory_space<hbm>>
        %dma_start3A_2035 = arith.constant 0 : i32
        %dma_start3A_2036 = arith.constant 0 : i32
        %dma_start3A_2037 = tpu.memref_slice %arg6[%dma_start3A_2027, %dma_start3A_2028, %dma_start3A_2035, %dma_start3A_2036] : memref<2x16x16x128xf32, #tpu.memory_space<vmem>> -> memref<1x1x8x128xf32, #tpu.memory_space<vmem>>
        %dma_start3A_2038 = tpu.memref_squeeze %dma_start3A_2037 : memref<1x1x8x128xf32, #tpu.memory_space<vmem>> -> memref<8x128xf32, #tpu.memory_space<vmem>>
        %dma_start3A_2039 = arith.constant 0 : i32
        %dma_start3A_2040 = tpu.memref_slice %arg3[%dma_start3A_2039, %multiple_of3A_2026] : memref<16x1000000xf32, #tpu.memory_space<hbm>> -> memref<8x128xf32, #tpu.memory_space<hbm>>
        tpu.enqueue_dma source(%dma_start3A_2040 : memref<8x128xf32, #tpu.memory_space<hbm>>) target(%dma_start3A_2038 : memref<8x128xf32, #tpu.memory_space<vmem>>) target_semaphore(%arg8 : memref<!tpu.dma_semaphore, #tpu.memory_space<semaphore_mem>>)
        %dma_start3A_2041 = arith.constant 0 : i32
        %dma_start3A_2042 = arith.constant 9 : i32
        %dma_start3A_2043 = arith.constant 8 : i32
        %dma_start3A_2044 = arith.constant 0 : i32
        %dma_start3A_2045 = tpu.memref_slice %arg6[%dma_start3A_2041, %dma_start3A_2042, %dma_start3A_2043, %dma_start3A_2044] : memref<2x16x16x128xf32, #tpu.memory_space<vmem>> -> memref<1x1x8x128xf32, #tpu.memory_space<vmem>>
        %dma_start3A_2046 = tpu.memref_squeeze %dma_start3A_2045 : memref<1x1x8x128xf32, #tpu.memory_space<vmem>> -> memref<8x128xf32, #tpu.memory_space<vmem>>
        %dma_start3A_2047 = arith.constant 8 : i32
        %dma_start3A_2048 = tpu.memref_slice %arg3[%dma_start3A_2047, %multiple_of3A_2026] : memref<16x1000000xf32, #tpu.memory_space<hbm>> -> memref<8x128xf32, #tpu.memory_space<hbm>>
        %dma_start3A_2049 = arith.constant 8 : i32
        %dma_start3A_2050 = arith.constant 0 : i32
        %dma_start3A_2051 = tpu.memref_slice %arg6[%dma_start3A_2041, %dma_start3A_2042, %dma_start3A_2049, %dma_start3A_2050] : memref<2x16x16x128xf32, #tpu.memory_space<vmem>> -> memref<1x1x8x128xf32, #tpu.memory_space<vmem>>
        %dma_start3A_2052 = tpu.memref_squeeze %dma_start3A_2051 : memref<1x1x8x128xf32, #tpu.memory_space<vmem>> -> memref<8x128xf32, #tpu.memory_space<vmem>>
        %dma_start3A_2053 = arith.constant 8 : i32
        %dma_start3A_2054 = tpu.memref_slice %arg3[%dma_start3A_2053, %multiple_of3A_2026] : memref<16x1000000xf32, #tpu.memory_space<hbm>> -> memref<8x128xf32, #tpu.memory_space<hbm>>
        tpu.enqueue_dma source(%dma_start3A_2054 : memref<8x128xf32, #tpu.memory_space<hbm>>) target(%dma_start3A_2052 : memref<8x128xf32, #tpu.memory_space<vmem>>) target_semaphore(%arg8 : memref<!tpu.dma_semaphore, #tpu.memory_space<semaphore_mem>>)
        %eq3A_2055 = arith.constant 10 : i32
        %eq3A_2056 = vector.broadcast %eq3A_2055 : i32 to vector<16xi32>
        %eq3A_2057 = arith.cmpi eq, %iota3A, %eq3A_2056 : vector<16xi32>
        %jit3A_2058 = arith.constant 0 : i32
        %broadcast_in_dim3A_2059 = vector.broadcast %jit3A_2058 : i32 to vector<16xi32>
        %select_n3A_2060 = arith.select %eq3A_2057, %and3A_1624, %broadcast_in_dim3A_2059 : vector<16xi1>, vector<16xi32>
        %reduce_max3A_2061 = arith.constant true
        %reduce_max3A_2062 = vector.broadcast %reduce_max3A_2061 : i1 to vector<16xi1>
        %reduce_max3A_2063 = arith.constant -2147483648 : i32
        %reduce_max3A_2064 = vector.broadcast %reduce_max3A_2063 : i32 to vector<16xi32>
        %reduce_max3A_2065 = arith.xori %select_n3A_2060, %reduce_max3A_2064 : vector<16xi32>
        %reduce_max3A_2066 = tpu.scan <max>, %reduce_max3A_2065 masked %reduce_max3A_2062 : vector<16xi32>, vector<16xi1> -> vector<16xi32>
        %reduce_max3A_2067 = arith.xori %reduce_max3A_2066, %reduce_max3A_2064 : vector<16xi32>
        %reduce_max3A_2068 = vector.extract %reduce_max3A_2067[15] : i32 from vector<16xi32>
        %multiple_of3A_2069 = tpu.assume_multiple %reduce_max3A_2068, 128 : i32
        %dma_start3A_2070 = arith.constant 0 : i32
        %dma_start3A_2071 = arith.constant 10 : i32
        %dma_start3A_2072 = arith.constant 0 : i32
        %dma_start3A_2073 = arith.constant 0 : i32
        %dma_start3A_2074 = tpu.memref_slice %arg6[%dma_start3A_2070, %dma_start3A_2071, %dma_start3A_2072, %dma_start3A_2073] : memref<2x16x16x128xf32, #tpu.memory_space<vmem>> -> memref<1x1x8x128xf32, #tpu.memory_space<vmem>>
        %dma_start3A_2075 = tpu.memref_squeeze %dma_start3A_2074 : memref<1x1x8x128xf32, #tpu.memory_space<vmem>> -> memref<8x128xf32, #tpu.memory_space<vmem>>
        %dma_start3A_2076 = arith.constant 0 : i32
        %dma_start3A_2077 = tpu.memref_slice %arg3[%dma_start3A_2076, %multiple_of3A_2069] : memref<16x1000000xf32, #tpu.memory_space<hbm>> -> memref<8x128xf32, #tpu.memory_space<hbm>>
        %dma_start3A_2078 = arith.constant 0 : i32
        %dma_start3A_2079 = arith.constant 0 : i32
        %dma_start3A_2080 = tpu.memref_slice %arg6[%dma_start3A_2070, %dma_start3A_2071, %dma_start3A_2078, %dma_start3A_2079] : memref<2x16x16x128xf32, #tpu.memory_space<vmem>> -> memref<1x1x8x128xf32, #tpu.memory_space<vmem>>
        %dma_start3A_2081 = tpu.memref_squeeze %dma_start3A_2080 : memref<1x1x8x128xf32, #tpu.memory_space<vmem>> -> memref<8x128xf32, #tpu.memory_space<vmem>>
        %dma_start3A_2082 = arith.constant 0 : i32
        %dma_start3A_2083 = tpu.memref_slice %arg3[%dma_start3A_2082, %multiple_of3A_2069] : memref<16x1000000xf32, #tpu.memory_space<hbm>> -> memref<8x128xf32, #tpu.memory_space<hbm>>
        tpu.enqueue_dma source(%dma_start3A_2083 : memref<8x128xf32, #tpu.memory_space<hbm>>) target(%dma_start3A_2081 : memref<8x128xf32, #tpu.memory_space<vmem>>) target_semaphore(%arg8 : memref<!tpu.dma_semaphore, #tpu.memory_space<semaphore_mem>>)
        %dma_start3A_2084 = arith.constant 0 : i32
        %dma_start3A_2085 = arith.constant 10 : i32
        %dma_start3A_2086 = arith.constant 8 : i32
        %dma_start3A_2087 = arith.constant 0 : i32
        %dma_start3A_2088 = tpu.memref_slice %arg6[%dma_start3A_2084, %dma_start3A_2085, %dma_start3A_2086, %dma_start3A_2087] : memref<2x16x16x128xf32, #tpu.memory_space<vmem>> -> memref<1x1x8x128xf32, #tpu.memory_space<vmem>>
        %dma_start3A_2089 = tpu.memref_squeeze %dma_start3A_2088 : memref<1x1x8x128xf32, #tpu.memory_space<vmem>> -> memref<8x128xf32, #tpu.memory_space<vmem>>
        %dma_start3A_2090 = arith.constant 8 : i32
        %dma_start3A_2091 = tpu.memref_slice %arg3[%dma_start3A_2090, %multiple_of3A_2069] : memref<16x1000000xf32, #tpu.memory_space<hbm>> -> memref<8x128xf32, #tpu.memory_space<hbm>>
        %dma_start3A_2092 = arith.constant 8 : i32
        %dma_start3A_2093 = arith.constant 0 : i32
        %dma_start3A_2094 = tpu.memref_slice %arg6[%dma_start3A_2084, %dma_start3A_2085, %dma_start3A_2092, %dma_start3A_2093] : memref<2x16x16x128xf32, #tpu.memory_space<vmem>> -> memref<1x1x8x128xf32, #tpu.memory_space<vmem>>
        %dma_start3A_2095 = tpu.memref_squeeze %dma_start3A_2094 : memref<1x1x8x128xf32, #tpu.memory_space<vmem>> -> memref<8x128xf32, #tpu.memory_space<vmem>>
        %dma_start3A_2096 = arith.constant 8 : i32
        %dma_start3A_2097 = tpu.memref_slice %arg3[%dma_start3A_2096, %multiple_of3A_2069] : memref<16x1000000xf32, #tpu.memory_space<hbm>> -> memref<8x128xf32, #tpu.memory_space<hbm>>
        tpu.enqueue_dma source(%dma_start3A_2097 : memref<8x128xf32, #tpu.memory_space<hbm>>) target(%dma_start3A_2095 : memref<8x128xf32, #tpu.memory_space<vmem>>) target_semaphore(%arg8 : memref<!tpu.dma_semaphore, #tpu.memory_space<semaphore_mem>>)
        %eq3A_2098 = arith.constant 11 : i32
        %eq3A_2099 = vector.broadcast %eq3A_2098 : i32 to vector<16xi32>
        %eq3A_2100 = arith.cmpi eq, %iota3A, %eq3A_2099 : vector<16xi32>
        %jit3A_2101 = arith.constant 0 : i32
        %broadcast_in_dim3A_2102 = vector.broadcast %jit3A_2101 : i32 to vector<16xi32>
        %select_n3A_2103 = arith.select %eq3A_2100, %and3A_1624, %broadcast_in_dim3A_2102 : vector<16xi1>, vector<16xi32>
        %reduce_max3A_2104 = arith.constant true
        %reduce_max3A_2105 = vector.broadcast %reduce_max3A_2104 : i1 to vector<16xi1>
        %reduce_max3A_2106 = arith.constant -2147483648 : i32
        %reduce_max3A_2107 = vector.broadcast %reduce_max3A_2106 : i32 to vector<16xi32>
        %reduce_max3A_2108 = arith.xori %select_n3A_2103, %reduce_max3A_2107 : vector<16xi32>
        %reduce_max3A_2109 = tpu.scan <max>, %reduce_max3A_2108 masked %reduce_max3A_2105 : vector<16xi32>, vector<16xi1> -> vector<16xi32>
        %reduce_max3A_2110 = arith.xori %reduce_max3A_2109, %reduce_max3A_2107 : vector<16xi32>
        %reduce_max3A_2111 = vector.extract %reduce_max3A_2110[15] : i32 from vector<16xi32>
        %multiple_of3A_2112 = tpu.assume_multiple %reduce_max3A_2111, 128 : i32
        %dma_start3A_2113 = arith.constant 0 : i32
        %dma_start3A_2114 = arith.constant 11 : i32
        %dma_start3A_2115 = arith.constant 0 : i32
        %dma_start3A_2116 = arith.constant 0 : i32
        %dma_start3A_2117 = tpu.memref_slice %arg6[%dma_start3A_2113, %dma_start3A_2114, %dma_start3A_2115, %dma_start3A_2116] : memref<2x16x16x128xf32, #tpu.memory_space<vmem>> -> memref<1x1x8x128xf32, #tpu.memory_space<vmem>>
        %dma_start3A_2118 = tpu.memref_squeeze %dma_start3A_2117 : memref<1x1x8x128xf32, #tpu.memory_space<vmem>> -> memref<8x128xf32, #tpu.memory_space<vmem>>
        %dma_start3A_2119 = arith.constant 0 : i32
        %dma_start3A_2120 = tpu.memref_slice %arg3[%dma_start3A_2119, %multiple_of3A_2112] : memref<16x1000000xf32, #tpu.memory_space<hbm>> -> memref<8x128xf32, #tpu.memory_space<hbm>>
        %dma_start3A_2121 = arith.constant 0 : i32
        %dma_start3A_2122 = arith.constant 0 : i32
        %dma_start3A_2123 = tpu.memref_slice %arg6[%dma_start3A_2113, %dma_start3A_2114, %dma_start3A_2121, %dma_start3A_2122] : memref<2x16x16x128xf32, #tpu.memory_space<vmem>> -> memref<1x1x8x128xf32, #tpu.memory_space<vmem>>
        %dma_start3A_2124 = tpu.memref_squeeze %dma_start3A_2123 : memref<1x1x8x128xf32, #tpu.memory_space<vmem>> -> memref<8x128xf32, #tpu.memory_space<vmem>>
        %dma_start3A_2125 = arith.constant 0 : i32
        %dma_start3A_2126 = tpu.memref_slice %arg3[%dma_start3A_2125, %multiple_of3A_2112] : memref<16x1000000xf32, #tpu.memory_space<hbm>> -> memref<8x128xf32, #tpu.memory_space<hbm>>
        tpu.enqueue_dma source(%dma_start3A_2126 : memref<8x128xf32, #tpu.memory_space<hbm>>) target(%dma_start3A_2124 : memref<8x128xf32, #tpu.memory_space<vmem>>) target_semaphore(%arg8 : memref<!tpu.dma_semaphore, #tpu.memory_space<semaphore_mem>>)
        %dma_start3A_2127 = arith.constant 0 : i32
        %dma_start3A_2128 = arith.constant 11 : i32
        %dma_start3A_2129 = arith.constant 8 : i32
        %dma_start3A_2130 = arith.constant 0 : i32
        %dma_start3A_2131 = tpu.memref_slice %arg6[%dma_start3A_2127, %dma_start3A_2128, %dma_start3A_2129, %dma_start3A_2130] : memref<2x16x16x128xf32, #tpu.memory_space<vmem>> -> memref<1x1x8x128xf32, #tpu.memory_space<vmem>>
        %dma_start3A_2132 = tpu.memref_squeeze %dma_start3A_2131 : memref<1x1x8x128xf32, #tpu.memory_space<vmem>> -> memref<8x128xf32, #tpu.memory_space<vmem>>
        %dma_start3A_2133 = arith.constant 8 : i32
        %dma_start3A_2134 = tpu.memref_slice %arg3[%dma_start3A_2133, %multiple_of3A_2112] : memref<16x1000000xf32, #tpu.memory_space<hbm>> -> memref<8x128xf32, #tpu.memory_space<hbm>>
        %dma_start3A_2135 = arith.constant 8 : i32
        %dma_start3A_2136 = arith.constant 0 : i32
        %dma_start3A_2137 = tpu.memref_slice %arg6[%dma_start3A_2127, %dma_start3A_2128, %dma_start3A_2135, %dma_start3A_2136] : memref<2x16x16x128xf32, #tpu.memory_space<vmem>> -> memref<1x1x8x128xf32, #tpu.memory_space<vmem>>
        %dma_start3A_2138 = tpu.memref_squeeze %dma_start3A_2137 : memref<1x1x8x128xf32, #tpu.memory_space<vmem>> -> memref<8x128xf32, #tpu.memory_space<vmem>>
        %dma_start3A_2139 = arith.constant 8 : i32
        %dma_start3A_2140 = tpu.memref_slice %arg3[%dma_start3A_2139, %multiple_of3A_2112] : memref<16x1000000xf32, #tpu.memory_space<hbm>> -> memref<8x128xf32, #tpu.memory_space<hbm>>
        tpu.enqueue_dma source(%dma_start3A_2140 : memref<8x128xf32, #tpu.memory_space<hbm>>) target(%dma_start3A_2138 : memref<8x128xf32, #tpu.memory_space<vmem>>) target_semaphore(%arg8 : memref<!tpu.dma_semaphore, #tpu.memory_space<semaphore_mem>>)
        %eq3A_2141 = arith.constant 12 : i32
        %eq3A_2142 = vector.broadcast %eq3A_2141 : i32 to vector<16xi32>
        %eq3A_2143 = arith.cmpi eq, %iota3A, %eq3A_2142 : vector<16xi32>
        %jit3A_2144 = arith.constant 0 : i32
        %broadcast_in_dim3A_2145 = vector.broadcast %jit3A_2144 : i32 to vector<16xi32>
        %select_n3A_2146 = arith.select %eq3A_2143, %and3A_1624, %broadcast_in_dim3A_2145 : vector<16xi1>, vector<16xi32>
        %reduce_max3A_2147 = arith.constant true
        %reduce_max3A_2148 = vector.broadcast %reduce_max3A_2147 : i1 to vector<16xi1>
        %reduce_max3A_2149 = arith.constant -2147483648 : i32
        %reduce_max3A_2150 = vector.broadcast %reduce_max3A_2149 : i32 to vector<16xi32>
        %reduce_max3A_2151 = arith.xori %select_n3A_2146, %reduce_max3A_2150 : vector<16xi32>
        %reduce_max3A_2152 = tpu.scan <max>, %reduce_max3A_2151 masked %reduce_max3A_2148 : vector<16xi32>, vector<16xi1> -> vector<16xi32>
        %reduce_max3A_2153 = arith.xori %reduce_max3A_2152, %reduce_max3A_2150 : vector<16xi32>
        %reduce_max3A_2154 = vector.extract %reduce_max3A_2153[15] : i32 from vector<16xi32>
        %multiple_of3A_2155 = tpu.assume_multiple %reduce_max3A_2154, 128 : i32
        %dma_start3A_2156 = arith.constant 0 : i32
        %dma_start3A_2157 = arith.constant 12 : i32
        %dma_start3A_2158 = arith.constant 0 : i32
        %dma_start3A_2159 = arith.constant 0 : i32
        %dma_start3A_2160 = tpu.memref_slice %arg6[%dma_start3A_2156, %dma_start3A_2157, %dma_start3A_2158, %dma_start3A_2159] : memref<2x16x16x128xf32, #tpu.memory_space<vmem>> -> memref<1x1x8x128xf32, #tpu.memory_space<vmem>>
        %dma_start3A_2161 = tpu.memref_squeeze %dma_start3A_2160 : memref<1x1x8x128xf32, #tpu.memory_space<vmem>> -> memref<8x128xf32, #tpu.memory_space<vmem>>
        %dma_start3A_2162 = arith.constant 0 : i32
        %dma_start3A_2163 = tpu.memref_slice %arg3[%dma_start3A_2162, %multiple_of3A_2155] : memref<16x1000000xf32, #tpu.memory_space<hbm>> -> memref<8x128xf32, #tpu.memory_space<hbm>>
        %dma_start3A_2164 = arith.constant 0 : i32
        %dma_start3A_2165 = arith.constant 0 : i32
        %dma_start3A_2166 = tpu.memref_slice %arg6[%dma_start3A_2156, %dma_start3A_2157, %dma_start3A_2164, %dma_start3A_2165] : memref<2x16x16x128xf32, #tpu.memory_space<vmem>> -> memref<1x1x8x128xf32, #tpu.memory_space<vmem>>
        %dma_start3A_2167 = tpu.memref_squeeze %dma_start3A_2166 : memref<1x1x8x128xf32, #tpu.memory_space<vmem>> -> memref<8x128xf32, #tpu.memory_space<vmem>>
        %dma_start3A_2168 = arith.constant 0 : i32
        %dma_start3A_2169 = tpu.memref_slice %arg3[%dma_start3A_2168, %multiple_of3A_2155] : memref<16x1000000xf32, #tpu.memory_space<hbm>> -> memref<8x128xf32, #tpu.memory_space<hbm>>
        tpu.enqueue_dma source(%dma_start3A_2169 : memref<8x128xf32, #tpu.memory_space<hbm>>) target(%dma_start3A_2167 : memref<8x128xf32, #tpu.memory_space<vmem>>) target_semaphore(%arg8 : memref<!tpu.dma_semaphore, #tpu.memory_space<semaphore_mem>>)
        %dma_start3A_2170 = arith.constant 0 : i32
        %dma_start3A_2171 = arith.constant 12 : i32
        %dma_start3A_2172 = arith.constant 8 : i32
        %dma_start3A_2173 = arith.constant 0 : i32
        %dma_start3A_2174 = tpu.memref_slice %arg6[%dma_start3A_2170, %dma_start3A_2171, %dma_start3A_2172, %dma_start3A_2173] : memref<2x16x16x128xf32, #tpu.memory_space<vmem>> -> memref<1x1x8x128xf32, #tpu.memory_space<vmem>>
        %dma_start3A_2175 = tpu.memref_squeeze %dma_start3A_2174 : memref<1x1x8x128xf32, #tpu.memory_space<vmem>> -> memref<8x128xf32, #tpu.memory_space<vmem>>
        %dma_start3A_2176 = arith.constant 8 : i32
        %dma_start3A_2177 = tpu.memref_slice %arg3[%dma_start3A_2176, %multiple_of3A_2155] : memref<16x1000000xf32, #tpu.memory_space<hbm>> -> memref<8x128xf32, #tpu.memory_space<hbm>>
        %dma_start3A_2178 = arith.constant 8 : i32
        %dma_start3A_2179 = arith.constant 0 : i32
        %dma_start3A_2180 = tpu.memref_slice %arg6[%dma_start3A_2170, %dma_start3A_2171, %dma_start3A_2178, %dma_start3A_2179] : memref<2x16x16x128xf32, #tpu.memory_space<vmem>> -> memref<1x1x8x128xf32, #tpu.memory_space<vmem>>
        %dma_start3A_2181 = tpu.memref_squeeze %dma_start3A_2180 : memref<1x1x8x128xf32, #tpu.memory_space<vmem>> -> memref<8x128xf32, #tpu.memory_space<vmem>>
        %dma_start3A_2182 = arith.constant 8 : i32
        %dma_start3A_2183 = tpu.memref_slice %arg3[%dma_start3A_2182, %multiple_of3A_2155] : memref<16x1000000xf32, #tpu.memory_space<hbm>> -> memref<8x128xf32, #tpu.memory_space<hbm>>
        tpu.enqueue_dma source(%dma_start3A_2183 : memref<8x128xf32, #tpu.memory_space<hbm>>) target(%dma_start3A_2181 : memref<8x128xf32, #tpu.memory_space<vmem>>) target_semaphore(%arg8 : memref<!tpu.dma_semaphore, #tpu.memory_space<semaphore_mem>>)
        %eq3A_2184 = arith.constant 13 : i32
        %eq3A_2185 = vector.broadcast %eq3A_2184 : i32 to vector<16xi32>
        %eq3A_2186 = arith.cmpi eq, %iota3A, %eq3A_2185 : vector<16xi32>
        %jit3A_2187 = arith.constant 0 : i32
        %broadcast_in_dim3A_2188 = vector.broadcast %jit3A_2187 : i32 to vector<16xi32>
        %select_n3A_2189 = arith.select %eq3A_2186, %and3A_1624, %broadcast_in_dim3A_2188 : vector<16xi1>, vector<16xi32>
        %reduce_max3A_2190 = arith.constant true
        %reduce_max3A_2191 = vector.broadcast %reduce_max3A_2190 : i1 to vector<16xi1>
        %reduce_max3A_2192 = arith.constant -2147483648 : i32
        %reduce_max3A_2193 = vector.broadcast %reduce_max3A_2192 : i32 to vector<16xi32>
        %reduce_max3A_2194 = arith.xori %select_n3A_2189, %reduce_max3A_2193 : vector<16xi32>
        %reduce_max3A_2195 = tpu.scan <max>, %reduce_max3A_2194 masked %reduce_max3A_2191 : vector<16xi32>, vector<16xi1> -> vector<16xi32>
        %reduce_max3A_2196 = arith.xori %reduce_max3A_2195, %reduce_max3A_2193 : vector<16xi32>
        %reduce_max3A_2197 = vector.extract %reduce_max3A_2196[15] : i32 from vector<16xi32>
        %multiple_of3A_2198 = tpu.assume_multiple %reduce_max3A_2197, 128 : i32
        %dma_start3A_2199 = arith.constant 0 : i32
        %dma_start3A_2200 = arith.constant 13 : i32
        %dma_start3A_2201 = arith.constant 0 : i32
        %dma_start3A_2202 = arith.constant 0 : i32
        %dma_start3A_2203 = tpu.memref_slice %arg6[%dma_start3A_2199, %dma_start3A_2200, %dma_start3A_2201, %dma_start3A_2202] : memref<2x16x16x128xf32, #tpu.memory_space<vmem>> -> memref<1x1x8x128xf32, #tpu.memory_space<vmem>>
        %dma_start3A_2204 = tpu.memref_squeeze %dma_start3A_2203 : memref<1x1x8x128xf32, #tpu.memory_space<vmem>> -> memref<8x128xf32, #tpu.memory_space<vmem>>
        %dma_start3A_2205 = arith.constant 0 : i32
        %dma_start3A_2206 = tpu.memref_slice %arg3[%dma_start3A_2205, %multiple_of3A_2198] : memref<16x1000000xf32, #tpu.memory_space<hbm>> -> memref<8x128xf32, #tpu.memory_space<hbm>>
        %dma_start3A_2207 = arith.constant 0 : i32
        %dma_start3A_2208 = arith.constant 0 : i32
        %dma_start3A_2209 = tpu.memref_slice %arg6[%dma_start3A_2199, %dma_start3A_2200, %dma_start3A_2207, %dma_start3A_2208] : memref<2x16x16x128xf32, #tpu.memory_space<vmem>> -> memref<1x1x8x128xf32, #tpu.memory_space<vmem>>
        %dma_start3A_2210 = tpu.memref_squeeze %dma_start3A_2209 : memref<1x1x8x128xf32, #tpu.memory_space<vmem>> -> memref<8x128xf32, #tpu.memory_space<vmem>>
        %dma_start3A_2211 = arith.constant 0 : i32
        %dma_start3A_2212 = tpu.memref_slice %arg3[%dma_start3A_2211, %multiple_of3A_2198] : memref<16x1000000xf32, #tpu.memory_space<hbm>> -> memref<8x128xf32, #tpu.memory_space<hbm>>
        tpu.enqueue_dma source(%dma_start3A_2212 : memref<8x128xf32, #tpu.memory_space<hbm>>) target(%dma_start3A_2210 : memref<8x128xf32, #tpu.memory_space<vmem>>) target_semaphore(%arg8 : memref<!tpu.dma_semaphore, #tpu.memory_space<semaphore_mem>>)
        %dma_start3A_2213 = arith.constant 0 : i32
        %dma_start3A_2214 = arith.constant 13 : i32
        %dma_start3A_2215 = arith.constant 8 : i32
        %dma_start3A_2216 = arith.constant 0 : i32
        %dma_start3A_2217 = tpu.memref_slice %arg6[%dma_start3A_2213, %dma_start3A_2214, %dma_start3A_2215, %dma_start3A_2216] : memref<2x16x16x128xf32, #tpu.memory_space<vmem>> -> memref<1x1x8x128xf32, #tpu.memory_space<vmem>>
        %dma_start3A_2218 = tpu.memref_squeeze %dma_start3A_2217 : memref<1x1x8x128xf32, #tpu.memory_space<vmem>> -> memref<8x128xf32, #tpu.memory_space<vmem>>
        %dma_start3A_2219 = arith.constant 8 : i32
        %dma_start3A_2220 = tpu.memref_slice %arg3[%dma_start3A_2219, %multiple_of3A_2198] : memref<16x1000000xf32, #tpu.memory_space<hbm>> -> memref<8x128xf32, #tpu.memory_space<hbm>>
        %dma_start3A_2221 = arith.constant 8 : i32
        %dma_start3A_2222 = arith.constant 0 : i32
        %dma_start3A_2223 = tpu.memref_slice %arg6[%dma_start3A_2213, %dma_start3A_2214, %dma_start3A_2221, %dma_start3A_2222] : memref<2x16x16x128xf32, #tpu.memory_space<vmem>> -> memref<1x1x8x128xf32, #tpu.memory_space<vmem>>
        %dma_start3A_2224 = tpu.memref_squeeze %dma_start3A_2223 : memref<1x1x8x128xf32, #tpu.memory_space<vmem>> -> memref<8x128xf32, #tpu.memory_space<vmem>>
        %dma_start3A_2225 = arith.constant 8 : i32
        %dma_start3A_2226 = tpu.memref_slice %arg3[%dma_start3A_2225, %multiple_of3A_2198] : memref<16x1000000xf32, #tpu.memory_space<hbm>> -> memref<8x128xf32, #tpu.memory_space<hbm>>
        tpu.enqueue_dma source(%dma_start3A_2226 : memref<8x128xf32, #tpu.memory_space<hbm>>) target(%dma_start3A_2224 : memref<8x128xf32, #tpu.memory_space<vmem>>) target_semaphore(%arg8 : memref<!tpu.dma_semaphore, #tpu.memory_space<semaphore_mem>>)
        %eq3A_2227 = arith.constant 14 : i32
        %eq3A_2228 = vector.broadcast %eq3A_2227 : i32 to vector<16xi32>
        %eq3A_2229 = arith.cmpi eq, %iota3A, %eq3A_2228 : vector<16xi32>
        %jit3A_2230 = arith.constant 0 : i32
        %broadcast_in_dim3A_2231 = vector.broadcast %jit3A_2230 : i32 to vector<16xi32>
        %select_n3A_2232 = arith.select %eq3A_2229, %and3A_1624, %broadcast_in_dim3A_2231 : vector<16xi1>, vector<16xi32>
        %reduce_max3A_2233 = arith.constant true
        %reduce_max3A_2234 = vector.broadcast %reduce_max3A_2233 : i1 to vector<16xi1>
        %reduce_max3A_2235 = arith.constant -2147483648 : i32
        %reduce_max3A_2236 = vector.broadcast %reduce_max3A_2235 : i32 to vector<16xi32>
        %reduce_max3A_2237 = arith.xori %select_n3A_2232, %reduce_max3A_2236 : vector<16xi32>
        %reduce_max3A_2238 = tpu.scan <max>, %reduce_max3A_2237 masked %reduce_max3A_2234 : vector<16xi32>, vector<16xi1> -> vector<16xi32>
        %reduce_max3A_2239 = arith.xori %reduce_max3A_2238, %reduce_max3A_2236 : vector<16xi32>
        %reduce_max3A_2240 = vector.extract %reduce_max3A_2239[15] : i32 from vector<16xi32>
        %multiple_of3A_2241 = tpu.assume_multiple %reduce_max3A_2240, 128 : i32
        %dma_start3A_2242 = arith.constant 0 : i32
        %dma_start3A_2243 = arith.constant 14 : i32
        %dma_start3A_2244 = arith.constant 0 : i32
        %dma_start3A_2245 = arith.constant 0 : i32
        %dma_start3A_2246 = tpu.memref_slice %arg6[%dma_start3A_2242, %dma_start3A_2243, %dma_start3A_2244, %dma_start3A_2245] : memref<2x16x16x128xf32, #tpu.memory_space<vmem>> -> memref<1x1x8x128xf32, #tpu.memory_space<vmem>>
        %dma_start3A_2247 = tpu.memref_squeeze %dma_start3A_2246 : memref<1x1x8x128xf32, #tpu.memory_space<vmem>> -> memref<8x128xf32, #tpu.memory_space<vmem>>
        %dma_start3A_2248 = arith.constant 0 : i32
        %dma_start3A_2249 = tpu.memref_slice %arg3[%dma_start3A_2248, %multiple_of3A_2241] : memref<16x1000000xf32, #tpu.memory_space<hbm>> -> memref<8x128xf32, #tpu.memory_space<hbm>>
        %dma_start3A_2250 = arith.constant 0 : i32
        %dma_start3A_2251 = arith.constant 0 : i32
        %dma_start3A_2252 = tpu.memref_slice %arg6[%dma_start3A_2242, %dma_start3A_2243, %dma_start3A_2250, %dma_start3A_2251] : memref<2x16x16x128xf32, #tpu.memory_space<vmem>> -> memref<1x1x8x128xf32, #tpu.memory_space<vmem>>
        %dma_start3A_2253 = tpu.memref_squeeze %dma_start3A_2252 : memref<1x1x8x128xf32, #tpu.memory_space<vmem>> -> memref<8x128xf32, #tpu.memory_space<vmem>>
        %dma_start3A_2254 = arith.constant 0 : i32
        %dma_start3A_2255 = tpu.memref_slice %arg3[%dma_start3A_2254, %multiple_of3A_2241] : memref<16x1000000xf32, #tpu.memory_space<hbm>> -> memref<8x128xf32, #tpu.memory_space<hbm>>
        tpu.enqueue_dma source(%dma_start3A_2255 : memref<8x128xf32, #tpu.memory_space<hbm>>) target(%dma_start3A_2253 : memref<8x128xf32, #tpu.memory_space<vmem>>) target_semaphore(%arg8 : memref<!tpu.dma_semaphore, #tpu.memory_space<semaphore_mem>>)
        %dma_start3A_2256 = arith.constant 0 : i32
        %dma_start3A_2257 = arith.constant 14 : i32
        %dma_start3A_2258 = arith.constant 8 : i32
        %dma_start3A_2259 = arith.constant 0 : i32
        %dma_start3A_2260 = tpu.memref_slice %arg6[%dma_start3A_2256, %dma_start3A_2257, %dma_start3A_2258, %dma_start3A_2259] : memref<2x16x16x128xf32, #tpu.memory_space<vmem>> -> memref<1x1x8x128xf32, #tpu.memory_space<vmem>>
        %dma_start3A_2261 = tpu.memref_squeeze %dma_start3A_2260 : memref<1x1x8x128xf32, #tpu.memory_space<vmem>> -> memref<8x128xf32, #tpu.memory_space<vmem>>
        %dma_start3A_2262 = arith.constant 8 : i32
        %dma_start3A_2263 = tpu.memref_slice %arg3[%dma_start3A_2262, %multiple_of3A_2241] : memref<16x1000000xf32, #tpu.memory_space<hbm>> -> memref<8x128xf32, #tpu.memory_space<hbm>>
        %dma_start3A_2264 = arith.constant 8 : i32
        %dma_start3A_2265 = arith.constant 0 : i32
        %dma_start3A_2266 = tpu.memref_slice %arg6[%dma_start3A_2256, %dma_start3A_2257, %dma_start3A_2264, %dma_start3A_2265] : memref<2x16x16x128xf32, #tpu.memory_space<vmem>> -> memref<1x1x8x128xf32, #tpu.memory_space<vmem>>
        %dma_start3A_2267 = tpu.memref_squeeze %dma_start3A_2266 : memref<1x1x8x128xf32, #tpu.memory_space<vmem>> -> memref<8x128xf32, #tpu.memory_space<vmem>>
        %dma_start3A_2268 = arith.constant 8 : i32
        %dma_start3A_2269 = tpu.memref_slice %arg3[%dma_start3A_2268, %multiple_of3A_2241] : memref<16x1000000xf32, #tpu.memory_space<hbm>> -> memref<8x128xf32, #tpu.memory_space<hbm>>
        tpu.enqueue_dma source(%dma_start3A_2269 : memref<8x128xf32, #tpu.memory_space<hbm>>) target(%dma_start3A_2267 : memref<8x128xf32, #tpu.memory_space<vmem>>) target_semaphore(%arg8 : memref<!tpu.dma_semaphore, #tpu.memory_space<semaphore_mem>>)
        %eq3A_2270 = arith.constant 15 : i32
        %eq3A_2271 = vector.broadcast %eq3A_2270 : i32 to vector<16xi32>
        %eq3A_2272 = arith.cmpi eq, %iota3A, %eq3A_2271 : vector<16xi32>
        %jit3A_2273 = arith.constant 0 : i32
        %broadcast_in_dim3A_2274 = vector.broadcast %jit3A_2273 : i32 to vector<16xi32>
        %select_n3A_2275 = arith.select %eq3A_2272, %and3A_1624, %broadcast_in_dim3A_2274 : vector<16xi1>, vector<16xi32>
        %reduce_max3A_2276 = arith.constant true
        %reduce_max3A_2277 = vector.broadcast %reduce_max3A_2276 : i1 to vector<16xi1>
        %reduce_max3A_2278 = arith.constant -2147483648 : i32
        %reduce_max3A_2279 = vector.broadcast %reduce_max3A_2278 : i32 to vector<16xi32>
        %reduce_max3A_2280 = arith.xori %select_n3A_2275, %reduce_max3A_2279 : vector<16xi32>
        %reduce_max3A_2281 = tpu.scan <max>, %reduce_max3A_2280 masked %reduce_max3A_2277 : vector<16xi32>, vector<16xi1> -> vector<16xi32>
        %reduce_max3A_2282 = arith.xori %reduce_max3A_2281, %reduce_max3A_2279 : vector<16xi32>
        %reduce_max3A_2283 = vector.extract %reduce_max3A_2282[15] : i32 from vector<16xi32>
        %multiple_of3A_2284 = tpu.assume_multiple %reduce_max3A_2283, 128 : i32
        %dma_start3A_2285 = arith.constant 0 : i32
        %dma_start3A_2286 = arith.constant 15 : i32
        %dma_start3A_2287 = arith.constant 0 : i32
        %dma_start3A_2288 = arith.constant 0 : i32
        %dma_start3A_2289 = tpu.memref_slice %arg6[%dma_start3A_2285, %dma_start3A_2286, %dma_start3A_2287, %dma_start3A_2288] : memref<2x16x16x128xf32, #tpu.memory_space<vmem>> -> memref<1x1x8x128xf32, #tpu.memory_space<vmem>>
        %dma_start3A_2290 = tpu.memref_squeeze %dma_start3A_2289 : memref<1x1x8x128xf32, #tpu.memory_space<vmem>> -> memref<8x128xf32, #tpu.memory_space<vmem>>
        %dma_start3A_2291 = arith.constant 0 : i32
        %dma_start3A_2292 = tpu.memref_slice %arg3[%dma_start3A_2291, %multiple_of3A_2284] : memref<16x1000000xf32, #tpu.memory_space<hbm>> -> memref<8x128xf32, #tpu.memory_space<hbm>>
        %dma_start3A_2293 = arith.constant 0 : i32
        %dma_start3A_2294 = arith.constant 0 : i32
        %dma_start3A_2295 = tpu.memref_slice %arg6[%dma_start3A_2285, %dma_start3A_2286, %dma_start3A_2293, %dma_start3A_2294] : memref<2x16x16x128xf32, #tpu.memory_space<vmem>> -> memref<1x1x8x128xf32, #tpu.memory_space<vmem>>
        %dma_start3A_2296 = tpu.memref_squeeze %dma_start3A_2295 : memref<1x1x8x128xf32, #tpu.memory_space<vmem>> -> memref<8x128xf32, #tpu.memory_space<vmem>>
        %dma_start3A_2297 = arith.constant 0 : i32
        %dma_start3A_2298 = tpu.memref_slice %arg3[%dma_start3A_2297, %multiple_of3A_2284] : memref<16x1000000xf32, #tpu.memory_space<hbm>> -> memref<8x128xf32, #tpu.memory_space<hbm>>
        tpu.enqueue_dma source(%dma_start3A_2298 : memref<8x128xf32, #tpu.memory_space<hbm>>) target(%dma_start3A_2296 : memref<8x128xf32, #tpu.memory_space<vmem>>) target_semaphore(%arg8 : memref<!tpu.dma_semaphore, #tpu.memory_space<semaphore_mem>>)
        %dma_start3A_2299 = arith.constant 0 : i32
        %dma_start3A_2300 = arith.constant 15 : i32
        %dma_start3A_2301 = arith.constant 8 : i32
        %dma_start3A_2302 = arith.constant 0 : i32
        %dma_start3A_2303 = tpu.memref_slice %arg6[%dma_start3A_2299, %dma_start3A_2300, %dma_start3A_2301, %dma_start3A_2302] : memref<2x16x16x128xf32, #tpu.memory_space<vmem>> -> memref<1x1x8x128xf32, #tpu.memory_space<vmem>>
        %dma_start3A_2304 = tpu.memref_squeeze %dma_start3A_2303 : memref<1x1x8x128xf32, #tpu.memory_space<vmem>> -> memref<8x128xf32, #tpu.memory_space<vmem>>
        %dma_start3A_2305 = arith.constant 8 : i32
        %dma_start3A_2306 = tpu.memref_slice %arg3[%dma_start3A_2305, %multiple_of3A_2284] : memref<16x1000000xf32, #tpu.memory_space<hbm>> -> memref<8x128xf32, #tpu.memory_space<hbm>>
        %dma_start3A_2307 = arith.constant 8 : i32
        %dma_start3A_2308 = arith.constant 0 : i32
        %dma_start3A_2309 = tpu.memref_slice %arg6[%dma_start3A_2299, %dma_start3A_2300, %dma_start3A_2307, %dma_start3A_2308] : memref<2x16x16x128xf32, #tpu.memory_space<vmem>> -> memref<1x1x8x128xf32, #tpu.memory_space<vmem>>
        %dma_start3A_2310 = tpu.memref_squeeze %dma_start3A_2309 : memref<1x1x8x128xf32, #tpu.memory_space<vmem>> -> memref<8x128xf32, #tpu.memory_space<vmem>>
        %dma_start3A_2311 = arith.constant 8 : i32
        %dma_start3A_2312 = tpu.memref_slice %arg3[%dma_start3A_2311, %multiple_of3A_2284] : memref<16x1000000xf32, #tpu.memory_space<hbm>> -> memref<8x128xf32, #tpu.memory_space<hbm>>
        tpu.enqueue_dma source(%dma_start3A_2312 : memref<8x128xf32, #tpu.memory_space<hbm>>) target(%dma_start3A_2310 : memref<8x128xf32, #tpu.memory_space<vmem>>) target_semaphore(%arg8 : memref<!tpu.dma_semaphore, #tpu.memory_space<semaphore_mem>>)
      } else {
      }
      %dma_wait3A_1166 = arith.constant 1 : i32
      %dma_wait3A_1167 = arith.constant 0 : i32
      %dma_wait3A_1168 = arith.constant 0 : i32
      %dma_wait3A_1169 = arith.constant 0 : i32
      %dma_wait3A_1170 = tpu.memref_slice %arg6[%dma_wait3A_1166, %dma_wait3A_1167, %dma_wait3A_1168, %dma_wait3A_1169] : memref<2x16x16x128xf32, #tpu.memory_space<vmem>> -> memref<1x1x16x128xf32, #tpu.memory_space<vmem>>
      %dma_wait3A_1171 = tpu.memref_squeeze %dma_wait3A_1170 : memref<1x1x16x128xf32, #tpu.memory_space<vmem>> -> memref<16x128xf32, #tpu.memory_space<vmem>>
      %dma_wait3A_1172 = arith.constant 0 : i32
      %dma_wait3A_1173 = arith.constant 0 : i32
      %dma_wait3A_1174 = tpu.memref_slice %arg3[%dma_wait3A_1172, %dma_wait3A_1173] : memref<16x1000000xf32, #tpu.memory_space<hbm>> -> memref<16x128xf32, #tpu.memory_space<hbm>>
      %dma_wait3A_1175 = arith.constant 0 : i32
      %dma_wait3A_1176 = arith.constant 0 : i32
      %dma_wait3A_1177 = tpu.memref_slice %arg6[%dma_wait3A_1166, %dma_wait3A_1167, %dma_wait3A_1175, %dma_wait3A_1176] : memref<2x16x16x128xf32, #tpu.memory_space<vmem>> -> memref<1x1x16x128xf32, #tpu.memory_space<vmem>>
      %dma_wait3A_1178 = tpu.memref_squeeze %dma_wait3A_1177 : memref<1x1x16x128xf32, #tpu.memory_space<vmem>> -> memref<16x128xf32, #tpu.memory_space<vmem>>
      %dma_wait3A_1179 = arith.constant 0 : i32
      %dma_wait3A_1180 = arith.constant 0 : i32
      %dma_wait3A_1181 = tpu.memref_slice %arg3[%dma_wait3A_1179, %dma_wait3A_1180] : memref<16x1000000xf32, #tpu.memory_space<hbm>> -> memref<16x128xf32, #tpu.memory_space<hbm>>
      tpu.wait_dma2 semaphore(%arg9 : memref<!tpu.dma_semaphore, #tpu.memory_space<semaphore_mem>>) src(%dma_wait3A_1181 : memref<16x128xf32, #tpu.memory_space<hbm>>) dst(%dma_wait3A_1178 : memref<16x128xf32, #tpu.memory_space<vmem>>)
      %dma_wait3A_1182 = arith.constant 1 : i32
      %dma_wait3A_1183 = arith.constant 1 : i32
      %dma_wait3A_1184 = arith.constant 0 : i32
      %dma_wait3A_1185 = arith.constant 0 : i32
      %dma_wait3A_1186 = tpu.memref_slice %arg6[%dma_wait3A_1182, %dma_wait3A_1183, %dma_wait3A_1184, %dma_wait3A_1185] : memref<2x16x16x128xf32, #tpu.memory_space<vmem>> -> memref<1x1x16x128xf32, #tpu.memory_space<vmem>>
      %dma_wait3A_1187 = tpu.memref_squeeze %dma_wait3A_1186 : memref<1x1x16x128xf32, #tpu.memory_space<vmem>> -> memref<16x128xf32, #tpu.memory_space<vmem>>
      %dma_wait3A_1188 = arith.constant 0 : i32
      %dma_wait3A_1189 = arith.constant 0 : i32
      %dma_wait3A_1190 = tpu.memref_slice %arg3[%dma_wait3A_1188, %dma_wait3A_1189] : memref<16x1000000xf32, #tpu.memory_space<hbm>> -> memref<16x128xf32, #tpu.memory_space<hbm>>
      %dma_wait3A_1191 = arith.constant 0 : i32
      %dma_wait3A_1192 = arith.constant 0 : i32
      %dma_wait3A_1193 = tpu.memref_slice %arg6[%dma_wait3A_1182, %dma_wait3A_1183, %dma_wait3A_1191, %dma_wait3A_1192] : memref<2x16x16x128xf32, #tpu.memory_space<vmem>> -> memref<1x1x16x128xf32, #tpu.memory_space<vmem>>
      %dma_wait3A_1194 = tpu.memref_squeeze %dma_wait3A_1193 : memref<1x1x16x128xf32, #tpu.memory_space<vmem>> -> memref<16x128xf32, #tpu.memory_space<vmem>>
      %dma_wait3A_1195 = arith.constant 0 : i32
      %dma_wait3A_1196 = arith.constant 0 : i32
      %dma_wait3A_1197 = tpu.memref_slice %arg3[%dma_wait3A_1195, %dma_wait3A_1196] : memref<16x1000000xf32, #tpu.memory_space<hbm>> -> memref<16x128xf32, #tpu.memory_space<hbm>>
      tpu.wait_dma2 semaphore(%arg9 : memref<!tpu.dma_semaphore, #tpu.memory_space<semaphore_mem>>) src(%dma_wait3A_1197 : memref<16x128xf32, #tpu.memory_space<hbm>>) dst(%dma_wait3A_1194 : memref<16x128xf32, #tpu.memory_space<vmem>>)
      %dma_wait3A_1198 = arith.constant 1 : i32
      %dma_wait3A_1199 = arith.constant 2 : i32
      %dma_wait3A_1200 = arith.constant 0 : i32
      %dma_wait3A_1201 = arith.constant 0 : i32
      %dma_wait3A_1202 = tpu.memref_slice %arg6[%dma_wait3A_1198, %dma_wait3A_1199, %dma_wait3A_1200, %dma_wait3A_1201] : memref<2x16x16x128xf32, #tpu.memory_space<vmem>> -> memref<1x1x16x128xf32, #tpu.memory_space<vmem>>
      %dma_wait3A_1203 = tpu.memref_squeeze %dma_wait3A_1202 : memref<1x1x16x128xf32, #tpu.memory_space<vmem>> -> memref<16x128xf32, #tpu.memory_space<vmem>>
      %dma_wait3A_1204 = arith.constant 0 : i32
      %dma_wait3A_1205 = arith.constant 0 : i32
      %dma_wait3A_1206 = tpu.memref_slice %arg3[%dma_wait3A_1204, %dma_wait3A_1205] : memref<16x1000000xf32, #tpu.memory_space<hbm>> -> memref<16x128xf32, #tpu.memory_space<hbm>>
      %dma_wait3A_1207 = arith.constant 0 : i32
      %dma_wait3A_1208 = arith.constant 0 : i32
      %dma_wait3A_1209 = tpu.memref_slice %arg6[%dma_wait3A_1198, %dma_wait3A_1199, %dma_wait3A_1207, %dma_wait3A_1208] : memref<2x16x16x128xf32, #tpu.memory_space<vmem>> -> memref<1x1x16x128xf32, #tpu.memory_space<vmem>>
      %dma_wait3A_1210 = tpu.memref_squeeze %dma_wait3A_1209 : memref<1x1x16x128xf32, #tpu.memory_space<vmem>> -> memref<16x128xf32, #tpu.memory_space<vmem>>
      %dma_wait3A_1211 = arith.constant 0 : i32
      %dma_wait3A_1212 = arith.constant 0 : i32
      %dma_wait3A_1213 = tpu.memref_slice %arg3[%dma_wait3A_1211, %dma_wait3A_1212] : memref<16x1000000xf32, #tpu.memory_space<hbm>> -> memref<16x128xf32, #tpu.memory_space<hbm>>
      tpu.wait_dma2 semaphore(%arg9 : memref<!tpu.dma_semaphore, #tpu.memory_space<semaphore_mem>>) src(%dma_wait3A_1213 : memref<16x128xf32, #tpu.memory_space<hbm>>) dst(%dma_wait3A_1210 : memref<16x128xf32, #tpu.memory_space<vmem>>)
      %dma_wait3A_1214 = arith.constant 1 : i32
      %dma_wait3A_1215 = arith.constant 3 : i32
      %dma_wait3A_1216 = arith.constant 0 : i32
      %dma_wait3A_1217 = arith.constant 0 : i32
      %dma_wait3A_1218 = tpu.memref_slice %arg6[%dma_wait3A_1214, %dma_wait3A_1215, %dma_wait3A_1216, %dma_wait3A_1217] : memref<2x16x16x128xf32, #tpu.memory_space<vmem>> -> memref<1x1x16x128xf32, #tpu.memory_space<vmem>>
      %dma_wait3A_1219 = tpu.memref_squeeze %dma_wait3A_1218 : memref<1x1x16x128xf32, #tpu.memory_space<vmem>> -> memref<16x128xf32, #tpu.memory_space<vmem>>
      %dma_wait3A_1220 = arith.constant 0 : i32
      %dma_wait3A_1221 = arith.constant 0 : i32
      %dma_wait3A_1222 = tpu.memref_slice %arg3[%dma_wait3A_1220, %dma_wait3A_1221] : memref<16x1000000xf32, #tpu.memory_space<hbm>> -> memref<16x128xf32, #tpu.memory_space<hbm>>
      %dma_wait3A_1223 = arith.constant 0 : i32
      %dma_wait3A_1224 = arith.constant 0 : i32
      %dma_wait3A_1225 = tpu.memref_slice %arg6[%dma_wait3A_1214, %dma_wait3A_1215, %dma_wait3A_1223, %dma_wait3A_1224] : memref<2x16x16x128xf32, #tpu.memory_space<vmem>> -> memref<1x1x16x128xf32, #tpu.memory_space<vmem>>
      %dma_wait3A_1226 = tpu.memref_squeeze %dma_wait3A_1225 : memref<1x1x16x128xf32, #tpu.memory_space<vmem>> -> memref<16x128xf32, #tpu.memory_space<vmem>>
      %dma_wait3A_1227 = arith.constant 0 : i32
      %dma_wait3A_1228 = arith.constant 0 : i32
      %dma_wait3A_1229 = tpu.memref_slice %arg3[%dma_wait3A_1227, %dma_wait3A_1228] : memref<16x1000000xf32, #tpu.memory_space<hbm>> -> memref<16x128xf32, #tpu.memory_space<hbm>>
      tpu.wait_dma2 semaphore(%arg9 : memref<!tpu.dma_semaphore, #tpu.memory_space<semaphore_mem>>) src(%dma_wait3A_1229 : memref<16x128xf32, #tpu.memory_space<hbm>>) dst(%dma_wait3A_1226 : memref<16x128xf32, #tpu.memory_space<vmem>>)
      %dma_wait3A_1230 = arith.constant 1 : i32
      %dma_wait3A_1231 = arith.constant 4 : i32
      %dma_wait3A_1232 = arith.constant 0 : i32
      %dma_wait3A_1233 = arith.constant 0 : i32
      %dma_wait3A_1234 = tpu.memref_slice %arg6[%dma_wait3A_1230, %dma_wait3A_1231, %dma_wait3A_1232, %dma_wait3A_1233] : memref<2x16x16x128xf32, #tpu.memory_space<vmem>> -> memref<1x1x16x128xf32, #tpu.memory_space<vmem>>
      %dma_wait3A_1235 = tpu.memref_squeeze %dma_wait3A_1234 : memref<1x1x16x128xf32, #tpu.memory_space<vmem>> -> memref<16x128xf32, #tpu.memory_space<vmem>>
      %dma_wait3A_1236 = arith.constant 0 : i32
      %dma_wait3A_1237 = arith.constant 0 : i32
      %dma_wait3A_1238 = tpu.memref_slice %arg3[%dma_wait3A_1236, %dma_wait3A_1237] : memref<16x1000000xf32, #tpu.memory_space<hbm>> -> memref<16x128xf32, #tpu.memory_space<hbm>>
      %dma_wait3A_1239 = arith.constant 0 : i32
      %dma_wait3A_1240 = arith.constant 0 : i32
      %dma_wait3A_1241 = tpu.memref_slice %arg6[%dma_wait3A_1230, %dma_wait3A_1231, %dma_wait3A_1239, %dma_wait3A_1240] : memref<2x16x16x128xf32, #tpu.memory_space<vmem>> -> memref<1x1x16x128xf32, #tpu.memory_space<vmem>>
      %dma_wait3A_1242 = tpu.memref_squeeze %dma_wait3A_1241 : memref<1x1x16x128xf32, #tpu.memory_space<vmem>> -> memref<16x128xf32, #tpu.memory_space<vmem>>
      %dma_wait3A_1243 = arith.constant 0 : i32
      %dma_wait3A_1244 = arith.constant 0 : i32
      %dma_wait3A_1245 = tpu.memref_slice %arg3[%dma_wait3A_1243, %dma_wait3A_1244] : memref<16x1000000xf32, #tpu.memory_space<hbm>> -> memref<16x128xf32, #tpu.memory_space<hbm>>
      tpu.wait_dma2 semaphore(%arg9 : memref<!tpu.dma_semaphore, #tpu.memory_space<semaphore_mem>>) src(%dma_wait3A_1245 : memref<16x128xf32, #tpu.memory_space<hbm>>) dst(%dma_wait3A_1242 : memref<16x128xf32, #tpu.memory_space<vmem>>)
      %dma_wait3A_1246 = arith.constant 1 : i32
      %dma_wait3A_1247 = arith.constant 5 : i32
      %dma_wait3A_1248 = arith.constant 0 : i32
      %dma_wait3A_1249 = arith.constant 0 : i32
      %dma_wait3A_1250 = tpu.memref_slice %arg6[%dma_wait3A_1246, %dma_wait3A_1247, %dma_wait3A_1248, %dma_wait3A_1249] : memref<2x16x16x128xf32, #tpu.memory_space<vmem>> -> memref<1x1x16x128xf32, #tpu.memory_space<vmem>>
      %dma_wait3A_1251 = tpu.memref_squeeze %dma_wait3A_1250 : memref<1x1x16x128xf32, #tpu.memory_space<vmem>> -> memref<16x128xf32, #tpu.memory_space<vmem>>
      %dma_wait3A_1252 = arith.constant 0 : i32
      %dma_wait3A_1253 = arith.constant 0 : i32
      %dma_wait3A_1254 = tpu.memref_slice %arg3[%dma_wait3A_1252, %dma_wait3A_1253] : memref<16x1000000xf32, #tpu.memory_space<hbm>> -> memref<16x128xf32, #tpu.memory_space<hbm>>
      %dma_wait3A_1255 = arith.constant 0 : i32
      %dma_wait3A_1256 = arith.constant 0 : i32
      %dma_wait3A_1257 = tpu.memref_slice %arg6[%dma_wait3A_1246, %dma_wait3A_1247, %dma_wait3A_1255, %dma_wait3A_1256] : memref<2x16x16x128xf32, #tpu.memory_space<vmem>> -> memref<1x1x16x128xf32, #tpu.memory_space<vmem>>
      %dma_wait3A_1258 = tpu.memref_squeeze %dma_wait3A_1257 : memref<1x1x16x128xf32, #tpu.memory_space<vmem>> -> memref<16x128xf32, #tpu.memory_space<vmem>>
      %dma_wait3A_1259 = arith.constant 0 : i32
      %dma_wait3A_1260 = arith.constant 0 : i32
      %dma_wait3A_1261 = tpu.memref_slice %arg3[%dma_wait3A_1259, %dma_wait3A_1260] : memref<16x1000000xf32, #tpu.memory_space<hbm>> -> memref<16x128xf32, #tpu.memory_space<hbm>>
      tpu.wait_dma2 semaphore(%arg9 : memref<!tpu.dma_semaphore, #tpu.memory_space<semaphore_mem>>) src(%dma_wait3A_1261 : memref<16x128xf32, #tpu.memory_space<hbm>>) dst(%dma_wait3A_1258 : memref<16x128xf32, #tpu.memory_space<vmem>>)
      %dma_wait3A_1262 = arith.constant 1 : i32
      %dma_wait3A_1263 = arith.constant 6 : i32
      %dma_wait3A_1264 = arith.constant 0 : i32
      %dma_wait3A_1265 = arith.constant 0 : i32
      %dma_wait3A_1266 = tpu.memref_slice %arg6[%dma_wait3A_1262, %dma_wait3A_1263, %dma_wait3A_1264, %dma_wait3A_1265] : memref<2x16x16x128xf32, #tpu.memory_space<vmem>> -> memref<1x1x16x128xf32, #tpu.memory_space<vmem>>
      %dma_wait3A_1267 = tpu.memref_squeeze %dma_wait3A_1266 : memref<1x1x16x128xf32, #tpu.memory_space<vmem>> -> memref<16x128xf32, #tpu.memory_space<vmem>>
      %dma_wait3A_1268 = arith.constant 0 : i32
      %dma_wait3A_1269 = arith.constant 0 : i32
      %dma_wait3A_1270 = tpu.memref_slice %arg3[%dma_wait3A_1268, %dma_wait3A_1269] : memref<16x1000000xf32, #tpu.memory_space<hbm>> -> memref<16x128xf32, #tpu.memory_space<hbm>>
      %dma_wait3A_1271 = arith.constant 0 : i32
      %dma_wait3A_1272 = arith.constant 0 : i32
      %dma_wait3A_1273 = tpu.memref_slice %arg6[%dma_wait3A_1262, %dma_wait3A_1263, %dma_wait3A_1271, %dma_wait3A_1272] : memref<2x16x16x128xf32, #tpu.memory_space<vmem>> -> memref<1x1x16x128xf32, #tpu.memory_space<vmem>>
      %dma_wait3A_1274 = tpu.memref_squeeze %dma_wait3A_1273 : memref<1x1x16x128xf32, #tpu.memory_space<vmem>> -> memref<16x128xf32, #tpu.memory_space<vmem>>
      %dma_wait3A_1275 = arith.constant 0 : i32
      %dma_wait3A_1276 = arith.constant 0 : i32
      %dma_wait3A_1277 = tpu.memref_slice %arg3[%dma_wait3A_1275, %dma_wait3A_1276] : memref<16x1000000xf32, #tpu.memory_space<hbm>> -> memref<16x128xf32, #tpu.memory_space<hbm>>
      tpu.wait_dma2 semaphore(%arg9 : memref<!tpu.dma_semaphore, #tpu.memory_space<semaphore_mem>>) src(%dma_wait3A_1277 : memref<16x128xf32, #tpu.memory_space<hbm>>) dst(%dma_wait3A_1274 : memref<16x128xf32, #tpu.memory_space<vmem>>)
      %dma_wait3A_1278 = arith.constant 1 : i32
      %dma_wait3A_1279 = arith.constant 7 : i32
      %dma_wait3A_1280 = arith.constant 0 : i32
      %dma_wait3A_1281 = arith.constant 0 : i32
      %dma_wait3A_1282 = tpu.memref_slice %arg6[%dma_wait3A_1278, %dma_wait3A_1279, %dma_wait3A_1280, %dma_wait3A_1281] : memref<2x16x16x128xf32, #tpu.memory_space<vmem>> -> memref<1x1x16x128xf32, #tpu.memory_space<vmem>>
      %dma_wait3A_1283 = tpu.memref_squeeze %dma_wait3A_1282 : memref<1x1x16x128xf32, #tpu.memory_space<vmem>> -> memref<16x128xf32, #tpu.memory_space<vmem>>
      %dma_wait3A_1284 = arith.constant 0 : i32
      %dma_wait3A_1285 = arith.constant 0 : i32
      %dma_wait3A_1286 = tpu.memref_slice %arg3[%dma_wait3A_1284, %dma_wait3A_1285] : memref<16x1000000xf32, #tpu.memory_space<hbm>> -> memref<16x128xf32, #tpu.memory_space<hbm>>
      %dma_wait3A_1287 = arith.constant 0 : i32
      %dma_wait3A_1288 = arith.constant 0 : i32
      %dma_wait3A_1289 = tpu.memref_slice %arg6[%dma_wait3A_1278, %dma_wait3A_1279, %dma_wait3A_1287, %dma_wait3A_1288] : memref<2x16x16x128xf32, #tpu.memory_space<vmem>> -> memref<1x1x16x128xf32, #tpu.memory_space<vmem>>
      %dma_wait3A_1290 = tpu.memref_squeeze %dma_wait3A_1289 : memref<1x1x16x128xf32, #tpu.memory_space<vmem>> -> memref<16x128xf32, #tpu.memory_space<vmem>>
      %dma_wait3A_1291 = arith.constant 0 : i32
      %dma_wait3A_1292 = arith.constant 0 : i32
      %dma_wait3A_1293 = tpu.memref_slice %arg3[%dma_wait3A_1291, %dma_wait3A_1292] : memref<16x1000000xf32, #tpu.memory_space<hbm>> -> memref<16x128xf32, #tpu.memory_space<hbm>>
      tpu.wait_dma2 semaphore(%arg9 : memref<!tpu.dma_semaphore, #tpu.memory_space<semaphore_mem>>) src(%dma_wait3A_1293 : memref<16x128xf32, #tpu.memory_space<hbm>>) dst(%dma_wait3A_1290 : memref<16x128xf32, #tpu.memory_space<vmem>>)
      %dma_wait3A_1294 = arith.constant 1 : i32
      %dma_wait3A_1295 = arith.constant 8 : i32
      %dma_wait3A_1296 = arith.constant 0 : i32
      %dma_wait3A_1297 = arith.constant 0 : i32
      %dma_wait3A_1298 = tpu.memref_slice %arg6[%dma_wait3A_1294, %dma_wait3A_1295, %dma_wait3A_1296, %dma_wait3A_1297] : memref<2x16x16x128xf32, #tpu.memory_space<vmem>> -> memref<1x1x16x128xf32, #tpu.memory_space<vmem>>
      %dma_wait3A_1299 = tpu.memref_squeeze %dma_wait3A_1298 : memref<1x1x16x128xf32, #tpu.memory_space<vmem>> -> memref<16x128xf32, #tpu.memory_space<vmem>>
      %dma_wait3A_1300 = arith.constant 0 : i32
      %dma_wait3A_1301 = arith.constant 0 : i32
      %dma_wait3A_1302 = tpu.memref_slice %arg3[%dma_wait3A_1300, %dma_wait3A_1301] : memref<16x1000000xf32, #tpu.memory_space<hbm>> -> memref<16x128xf32, #tpu.memory_space<hbm>>
      %dma_wait3A_1303 = arith.constant 0 : i32
      %dma_wait3A_1304 = arith.constant 0 : i32
      %dma_wait3A_1305 = tpu.memref_slice %arg6[%dma_wait3A_1294, %dma_wait3A_1295, %dma_wait3A_1303, %dma_wait3A_1304] : memref<2x16x16x128xf32, #tpu.memory_space<vmem>> -> memref<1x1x16x128xf32, #tpu.memory_space<vmem>>
      %dma_wait3A_1306 = tpu.memref_squeeze %dma_wait3A_1305 : memref<1x1x16x128xf32, #tpu.memory_space<vmem>> -> memref<16x128xf32, #tpu.memory_space<vmem>>
      %dma_wait3A_1307 = arith.constant 0 : i32
      %dma_wait3A_1308 = arith.constant 0 : i32
      %dma_wait3A_1309 = tpu.memref_slice %arg3[%dma_wait3A_1307, %dma_wait3A_1308] : memref<16x1000000xf32, #tpu.memory_space<hbm>> -> memref<16x128xf32, #tpu.memory_space<hbm>>
      tpu.wait_dma2 semaphore(%arg9 : memref<!tpu.dma_semaphore, #tpu.memory_space<semaphore_mem>>) src(%dma_wait3A_1309 : memref<16x128xf32, #tpu.memory_space<hbm>>) dst(%dma_wait3A_1306 : memref<16x128xf32, #tpu.memory_space<vmem>>)
      %dma_wait3A_1310 = arith.constant 1 : i32
      %dma_wait3A_1311 = arith.constant 9 : i32
      %dma_wait3A_1312 = arith.constant 0 : i32
      %dma_wait3A_1313 = arith.constant 0 : i32
      %dma_wait3A_1314 = tpu.memref_slice %arg6[%dma_wait3A_1310, %dma_wait3A_1311, %dma_wait3A_1312, %dma_wait3A_1313] : memref<2x16x16x128xf32, #tpu.memory_space<vmem>> -> memref<1x1x16x128xf32, #tpu.memory_space<vmem>>
      %dma_wait3A_1315 = tpu.memref_squeeze %dma_wait3A_1314 : memref<1x1x16x128xf32, #tpu.memory_space<vmem>> -> memref<16x128xf32, #tpu.memory_space<vmem>>
      %dma_wait3A_1316 = arith.constant 0 : i32
      %dma_wait3A_1317 = arith.constant 0 : i32
      %dma_wait3A_1318 = tpu.memref_slice %arg3[%dma_wait3A_1316, %dma_wait3A_1317] : memref<16x1000000xf32, #tpu.memory_space<hbm>> -> memref<16x128xf32, #tpu.memory_space<hbm>>
      %dma_wait3A_1319 = arith.constant 0 : i32
      %dma_wait3A_1320 = arith.constant 0 : i32
      %dma_wait3A_1321 = tpu.memref_slice %arg6[%dma_wait3A_1310, %dma_wait3A_1311, %dma_wait3A_1319, %dma_wait3A_1320] : memref<2x16x16x128xf32, #tpu.memory_space<vmem>> -> memref<1x1x16x128xf32, #tpu.memory_space<vmem>>
      %dma_wait3A_1322 = tpu.memref_squeeze %dma_wait3A_1321 : memref<1x1x16x128xf32, #tpu.memory_space<vmem>> -> memref<16x128xf32, #tpu.memory_space<vmem>>
      %dma_wait3A_1323 = arith.constant 0 : i32
      %dma_wait3A_1324 = arith.constant 0 : i32
      %dma_wait3A_1325 = tpu.memref_slice %arg3[%dma_wait3A_1323, %dma_wait3A_1324] : memref<16x1000000xf32, #tpu.memory_space<hbm>> -> memref<16x128xf32, #tpu.memory_space<hbm>>
      tpu.wait_dma2 semaphore(%arg9 : memref<!tpu.dma_semaphore, #tpu.memory_space<semaphore_mem>>) src(%dma_wait3A_1325 : memref<16x128xf32, #tpu.memory_space<hbm>>) dst(%dma_wait3A_1322 : memref<16x128xf32, #tpu.memory_space<vmem>>)
      %dma_wait3A_1326 = arith.constant 1 : i32
      %dma_wait3A_1327 = arith.constant 10 : i32
      %dma_wait3A_1328 = arith.constant 0 : i32
      %dma_wait3A_1329 = arith.constant 0 : i32
      %dma_wait3A_1330 = tpu.memref_slice %arg6[%dma_wait3A_1326, %dma_wait3A_1327, %dma_wait3A_1328, %dma_wait3A_1329] : memref<2x16x16x128xf32, #tpu.memory_space<vmem>> -> memref<1x1x16x128xf32, #tpu.memory_space<vmem>>
      %dma_wait3A_1331 = tpu.memref_squeeze %dma_wait3A_1330 : memref<1x1x16x128xf32, #tpu.memory_space<vmem>> -> memref<16x128xf32, #tpu.memory_space<vmem>>
      %dma_wait3A_1332 = arith.constant 0 : i32
      %dma_wait3A_1333 = arith.constant 0 : i32
      %dma_wait3A_1334 = tpu.memref_slice %arg3[%dma_wait3A_1332, %dma_wait3A_1333] : memref<16x1000000xf32, #tpu.memory_space<hbm>> -> memref<16x128xf32, #tpu.memory_space<hbm>>
      %dma_wait3A_1335 = arith.constant 0 : i32
      %dma_wait3A_1336 = arith.constant 0 : i32
      %dma_wait3A_1337 = tpu.memref_slice %arg6[%dma_wait3A_1326, %dma_wait3A_1327, %dma_wait3A_1335, %dma_wait3A_1336] : memref<2x16x16x128xf32, #tpu.memory_space<vmem>> -> memref<1x1x16x128xf32, #tpu.memory_space<vmem>>
      %dma_wait3A_1338 = tpu.memref_squeeze %dma_wait3A_1337 : memref<1x1x16x128xf32, #tpu.memory_space<vmem>> -> memref<16x128xf32, #tpu.memory_space<vmem>>
      %dma_wait3A_1339 = arith.constant 0 : i32
      %dma_wait3A_1340 = arith.constant 0 : i32
      %dma_wait3A_1341 = tpu.memref_slice %arg3[%dma_wait3A_1339, %dma_wait3A_1340] : memref<16x1000000xf32, #tpu.memory_space<hbm>> -> memref<16x128xf32, #tpu.memory_space<hbm>>
      tpu.wait_dma2 semaphore(%arg9 : memref<!tpu.dma_semaphore, #tpu.memory_space<semaphore_mem>>) src(%dma_wait3A_1341 : memref<16x128xf32, #tpu.memory_space<hbm>>) dst(%dma_wait3A_1338 : memref<16x128xf32, #tpu.memory_space<vmem>>)
      %dma_wait3A_1342 = arith.constant 1 : i32
      %dma_wait3A_1343 = arith.constant 11 : i32
      %dma_wait3A_1344 = arith.constant 0 : i32
      %dma_wait3A_1345 = arith.constant 0 : i32
      %dma_wait3A_1346 = tpu.memref_slice %arg6[%dma_wait3A_1342, %dma_wait3A_1343, %dma_wait3A_1344, %dma_wait3A_1345] : memref<2x16x16x128xf32, #tpu.memory_space<vmem>> -> memref<1x1x16x128xf32, #tpu.memory_space<vmem>>
      %dma_wait3A_1347 = tpu.memref_squeeze %dma_wait3A_1346 : memref<1x1x16x128xf32, #tpu.memory_space<vmem>> -> memref<16x128xf32, #tpu.memory_space<vmem>>
      %dma_wait3A_1348 = arith.constant 0 : i32
      %dma_wait3A_1349 = arith.constant 0 : i32
      %dma_wait3A_1350 = tpu.memref_slice %arg3[%dma_wait3A_1348, %dma_wait3A_1349] : memref<16x1000000xf32, #tpu.memory_space<hbm>> -> memref<16x128xf32, #tpu.memory_space<hbm>>
      %dma_wait3A_1351 = arith.constant 0 : i32
      %dma_wait3A_1352 = arith.constant 0 : i32
      %dma_wait3A_1353 = tpu.memref_slice %arg6[%dma_wait3A_1342, %dma_wait3A_1343, %dma_wait3A_1351, %dma_wait3A_1352] : memref<2x16x16x128xf32, #tpu.memory_space<vmem>> -> memref<1x1x16x128xf32, #tpu.memory_space<vmem>>
      %dma_wait3A_1354 = tpu.memref_squeeze %dma_wait3A_1353 : memref<1x1x16x128xf32, #tpu.memory_space<vmem>> -> memref<16x128xf32, #tpu.memory_space<vmem>>
      %dma_wait3A_1355 = arith.constant 0 : i32
      %dma_wait3A_1356 = arith.constant 0 : i32
      %dma_wait3A_1357 = tpu.memref_slice %arg3[%dma_wait3A_1355, %dma_wait3A_1356] : memref<16x1000000xf32, #tpu.memory_space<hbm>> -> memref<16x128xf32, #tpu.memory_space<hbm>>
      tpu.wait_dma2 semaphore(%arg9 : memref<!tpu.dma_semaphore, #tpu.memory_space<semaphore_mem>>) src(%dma_wait3A_1357 : memref<16x128xf32, #tpu.memory_space<hbm>>) dst(%dma_wait3A_1354 : memref<16x128xf32, #tpu.memory_space<vmem>>)
      %dma_wait3A_1358 = arith.constant 1 : i32
      %dma_wait3A_1359 = arith.constant 12 : i32
      %dma_wait3A_1360 = arith.constant 0 : i32
      %dma_wait3A_1361 = arith.constant 0 : i32
      %dma_wait3A_1362 = tpu.memref_slice %arg6[%dma_wait3A_1358, %dma_wait3A_1359, %dma_wait3A_1360, %dma_wait3A_1361] : memref<2x16x16x128xf32, #tpu.memory_space<vmem>> -> memref<1x1x16x128xf32, #tpu.memory_space<vmem>>
      %dma_wait3A_1363 = tpu.memref_squeeze %dma_wait3A_1362 : memref<1x1x16x128xf32, #tpu.memory_space<vmem>> -> memref<16x128xf32, #tpu.memory_space<vmem>>
      %dma_wait3A_1364 = arith.constant 0 : i32
      %dma_wait3A_1365 = arith.constant 0 : i32
      %dma_wait3A_1366 = tpu.memref_slice %arg3[%dma_wait3A_1364, %dma_wait3A_1365] : memref<16x1000000xf32, #tpu.memory_space<hbm>> -> memref<16x128xf32, #tpu.memory_space<hbm>>
      %dma_wait3A_1367 = arith.constant 0 : i32
      %dma_wait3A_1368 = arith.constant 0 : i32
      %dma_wait3A_1369 = tpu.memref_slice %arg6[%dma_wait3A_1358, %dma_wait3A_1359, %dma_wait3A_1367, %dma_wait3A_1368] : memref<2x16x16x128xf32, #tpu.memory_space<vmem>> -> memref<1x1x16x128xf32, #tpu.memory_space<vmem>>
      %dma_wait3A_1370 = tpu.memref_squeeze %dma_wait3A_1369 : memref<1x1x16x128xf32, #tpu.memory_space<vmem>> -> memref<16x128xf32, #tpu.memory_space<vmem>>
      %dma_wait3A_1371 = arith.constant 0 : i32
      %dma_wait3A_1372 = arith.constant 0 : i32
      %dma_wait3A_1373 = tpu.memref_slice %arg3[%dma_wait3A_1371, %dma_wait3A_1372] : memref<16x1000000xf32, #tpu.memory_space<hbm>> -> memref<16x128xf32, #tpu.memory_space<hbm>>
      tpu.wait_dma2 semaphore(%arg9 : memref<!tpu.dma_semaphore, #tpu.memory_space<semaphore_mem>>) src(%dma_wait3A_1373 : memref<16x128xf32, #tpu.memory_space<hbm>>) dst(%dma_wait3A_1370 : memref<16x128xf32, #tpu.memory_space<vmem>>)
      %dma_wait3A_1374 = arith.constant 1 : i32
      %dma_wait3A_1375 = arith.constant 13 : i32
      %dma_wait3A_1376 = arith.constant 0 : i32
      %dma_wait3A_1377 = arith.constant 0 : i32
      %dma_wait3A_1378 = tpu.memref_slice %arg6[%dma_wait3A_1374, %dma_wait3A_1375, %dma_wait3A_1376, %dma_wait3A_1377] : memref<2x16x16x128xf32, #tpu.memory_space<vmem>> -> memref<1x1x16x128xf32, #tpu.memory_space<vmem>>
      %dma_wait3A_1379 = tpu.memref_squeeze %dma_wait3A_1378 : memref<1x1x16x128xf32, #tpu.memory_space<vmem>> -> memref<16x128xf32, #tpu.memory_space<vmem>>
      %dma_wait3A_1380 = arith.constant 0 : i32
      %dma_wait3A_1381 = arith.constant 0 : i32
      %dma_wait3A_1382 = tpu.memref_slice %arg3[%dma_wait3A_1380, %dma_wait3A_1381] : memref<16x1000000xf32, #tpu.memory_space<hbm>> -> memref<16x128xf32, #tpu.memory_space<hbm>>
      %dma_wait3A_1383 = arith.constant 0 : i32
      %dma_wait3A_1384 = arith.constant 0 : i32
      %dma_wait3A_1385 = tpu.memref_slice %arg6[%dma_wait3A_1374, %dma_wait3A_1375, %dma_wait3A_1383, %dma_wait3A_1384] : memref<2x16x16x128xf32, #tpu.memory_space<vmem>> -> memref<1x1x16x128xf32, #tpu.memory_space<vmem>>
      %dma_wait3A_1386 = tpu.memref_squeeze %dma_wait3A_1385 : memref<1x1x16x128xf32, #tpu.memory_space<vmem>> -> memref<16x128xf32, #tpu.memory_space<vmem>>
      %dma_wait3A_1387 = arith.constant 0 : i32
      %dma_wait3A_1388 = arith.constant 0 : i32
      %dma_wait3A_1389 = tpu.memref_slice %arg3[%dma_wait3A_1387, %dma_wait3A_1388] : memref<16x1000000xf32, #tpu.memory_space<hbm>> -> memref<16x128xf32, #tpu.memory_space<hbm>>
      tpu.wait_dma2 semaphore(%arg9 : memref<!tpu.dma_semaphore, #tpu.memory_space<semaphore_mem>>) src(%dma_wait3A_1389 : memref<16x128xf32, #tpu.memory_space<hbm>>) dst(%dma_wait3A_1386 : memref<16x128xf32, #tpu.memory_space<vmem>>)
      %dma_wait3A_1390 = arith.constant 1 : i32
      %dma_wait3A_1391 = arith.constant 14 : i32
      %dma_wait3A_1392 = arith.constant 0 : i32
      %dma_wait3A_1393 = arith.constant 0 : i32
      %dma_wait3A_1394 = tpu.memref_slice %arg6[%dma_wait3A_1390, %dma_wait3A_1391, %dma_wait3A_1392, %dma_wait3A_1393] : memref<2x16x16x128xf32, #tpu.memory_space<vmem>> -> memref<1x1x16x128xf32, #tpu.memory_space<vmem>>
      %dma_wait3A_1395 = tpu.memref_squeeze %dma_wait3A_1394 : memref<1x1x16x128xf32, #tpu.memory_space<vmem>> -> memref<16x128xf32, #tpu.memory_space<vmem>>
      %dma_wait3A_1396 = arith.constant 0 : i32
      %dma_wait3A_1397 = arith.constant 0 : i32
      %dma_wait3A_1398 = tpu.memref_slice %arg3[%dma_wait3A_1396, %dma_wait3A_1397] : memref<16x1000000xf32, #tpu.memory_space<hbm>> -> memref<16x128xf32, #tpu.memory_space<hbm>>
      %dma_wait3A_1399 = arith.constant 0 : i32
      %dma_wait3A_1400 = arith.constant 0 : i32
      %dma_wait3A_1401 = tpu.memref_slice %arg6[%dma_wait3A_1390, %dma_wait3A_1391, %dma_wait3A_1399, %dma_wait3A_1400] : memref<2x16x16x128xf32, #tpu.memory_space<vmem>> -> memref<1x1x16x128xf32, #tpu.memory_space<vmem>>
      %dma_wait3A_1402 = tpu.memref_squeeze %dma_wait3A_1401 : memref<1x1x16x128xf32, #tpu.memory_space<vmem>> -> memref<16x128xf32, #tpu.memory_space<vmem>>
      %dma_wait3A_1403 = arith.constant 0 : i32
      %dma_wait3A_1404 = arith.constant 0 : i32
      %dma_wait3A_1405 = tpu.memref_slice %arg3[%dma_wait3A_1403, %dma_wait3A_1404] : memref<16x1000000xf32, #tpu.memory_space<hbm>> -> memref<16x128xf32, #tpu.memory_space<hbm>>
      tpu.wait_dma2 semaphore(%arg9 : memref<!tpu.dma_semaphore, #tpu.memory_space<semaphore_mem>>) src(%dma_wait3A_1405 : memref<16x128xf32, #tpu.memory_space<hbm>>) dst(%dma_wait3A_1402 : memref<16x128xf32, #tpu.memory_space<vmem>>)
      %dma_wait3A_1406 = arith.constant 1 : i32
      %dma_wait3A_1407 = arith.constant 15 : i32
      %dma_wait3A_1408 = arith.constant 0 : i32
      %dma_wait3A_1409 = arith.constant 0 : i32
      %dma_wait3A_1410 = tpu.memref_slice %arg6[%dma_wait3A_1406, %dma_wait3A_1407, %dma_wait3A_1408, %dma_wait3A_1409] : memref<2x16x16x128xf32, #tpu.memory_space<vmem>> -> memref<1x1x16x128xf32, #tpu.memory_space<vmem>>
      %dma_wait3A_1411 = tpu.memref_squeeze %dma_wait3A_1410 : memref<1x1x16x128xf32, #tpu.memory_space<vmem>> -> memref<16x128xf32, #tpu.memory_space<vmem>>
      %dma_wait3A_1412 = arith.constant 0 : i32
      %dma_wait3A_1413 = arith.constant 0 : i32
      %dma_wait3A_1414 = tpu.memref_slice %arg3[%dma_wait3A_1412, %dma_wait3A_1413] : memref<16x1000000xf32, #tpu.memory_space<hbm>> -> memref<16x128xf32, #tpu.memory_space<hbm>>
      %dma_wait3A_1415 = arith.constant 0 : i32
      %dma_wait3A_1416 = arith.constant 0 : i32
      %dma_wait3A_1417 = tpu.memref_slice %arg6[%dma_wait3A_1406, %dma_wait3A_1407, %dma_wait3A_1415, %dma_wait3A_1416] : memref<2x16x16x128xf32, #tpu.memory_space<vmem>> -> memref<1x1x16x128xf32, #tpu.memory_space<vmem>>
      %dma_wait3A_1418 = tpu.memref_squeeze %dma_wait3A_1417 : memref<1x1x16x128xf32, #tpu.memory_space<vmem>> -> memref<16x128xf32, #tpu.memory_space<vmem>>
      %dma_wait3A_1419 = arith.constant 0 : i32
      %dma_wait3A_1420 = arith.constant 0 : i32
      %dma_wait3A_1421 = tpu.memref_slice %arg3[%dma_wait3A_1419, %dma_wait3A_1420] : memref<16x1000000xf32, #tpu.memory_space<hbm>> -> memref<16x128xf32, #tpu.memory_space<hbm>>
      tpu.wait_dma2 semaphore(%arg9 : memref<!tpu.dma_semaphore, #tpu.memory_space<semaphore_mem>>) src(%dma_wait3A_1421 : memref<16x128xf32, #tpu.memory_space<hbm>>) dst(%dma_wait3A_1418 : memref<16x128xf32, #tpu.memory_space<vmem>>)
      %broadcast_in_dim3A_1422 = arith.constant 1 : i32
      %broadcast_in_dim3A_1423 = vector.broadcast %broadcast_in_dim3A_1422 : i32 to vector<16xi32>
      %mul3A_1424 = arith.constant 16 : i32
      %mul3A_1425 = arith.muli %add3A_1158, %mul3A_1424 : i32
      %add3A_1426 = arith.constant 0 : i32
      %add3A_1427 = arith.addi %mul3A_1425, %add3A_1426 : i32
      %broadcast_in_dim3A_1428 = vector.broadcast %add3A_1427 : i32 to vector<16xi32>
      %gather3A_1429 = tpu.vector_load_idx %arg5[%broadcast_in_dim3A_1428] : memref<512xi32, #tpu.memory_space<vmem>>[vector<16xi32>], vector<16xi32>,
      %and3A_1430 = arith.constant 127 : i32
      %and3A_1431 = vector.broadcast %and3A_1430 : i32 to vector<16xi32>
      %and3A_1432 = arith.andi %gather3A_1429, %and3A_1431 : vector<16xi32>
      %broadcast_in_dim3A_1433 = arith.constant 0 : i32
      %broadcast_in_dim3A_1434 = vector.broadcast %broadcast_in_dim3A_1433 : i32 to vector<16xi32>
      %gather3A_1435 = tpu.vector_load_idx %arg6[%broadcast_in_dim3A_1423, %broadcast_in_dim3A_1434, %iota3A, %and3A_1432] : memref<2x16x16x128xf32, #tpu.memory_space<vmem>>[vector<16xi32>, vector<16xi32>, vector<16xi32>, vector<16xi32>], vector<16xf32>,
      tpu.vector_store_idx %arg7[%iota3A, %broadcast_in_dim3A_1428], %gather3A_1435 : memref<16x512xf32, #tpu.memory_space<vmem>>[vector<16xi32>, vector<16xi32>], vector<16xf32>,
      %mul3A_1436 = arith.constant 16 : i32
      %mul3A_1437 = arith.muli %add3A_1158, %mul3A_1436 : i32
      %add3A_1438 = arith.constant 1 : i32
      %add3A_1439 = arith.addi %mul3A_1437, %add3A_1438 : i32
      %broadcast_in_dim3A_1440 = vector.broadcast %add3A_1439 : i32 to vector<16xi32>
      %gather3A_1441 = tpu.vector_load_idx %arg5[%broadcast_in_dim3A_1440] : memref<512xi32, #tpu.memory_space<vmem>>[vector<16xi32>], vector<16xi32>,
      %and3A_1442 = arith.constant 127 : i32
      %and3A_1443 = vector.broadcast %and3A_1442 : i32 to vector<16xi32>
      %and3A_1444 = arith.andi %gather3A_1441, %and3A_1443 : vector<16xi32>
      %broadcast_in_dim3A_1445 = arith.constant 1 : i32
      %broadcast_in_dim3A_1446 = vector.broadcast %broadcast_in_dim3A_1445 : i32 to vector<16xi32>
      %gather3A_1447 = tpu.vector_load_idx %arg6[%broadcast_in_dim3A_1423, %broadcast_in_dim3A_1446, %iota3A, %and3A_1444] : memref<2x16x16x128xf32, #tpu.memory_space<vmem>>[vector<16xi32>, vector<16xi32>, vector<16xi32>, vector<16xi32>], vector<16xf32>,
      tpu.vector_store_idx %arg7[%iota3A, %broadcast_in_dim3A_1440], %gather3A_1447 : memref<16x512xf32, #tpu.memory_space<vmem>>[vector<16xi32>, vector<16xi32>], vector<16xf32>,
      %mul3A_1448 = arith.constant 16 : i32
      %mul3A_1449 = arith.muli %add3A_1158, %mul3A_1448 : i32
      %add3A_1450 = arith.constant 2 : i32
      %add3A_1451 = arith.addi %mul3A_1449, %add3A_1450 : i32
      %broadcast_in_dim3A_1452 = vector.broadcast %add3A_1451 : i32 to vector<16xi32>
      %gather3A_1453 = tpu.vector_load_idx %arg5[%broadcast_in_dim3A_1452] : memref<512xi32, #tpu.memory_space<vmem>>[vector<16xi32>], vector<16xi32>,
      %and3A_1454 = arith.constant 127 : i32
      %and3A_1455 = vector.broadcast %and3A_1454 : i32 to vector<16xi32>
      %and3A_1456 = arith.andi %gather3A_1453, %and3A_1455 : vector<16xi32>
      %broadcast_in_dim3A_1457 = arith.constant 2 : i32
      %broadcast_in_dim3A_1458 = vector.broadcast %broadcast_in_dim3A_1457 : i32 to vector<16xi32>
      %gather3A_1459 = tpu.vector_load_idx %arg6[%broadcast_in_dim3A_1423, %broadcast_in_dim3A_1458, %iota3A, %and3A_1456] : memref<2x16x16x128xf32, #tpu.memory_space<vmem>>[vector<16xi32>, vector<16xi32>, vector<16xi32>, vector<16xi32>], vector<16xf32>,
      tpu.vector_store_idx %arg7[%iota3A, %broadcast_in_dim3A_1452], %gather3A_1459 : memref<16x512xf32, #tpu.memory_space<vmem>>[vector<16xi32>, vector<16xi32>], vector<16xf32>,
      %mul3A_1460 = arith.constant 16 : i32
      %mul3A_1461 = arith.muli %add3A_1158, %mul3A_1460 : i32
      %add3A_1462 = arith.constant 3 : i32
      %add3A_1463 = arith.addi %mul3A_1461, %add3A_1462 : i32
      %broadcast_in_dim3A_1464 = vector.broadcast %add3A_1463 : i32 to vector<16xi32>
      %gather3A_1465 = tpu.vector_load_idx %arg5[%broadcast_in_dim3A_1464] : memref<512xi32, #tpu.memory_space<vmem>>[vector<16xi32>], vector<16xi32>,
      %and3A_1466 = arith.constant 127 : i32
      %and3A_1467 = vector.broadcast %and3A_1466 : i32 to vector<16xi32>
      %and3A_1468 = arith.andi %gather3A_1465, %and3A_1467 : vector<16xi32>
      %broadcast_in_dim3A_1469 = arith.constant 3 : i32
      %broadcast_in_dim3A_1470 = vector.broadcast %broadcast_in_dim3A_1469 : i32 to vector<16xi32>
      %gather3A_1471 = tpu.vector_load_idx %arg6[%broadcast_in_dim3A_1423, %broadcast_in_dim3A_1470, %iota3A, %and3A_1468] : memref<2x16x16x128xf32, #tpu.memory_space<vmem>>[vector<16xi32>, vector<16xi32>, vector<16xi32>, vector<16xi32>], vector<16xf32>,
      tpu.vector_store_idx %arg7[%iota3A, %broadcast_in_dim3A_1464], %gather3A_1471 : memref<16x512xf32, #tpu.memory_space<vmem>>[vector<16xi32>, vector<16xi32>], vector<16xf32>,
      %mul3A_1472 = arith.constant 16 : i32
      %mul3A_1473 = arith.muli %add3A_1158, %mul3A_1472 : i32
      %add3A_1474 = arith.constant 4 : i32
      %add3A_1475 = arith.addi %mul3A_1473, %add3A_1474 : i32
      %broadcast_in_dim3A_1476 = vector.broadcast %add3A_1475 : i32 to vector<16xi32>
      %gather3A_1477 = tpu.vector_load_idx %arg5[%broadcast_in_dim3A_1476] : memref<512xi32, #tpu.memory_space<vmem>>[vector<16xi32>], vector<16xi32>,
      %and3A_1478 = arith.constant 127 : i32
      %and3A_1479 = vector.broadcast %and3A_1478 : i32 to vector<16xi32>
      %and3A_1480 = arith.andi %gather3A_1477, %and3A_1479 : vector<16xi32>
      %broadcast_in_dim3A_1481 = arith.constant 4 : i32
      %broadcast_in_dim3A_1482 = vector.broadcast %broadcast_in_dim3A_1481 : i32 to vector<16xi32>
      %gather3A_1483 = tpu.vector_load_idx %arg6[%broadcast_in_dim3A_1423, %broadcast_in_dim3A_1482, %iota3A, %and3A_1480] : memref<2x16x16x128xf32, #tpu.memory_space<vmem>>[vector<16xi32>, vector<16xi32>, vector<16xi32>, vector<16xi32>], vector<16xf32>,
      tpu.vector_store_idx %arg7[%iota3A, %broadcast_in_dim3A_1476], %gather3A_1483 : memref<16x512xf32, #tpu.memory_space<vmem>>[vector<16xi32>, vector<16xi32>], vector<16xf32>,
      %mul3A_1484 = arith.constant 16 : i32
      %mul3A_1485 = arith.muli %add3A_1158, %mul3A_1484 : i32
      %add3A_1486 = arith.constant 5 : i32
      %add3A_1487 = arith.addi %mul3A_1485, %add3A_1486 : i32
      %broadcast_in_dim3A_1488 = vector.broadcast %add3A_1487 : i32 to vector<16xi32>
      %gather3A_1489 = tpu.vector_load_idx %arg5[%broadcast_in_dim3A_1488] : memref<512xi32, #tpu.memory_space<vmem>>[vector<16xi32>], vector<16xi32>,
      %and3A_1490 = arith.constant 127 : i32
      %and3A_1491 = vector.broadcast %and3A_1490 : i32 to vector<16xi32>
      %and3A_1492 = arith.andi %gather3A_1489, %and3A_1491 : vector<16xi32>
      %broadcast_in_dim3A_1493 = arith.constant 5 : i32
      %broadcast_in_dim3A_1494 = vector.broadcast %broadcast_in_dim3A_1493 : i32 to vector<16xi32>
      %gather3A_1495 = tpu.vector_load_idx %arg6[%broadcast_in_dim3A_1423, %broadcast_in_dim3A_1494, %iota3A, %and3A_1492] : memref<2x16x16x128xf32, #tpu.memory_space<vmem>>[vector<16xi32>, vector<16xi32>, vector<16xi32>, vector<16xi32>], vector<16xf32>,
      tpu.vector_store_idx %arg7[%iota3A, %broadcast_in_dim3A_1488], %gather3A_1495 : memref<16x512xf32, #tpu.memory_space<vmem>>[vector<16xi32>, vector<16xi32>], vector<16xf32>,
      %mul3A_1496 = arith.constant 16 : i32
      %mul3A_1497 = arith.muli %add3A_1158, %mul3A_1496 : i32
      %add3A_1498 = arith.constant 6 : i32
      %add3A_1499 = arith.addi %mul3A_1497, %add3A_1498 : i32
      %broadcast_in_dim3A_1500 = vector.broadcast %add3A_1499 : i32 to vector<16xi32>
      %gather3A_1501 = tpu.vector_load_idx %arg5[%broadcast_in_dim3A_1500] : memref<512xi32, #tpu.memory_space<vmem>>[vector<16xi32>], vector<16xi32>,
      %and3A_1502 = arith.constant 127 : i32
      %and3A_1503 = vector.broadcast %and3A_1502 : i32 to vector<16xi32>
      %and3A_1504 = arith.andi %gather3A_1501, %and3A_1503 : vector<16xi32>
      %broadcast_in_dim3A_1505 = arith.constant 6 : i32
      %broadcast_in_dim3A_1506 = vector.broadcast %broadcast_in_dim3A_1505 : i32 to vector<16xi32>
      %gather3A_1507 = tpu.vector_load_idx %arg6[%broadcast_in_dim3A_1423, %broadcast_in_dim3A_1506, %iota3A, %and3A_1504] : memref<2x16x16x128xf32, #tpu.memory_space<vmem>>[vector<16xi32>, vector<16xi32>, vector<16xi32>, vector<16xi32>], vector<16xf32>,
      tpu.vector_store_idx %arg7[%iota3A, %broadcast_in_dim3A_1500], %gather3A_1507 : memref<16x512xf32, #tpu.memory_space<vmem>>[vector<16xi32>, vector<16xi32>], vector<16xf32>,
      %mul3A_1508 = arith.constant 16 : i32
      %mul3A_1509 = arith.muli %add3A_1158, %mul3A_1508 : i32
      %add3A_1510 = arith.constant 7 : i32
      %add3A_1511 = arith.addi %mul3A_1509, %add3A_1510 : i32
      %broadcast_in_dim3A_1512 = vector.broadcast %add3A_1511 : i32 to vector<16xi32>
      %gather3A_1513 = tpu.vector_load_idx %arg5[%broadcast_in_dim3A_1512] : memref<512xi32, #tpu.memory_space<vmem>>[vector<16xi32>], vector<16xi32>,
      %and3A_1514 = arith.constant 127 : i32
      %and3A_1515 = vector.broadcast %and3A_1514 : i32 to vector<16xi32>
      %and3A_1516 = arith.andi %gather3A_1513, %and3A_1515 : vector<16xi32>
      %broadcast_in_dim3A_1517 = arith.constant 7 : i32
      %broadcast_in_dim3A_1518 = vector.broadcast %broadcast_in_dim3A_1517 : i32 to vector<16xi32>
      %gather3A_1519 = tpu.vector_load_idx %arg6[%broadcast_in_dim3A_1423, %broadcast_in_dim3A_1518, %iota3A, %and3A_1516] : memref<2x16x16x128xf32, #tpu.memory_space<vmem>>[vector<16xi32>, vector<16xi32>, vector<16xi32>, vector<16xi32>], vector<16xf32>,
      tpu.vector_store_idx %arg7[%iota3A, %broadcast_in_dim3A_1512], %gather3A_1519 : memref<16x512xf32, #tpu.memory_space<vmem>>[vector<16xi32>, vector<16xi32>], vector<16xf32>,
      %mul3A_1520 = arith.constant 16 : i32
      %mul3A_1521 = arith.muli %add3A_1158, %mul3A_1520 : i32
      %add3A_1522 = arith.constant 8 : i32
      %add3A_1523 = arith.addi %mul3A_1521, %add3A_1522 : i32
      %broadcast_in_dim3A_1524 = vector.broadcast %add3A_1523 : i32 to vector<16xi32>
      %gather3A_1525 = tpu.vector_load_idx %arg5[%broadcast_in_dim3A_1524] : memref<512xi32, #tpu.memory_space<vmem>>[vector<16xi32>], vector<16xi32>,
      %and3A_1526 = arith.constant 127 : i32
      %and3A_1527 = vector.broadcast %and3A_1526 : i32 to vector<16xi32>
      %and3A_1528 = arith.andi %gather3A_1525, %and3A_1527 : vector<16xi32>
      %broadcast_in_dim3A_1529 = arith.constant 8 : i32
      %broadcast_in_dim3A_1530 = vector.broadcast %broadcast_in_dim3A_1529 : i32 to vector<16xi32>
      %gather3A_1531 = tpu.vector_load_idx %arg6[%broadcast_in_dim3A_1423, %broadcast_in_dim3A_1530, %iota3A, %and3A_1528] : memref<2x16x16x128xf32, #tpu.memory_space<vmem>>[vector<16xi32>, vector<16xi32>, vector<16xi32>, vector<16xi32>], vector<16xf32>,
      tpu.vector_store_idx %arg7[%iota3A, %broadcast_in_dim3A_1524], %gather3A_1531 : memref<16x512xf32, #tpu.memory_space<vmem>>[vector<16xi32>, vector<16xi32>], vector<16xf32>,
      %mul3A_1532 = arith.constant 16 : i32
      %mul3A_1533 = arith.muli %add3A_1158, %mul3A_1532 : i32
      %add3A_1534 = arith.constant 9 : i32
      %add3A_1535 = arith.addi %mul3A_1533, %add3A_1534 : i32
      %broadcast_in_dim3A_1536 = vector.broadcast %add3A_1535 : i32 to vector<16xi32>
      %gather3A_1537 = tpu.vector_load_idx %arg5[%broadcast_in_dim3A_1536] : memref<512xi32, #tpu.memory_space<vmem>>[vector<16xi32>], vector<16xi32>,
      %and3A_1538 = arith.constant 127 : i32
      %and3A_1539 = vector.broadcast %and3A_1538 : i32 to vector<16xi32>
      %and3A_1540 = arith.andi %gather3A_1537, %and3A_1539 : vector<16xi32>
      %broadcast_in_dim3A_1541 = arith.constant 9 : i32
      %broadcast_in_dim3A_1542 = vector.broadcast %broadcast_in_dim3A_1541 : i32 to vector<16xi32>
      %gather3A_1543 = tpu.vector_load_idx %arg6[%broadcast_in_dim3A_1423, %broadcast_in_dim3A_1542, %iota3A, %and3A_1540] : memref<2x16x16x128xf32, #tpu.memory_space<vmem>>[vector<16xi32>, vector<16xi32>, vector<16xi32>, vector<16xi32>], vector<16xf32>,
      tpu.vector_store_idx %arg7[%iota3A, %broadcast_in_dim3A_1536], %gather3A_1543 : memref<16x512xf32, #tpu.memory_space<vmem>>[vector<16xi32>, vector<16xi32>], vector<16xf32>,
      %mul3A_1544 = arith.constant 16 : i32
      %mul3A_1545 = arith.muli %add3A_1158, %mul3A_1544 : i32
      %add3A_1546 = arith.constant 10 : i32
      %add3A_1547 = arith.addi %mul3A_1545, %add3A_1546 : i32
      %broadcast_in_dim3A_1548 = vector.broadcast %add3A_1547 : i32 to vector<16xi32>
      %gather3A_1549 = tpu.vector_load_idx %arg5[%broadcast_in_dim3A_1548] : memref<512xi32, #tpu.memory_space<vmem>>[vector<16xi32>], vector<16xi32>,
      %and3A_1550 = arith.constant 127 : i32
      %and3A_1551 = vector.broadcast %and3A_1550 : i32 to vector<16xi32>
      %and3A_1552 = arith.andi %gather3A_1549, %and3A_1551 : vector<16xi32>
      %broadcast_in_dim3A_1553 = arith.constant 10 : i32
      %broadcast_in_dim3A_1554 = vector.broadcast %broadcast_in_dim3A_1553 : i32 to vector<16xi32>
      %gather3A_1555 = tpu.vector_load_idx %arg6[%broadcast_in_dim3A_1423, %broadcast_in_dim3A_1554, %iota3A, %and3A_1552] : memref<2x16x16x128xf32, #tpu.memory_space<vmem>>[vector<16xi32>, vector<16xi32>, vector<16xi32>, vector<16xi32>], vector<16xf32>,
      tpu.vector_store_idx %arg7[%iota3A, %broadcast_in_dim3A_1548], %gather3A_1555 : memref<16x512xf32, #tpu.memory_space<vmem>>[vector<16xi32>, vector<16xi32>], vector<16xf32>,
      %mul3A_1556 = arith.constant 16 : i32
      %mul3A_1557 = arith.muli %add3A_1158, %mul3A_1556 : i32
      %add3A_1558 = arith.constant 11 : i32
      %add3A_1559 = arith.addi %mul3A_1557, %add3A_1558 : i32
      %broadcast_in_dim3A_1560 = vector.broadcast %add3A_1559 : i32 to vector<16xi32>
      %gather3A_1561 = tpu.vector_load_idx %arg5[%broadcast_in_dim3A_1560] : memref<512xi32, #tpu.memory_space<vmem>>[vector<16xi32>], vector<16xi32>,
      %and3A_1562 = arith.constant 127 : i32
      %and3A_1563 = vector.broadcast %and3A_1562 : i32 to vector<16xi32>
      %and3A_1564 = arith.andi %gather3A_1561, %and3A_1563 : vector<16xi32>
      %broadcast_in_dim3A_1565 = arith.constant 11 : i32
      %broadcast_in_dim3A_1566 = vector.broadcast %broadcast_in_dim3A_1565 : i32 to vector<16xi32>
      %gather3A_1567 = tpu.vector_load_idx %arg6[%broadcast_in_dim3A_1423, %broadcast_in_dim3A_1566, %iota3A, %and3A_1564] : memref<2x16x16x128xf32, #tpu.memory_space<vmem>>[vector<16xi32>, vector<16xi32>, vector<16xi32>, vector<16xi32>], vector<16xf32>,
      tpu.vector_store_idx %arg7[%iota3A, %broadcast_in_dim3A_1560], %gather3A_1567 : memref<16x512xf32, #tpu.memory_space<vmem>>[vector<16xi32>, vector<16xi32>], vector<16xf32>,
      %mul3A_1568 = arith.constant 16 : i32
      %mul3A_1569 = arith.muli %add3A_1158, %mul3A_1568 : i32
      %add3A_1570 = arith.constant 12 : i32
      %add3A_1571 = arith.addi %mul3A_1569, %add3A_1570 : i32
      %broadcast_in_dim3A_1572 = vector.broadcast %add3A_1571 : i32 to vector<16xi32>
      %gather3A_1573 = tpu.vector_load_idx %arg5[%broadcast_in_dim3A_1572] : memref<512xi32, #tpu.memory_space<vmem>>[vector<16xi32>], vector<16xi32>,
      %and3A_1574 = arith.constant 127 : i32
      %and3A_1575 = vector.broadcast %and3A_1574 : i32 to vector<16xi32>
      %and3A_1576 = arith.andi %gather3A_1573, %and3A_1575 : vector<16xi32>
      %broadcast_in_dim3A_1577 = arith.constant 12 : i32
      %broadcast_in_dim3A_1578 = vector.broadcast %broadcast_in_dim3A_1577 : i32 to vector<16xi32>
      %gather3A_1579 = tpu.vector_load_idx %arg6[%broadcast_in_dim3A_1423, %broadcast_in_dim3A_1578, %iota3A, %and3A_1576] : memref<2x16x16x128xf32, #tpu.memory_space<vmem>>[vector<16xi32>, vector<16xi32>, vector<16xi32>, vector<16xi32>], vector<16xf32>,
      tpu.vector_store_idx %arg7[%iota3A, %broadcast_in_dim3A_1572], %gather3A_1579 : memref<16x512xf32, #tpu.memory_space<vmem>>[vector<16xi32>, vector<16xi32>], vector<16xf32>,
      %mul3A_1580 = arith.constant 16 : i32
      %mul3A_1581 = arith.muli %add3A_1158, %mul3A_1580 : i32
      %add3A_1582 = arith.constant 13 : i32
      %add3A_1583 = arith.addi %mul3A_1581, %add3A_1582 : i32
      %broadcast_in_dim3A_1584 = vector.broadcast %add3A_1583 : i32 to vector<16xi32>
      %gather3A_1585 = tpu.vector_load_idx %arg5[%broadcast_in_dim3A_1584] : memref<512xi32, #tpu.memory_space<vmem>>[vector<16xi32>], vector<16xi32>,
      %and3A_1586 = arith.constant 127 : i32
      %and3A_1587 = vector.broadcast %and3A_1586 : i32 to vector<16xi32>
      %and3A_1588 = arith.andi %gather3A_1585, %and3A_1587 : vector<16xi32>
      %broadcast_in_dim3A_1589 = arith.constant 13 : i32
      %broadcast_in_dim3A_1590 = vector.broadcast %broadcast_in_dim3A_1589 : i32 to vector<16xi32>
      %gather3A_1591 = tpu.vector_load_idx %arg6[%broadcast_in_dim3A_1423, %broadcast_in_dim3A_1590, %iota3A, %and3A_1588] : memref<2x16x16x128xf32, #tpu.memory_space<vmem>>[vector<16xi32>, vector<16xi32>, vector<16xi32>, vector<16xi32>], vector<16xf32>,
      tpu.vector_store_idx %arg7[%iota3A, %broadcast_in_dim3A_1584], %gather3A_1591 : memref<16x512xf32, #tpu.memory_space<vmem>>[vector<16xi32>, vector<16xi32>], vector<16xf32>,
      %mul3A_1592 = arith.constant 16 : i32
      %mul3A_1593 = arith.muli %add3A_1158, %mul3A_1592 : i32
      %add3A_1594 = arith.constant 14 : i32
      %add3A_1595 = arith.addi %mul3A_1593, %add3A_1594 : i32
      %broadcast_in_dim3A_1596 = vector.broadcast %add3A_1595 : i32 to vector<16xi32>
      %gather3A_1597 = tpu.vector_load_idx %arg5[%broadcast_in_dim3A_1596] : memref<512xi32, #tpu.memory_space<vmem>>[vector<16xi32>], vector<16xi32>,
      %and3A_1598 = arith.constant 127 : i32
      %and3A_1599 = vector.broadcast %and3A_1598 : i32 to vector<16xi32>
      %and3A_1600 = arith.andi %gather3A_1597, %and3A_1599 : vector<16xi32>
      %broadcast_in_dim3A_1601 = arith.constant 14 : i32
      %broadcast_in_dim3A_1602 = vector.broadcast %broadcast_in_dim3A_1601 : i32 to vector<16xi32>
      %gather3A_1603 = tpu.vector_load_idx %arg6[%broadcast_in_dim3A_1423, %broadcast_in_dim3A_1602, %iota3A, %and3A_1600] : memref<2x16x16x128xf32, #tpu.memory_space<vmem>>[vector<16xi32>, vector<16xi32>, vector<16xi32>, vector<16xi32>], vector<16xf32>,
      tpu.vector_store_idx %arg7[%iota3A, %broadcast_in_dim3A_1596], %gather3A_1603 : memref<16x512xf32, #tpu.memory_space<vmem>>[vector<16xi32>, vector<16xi32>], vector<16xf32>,
      %mul3A_1604 = arith.constant 16 : i32
      %mul3A_1605 = arith.muli %add3A_1158, %mul3A_1604 : i32
      %add3A_1606 = arith.constant 15 : i32
      %add3A_1607 = arith.addi %mul3A_1605, %add3A_1606 : i32
      %broadcast_in_dim3A_1608 = vector.broadcast %add3A_1607 : i32 to vector<16xi32>
      %gather3A_1609 = tpu.vector_load_idx %arg5[%broadcast_in_dim3A_1608] : memref<512xi32, #tpu.memory_space<vmem>>[vector<16xi32>], vector<16xi32>,
      %and3A_1610 = arith.constant 127 : i32
      %and3A_1611 = vector.broadcast %and3A_1610 : i32 to vector<16xi32>
      %and3A_1612 = arith.andi %gather3A_1609, %and3A_1611 : vector<16xi32>
      %broadcast_in_dim3A_1613 = arith.constant 15 : i32
      %broadcast_in_dim3A_1614 = vector.broadcast %broadcast_in_dim3A_1613 : i32 to vector<16xi32>
      %gather3A_1615 = tpu.vector_load_idx %arg6[%broadcast_in_dim3A_1423, %broadcast_in_dim3A_1614, %iota3A, %and3A_1612] : memref<2x16x16x128xf32, #tpu.memory_space<vmem>>[vector<16xi32>, vector<16xi32>, vector<16xi32>, vector<16xi32>], vector<16xf32>,
      tpu.vector_store_idx %arg7[%iota3A, %broadcast_in_dim3A_1608], %gather3A_1615 : memref<16x512xf32, #tpu.memory_space<vmem>>[vector<16xi32>, vector<16xi32>], vector<16xf32>,
    }
    %scan3A_691 = arith.constant 16 : i32
    %dma_start3A_692 = arith.constant 0 : i32
    %dma_start3A_693 = tpu.memref_slice %arg4[%dma_start3A_692, %mul3A_2] : memref<16x16384xf32, #tpu.memory_space<hbm>> -> memref<16x512xf32, #tpu.memory_space<hbm>>
    %dma_start3A_694 = arith.constant 0 : i32
    %dma_start3A_695 = tpu.memref_slice %arg4[%dma_start3A_694, %mul3A_2] : memref<16x16384xf32, #tpu.memory_space<hbm>> -> memref<16x512xf32, #tpu.memory_space<hbm>>
    tpu.enqueue_dma source(%arg7 : memref<16x512xf32, #tpu.memory_space<vmem>>) target(%dma_start3A_695 : memref<16x512xf32, #tpu.memory_space<hbm>>) target_semaphore(%arg10 : memref<!tpu.dma_semaphore, #tpu.memory_space<semaphore_mem>>)
    %dma_wait3A = arith.constant 0 : i32
    %dma_wait3A_696 = tpu.memref_slice %arg4[%dma_wait3A, %mul3A_2] : memref<16x16384xf32, #tpu.memory_space<hbm>> -> memref<16x512xf32, #tpu.memory_space<hbm>>
    %dma_wait3A_697 = arith.constant 0 : i32
    %dma_wait3A_698 = tpu.memref_slice %arg4[%dma_wait3A_697, %mul3A_2] : memref<16x16384xf32, #tpu.memory_space<hbm>> -> memref<16x512xf32, #tpu.memory_space<hbm>>
    tpu.wait_dma2 semaphore(%arg10 : memref<!tpu.dma_semaphore, #tpu.memory_space<semaphore_mem>>) src(%arg7 : memref<16x512xf32, #tpu.memory_space<vmem>>) dst(%dma_wait3A_698 : memref<16x512xf32, #tpu.memory_space<hbm>>)
    return
  }
}

</mosaic_0001>

<sc_bundles>
// kernel: kernel.3.cloned.1.call-start
scs
__scs_entry_jumppad:
0x0: {  	(pc) =	sbr.rel $0x88, $3  }
0x1: {  	(tag) =	ssettag $0x0;
	lr =	simm.s32 $0x1  }
0x2: {  	[smem:$0x3F9F] =	sst lr;
	_ =	strace $0xD0000000  }
0x3: {  	_ = 	snop  }
0x4: {  	_ = 	snop  }
0x5: {  	_ = 	snop  }
0x6: {  	_ = 	snop  }
0x7: {  	_ = 	snop  }
__scs_overlays_trampoline_lowered:
0x8: {  	[smem:$0x3FAE] =	sst s0  }
0x9: {  	[smem:$0x3FAF] =	sst s1  }
0xa: {  	[smem:$0x3FB0] =	sst s2  }
0xb: {  	[smem:$0x3FB1] =	sst s3  }
0xc: {  	[smem:$0x3FB2] =	sst s4  }
0xd: {  	[smem:$0x3FB3] =	sst s5  }
0xe: {  	[smem:$0x3FB4] =	sst s6  }
0xf: {  	[smem:$0x3FB5] =	sst s7  }
0x10: {  	[smem:$0x3FB6] =	sst s8  }
0x11: {  	[smem:$0x3FB7] =	sst s9;
	s0 =	simm.s32 @!p0 $0x0  }
0x12: {  	s1 =	sld [smem:$0x3F9D];
	s0 =	simm.s32 @p0 $0x1  }
0x13: {  	[smem:$0x3FB8] =	sst s0;
	s0 =	simm.s32 @!p1 $0x0  }
0x14: {  	s2 =	sld [smem:$0x3F9C];
	s0 =	simm.s32 @p1 $0x1  }
0x15: {  	[smem:$0x3FB9] =	sst s0;
	s0 =	simm.s32 @!p2 $0x0  }
0x16: {  	s3 =	sld [smem:$0x3FDB];
	s0 =	simm.s32 @p2 $0x1  }
0x17: {  	s4 =	simm.s32 $0x1BF5;
	[smem:$0x3FBB] =	sst s0  }
0x18: {  	s0 =	sld [smem:$0x3F9E];
	_ =	swait.ge [sflag:s4], $0x0  }
0x19: {  	s7 =	sld [smem:$0x3F9F]  }
0x1a: {  	s8 =	sadd.s32 $0xFFFFE003, lr  }
0x1b: {  	s9 =	sadd.s32 $0xFFFFFEF7, lr;
	s5 =	simm.s32 $0xFFFFFFFF;
	p2 =	slt.u32 s8, $0xFFFFF086  }
0x1c: {  	p1 =	slt.u32 s9, $0xF7A;
	s5 =	simm.s32 @!p2 $0x0  }
0x1d: {  	s5 =	simm.s32 @p1 $0x1;
	p0 =	seq.s32 s7, s2  }
0x1e: {  	s7 =	smul.u32 @!p0 $0xF7A, s2;
	p2 =	seq.s32 @!p0 s5, $0x0  }
0x1f: {  	s9 =	smul.u32 $0xF7A, s1;
	s8 =	simm.s32 @!p0 $0x1BF5;
	p2 =	por !p2, p0  }
0x20: {  	[sflag:s8] =	ssyncset.s32 @!p0 $0xFFFFF086;
	s6 =	sadd.s32 @!p0 s3, s7;
	s7 =	simm.s32 @!p0 $0x108  }
0x21: {  	s3 =	sadd.s32 s3, s9;
	s6 =	sadd.s32 @!p0 $0x88, s6;
	s7 =	simm.s32 @p2 $0x1082  }
0x22: {  	[simem:s7], [sflag:s8] =	dma.local @!p0 [hbm:s6], $0xF7A  }
0x23: {  	s9 =	sor.u32 $0xD0000000, s2;
	s6 =	simm.s32 $0x108;
	_ =	swait.ge @!p0 [sflag:s8], $0x0  }
0x24: {  	s3 =	sadd.s32 $0x88, s3;
	s6 =	simm.s32 @!p1 $0x1082;
	[sflag:s4] =	ssyncset.s32 $0xFFFFF086  }
0x25: {  	[simem:s6], [sflag:s4] =	dma.local [hbm:s3], $0xF7A  }
0x26: {  	[smem:$0x3F9F] =	sst s1;
	(tag) =	ssettag s2;
	_ =	strace s9  }
0x27: {  	s1 =	sld [smem:$0x3FAF]  }
0x28: {  	s2 =	sld [smem:$0x3FB0]  }
0x29: {  	s4 =	sld [smem:$0x3FB2]  }
0x2a: {  	p0 =	seq.s32 s5, $0x0;
	s5 =	sld [smem:$0x3FB3]  }
0x2b: {  	s6 =	sld [smem:$0x3FB4]  }
0x2c: {  	s7 =	sld [smem:$0x3FB5]  }
0x2d: {  	s3 =	simm.s32 $0x108;
	s8 =	sld [smem:$0x3FB6]  }
0x2e: {  	s3 =	simm.s32 @!p0 $0x1082;
	s9 =	sld [smem:$0x3FB7]  }
0x2f: {  	lr =	sadd.s32 s0, s3;
	s0 =	sld [smem:$0x3FAE]  }
0x30: {  	s3 =	sld [smem:$0x3FB1]  }
0x31: {  	[smem:$0x3FBA] =	sst s10  }
0x32: {  	s10 =	sld [smem:$0x3FB8];
	_ =	sdelay $0x3  }
0x33: {  	p0 =	seq.s32 s10, $0x1;
	s10 =	sld [smem:$0x3FBA];
	_ =	sdelay $0x3  }
0x34: {  	[smem:$0x3FBA] =	sst s10  }
0x35: {  	s10 =	sld [smem:$0x3FB9];
	_ =	sdelay $0x3  }
0x36: {  	p1 =	seq.s32 s10, $0x1;
	s10 =	sld [smem:$0x3FBA];
	_ =	sdelay $0x3  }
0x37: {  	[smem:$0x3FBA] =	sst s10  }
0x38: {  	s10 =	sld [smem:$0x3FBB]  }
0x39: {  	_ = 	snop;
	(pc) =	sbr.ind lr, $3  }
0x3a: {  	_ = 	snop  }
0x3b: {  	_ = 	snop  }
0x3c: {  	p2 =	seq.s32 s10, $0x1;
	s10 =	sld [smem:$0x3FBA]  }
0x3d: {  	_ =	shalt  }
0x3e: {  	_ =	shalt  }
0x3f: {  	_ =	shalt  }
0x40: {  	_ =	shalt  }
0x41: {  	_ =	shalt  }
0x42: {  	_ =	shalt  }
0x43: {  	_ =	shalt  }
0x44: {  	_ =	shalt  }
0x45: {  	_ =	shalt  }
0x46: {  	_ =	shalt  }
0x47: {  	_ =	shalt  }
0x48: {  	_ =	shalt  }
0x49: {  	_ =	shalt  }
0x4a: {  	_ =	shalt  }
0x4b: {  	_ =	shalt  }
0x4c: {  	_ =	shalt  }
0x4d: {  	_ =	shalt  }
0x4e: {  	_ =	shalt  }
0x4f: {  	_ =	shalt  }
0x50: {  	_ =	shalt  }
0x51: {  	_ =	shalt  }
0x52: {  	_ =	shalt  }
0x53: {  	_ =	shalt  }
0x54: {  	_ =	shalt  }
0x55: {  	_ =	shalt  }
0x56: {  	_ =	shalt  }
0x57: {  	_ =	shalt  }
0x58: {  	_ =	shalt  }
0x59: {  	_ =	shalt  }
0x5a: {  	_ =	shalt  }
0x5b: {  	_ =	shalt  }
0x5c: {  	_ =	shalt  }
0x5d: {  	_ =	shalt  }
0x5e: {  	_ =	shalt  }
0x5f: {  	_ =	shalt  }
0x60: {  	_ =	shalt  }
0x61: {  	_ =	shalt  }
0x62: {  	_ =	shalt  }
0x63: {  	_ =	shalt  }
0x64: {  	_ =	shalt  }
0x65: {  	_ =	shalt  }
0x66: {  	_ =	shalt  }
0x67: {  	_ =	shalt  }
0x68: {  	_ =	shalt  }
0x69: {  	_ =	shalt  }
0x6a: {  	_ =	shalt  }
0x6b: {  	_ =	shalt  }
0x6c: {  	_ =	shalt  }
0x6d: {  	_ =	shalt  }
0x6e: {  	_ =	shalt  }
0x6f: {  	_ =	shalt  }
0x70: {  	_ =	shalt  }
0x71: {  	_ =	shalt  }
0x72: {  	_ =	shalt  }
0x73: {  	_ =	shalt  }
0x74: {  	_ =	shalt  }
0x75: {  	_ =	shalt  }
0x76: {  	_ =	shalt  }
0x77: {  	_ =	shalt  }
0x78: {  	_ =	shalt  }
0x79: {  	_ =	shalt  }
0x7a: {  	_ =	shalt  }
0x7b: {  	_ =	shalt  }
0x7c: {  	_ =	shalt  }
0x7d: {  	_ =	shalt  }
0x7e: {  	_ =	shalt  }
0x7f: {  	_ =	shalt  }
0x80: {  	_ =	shalt  }
0x81: {  	_ =	shalt  }
0x82: {  	_ =	shalt  }
0x83: {  	_ =	shalt  }
0x84: {  	_ =	shalt  }
0x85: {  	_ =	shalt  }
0x86: {  	_ =	shalt  }
0x87: {  	_ =	shalt  }
.Lfunc_end0:
.L_simem_size_0:
called_computation_lowered:
.L_overlay_start_0:
0x88: {  	s2 =	sld [smem:$0x3FD9]  }
0x89: {  	s3 =	sld [smem:$0x3FFE];
	_ =	sdelay $0x1  }
0x8a: {  	s1 =	srdreg.scid  }
0x8b: {  	s0 =	sand.u32 $0x1, s1  }
0x8c: {  	s18 =	sshll.u32 s0, $0xA;
	s2 =	sadd.s32 s3, s2  }
0x8d: {  	s2 =	sadd.s32 s2, s18  }
0x8e: {  	[smem:$0x3FC6] =	sst s2  }
0x8f: {  	_ = 	snop  }
0x90: {  	s2 =	sld [smem:$0x3FC9]  }
0x91: {  	s19 =	sld [smem:$0x3FC8]  }
0x92: {  	s4 =	sld [smem:$0x3FD0];
	(tm) =	ssettm $0x1  }
0x93: {  	s5 =	sld [smem:$0x3FFB];
	_ =	sdelay $0x3  }
0x94: {  	_ =	strace s5  }
0x95: {  	s5 =	sld [smem:$0x3FFC];
	_ =	sdelay $0x3  }
0x96: {  	_ =	strace s5  }
0x97: {  	s5 =	sld [smem:$0x3FFD];
	_ =	sdelay $0x3  }
0x98: {  	_ =	strace s5  }
0x99: {  	_ =	strace $0x8FFFFFFF  }
0x9a: {  	s20 =	sld [smem:$0x3FDB];
	_ =	sdelay $0x1  }
0x9b: {  	s6 =	simm.s32 $_scs_section_size  }
0x9c: {  	s7 =	simm.s32 $_size__tile_overlayer_lowered;
	s8 =	simm.s32 $_tile_overlayer_lowered  }
0x9d: {  	s23 =	simm.s32 $0x1BFF;
	s22 =	sshll.u32 s8, $0x1;
	s5 =	sadd.s32 s6, s20  }
0x9e: {  	s9 =	simm.s32 $0x0;
	s21 =	sshll.u32 s7, $0x1;
	s7 =	sadd.s32 s22, s5  }
0x9f: {  	[timem:s9], [sflag:s23] =	dma.local [hbm:s7], s21  }
0xa0: {  	_ =	swait.ge [sflag:s23], s21  }
0xa1: {  	s6 =	ssub.s32 $0x0, s21;
	[sflag:s23] =	ssyncset.done $0x0  }
0xa2: {  	[sflag:s23] =	ssyncadd.s32 s6;
	_ =	sdelay $0x1  }
0xa3: {  	s24 =	simm.s32 $0x1B8B  }
0xa4: {  	_ =	swait.ge [sflag:s24], $0x1  }
0xa5: {  	[sflag:s24] =	ssyncset.done $0x0  }
0xa6: {  	s25 =	simm.s32 $0x1B8E;
	[sflag:s24] =	ssyncadd.s32 $0xFFFFFFFF  }
0xa7: {  	s26 =	simm.s32 $execute0_lowered;
	[smem:$0x3FD2] =	sst s25  }
0xa8: {  	s6 =	sshll.u32 s26, $0x1;
	_ =	strace $0x80000046;
	[dreg:$0x1] =	wrdreg $0xFFFFFFFF  }
0xa9: {  	s28 =	simm.s32 $_size_execute0_lowered;
	s5 =	sadd.s32 s5, s6;
	[dreg:$0x0] =	wrdreg $0x0  }
0xaa: {  	s6 =	sshll.u32 s28, $0x1;
	[dreg:$0x2] =	wrdreg s5  }
0xab: {  	[dreg:$0x3] =	wrdreg s6  }
0xac: {  	[dreg:$0x4] =	wrdreg $0xC0  }
0xad: {  	_ =	task [dreg:s9], $0x5FFFF  }
0xae: {  	[dreg:$0x1] =	wrdreg $0xFFFFFFFF  }
0xaf: {  	[dreg:$0x0] =	wrdreg $0x60  }
0xb0: {  	[dreg:$0x2] =	wrdreg s2  }
0xb1: {  	[dreg:$0x3] =	wrdreg s19  }
0xb2: {  	[dreg:$0x4] =	wrdreg s4  }
0xb3: {  	[dreg:$0x5] =	wrdreg $0x9  }
0xb4: {  	_ =	task.clear_ibuf [dreg:s9], $0x6FFFF;
	_ =	strace $0x90000046  }
0xb5: {  	s29 =	simm.s32 $0x9;
	_ =	strace $0x80000048  }
0xb6: {  	_ =	swait.ge [sflag:s29], $0x1  }
0xb7: {  	[sflag:s29] =	ssyncadd.s32 $0xFFFFFFFF  }
0xb8: {  	_ =	strace $0x90000048  }
0xb9: {  	_ =	sfence  }
0xba: {  	s30 =	sld [smem:$0x0];
	_ =	sdelay $0x2  }
0xbb: {  	s31 =	sshll.u32 s1, $0xD;
	s1 =	sshrl.u32 s1, $0x2  }
0xbc: {  	s3 =	sand.u32 $0x4000, s31;
	s1 =	sadd.s32 s1, s30  }
0xbd: {  	s0 =	sor.u32 s3, s0;
	s1 =	sshll.u32 s1, $0x11  }
0xbe: {  	s0 =	sor.u32 s1, s0  }
0xbf: {  	s0 =	sadd.s32 $0x8F2B, s0  }
0xc0: {  	[sflag:s0] =	ssyncadd.remote.s32 $0x1  }
0xc1: {  	_ =	sfence.sel $0xFFFF  }
0xc2: {  	[dreg:$0x0] =	wrdreg $0xFFFFFFFF;
	(pc) =	sbr.abs _section_cstart, $3  }
0xc3: {  	[dreg:$0x1] =	wrdreg $0xFFFFFFFF  }
0xc4: {  	_ =	task.clear_ibuf [dreg:s9], $0x2FFFF;
	_ =	strace $0x9FFFFFFF  }
0xc5: {  	(tm) =	ssettm $0x7FFFFFFF  }
tec
execute0_lowered:
.L_overlay_start_1:
0x0: {  	(tag) =	ssettag $0x1  }
0x1: {  	vm0 =	vmmov $0x1  }
0x2: {  	vm1 =	vcmask $0x308;
	v0 =	vimm.s32 $0x1380;
	vm3 =	vcmask $0x300  }
0x3: {  	vm2 =	vcmask $0x70C;
	vm4 =	vcmask $0x704;
	v0 =	vsel vm3, $0x0, v0  }
0x4: {  	vm5 =	vcmask $0xB08;
	vm6 =	vcmask $0xF0C;
	v0 =	vsel vm4, $0x80, v0  }
0x5: {  	vm7 =	vcmask $0x1310;
	vm8 =	vcmask $0x1714;
	v0 =	vsel vm5, $0x100, v0  }
0x6: {  	vm9 =	vcmask $0x1B18;
	vm10 =	vcmask $0x1F1C;
	v0 =	vsel vm6, $0x180, v0  }
0x7: {  	vm11 =	vcmask $0x2320;
	vm12 =	vcmask $0x2724;
	v0 =	vsel vm7, $0x200, v0  }
0x8: {  	vm13 =	vcmask $0x2B28;
	vm14 =	vcmask $0x2F2C;
	v0 =	vsel vm8, $0x280, v0  }
0x9: {  	s0 =	rddreg [dreg:$0x0];
	v1 =	vlaneseq.u32;
	vm15 =	vcmask $0x3B38;
	v0 =	vsel vm9, $0x300, v0  }
0xa: {  	s1 =	rddreg [dreg:$0x1];
	vm3 =	vcmask $0xB10;
	vm4 =	vcmask $0xF14;
	v0 =	vsel vm10, $0x380, v0  }
0xb: {  	s2 =	rddreg [dreg:$0x2];
	vm5 =	vcmask $0x1318;
	vm6 =	vcmask $0x171C;
	v0 =	vsel vm11, $0x1000, v0  }
0xc: {  	s4 =	srdreg.scid;
	s3 =	simm.s32 $0x0;
	s6 =	stileid.u32;
	vm7 =	vcmask $0x1B20;
	vm8 =	vcmask $0x1F24;
	v0 =	vsel vm12, $0x1080, v0  }
0xd: {  	s8 =	simm.s32 $0x200;
	s23 =	simm.s32 $0x8200;
	s28 =	simm.s32 $0xBE00;
	vm9 =	vcmask $0x2328;
	vm10 =	vcmask $0x272C;
	v0 =	vsel vm13, $0x1100, v0  }
0xe: {  	s29 =	simm.s32 $0xC200;
	s30 =	simm.s32 $0xC600;
	s31 =	simm.s32 $0xCA00;
	vm11 =	vcmask $0x2B30;
	v0 =	vsel vm14, $0x1180, v0;
	vm14 =	vcmask $0x3330  }
0xf: {  	s9 =	simm.s32 $0xE600;
	s10 =	simm.s32 $0xEA00;
	s11 =	simm.s32 $0xEE00;
	vm12 =	vcmask $0x2F34;
	v2 =	vsel vm14, $0x1200, v0;
	vm14 =	vcmask $0x3734  }
0x10: {  	s12 =	simm.s32 $0xF200;
	s13 =	simm.s32 $0xF600;
	s14 =	simm.s32 $0xFA00;
	vm13 =	vcmask $0x3338;
	v0 =	vmul.u32 $0x80, v1;
	v1 =	vsel vm14, $0x1280, v2  }
0x11: {  	s15 =	simm.s32 $0xFE00;
	s16 =	simm.s32 $0x1;
	s17 =	simm.s32 $0x10200;
	vm14 =	vcmask $0x373C;
	v1 =	vsel vm15, $0x1300, v1;
	vm15 =	vmmov $0x7fff  }
0x12: {  	s18 =	simm.s32 $0x2;
	s21 =	simm.s32 $0x0;
	s4 =	sand.u32 $0x1, s4;
	v2 =	vor.u32 $0x800, v0;
	v3 =	vor.u32 $0x1000, v0;
	v4 =	vor.u32 $0x1800, v0  }
0x13: {  	s6 =	sshll.u32 s6, $0xA;
	s5 =	ssub.s32 $0x2, s4;
	s4 =	sshll.u32 s4, $0x9;
	v5 =	vor.u32 $0x2000, v0;
	v6 =	vor.u32 $0x2800, v0;
	v7 =	vor.u32 $0x3000, v0  }
0x14: {  	[smem:$0x7FF] =	sst s3;
	s7 =	sshrl.u32 s5, $0x1;
	s4 =	sor.u32 s4, s6;
	v8 =	vor.u32 $0x3800, v0;
	v9 =	vor.u32 $0x4000, v0;
	v10 =	vor.u32 $0x4800, v0  }
0x15: {  	_ =	strace $0x80000047;
	s5 =	ssub.s32 s5, s7;
	s6 =	sshrl.u32 s4, $0x3;
	v11 =	vor.u32 $0x5000, v0;
	v12 =	vor.u32 $0x5800, v0;
	v13 =	vor.u32 $0x6000, v0  }
.Ltmp0:
0x16: {  	s25 =	sadd.s32 s2, s4;
	s2 =	simm.s32 $0xD200;
	v14 =	vor.u32 $0x6800, v0;
	v15 =	vor.u32 $0x7000, v0;
	v16 =	vor.u32 $0x7800, v0;
	(pc) =	sbr.rel .LBB2_1-.Ltmp0, $4  }
0x17: {  	s4 =	simm.s32 $0xD600;
	s7 =	simm.s32 $0xE200;
	s0 =	sadd.s32 s0, s6;
	v17 =	vor.u32 $0x8000, v0;
	v18 =	vor.u32 $0x8800, v0;
	v19 =	vor.u32 $0x9000, v0  }
0x18: {  	[dreg:$0x5] =	wrdreg s25;
	s26 =	smax.u32 s5, $0x1;
	s25 =	simm.s32 $0xB600;
	v20 =	vor.u32 $0x9800, v0;
	v21 =	vor.u32 $0xA000, v0;
	v22 =	vor.u32 $0xA800, v0  }
0x19: {  	s5 =	simm.s32 $0xDA00;
	s6 =	simm.s32 $0xDE00;
	[dreg:$0x4] =	wrdreg s0;
	v23 =	vor.u32 $0xB000, v0;
	v24 =	vor.u32 $0xB800, v0;
	v25 =	vor.u32 $0xC000, v0  }
0x1a: {  	[dreg:$0x6] =	wrdreg s26;
	s26 =	simm.s32 $0xBA00;
	s0 =	simm.s32 $0xCE00;
	v26 =	vor.u32 $0xC800, v0;
	v27 =	vor.u32 $0xD000, v0;
	v28 =	vor.u32 $0xD800, v0  }
.LBB2_5:
0x1b: {  	s19 =	rddreg [dreg:$0x5];
	s20 =	simm.s32 $0x1000;
	s21 =	simm.s32 $0x20000  }
0x1c: {  	[hbm4b:s19+s20] =	stream.strided.scatter [tilespmem:s17], [sflag:$0x3], $0x2000, s21, s20, $0x38;
	[tilespmem:$0x12200] =	vst v63  }
0x1d: {  	s20 =	simm.s32 $0x3  }
0x1e: {  	_ =	swait.ge [sflag:s20], $0x2000  }
0x1f: {  	s22 =	rddreg [dreg:$0x7]  }
0x20: {  	s24 =	rddreg [dreg:$0x6];
	s21 =	sadd.s32 $0x1, s22  }
0x21: {  	p0 =	sne.s32 s21, s24  }
.Ltmp1:
0x22: {  	_ = 	snop;
	(pc) =	sbr.rel @!p0 .LBB2_6-.Ltmp1, $3  }
0x23: {  	_ =	sdelay $0x1  }
0x24: {  	[sflag:s20] =	ssyncset.done $0x0  }
0x25: {  	[sflag:s20] =	ssyncadd.s32 $0xFFFFE000  }
.LBB2_1:
0x26: {  	[dreg:$0x7] =	wrdreg s21  }
0x27: {  	s19 =	rddreg [dreg:$0x4];
	s21 =	simm.s32 $0x4  }
0x28: {  	[tilespmem:s3], [sflag:$0x4] =	stream.linear.gather [hbm4b:s19+s3], $0x200, $0x38;
	[tilespmem:$0x12200] =	vst v63  }
0x29: {  	_ =	swait.ge [sflag:s21], $0x200  }
0x2a: {  	[sflag:s21] =	ssyncset.done $0x0  }
0x2b: {  	[sflag:s21] =	ssyncadd.s32 $0xFFFFFE00  }
0x2c: {  	v29 =	vld [tilespmem:$0x0];
	_ =	sdelay $0x4  }
0x2d: {  	v29 =	vand.u32 $0xFFFFFF80, v29  }
0x2e: {  	v30 =	vnsel vm0, $0x0, v29  }
0x2f: {  	v30 =	vxor.u32 $0x80000000, v30  }
0x30: {  	(xrf0) =	vmax.scan.msk.u32 $0xffff, v30;
	_ =	sdelay $0x5  }
0x31: {  	v30, _, _ =	vpop (xrf0)  }
0x32: {  	(v2sf) =	vpush v30, $0xF;
	v30 =	vsel vm1, $0x0, v29  }
0x33: {  	v30 =	vxor.u32 $0x80000000, v30  }
0x34: {  	(xrf0) =	vmax.scan.msk.u32 $0xffff, v30;
	_ =	sdelay $0x5  }
0x35: {  	v30, _, _ =	vpop (xrf0)  }
0x36: {  	(v2sf) =	vpush v30, $0xF;
	v30 =	vsel vm2, $0x0, v29  }
0x37: {  	v30 =	vxor.u32 $0x80000000, v30  }
0x38: {  	(xrf0) =	vmax.scan.msk.u32 $0xffff, v30;
	_ =	sdelay $0x5  }
0x39: {  	v30, _, _ =	vpop (xrf0)  }
0x3a: {  	s22 =	spop (v2sf);
	(v2sf) =	vpush v30, $0xF;
	v30 =	vsel vm3, $0x0, v29  }
0x3b: {  	v30 =	vxor.u32 $0x80000000, v30  }
0x3c: {  	(xrf0) =	vmax.scan.msk.u32 $0xffff, v30;
	_ =	sdelay $0x1  }
0x3d: {  	s19 =	sshll.u32 s22, $0x3  }
0x3e: {  	s19 =	sand.u32 $0xFFFFFC00, s19  }
0x3f: {  	s20 =	sshrl.u32 s19, $0x3  }
0x40: {  	s20 =	sadd.s32 s1, s20  }
0x41: {  	[tilespmem:s8], [sflag:$0x1] =	stream.linear.gather [hbm4b:s20+s3], $0x400, $0x38;
	v30, _, _ =	vpop (xrf0);
	[tilespmem:$0x12200] =	vst v63  }
0x42: {  	s19 =	sadd.s32 $0x7A1400, s19;
	s20 =	spop (v2sf);
	(v2sf) =	vpush v30, $0xF;
	v30 =	vsel vm4, $0x0, v29  }
0x43: {  	s19 =	sshrl.u32 s19, $0x3;
	v30 =	vxor.u32 $0x80000000, v30  }
0x44: {  	s24 =	simm.s32 $0x600;
	s19 =	sadd.s32 s1, s19;
	(xrf0) =	vmax.scan.msk.u32 $0xffff, v30  }
0x45: {  	[tilespmem:s24], [sflag:$0x1] =	stream.linear.gather [hbm4b:s19+s3], $0x400, $0x38;
	[tilespmem:$0x12200] =	vst v63  }
0x46: {  	s19 =	sshll.u32 s20, $0x3  }
0x47: {  	s19 =	sand.u32 $0xFFFFFC00, s19  }
0x48: {  	s21 =	sshrl.u32 s19, $0x3  }
0x49: {  	s22 =	simm.s32 $0xA00;
	s20 =	sadd.s32 s1, s21  }
0x4a: {  	[tilespmem:s22], [sflag:$0x1] =	stream.linear.gather [hbm4b:s20+s3], $0x400, $0x38;
	v30, _, _ =	vpop (xrf0);
	[tilespmem:$0x12200] =	vst v63  }
0x4b: {  	s19 =	sadd.s32 $0x7A1400, s19;
	s20 =	spop (v2sf);
	(v2sf) =	vpush v30, $0xF;
	v30 =	vsel vm5, $0x0, v29  }
0x4c: {  	s19 =	sshrl.u32 s19, $0x3;
	v30 =	vxor.u32 $0x80000000, v30  }
0x4d: {  	s24 =	simm.s32 $0xE00;
	s19 =	sadd.s32 s1, s19;
	(xrf0) =	vmax.scan.msk.u32 $0xffff, v30  }
0x4e: {  	[tilespmem:s24], [sflag:$0x1] =	stream.linear.gather [hbm4b:s19+s3], $0x400, $0x38;
	[tilespmem:$0x12200] =	vst v63  }
0x4f: {  	s19 =	sshll.u32 s20, $0x3  }
0x50: {  	s19 =	sand.u32 $0xFFFFFC00, s19  }
0x51: {  	s21 =	sshrl.u32 s19, $0x3  }
0x52: {  	s22 =	simm.s32 $0x1200;
	s20 =	sadd.s32 s1, s21  }
0x53: {  	[tilespmem:s22], [sflag:$0x1] =	stream.linear.gather [hbm4b:s20+s3], $0x400, $0x38;
	v30, _, _ =	vpop (xrf0);
	[tilespmem:$0x12200] =	vst v63  }
0x54: {  	s19 =	sadd.s32 $0x7A1400, s19;
	s20 =	spop (v2sf);
	(v2sf) =	vpush v30, $0xF;
	v30 =	vsel vm6, $0x0, v29  }
0x55: {  	s19 =	sshrl.u32 s19, $0x3;
	v30 =	vxor.u32 $0x80000000, v30  }
0x56: {  	s24 =	simm.s32 $0x1600;
	s19 =	sadd.s32 s1, s19;
	(xrf0) =	vmax.scan.msk.u32 $0xffff, v30  }
0x57: {  	[tilespmem:s24], [sflag:$0x1] =	stream.linear.gather [hbm4b:s19+s3], $0x400, $0x38;
	[tilespmem:$0x12200] =	vst v63  }
0x58: {  	s19 =	sshll.u32 s20, $0x3  }
0x59: {  	s19 =	sand.u32 $0xFFFFFC00, s19  }
0x5a: {  	s21 =	sshrl.u32 s19, $0x3  }
0x5b: {  	s22 =	simm.s32 $0x1A00;
	s20 =	sadd.s32 s1, s21  }
0x5c: {  	[tilespmem:s22], [sflag:$0x1] =	stream.linear.gather [hbm4b:s20+s3], $0x400, $0x38;
	v30, _, _ =	vpop (xrf0);
	[tilespmem:$0x12200] =	vst v63  }
0x5d: {  	s19 =	sadd.s32 $0x7A1400, s19;
	s20 =	spop (v2sf);
	(v2sf) =	vpush v30, $0xF;
	v30 =	vsel vm7, $0x0, v29  }
0x5e: {  	s19 =	sshrl.u32 s19, $0x3;
	v30 =	vxor.u32 $0x80000000, v30  }
0x5f: {  	s24 =	simm.s32 $0x1E00;
	s19 =	sadd.s32 s1, s19;
	(xrf0) =	vmax.scan.msk.u32 $0xffff, v30  }
0x60: {  	[tilespmem:s24], [sflag:$0x1] =	stream.linear.gather [hbm4b:s19+s3], $0x400, $0x38;
	[tilespmem:$0x12200] =	vst v63  }
0x61: {  	s19 =	sshll.u32 s20, $0x3  }
0x62: {  	s19 =	sand.u32 $0xFFFFFC00, s19  }
0x63: {  	s21 =	sshrl.u32 s19, $0x3  }
0x64: {  	s22 =	simm.s32 $0x2200;
	s20 =	sadd.s32 s1, s21  }
0x65: {  	[tilespmem:s22], [sflag:$0x1] =	stream.linear.gather [hbm4b:s20+s3], $0x400, $0x38;
	v30, _, _ =	vpop (xrf0);
	[tilespmem:$0x12200] =	vst v63  }
0x66: {  	s19 =	sadd.s32 $0x7A1400, s19;
	s20 =	spop (v2sf);
	(v2sf) =	vpush v30, $0xF;
	v30 =	vsel vm8, $0x0, v29  }
0x67: {  	s19 =	sshrl.u32 s19, $0x3;
	v30 =	vxor.u32 $0x80000000, v30  }
0x68: {  	s24 =	simm.s32 $0x2600;
	s19 =	sadd.s32 s1, s19;
	(xrf0) =	vmax.scan.msk.u32 $0xffff, v30  }
0x69: {  	[tilespmem:s24], [sflag:$0x1] =	stream.linear.gather [hbm4b:s19+s3], $0x400, $0x38;
	[tilespmem:$0x12200] =	vst v63  }
0x6a: {  	s19 =	sshll.u32 s20, $0x3  }
0x6b: {  	s19 =	sand.u32 $0xFFFFFC00, s19  }
0x6c: {  	s21 =	sshrl.u32 s19, $0x3  }
0x6d: {  	s22 =	simm.s32 $0x2A00;
	s20 =	sadd.s32 s1, s21  }
0x6e: {  	[tilespmem:s22], [sflag:$0x1] =	stream.linear.gather [hbm4b:s20+s3], $0x400, $0x38;
	v30, _, _ =	vpop (xrf0);
	[tilespmem:$0x12200] =	vst v63  }
0x6f: {  	s19 =	sadd.s32 $0x7A1400, s19;
	s20 =	spop (v2sf);
	(v2sf) =	vpush v30, $0xF;
	v30 =	vsel vm9, $0x0, v29  }
0x70: {  	s19 =	sshrl.u32 s19, $0x3;
	v30 =	vxor.u32 $0x80000000, v30  }
0x71: {  	s24 =	simm.s32 $0x2E00;
	s19 =	sadd.s32 s1, s19;
	(xrf0) =	vmax.scan.msk.u32 $0xffff, v30  }
0x72: {  	[tilespmem:s24], [sflag:$0x1] =	stream.linear.gather [hbm4b:s19+s3], $0x400, $0x38;
	[tilespmem:$0x12200] =	vst v63  }
0x73: {  	s19 =	sshll.u32 s20, $0x3  }
0x74: {  	s19 =	sand.u32 $0xFFFFFC00, s19  }
0x75: {  	s21 =	sshrl.u32 s19, $0x3  }
0x76: {  	s22 =	simm.s32 $0x3200;
	s20 =	sadd.s32 s1, s21  }
0x77: {  	[tilespmem:s22], [sflag:$0x1] =	stream.linear.gather [hbm4b:s20+s3], $0x400, $0x38;
	v30, _, _ =	vpop (xrf0);
	[tilespmem:$0x12200] =	vst v63  }
0x78: {  	s19 =	sadd.s32 $0x7A1400, s19;
	s20 =	spop (v2sf);
	(v2sf) =	vpush v30, $0xF;
	v30 =	vsel vm10, $0x0, v29  }
0x79: {  	s19 =	sshrl.u32 s19, $0x3;
	v30 =	vxor.u32 $0x80000000, v30  }
0x7a: {  	s24 =	simm.s32 $0x3600;
	s19 =	sadd.s32 s1, s19;
	(xrf0) =	vmax.scan.msk.u32 $0xffff, v30  }
0x7b: {  	[tilespmem:s24], [sflag:$0x1] =	stream.linear.gather [hbm4b:s19+s3], $0x400, $0x38;
	[tilespmem:$0x12200] =	vst v63  }
0x7c: {  	s19 =	sshll.u32 s20, $0x3  }
0x7d: {  	s19 =	sand.u32 $0xFFFFFC00, s19  }
0x7e: {  	s21 =	sshrl.u32 s19, $0x3  }
0x7f: {  	s22 =	simm.s32 $0x3A00;
	s20 =	sadd.s32 s1, s21  }
0x80: {  	[tilespmem:s22], [sflag:$0x1] =	stream.linear.gather [hbm4b:s20+s3], $0x400, $0x38;
	v30, _, _ =	vpop (xrf0);
	[tilespmem:$0x12200] =	vst v63  }
0x81: {  	s19 =	sadd.s32 $0x7A1400, s19;
	s20 =	spop (v2sf);
	(v2sf) =	vpush v30, $0xF;
	v30 =	vsel vm11, $0x0, v29  }
0x82: {  	s19 =	sshrl.u32 s19, $0x3;
	v30 =	vxor.u32 $0x80000000, v30  }
0x83: {  	s24 =	simm.s32 $0x3E00;
	s19 =	sadd.s32 s1, s19;
	(xrf0) =	vmax.scan.msk.u32 $0xffff, v30  }
0x84: {  	[tilespmem:s24], [sflag:$0x1] =	stream.linear.gather [hbm4b:s19+s3], $0x400, $0x38;
	[tilespmem:$0x12200] =	vst v63  }
0x85: {  	s19 =	sshll.u32 s20, $0x3  }
0x86: {  	s19 =	sand.u32 $0xFFFFFC00, s19  }
0x87: {  	s21 =	sshrl.u32 s19, $0x3;
	s19 =	sadd.s32 $0x7A1400, s19  }
0x88: {  	s22 =	simm.s32 $0x4200;
	s20 =	sadd.s32 s1, s21;
	s19 =	sshrl.u32 s19, $0x3  }
0x89: {  	[tilespmem:s22], [sflag:$0x1] =	stream.linear.gather [hbm4b:s20+s3], $0x400, $0x38;
	v30, _, _ =	vpop (xrf0);
	[tilespmem:$0x12200] =	vst v63  }
0x8a: {  	s24 =	simm.s32 $0x4600;
	s19 =	sadd.s32 s1, s19;
	s20 =	spop (v2sf);
	(v2sf) =	vpush v30, $0xF;
	v30 =	vsel vm12, $0x0, v29  }
0x8b: {  	[tilespmem:s24], [sflag:$0x1] =	stream.linear.gather [hbm4b:s19+s3], $0x400, $0x38;
	v30 =	vxor.u32 $0x80000000, v30;
	[tilespmem:$0x12200] =	vst v63  }
0x8c: {  	s19 =	sshll.u32 s20, $0x3;
	(xrf0) =	vmax.scan.msk.u32 $0xffff, v30  }
0x8d: {  	s19 =	sand.u32 $0xFFFFFC00, s19  }
0x8e: {  	s21 =	sshrl.u32 s19, $0x3;
	s19 =	sadd.s32 $0x7A1400, s19  }
0x8f: {  	s22 =	simm.s32 $0x4A00;
	s20 =	sadd.s32 s1, s21;
	s19 =	sshrl.u32 s19, $0x3  }
0x90: {  	[tilespmem:s22], [sflag:$0x1] =	stream.linear.gather [hbm4b:s20+s3], $0x400, $0x38;
	[tilespmem:$0x12200] =	vst v63  }
0x91: {  	s24 =	simm.s32 $0x4E00;
	s19 =	sadd.s32 s1, s19  }
0x92: {  	[tilespmem:s24], [sflag:$0x1] =	stream.linear.gather [hbm4b:s19+s3], $0x400, $0x38;
	v30, _, _ =	vpop (xrf0);
	[tilespmem:$0x12200] =	vst v63  }
0x93: {  	s20 =	spop (v2sf);
	(v2sf) =	vpush v30, $0xF;
	v30 =	vsel vm13, $0x0, v29  }
0x94: {  	s19 =	sshll.u32 s20, $0x3;
	v30 =	vxor.u32 $0x80000000, v30  }
0x95: {  	s19 =	sand.u32 $0xFFFFFC00, s19;
	(xrf0) =	vmax.scan.msk.u32 $0xffff, v30  }
0x96: {  	s21 =	sshrl.u32 s19, $0x3;
	s19 =	sadd.s32 $0x7A1400, s19  }
0x97: {  	s22 =	simm.s32 $0x5200;
	s20 =	sadd.s32 s1, s21;
	s19 =	sshrl.u32 s19, $0x3  }
0x98: {  	[tilespmem:s22], [sflag:$0x1] =	stream.linear.gather [hbm4b:s20+s3], $0x400, $0x38;
	[tilespmem:$0x12200] =	vst v63  }
0x99: {  	s24 =	simm.s32 $0x5600;
	s19 =	sadd.s32 s1, s19  }
0x9a: {  	[tilespmem:s24], [sflag:$0x1] =	stream.linear.gather [hbm4b:s19+s3], $0x400, $0x38;
	[tilespmem:$0x12200] =	vst v63  }
0x9b: {  	v31 =	vsel vm14, $0x0, v29;
	s20 =	spop (v2sf);
	v30, _, _ =	vpop (xrf0)  }
0x9c: {  	s19 =	sshll.u32 s20, $0x3;
	(v2sf) =	vpush v30, $0xF;
	v30 =	vxor.u32 $0x80000000, v31  }
0x9d: {  	s19 =	sand.u32 $0xFFFFFC00, s19;
	(xrf0) =	vmax.scan.msk.u32 $0xffff, v30  }
0x9e: {  	s21 =	sshrl.u32 s19, $0x3;
	s19 =	sadd.s32 $0x7A1400, s19  }
0x9f: {  	s22 =	simm.s32 $0x5A00;
	s20 =	sadd.s32 s1, s21;
	s19 =	sshrl.u32 s19, $0x3  }
0xa0: {  	[tilespmem:s22], [sflag:$0x1] =	stream.linear.gather [hbm4b:s20+s3], $0x400, $0x38;
	[tilespmem:$0x12200] =	vst v63  }
0xa1: {  	s24 =	simm.s32 $0x5E00;
	s19 =	sadd.s32 s1, s19  }
0xa2: {  	[tilespmem:s24], [sflag:$0x1] =	stream.linear.gather [hbm4b:s19+s3], $0x400, $0x38;
	[tilespmem:$0x12200] =	vst v63  }
0xa3: {  	v29 =	vsel vm15, $0x0, v29;
	s20 =	spop (v2sf);
	v30, _, _ =	vpop (xrf0)  }
0xa4: {  	v29 =	vxor.u32 $0x80000000, v29;
	s19 =	sshll.u32 s20, $0x3;
	(v2sf) =	vpush v30, $0xF  }
0xa5: {  	(xrf0) =	vmax.scan.msk.u32 $0xffff, v29;
	s19 =	sand.u32 $0xFFFFFC00, s19  }
0xa6: {  	s21 =	sshrl.u32 s19, $0x3;
	s19 =	sadd.s32 $0x7A1400, s19  }
0xa7: {  	s22 =	simm.s32 $0x6200;
	s20 =	sadd.s32 s1, s21;
	s19 =	sshrl.u32 s19, $0x3  }
0xa8: {  	[tilespmem:s22], [sflag:$0x1] =	stream.linear.gather [hbm4b:s20+s3], $0x400, $0x38;
	[tilespmem:$0x12200] =	vst v63  }
0xa9: {  	s24 =	simm.s32 $0x6600;
	s19 =	sadd.s32 s1, s19  }
0xaa: {  	[tilespmem:s24], [sflag:$0x1] =	stream.linear.gather [hbm4b:s19+s3], $0x400, $0x38;
	[tilespmem:$0x12200] =	vst v63  }
0xab: {  	v29, _, _ =	vpop (xrf0);
	s21 =	spop (v2sf)  }
0xac: {  	(v2sf) =	vpush v29, $0xF;
	s19 =	sshll.u32 s21, $0x3  }
0xad: {  	s19 =	sand.u32 $0xFFFFFC00, s19  }
0xae: {  	s22 =	sshrl.u32 s19, $0x3;
	s19 =	sadd.s32 $0x7A1400, s19  }
0xaf: {  	s24 =	simm.s32 $0x6A00;
	s20 =	sadd.s32 s1, s22;
	s19 =	sshrl.u32 s19, $0x3  }
0xb0: {  	[tilespmem:s24], [sflag:$0x1] =	stream.linear.gather [hbm4b:s20+s3], $0x400, $0x38;
	[tilespmem:$0x12200] =	vst v63  }
0xb1: {  	s19 =	sadd.s32 s1, s19;
	s24 =	simm.s32 $0x6E00  }
0xb2: {  	[tilespmem:s24], [sflag:$0x1] =	stream.linear.gather [hbm4b:s19+s3], $0x400, $0x38;
	[tilespmem:$0x12200] =	vst v63  }
0xb3: {  	s22 =	spop (v2sf)  }
0xb4: {  	s20 =	sshll.u32 s22, $0x3  }
0xb5: {  	s19 =	sand.u32 $0xFFFFFC00, s20  }
0xb6: {  	s21 =	sshrl.u32 s19, $0x3;
	s19 =	sadd.s32 $0x7A1400, s19  }
0xb7: {  	s22 =	simm.s32 $0x7200;
	s20 =	sadd.s32 s1, s21;
	s19 =	sshrl.u32 s19, $0x3  }
0xb8: {  	[tilespmem:s22], [sflag:$0x1] =	stream.linear.gather [hbm4b:s20+s3], $0x400, $0x38;
	[tilespmem:$0x12200] =	vst v63  }
0xb9: {  	s24 =	simm.s32 $0x7600;
	s19 =	sadd.s32 s1, s19  }
0xba: {  	[tilespmem:s24], [sflag:$0x1] =	stream.linear.gather [hbm4b:s19+s3], $0x400, $0x38;
	[tilespmem:$0x12200] =	vst v63  }
0xbb: {  	s20 =	spop (v2sf)  }
0xbc: {  	s19 =	sshll.u32 s20, $0x3  }
0xbd: {  	s19 =	sand.u32 $0xFFFFFC00, s19  }
0xbe: {  	s22 =	simm.s32 $0x7A00;
	s21 =	sshrl.u32 s19, $0x3;
	s19 =	sadd.s32 $0x7A1400, s19  }
.Ltmp2:
0xbf: {  	s20 =	sadd.s32 s1, s21;
	s19 =	sshrl.u32 s19, $0x3;
	(pc) =	sbr.rel .LBB2_2-.Ltmp2, $4  }
0xc0: {  	[tilespmem:s22], [sflag:$0x1] =	stream.linear.gather [hbm4b:s20+s3], $0x400, $0x38;
	[tilespmem:$0x12200] =	vst v63  }
0xc1: {  	s24 =	simm.s32 $0x7E00;
	s19 =	sadd.s32 s1, s19  }
0xc2: {  	[tilespmem:s24], [sflag:$0x1] =	stream.linear.gather [hbm4b:s19+s3], $0x400, $0x38;
	[tilespmem:$0x12200] =	vst v63  }
0xc3: {  	s20 =	simm.s32 $0x0;
	s19 =	simm.s32 $0x20  }
.LBB2_4:
0xc4: {  	_ =	swait.ge [sflag:s18], $0x800  }
0xc5: {  	[sflag:s18] =	ssyncset.done $0x0  }
0xc6: {  	[sflag:s18] =	ssyncadd.s32 $0xFFFFF800  }
0xc7: {  	_ =	swait.ge [sflag:s18], $0x800  }
0xc8: {  	[sflag:s18] =	ssyncset.done $0x0  }
0xc9: {  	[sflag:s18] =	ssyncadd.s32 $0xFFFFF800  }
0xca: {  	_ =	swait.ge [sflag:s18], $0x800  }
0xcb: {  	[sflag:s18] =	ssyncset.done $0x0  }
0xcc: {  	[sflag:s18] =	ssyncadd.s32 $0xFFFFF800  }
0xcd: {  	_ =	swait.ge [sflag:s18], $0x800  }
0xce: {  	[sflag:s18] =	ssyncset.done $0x0  }
0xcf: {  	[sflag:s18] =	ssyncadd.s32 $0xFFFFF800  }
0xd0: {  	_ =	swait.ge [sflag:s18], $0x800  }
0xd1: {  	[sflag:s18] =	ssyncset.done $0x0  }
0xd2: {  	[sflag:s18] =	ssyncadd.s32 $0xFFFFF800  }
0xd3: {  	_ =	swait.ge [sflag:s18], $0x800  }
0xd4: {  	[sflag:s18] =	ssyncset.done $0x0  }
0xd5: {  	[sflag:s18] =	ssyncadd.s32 $0xFFFFF800  }
0xd6: {  	_ =	swait.ge [sflag:s18], $0x800  }
0xd7: {  	[sflag:s18] =	ssyncset.done $0x0  }
0xd8: {  	[sflag:s18] =	ssyncadd.s32 $0xFFFFF800  }
0xd9: {  	_ =	swait.ge [sflag:s18], $0x800  }
0xda: {  	[sflag:s18] =	ssyncset.done $0x0  }
0xdb: {  	[sflag:s18] =	ssyncadd.s32 $0xFFFFF800  }
0xdc: {  	_ =	swait.ge [sflag:s18], $0x800  }
0xdd: {  	[sflag:s18] =	ssyncset.done $0x0  }
0xde: {  	[sflag:s18] =	ssyncadd.s32 $0xFFFFF800  }
0xdf: {  	_ =	swait.ge [sflag:s18], $0x800  }
0xe0: {  	[sflag:s18] =	ssyncset.done $0x0  }
0xe1: {  	[sflag:s18] =	ssyncadd.s32 $0xFFFFF800  }
0xe2: {  	_ =	swait.ge [sflag:s18], $0x800  }
0xe3: {  	[sflag:s18] =	ssyncset.done $0x0  }
0xe4: {  	[sflag:s18] =	ssyncadd.s32 $0xFFFFF800  }
0xe5: {  	_ =	swait.ge [sflag:s18], $0x800  }
0xe6: {  	[sflag:s18] =	ssyncset.done $0x0  }
0xe7: {  	[sflag:s18] =	ssyncadd.s32 $0xFFFFF800  }
0xe8: {  	_ =	swait.ge [sflag:s18], $0x800  }
0xe9: {  	[sflag:s18] =	ssyncset.done $0x0  }
0xea: {  	[sflag:s18] =	ssyncadd.s32 $0xFFFFF800  }
0xeb: {  	_ =	swait.ge [sflag:s18], $0x800  }
0xec: {  	[sflag:s18] =	ssyncset.done $0x0  }
0xed: {  	[sflag:s18] =	ssyncadd.s32 $0xFFFFF800  }
0xee: {  	s21 =	sadd.s32 $0x10, s20;
	_ =	swait.ge [sflag:s18], $0x800  }
0xef: {  	v29 =	vmov s21;
	[sflag:s18] =	ssyncset.done $0x0  }
0xf0: {  	[sflag:s18] =	ssyncadd.s32 $0xFFFFF800  }
0xf1: {  	_ =	swait.ge [sflag:s18], $0x800  }
0xf2: {  	[sflag:s18] =	ssyncset.done $0x0  }
0xf3: {  	[sflag:s18] =	ssyncadd.s32 $0xFFFFF800  }
0xf4: {  	v30 =	vld.idx.msk [tilespmem:v29+s3+$0x0], $0xffff;
	_ =	sdelay $0x4  }
0xf5: {  	v30 =	vand.u32 $0x7F, v30  }
0xf6: {  	v30 =	vor.u32 v17, v30;
	_ =	sdelay $0x1  }
0xf7: {  	v31 =	vshll.u32 v29, $0x3  }
0xf8: {  	v31 =	vand.u32 $0x7FFFFC00, v31;
	v29 =	vand.u32 $0x70, v29  }
0xf9: {  	v29 =	vor.u32 v29, v31  }
0xfa: {  	s24 =	sadd.s32 $0x11, s20;
	v29 =	vadd.s32 v1, v29;
	v30 =	vld.idx.msk [tilespmem:v30+s8+$0x0], $0xffff  }
0xfb: {  	v31 =	vmov s24;
	_ =	sdelay $0x3  }
0xfc: {  	[tilespmem:v29+s17+$0x0] =	vst.idx.msk $0xffff, v30  }
0xfd: {  	v29 =	vld.idx.msk [tilespmem:v31+s3+$0x0], $0xffff;
	_ =	sdelay $0x4  }
0xfe: {  	v29 =	vand.u32 $0x7F, v29  }
0xff: {  	v29 =	vor.u32 v18, v29;
	_ =	sdelay $0x1  }
0x100: {  	v30 =	vshll.u32 v31, $0x3  }
0x101: {  	v31 =	vand.u32 $0x71, v31;
	v30 =	vand.u32 $0x7FFFFC00, v30  }
0x102: {  	v30 =	vor.u32 v31, v30  }
0x103: {  	s22 =	sadd.s32 $0x12, s20;
	v30 =	vadd.s32 v1, v30;
	v29 =	vld.idx.msk [tilespmem:v29+s8+$0x0], $0xffff  }
0x104: {  	v31 =	vmov s22;
	_ =	sdelay $0x3  }
0x105: {  	[tilespmem:v30+s17+$0x0] =	vst.idx.msk $0xffff, v29  }
0x106: {  	v29 =	vld.idx.msk [tilespmem:v31+s3+$0x0], $0xffff;
	_ =	sdelay $0x4  }
0x107: {  	v29 =	vand.u32 $0x7F, v29  }
0x108: {  	v29 =	vor.u32 v19, v29;
	_ =	sdelay $0x1  }
0x109: {  	v30 =	vshll.u32 v31, $0x3  }
0x10a: {  	v31 =	vand.u32 $0x72, v31;
	v30 =	vand.u32 $0x7FFFFC00, v30  }
0x10b: {  	v30 =	vor.u32 v31, v30  }
0x10c: {  	s24 =	sadd.s32 $0x13, s20;
	v30 =	vadd.s32 v1, v30;
	v29 =	vld.idx.msk [tilespmem:v29+s8+$0x0], $0xffff  }
0x10d: {  	v31 =	vmov s24;
	_ =	sdelay $0x3  }
0x10e: {  	[tilespmem:v30+s17+$0x0] =	vst.idx.msk $0xffff, v29  }
0x10f: {  	v29 =	vld.idx.msk [tilespmem:v31+s3+$0x0], $0xffff;
	_ =	sdelay $0x4  }
0x110: {  	v29 =	vand.u32 $0x7F, v29  }
0x111: {  	v29 =	vor.u32 v20, v29;
	_ =	sdelay $0x1  }
0x112: {  	v30 =	vshll.u32 v31, $0x3  }
0x113: {  	v31 =	vand.u32 $0x73, v31;
	v30 =	vand.u32 $0x7FFFFC00, v30  }
0x114: {  	v30 =	vor.u32 v31, v30  }
0x115: {  	s22 =	sadd.s32 $0x14, s20;
	v30 =	vadd.s32 v1, v30;
	v29 =	vld.idx.msk [tilespmem:v29+s8+$0x0], $0xffff  }
0x116: {  	v31 =	vmov s22;
	_ =	sdelay $0x3  }
0x117: {  	[tilespmem:v30+s17+$0x0] =	vst.idx.msk $0xffff, v29  }
0x118: {  	v29 =	vld.idx.msk [tilespmem:v31+s3+$0x0], $0xffff;
	_ =	sdelay $0x4  }
0x119: {  	v29 =	vand.u32 $0x7F, v29  }
0x11a: {  	v29 =	vor.u32 v21, v29;
	_ =	sdelay $0x1  }
0x11b: {  	v30 =	vshll.u32 v31, $0x3  }
0x11c: {  	v31 =	vand.u32 $0x74, v31;
	v30 =	vand.u32 $0x7FFFFC00, v30  }
0x11d: {  	v30 =	vor.u32 v31, v30  }
0x11e: {  	s24 =	sadd.s32 $0x15, s20;
	v30 =	vadd.s32 v1, v30;
	v29 =	vld.idx.msk [tilespmem:v29+s8+$0x0], $0xffff  }
0x11f: {  	v31 =	vmov s24;
	_ =	sdelay $0x3  }
0x120: {  	[tilespmem:v30+s17+$0x0] =	vst.idx.msk $0xffff, v29  }
0x121: {  	v29 =	vld.idx.msk [tilespmem:v31+s3+$0x0], $0xffff;
	_ =	sdelay $0x4  }
0x122: {  	v29 =	vand.u32 $0x7F, v29  }
0x123: {  	v29 =	vor.u32 v22, v29;
	_ =	sdelay $0x1  }
0x124: {  	v30 =	vshll.u32 v31, $0x3  }
0x125: {  	v31 =	vand.u32 $0x75, v31;
	v30 =	vand.u32 $0x7FFFFC00, v30  }
0x126: {  	v30 =	vor.u32 v31, v30  }
0x127: {  	s22 =	sadd.s32 $0x16, s20;
	v30 =	vadd.s32 v1, v30;
	v29 =	vld.idx.msk [tilespmem:v29+s8+$0x0], $0xffff  }
0x128: {  	v31 =	vmov s22;
	_ =	sdelay $0x3  }
0x129: {  	[tilespmem:v30+s17+$0x0] =	vst.idx.msk $0xffff, v29  }
0x12a: {  	v29 =	vld.idx.msk [tilespmem:v31+s3+$0x0], $0xffff;
	_ =	sdelay $0x4  }
0x12b: {  	v29 =	vand.u32 $0x7F, v29  }
0x12c: {  	v29 =	vor.u32 v23, v29;
	_ =	sdelay $0x1  }
0x12d: {  	v30 =	vshll.u32 v31, $0x3  }
0x12e: {  	v31 =	vand.u32 $0x76, v31;
	v30 =	vand.u32 $0x7FFFFC00, v30  }
0x12f: {  	v30 =	vor.u32 v31, v30  }
0x130: {  	s24 =	sadd.s32 $0x17, s20;
	v30 =	vadd.s32 v1, v30;
	v29 =	vld.idx.msk [tilespmem:v29+s8+$0x0], $0xffff  }
0x131: {  	v31 =	vmov s24;
	_ =	sdelay $0x3  }
0x132: {  	[tilespmem:v30+s17+$0x0] =	vst.idx.msk $0xffff, v29  }
0x133: {  	v29 =	vld.idx.msk [tilespmem:v31+s3+$0x0], $0xffff;
	_ =	sdelay $0x4  }
0x134: {  	v29 =	vand.u32 $0x7F, v29  }
0x135: {  	v29 =	vor.u32 v24, v29;
	_ =	sdelay $0x1  }
0x136: {  	v30 =	vshll.u32 v31, $0x3  }
0x137: {  	v31 =	vand.u32 $0x77, v31;
	v30 =	vand.u32 $0x7FFFFC00, v30  }
0x138: {  	v30 =	vor.u32 v31, v30  }
0x139: {  	s22 =	sadd.s32 $0x18, s20;
	v30 =	vadd.s32 v1, v30;
	v29 =	vld.idx.msk [tilespmem:v29+s8+$0x0], $0xffff  }
0x13a: {  	v31 =	vmov s22;
	_ =	sdelay $0x3  }
0x13b: {  	[tilespmem:v30+s17+$0x0] =	vst.idx.msk $0xffff, v29  }
0x13c: {  	v29 =	vld.idx.msk [tilespmem:v31+s3+$0x0], $0xffff;
	_ =	sdelay $0x4  }
0x13d: {  	v29 =	vand.u32 $0x7F, v29  }
0x13e: {  	v29 =	vor.u32 v25, v29;
	_ =	sdelay $0x1  }
0x13f: {  	v30 =	vshll.u32 v31, $0x3  }
0x140: {  	v31 =	vand.u32 $0x78, v31;
	v30 =	vand.u32 $0x7FFFFC00, v30  }
0x141: {  	v30 =	vor.u32 v31, v30  }
0x142: {  	s24 =	sadd.s32 $0x19, s20;
	v30 =	vadd.s32 v1, v30;
	v29 =	vld.idx.msk [tilespmem:v29+s8+$0x0], $0xffff  }
0x143: {  	v31 =	vmov s24;
	_ =	sdelay $0x3  }
0x144: {  	[tilespmem:v30+s17+$0x0] =	vst.idx.msk $0xffff, v29  }
0x145: {  	v29 =	vld.idx.msk [tilespmem:v31+s3+$0x0], $0xffff;
	_ =	sdelay $0x4  }
0x146: {  	v29 =	vand.u32 $0x7F, v29  }
0x147: {  	v29 =	vor.u32 v26, v29;
	_ =	sdelay $0x1  }
0x148: {  	v30 =	vshll.u32 v31, $0x3  }
0x149: {  	v31 =	vand.u32 $0x79, v31;
	v30 =	vand.u32 $0x7FFFFC00, v30  }
0x14a: {  	v30 =	vor.u32 v31, v30  }
0x14b: {  	s22 =	sadd.s32 $0x1A, s20;
	v30 =	vadd.s32 v1, v30;
	v29 =	vld.idx.msk [tilespmem:v29+s8+$0x0], $0xffff  }
0x14c: {  	v31 =	vmov s22;
	_ =	sdelay $0x3  }
0x14d: {  	[tilespmem:v30+s17+$0x0] =	vst.idx.msk $0xffff, v29  }
0x14e: {  	v29 =	vld.idx.msk [tilespmem:v31+s3+$0x0], $0xffff;
	_ =	sdelay $0x4  }
0x14f: {  	v29 =	vand.u32 $0x7F, v29  }
0x150: {  	v29 =	vor.u32 v27, v29;
	_ =	sdelay $0x1  }
0x151: {  	v30 =	vshll.u32 v31, $0x3  }
0x152: {  	v31 =	vand.u32 $0x7A, v31;
	v30 =	vand.u32 $0x7FFFFC00, v30  }
0x153: {  	v30 =	vor.u32 v31, v30  }
0x154: {  	s24 =	sadd.s32 $0x1B, s20;
	v30 =	vadd.s32 v1, v30;
	v29 =	vld.idx.msk [tilespmem:v29+s8+$0x0], $0xffff  }
0x155: {  	v31 =	vmov s24;
	_ =	sdelay $0x3  }
0x156: {  	[tilespmem:v30+s17+$0x0] =	vst.idx.msk $0xffff, v29  }
0x157: {  	v29 =	vld.idx.msk [tilespmem:v31+s3+$0x0], $0xffff;
	_ =	sdelay $0x4  }
0x158: {  	v29 =	vand.u32 $0x7F, v29  }
0x159: {  	v29 =	vor.u32 v28, v29;
	_ =	sdelay $0x1  }
0x15a: {  	v30 =	vshll.u32 v31, $0x3  }
0x15b: {  	v31 =	vand.u32 $0x7B, v31;
	v30 =	vand.u32 $0x7FFFFC00, v30  }
0x15c: {  	v30 =	vor.u32 v31, v30  }
0x15d: {  	s22 =	sadd.s32 $0x1C, s20;
	v30 =	vadd.s32 v1, v30;
	v29 =	vld.idx.msk [tilespmem:v29+s8+$0x0], $0xffff  }
0x15e: {  	v31 =	vmov s22;
	_ =	sdelay $0x3  }
0x15f: {  	[tilespmem:v30+s17+$0x0] =	vst.idx.msk $0xffff, v29  }
0x160: {  	v29 =	vld.idx.msk [tilespmem:v31+s3+$0x0], $0xffff;
	_ =	sdelay $0x4  }
0x161: {  	v30 =	vor.u32 $0xE000, v0;
	v29 =	vand.u32 $0x7F, v29  }
0x162: {  	v29 =	vor.u32 v30, v29;
	_ =	sdelay $0x1  }
0x163: {  	v30 =	vshll.u32 v31, $0x3  }
0x164: {  	v31 =	vand.u32 $0x7C, v31;
	v30 =	vand.u32 $0x7FFFFC00, v30  }
0x165: {  	v30 =	vor.u32 v31, v30  }
0x166: {  	s24 =	sadd.s32 $0x1D, s20;
	v30 =	vadd.s32 v1, v30;
	v29 =	vld.idx.msk [tilespmem:v29+s8+$0x0], $0xffff  }
0x167: {  	v31 =	vmov s24;
	_ =	sdelay $0x3  }
0x168: {  	[tilespmem:v30+s17+$0x0] =	vst.idx.msk $0xffff, v29  }
0x169: {  	v29 =	vld.idx.msk [tilespmem:v31+s3+$0x0], $0xffff;
	_ =	sdelay $0x4  }
0x16a: {  	v30 =	vor.u32 $0xE800, v0;
	v29 =	vand.u32 $0x7F, v29  }
0x16b: {  	v29 =	vor.u32 v30, v29;
	_ =	sdelay $0x1  }
0x16c: {  	v30 =	vshll.u32 v31, $0x3  }
0x16d: {  	v31 =	vand.u32 $0x7D, v31;
	v30 =	vand.u32 $0x7FFFFC00, v30  }
0x16e: {  	v30 =	vor.u32 v31, v30  }
0x16f: {  	s22 =	sadd.s32 $0x1E, s20;
	v30 =	vadd.s32 v1, v30;
	v29 =	vld.idx.msk [tilespmem:v29+s8+$0x0], $0xffff  }
0x170: {  	v31 =	vmov s22;
	_ =	sdelay $0x3  }
0x171: {  	[tilespmem:v30+s17+$0x0] =	vst.idx.msk $0xffff, v29  }
0x172: {  	v29 =	vld.idx.msk [tilespmem:v31+s3+$0x0], $0xffff;
	_ =	sdelay $0x4  }
0x173: {  	v30 =	vor.u32 $0xF000, v0;
	v29 =	vand.u32 $0x7F, v29  }
0x174: {  	v29 =	vor.u32 v30, v29;
	_ =	sdelay $0x1  }
0x175: {  	v30 =	vshll.u32 v31, $0x3  }
0x176: {  	v31 =	vand.u32 $0x7E, v31;
	v30 =	vand.u32 $0x7FFFFC00, v30  }
0x177: {  	v30 =	vor.u32 v31, v30  }
0x178: {  	s24 =	sadd.s32 $0x1F, s20;
	v30 =	vadd.s32 v1, v30;
	v29 =	vld.idx.msk [tilespmem:v29+s8+$0x0], $0xffff  }
0x179: {  	v31 =	vmov s24;
	_ =	sdelay $0x3  }
0x17a: {  	[tilespmem:v30+s17+$0x0] =	vst.idx.msk $0xffff, v29  }
0x17b: {  	v29 =	vld.idx.msk [tilespmem:v31+s3+$0x0], $0xffff;
	_ =	sdelay $0x4  }
0x17c: {  	v30 =	vor.u32 $0xF800, v0;
	v29 =	vand.u32 $0x7F, v29  }
0x17d: {  	v29 =	vor.u32 v30, v29;
	_ =	sdelay $0x1  }
0x17e: {  	v30 =	vshll.u32 v31, $0x3  }
0x17f: {  	v31 =	vand.u32 $0x7F, v31;
	v30 =	vand.u32 $0x7FFFFC00, v30  }
0x180: {  	s20 =	sadd.s32 $0x20, s20;
	v30 =	vor.u32 v31, v30  }
0x181: {  	p0 =	sne.s32 s20, $0x200;
	v30 =	vadd.s32 v1, v30;
	v29 =	vld.idx.msk [tilespmem:v29+s8+$0x0], $0xffff  }
.Ltmp3:
0x182: {  	_ = 	snop;
	(pc) =	sbr.rel @!p0 .LBB2_5-.Ltmp3, $2  }
0x183: {  	_ =	sdelay $0x2  }
0x184: {  	s19 =	sadd.s32 $0x20, s19;
	[tilespmem:v30+s17+$0x0] =	vst.idx.msk $0xffff, v29  }
.LBB2_2:
0x185: {  	v29 =	vld [tilespmem:s19+$0xFFFFFFF0];
	_ =	sdelay $0x4  }
0x186: {  	v29 =	vand.u32 $0xFFFFFF80, v29  }
0x187: {  	v30 =	vnsel vm0, $0x0, v29  }
0x188: {  	v30 =	vxor.u32 $0x80000000, v30  }
0x189: {  	(xrf0) =	vmax.scan.msk.u32 $0xffff, v30;
	_ =	sdelay $0x5  }
0x18a: {  	v30, _, _ =	vpop (xrf0)  }
0x18b: {  	(v2sf) =	vpush v30, $0xF;
	v30 =	vsel vm1, $0x0, v29  }
0x18c: {  	v30 =	vxor.u32 $0x80000000, v30  }
0x18d: {  	(xrf0) =	vmax.scan.msk.u32 $0xffff, v30;
	_ =	sdelay $0x5  }
0x18e: {  	v30, _, _ =	vpop (xrf0)  }
0x18f: {  	(v2sf) =	vpush v30, $0xF;
	v30 =	vsel vm2, $0x0, v29  }
0x190: {  	v30 =	vxor.u32 $0x80000000, v30  }
0x191: {  	(xrf0) =	vmax.scan.msk.u32 $0xffff, v30;
	_ =	sdelay $0x5  }
0x192: {  	v30, _, _ =	vpop (xrf0)  }
0x193: {  	s21 =	spop (v2sf);
	(v2sf) =	vpush v30, $0xF;
	v30 =	vsel vm3, $0x0, v29  }
0x194: {  	v30 =	vxor.u32 $0x80000000, v30  }
0x195: {  	(xrf0) =	vmax.scan.msk.u32 $0xffff, v30;
	_ =	sdelay $0x1  }
0x196: {  	s21 =	sshll.u32 s21, $0x3  }
0x197: {  	s21 =	sand.u32 $0xFFFFFC00, s21  }
0x198: {  	s22 =	sshrl.u32 s21, $0x3  }
0x199: {  	s22 =	sadd.s32 s1, s22  }
0x19a: {  	[tilespmem:s23], [sflag:$0x2] =	stream.linear.gather [hbm4b:s22+s3], $0x400, $0x38;
	v30, _, _ =	vpop (xrf0);
	[tilespmem:$0x12200] =	vst v63  }
0x19b: {  	s21 =	sadd.s32 $0x7A1400, s21;
	s22 =	spop (v2sf);
	(v2sf) =	vpush v30, $0xF;
	v30 =	vsel vm4, $0x0, v29  }
0x19c: {  	s21 =	sshrl.u32 s21, $0x3;
	v30 =	vxor.u32 $0x80000000, v30  }
0x19d: {  	s24 =	simm.s32 $0x8600;
	s21 =	sadd.s32 s1, s21;
	(xrf0) =	vmax.scan.msk.u32 $0xffff, v30  }
0x19e: {  	[tilespmem:s24], [sflag:$0x2] =	stream.linear.gather [hbm4b:s21+s3], $0x400, $0x38;
	[tilespmem:$0x12200] =	vst v63  }
0x19f: {  	s21 =	sshll.u32 s22, $0x3  }
0x1a0: {  	s21 =	sand.u32 $0xFFFFFC00, s21  }
0x1a1: {  	s24 =	sshrl.u32 s21, $0x3  }
0x1a2: {  	s22 =	sadd.s32 s1, s24;
	s24 =	simm.s32 $0x8A00  }
0x1a3: {  	[tilespmem:s24], [sflag:$0x2] =	stream.linear.gather [hbm4b:s22+s3], $0x400, $0x38;
	v30, _, _ =	vpop (xrf0);
	[tilespmem:$0x12200] =	vst v63  }
0x1a4: {  	s21 =	sadd.s32 $0x7A1400, s21;
	s22 =	spop (v2sf);
	(v2sf) =	vpush v30, $0xF;
	v30 =	vsel vm5, $0x0, v29  }
0x1a5: {  	s21 =	sshrl.u32 s21, $0x3;
	v30 =	vxor.u32 $0x80000000, v30  }
0x1a6: {  	s21 =	sadd.s32 s1, s21;
	s24 =	simm.s32 $0x8E00;
	(xrf0) =	vmax.scan.msk.u32 $0xffff, v30  }
0x1a7: {  	[tilespmem:s24], [sflag:$0x2] =	stream.linear.gather [hbm4b:s21+s3], $0x400, $0x38;
	[tilespmem:$0x12200] =	vst v63  }
0x1a8: {  	s21 =	sshll.u32 s22, $0x3  }
0x1a9: {  	s21 =	sand.u32 $0xFFFFFC00, s21  }
0x1aa: {  	s24 =	sshrl.u32 s21, $0x3  }
0x1ab: {  	s22 =	sadd.s32 s1, s24;
	s24 =	simm.s32 $0x9200  }
0x1ac: {  	[tilespmem:s24], [sflag:$0x2] =	stream.linear.gather [hbm4b:s22+s3], $0x400, $0x38;
	v30, _, _ =	vpop (xrf0);
	[tilespmem:$0x12200] =	vst v63  }
0x1ad: {  	s21 =	sadd.s32 $0x7A1400, s21;
	s22 =	spop (v2sf);
	(v2sf) =	vpush v30, $0xF;
	v30 =	vsel vm6, $0x0, v29  }
0x1ae: {  	s21 =	sshrl.u32 s21, $0x3;
	v30 =	vxor.u32 $0x80000000, v30  }
0x1af: {  	s21 =	sadd.s32 s1, s21;
	s24 =	simm.s32 $0x9600;
	(xrf0) =	vmax.scan.msk.u32 $0xffff, v30  }
0x1b0: {  	[tilespmem:s24], [sflag:$0x2] =	stream.linear.gather [hbm4b:s21+s3], $0x400, $0x38;
	[tilespmem:$0x12200] =	vst v63  }
0x1b1: {  	s21 =	sshll.u32 s22, $0x3  }
0x1b2: {  	s21 =	sand.u32 $0xFFFFFC00, s21  }
0x1b3: {  	s24 =	sshrl.u32 s21, $0x3  }
0x1b4: {  	s22 =	sadd.s32 s1, s24;
	s24 =	simm.s32 $0x9A00  }
0x1b5: {  	[tilespmem:s24], [sflag:$0x2] =	stream.linear.gather [hbm4b:s22+s3], $0x400, $0x38;
	v30, _, _ =	vpop (xrf0);
	[tilespmem:$0x12200] =	vst v63  }
0x1b6: {  	s21 =	sadd.s32 $0x7A1400, s21;
	s22 =	spop (v2sf);
	(v2sf) =	vpush v30, $0xF;
	v30 =	vsel vm7, $0x0, v29  }
0x1b7: {  	s21 =	sshrl.u32 s21, $0x3;
	v30 =	vxor.u32 $0x80000000, v30  }
0x1b8: {  	s21 =	sadd.s32 s1, s21;
	s24 =	simm.s32 $0x9E00;
	(xrf0) =	vmax.scan.msk.u32 $0xffff, v30  }
0x1b9: {  	[tilespmem:s24], [sflag:$0x2] =	stream.linear.gather [hbm4b:s21+s3], $0x400, $0x38;
	[tilespmem:$0x12200] =	vst v63  }
0x1ba: {  	s21 =	sshll.u32 s22, $0x3  }
0x1bb: {  	s21 =	sand.u32 $0xFFFFFC00, s21  }
0x1bc: {  	s24 =	sshrl.u32 s21, $0x3  }
0x1bd: {  	s22 =	sadd.s32 s1, s24;
	s24 =	simm.s32 $0xA200  }
0x1be: {  	[tilespmem:s24], [sflag:$0x2] =	stream.linear.gather [hbm4b:s22+s3], $0x400, $0x38;
	v30, _, _ =	vpop (xrf0);
	[tilespmem:$0x12200] =	vst v63  }
0x1bf: {  	s21 =	sadd.s32 $0x7A1400, s21;
	s22 =	spop (v2sf);
	(v2sf) =	vpush v30, $0xF;
	v30 =	vsel vm8, $0x0, v29  }
0x1c0: {  	s21 =	sshrl.u32 s21, $0x3;
	v30 =	vxor.u32 $0x80000000, v30  }
0x1c1: {  	s21 =	sadd.s32 s1, s21;
	s24 =	simm.s32 $0xA600;
	(xrf0) =	vmax.scan.msk.u32 $0xffff, v30  }
0x1c2: {  	[tilespmem:s24], [sflag:$0x2] =	stream.linear.gather [hbm4b:s21+s3], $0x400, $0x38;
	[tilespmem:$0x12200] =	vst v63  }
0x1c3: {  	s21 =	sshll.u32 s22, $0x3  }
0x1c4: {  	s21 =	sand.u32 $0xFFFFFC00, s21  }
0x1c5: {  	s24 =	sshrl.u32 s21, $0x3  }
0x1c6: {  	s22 =	sadd.s32 s1, s24;
	s24 =	simm.s32 $0xAA00  }
0x1c7: {  	[tilespmem:s24], [sflag:$0x2] =	stream.linear.gather [hbm4b:s22+s3], $0x400, $0x38;
	v30, _, _ =	vpop (xrf0);
	[tilespmem:$0x12200] =	vst v63  }
0x1c8: {  	s21 =	sadd.s32 $0x7A1400, s21;
	s22 =	spop (v2sf);
	(v2sf) =	vpush v30, $0xF;
	v30 =	vsel vm9, $0x0, v29  }
0x1c9: {  	s21 =	sshrl.u32 s21, $0x3;
	v30 =	vxor.u32 $0x80000000, v30  }
0x1ca: {  	s21 =	sadd.s32 s1, s21;
	s24 =	simm.s32 $0xAE00;
	(xrf0) =	vmax.scan.msk.u32 $0xffff, v30  }
0x1cb: {  	[tilespmem:s24], [sflag:$0x2] =	stream.linear.gather [hbm4b:s21+s3], $0x400, $0x38;
	[tilespmem:$0x12200] =	vst v63  }
0x1cc: {  	s21 =	sshll.u32 s22, $0x3  }
0x1cd: {  	s21 =	sand.u32 $0xFFFFFC00, s21  }
0x1ce: {  	s24 =	sshrl.u32 s21, $0x3  }
0x1cf: {  	s22 =	sadd.s32 s1, s24;
	s24 =	simm.s32 $0xB200  }
0x1d0: {  	[tilespmem:s24], [sflag:$0x2] =	stream.linear.gather [hbm4b:s22+s3], $0x400, $0x38;
	v30, _, _ =	vpop (xrf0);
	[tilespmem:$0x12200] =	vst v63  }
0x1d1: {  	s21 =	sadd.s32 $0x7A1400, s21;
	s22 =	spop (v2sf);
	(v2sf) =	vpush v30, $0xF;
	v30 =	vsel vm10, $0x0, v29  }
0x1d2: {  	s21 =	sshrl.u32 s21, $0x3;
	v30 =	vxor.u32 $0x80000000, v30  }
0x1d3: {  	s21 =	sadd.s32 s1, s21;
	(xrf0) =	vmax.scan.msk.u32 $0xffff, v30  }
0x1d4: {  	[tilespmem:s25], [sflag:$0x2] =	stream.linear.gather [hbm4b:s21+s3], $0x400, $0x38;
	[tilespmem:$0x12200] =	vst v63  }
0x1d5: {  	s21 =	sshll.u32 s22, $0x3  }
0x1d6: {  	s21 =	sand.u32 $0xFFFFFC00, s21  }
0x1d7: {  	s24 =	sshrl.u32 s21, $0x3  }
0x1d8: {  	s22 =	sadd.s32 s1, s24  }
0x1d9: {  	[tilespmem:s26], [sflag:$0x2] =	stream.linear.gather [hbm4b:s22+s3], $0x400, $0x38;
	v30, _, _ =	vpop (xrf0);
	[tilespmem:$0x12200] =	vst v63  }
0x1da: {  	s21 =	sadd.s32 $0x7A1400, s21;
	s22 =	spop (v2sf);
	(v2sf) =	vpush v30, $0xF;
	v30 =	vsel vm11, $0x0, v29  }
0x1db: {  	s21 =	sshrl.u32 s21, $0x3;
	v30 =	vxor.u32 $0x80000000, v30  }
0x1dc: {  	s21 =	sadd.s32 s1, s21;
	(xrf0) =	vmax.scan.msk.u32 $0xffff, v30  }
0x1dd: {  	[tilespmem:s28], [sflag:$0x2] =	stream.linear.gather [hbm4b:s21+s3], $0x400, $0x38;
	[tilespmem:$0x12200] =	vst v63  }
0x1de: {  	s21 =	sshll.u32 s22, $0x3  }
0x1df: {  	s21 =	sand.u32 $0xFFFFFC00, s21  }
0x1e0: {  	s24 =	sshrl.u32 s21, $0x3;
	s21 =	sadd.s32 $0x7A1400, s21  }
0x1e1: {  	s22 =	sadd.s32 s1, s24;
	s21 =	sshrl.u32 s21, $0x3  }
0x1e2: {  	[tilespmem:s29], [sflag:$0x2] =	stream.linear.gather [hbm4b:s22+s3], $0x400, $0x38;
	v30, _, _ =	vpop (xrf0);
	[tilespmem:$0x12200] =	vst v63  }
0x1e3: {  	s21 =	sadd.s32 s1, s21;
	s22 =	spop (v2sf);
	(v2sf) =	vpush v30, $0xF;
	v30 =	vsel vm12, $0x0, v29  }
0x1e4: {  	[tilespmem:s30], [sflag:$0x2] =	stream.linear.gather [hbm4b:s21+s3], $0x400, $0x38;
	v30 =	vxor.u32 $0x80000000, v30;
	[tilespmem:$0x12200] =	vst v63  }
0x1e5: {  	s21 =	sshll.u32 s22, $0x3;
	(xrf0) =	vmax.scan.msk.u32 $0xffff, v30  }
0x1e6: {  	s21 =	sand.u32 $0xFFFFFC00, s21  }
0x1e7: {  	s24 =	sshrl.u32 s21, $0x3;
	s21 =	sadd.s32 $0x7A1400, s21  }
0x1e8: {  	s22 =	sadd.s32 s1, s24;
	s21 =	sshrl.u32 s21, $0x3  }
0x1e9: {  	[tilespmem:s31], [sflag:$0x2] =	stream.linear.gather [hbm4b:s22+s3], $0x400, $0x38;
	[tilespmem:$0x12200] =	vst v63  }
0x1ea: {  	s21 =	sadd.s32 s1, s21  }
0x1eb: {  	[tilespmem:s0], [sflag:$0x2] =	stream.linear.gather [hbm4b:s21+s3], $0x400, $0x38;
	v30, _, _ =	vpop (xrf0);
	[tilespmem:$0x12200] =	vst v63  }
0x1ec: {  	s22 =	spop (v2sf);
	(v2sf) =	vpush v30, $0xF;
	v30 =	vsel vm13, $0x0, v29  }
0x1ed: {  	s21 =	sshll.u32 s22, $0x3;
	v30 =	vxor.u32 $0x80000000, v30  }
0x1ee: {  	s21 =	sand.u32 $0xFFFFFC00, s21;
	(xrf0) =	vmax.scan.msk.u32 $0xffff, v30  }
0x1ef: {  	s24 =	sshrl.u32 s21, $0x3;
	s21 =	sadd.s32 $0x7A1400, s21  }
0x1f0: {  	s22 =	sadd.s32 s1, s24;
	s21 =	sshrl.u32 s21, $0x3  }
0x1f1: {  	[tilespmem:s2], [sflag:$0x2] =	stream.linear.gather [hbm4b:s22+s3], $0x400, $0x38;
	[tilespmem:$0x12200] =	vst v63  }
0x1f2: {  	s21 =	sadd.s32 s1, s21  }
0x1f3: {  	[tilespmem:s4], [sflag:$0x2] =	stream.linear.gather [hbm4b:s21+s3], $0x400, $0x38;
	[tilespmem:$0x12200] =	vst v63  }
0x1f4: {  	v31 =	vsel vm14, $0x0, v29;
	s22 =	spop (v2sf);
	v30, _, _ =	vpop (xrf0)  }
0x1f5: {  	s21 =	sshll.u32 s22, $0x3;
	(v2sf) =	vpush v30, $0xF;
	v30 =	vxor.u32 $0x80000000, v31  }
0x1f6: {  	s21 =	sand.u32 $0xFFFFFC00, s21;
	(xrf0) =	vmax.scan.msk.u32 $0xffff, v30  }
0x1f7: {  	s24 =	sshrl.u32 s21, $0x3;
	s21 =	sadd.s32 $0x7A1400, s21  }
0x1f8: {  	s22 =	sadd.s32 s1, s24;
	s21 =	sshrl.u32 s21, $0x3  }
0x1f9: {  	[tilespmem:s5], [sflag:$0x2] =	stream.linear.gather [hbm4b:s22+s3], $0x400, $0x38;
	[tilespmem:$0x12200] =	vst v63  }
0x1fa: {  	s21 =	sadd.s32 s1, s21  }
0x1fb: {  	[tilespmem:s6], [sflag:$0x2] =	stream.linear.gather [hbm4b:s21+s3], $0x400, $0x38;
	[tilespmem:$0x12200] =	vst v63  }
0x1fc: {  	v29 =	vsel vm15, $0x0, v29;
	s22 =	spop (v2sf);
	v30, _, _ =	vpop (xrf0)  }
0x1fd: {  	v29 =	vxor.u32 $0x80000000, v29;
	s21 =	sshll.u32 s22, $0x3;
	(v2sf) =	vpush v30, $0xF  }
0x1fe: {  	(xrf0) =	vmax.scan.msk.u32 $0xffff, v29;
	s21 =	sand.u32 $0xFFFFFC00, s21  }
0x1ff: {  	s24 =	sshrl.u32 s21, $0x3;
	s21 =	sadd.s32 $0x7A1400, s21  }
0x200: {  	s22 =	sadd.s32 s1, s24;
	s21 =	sshrl.u32 s21, $0x3  }
0x201: {  	[tilespmem:s7], [sflag:$0x2] =	stream.linear.gather [hbm4b:s22+s3], $0x400, $0x38;
	[tilespmem:$0x12200] =	vst v63  }
0x202: {  	s21 =	sadd.s32 s1, s21  }
0x203: {  	[tilespmem:s9], [sflag:$0x2] =	stream.linear.gather [hbm4b:s21+s3], $0x400, $0x38;
	[tilespmem:$0x12200] =	vst v63  }
0x204: {  	v29, _, _ =	vpop (xrf0);
	s22 =	spop (v2sf)  }
0x205: {  	(v2sf) =	vpush v29, $0xF;
	s21 =	sshll.u32 s22, $0x3  }
0x206: {  	s21 =	sand.u32 $0xFFFFFC00, s21  }
0x207: {  	s24 =	sshrl.u32 s21, $0x3;
	s21 =	sadd.s32 $0x7A1400, s21  }
0x208: {  	s22 =	sadd.s32 s1, s24;
	s21 =	sshrl.u32 s21, $0x3  }
0x209: {  	[tilespmem:s10], [sflag:$0x2] =	stream.linear.gather [hbm4b:s22+s3], $0x400, $0x38;
	[tilespmem:$0x12200] =	vst v63  }
0x20a: {  	s21 =	sadd.s32 s1, s21  }
0x20b: {  	[tilespmem:s11], [sflag:$0x2] =	stream.linear.gather [hbm4b:s21+s3], $0x400, $0x38;
	[tilespmem:$0x12200] =	vst v63  }
0x20c: {  	s24 =	spop (v2sf)  }
0x20d: {  	s22 =	sshll.u32 s24, $0x3  }
0x20e: {  	s21 =	sand.u32 $0xFFFFFC00, s22  }
0x20f: {  	s24 =	sshrl.u32 s21, $0x3;
	s21 =	sadd.s32 $0x7A1400, s21  }
0x210: {  	s22 =	sadd.s32 s1, s24;
	s21 =	sshrl.u32 s21, $0x3  }
0x211: {  	[tilespmem:s12], [sflag:$0x2] =	stream.linear.gather [hbm4b:s22+s3], $0x400, $0x38;
	[tilespmem:$0x12200] =	vst v63  }
0x212: {  	s21 =	sadd.s32 s1, s21  }
0x213: {  	[tilespmem:s13], [sflag:$0x2] =	stream.linear.gather [hbm4b:s21+s3], $0x400, $0x38;
	[tilespmem:$0x12200] =	vst v63  }
0x214: {  	s22 =	spop (v2sf)  }
0x215: {  	s21 =	sshll.u32 s22, $0x3  }
0x216: {  	s21 =	sand.u32 $0xFFFFFC00, s21  }
0x217: {  	s24 =	sshrl.u32 s21, $0x3;
	s21 =	sadd.s32 $0x7A1400, s21  }
0x218: {  	s22 =	sadd.s32 s1, s24;
	s21 =	sshrl.u32 s21, $0x3  }
0x219: {  	[tilespmem:s14], [sflag:$0x2] =	stream.linear.gather [hbm4b:s22+s3], $0x400, $0x38;
	[tilespmem:$0x12200] =	vst v63  }
0x21a: {  	s21 =	sadd.s32 s1, s21  }
0x21b: {  	[tilespmem:s15], [sflag:$0x2] =	stream.linear.gather [hbm4b:s21+s3], $0x400, $0x38;
	[tilespmem:$0x12200] =	vst v63  }
0x21c: {  	_ =	swait.ge [sflag:s16], $0x800  }
0x21d: {  	[sflag:s16] =	ssyncset.done $0x0  }
0x21e: {  	[sflag:s16] =	ssyncadd.s32 $0xFFFFF800  }
0x21f: {  	_ =	swait.ge [sflag:s16], $0x800  }
0x220: {  	[sflag:s16] =	ssyncset.done $0x0  }
0x221: {  	[sflag:s16] =	ssyncadd.s32 $0xFFFFF800  }
0x222: {  	_ =	swait.ge [sflag:s16], $0x800  }
0x223: {  	[sflag:s16] =	ssyncset.done $0x0  }
0x224: {  	[sflag:s16] =	ssyncadd.s32 $0xFFFFF800  }
0x225: {  	_ =	swait.ge [sflag:s16], $0x800  }
0x226: {  	[sflag:s16] =	ssyncset.done $0x0  }
0x227: {  	[sflag:s16] =	ssyncadd.s32 $0xFFFFF800  }
0x228: {  	_ =	swait.ge [sflag:s16], $0x800  }
0x229: {  	[sflag:s16] =	ssyncset.done $0x0  }
0x22a: {  	[sflag:s16] =	ssyncadd.s32 $0xFFFFF800  }
0x22b: {  	_ =	swait.ge [sflag:s16], $0x800  }
0x22c: {  	[sflag:s16] =	ssyncset.done $0x0  }
0x22d: {  	[sflag:s16] =	ssyncadd.s32 $0xFFFFF800  }
0x22e: {  	_ =	swait.ge [sflag:s16], $0x800  }
0x22f: {  	[sflag:s16] =	ssyncset.done $0x0  }
0x230: {  	[sflag:s16] =	ssyncadd.s32 $0xFFFFF800  }
0x231: {  	_ =	swait.ge [sflag:s16], $0x800  }
0x232: {  	[sflag:s16] =	ssyncset.done $0x0  }
0x233: {  	[sflag:s16] =	ssyncadd.s32 $0xFFFFF800  }
0x234: {  	_ =	swait.ge [sflag:s16], $0x800  }
0x235: {  	[sflag:s16] =	ssyncset.done $0x0  }
0x236: {  	[sflag:s16] =	ssyncadd.s32 $0xFFFFF800  }
0x237: {  	_ =	swait.ge [sflag:s16], $0x800  }
0x238: {  	[sflag:s16] =	ssyncset.done $0x0  }
0x239: {  	[sflag:s16] =	ssyncadd.s32 $0xFFFFF800  }
0x23a: {  	_ =	swait.ge [sflag:s16], $0x800  }
0x23b: {  	[sflag:s16] =	ssyncset.done $0x0  }
0x23c: {  	[sflag:s16] =	ssyncadd.s32 $0xFFFFF800  }
0x23d: {  	_ =	swait.ge [sflag:s16], $0x800  }
0x23e: {  	[sflag:s16] =	ssyncset.done $0x0  }
0x23f: {  	[sflag:s16] =	ssyncadd.s32 $0xFFFFF800  }
0x240: {  	_ =	swait.ge [sflag:s16], $0x800  }
0x241: {  	[sflag:s16] =	ssyncset.done $0x0  }
0x242: {  	[sflag:s16] =	ssyncadd.s32 $0xFFFFF800  }
0x243: {  	_ =	swait.ge [sflag:s16], $0x800  }
0x244: {  	[sflag:s16] =	ssyncset.done $0x0  }
0x245: {  	[sflag:s16] =	ssyncadd.s32 $0xFFFFF800  }
0x246: {  	_ =	swait.ge [sflag:s16], $0x800  }
0x247: {  	v29 =	vmov s20;
	[sflag:s16] =	ssyncset.done $0x0  }
0x248: {  	[sflag:s16] =	ssyncadd.s32 $0xFFFFF800  }
0x249: {  	_ =	swait.ge [sflag:s16], $0x800  }
0x24a: {  	[sflag:s16] =	ssyncset.done $0x0  }
0x24b: {  	[sflag:s16] =	ssyncadd.s32 $0xFFFFF800  }
0x24c: {  	v30 =	vld.idx.msk [tilespmem:v29+s3+$0x0], $0xffff;
	_ =	sdelay $0x4  }
0x24d: {  	v30 =	vand.u32 $0x7F, v30  }
0x24e: {  	v30 =	vor.u32 v0, v30;
	_ =	sdelay $0x1  }
0x24f: {  	v31 =	vshll.u32 v29, $0x3  }
0x250: {  	v31 =	vand.u32 $0xC00, v31;
	v29 =	vand.u32 $0x60, v29  }
0x251: {  	v29 =	vor.u32 v31, v29  }
0x252: {  	s24 =	sadd.s32 $0x1, s20;
	v29 =	vor.u32 v1, v29;
	v30 =	vld.idx.msk [tilespmem:v30+s8+$0x0], $0xffff  }
0x253: {  	v31 =	vmov s24;
	_ =	sdelay $0x3  }
0x254: {  	[tilespmem:v29+s17+$0x0] =	vst.idx.msk $0xffff, v30  }
0x255: {  	v29 =	vld.idx.msk [tilespmem:v31+s3+$0x0], $0xffff;
	_ =	sdelay $0x4  }
0x256: {  	v29 =	vand.u32 $0x7F, v29  }
0x257: {  	v29 =	vor.u32 v2, v29;
	_ =	sdelay $0x1  }
0x258: {  	v30 =	vshll.u32 v31, $0x3  }
0x259: {  	v31 =	vand.u32 $0x61, v31;
	v30 =	vand.u32 $0xC00, v30  }
0x25a: {  	v30 =	vor.u32 v30, v31  }
0x25b: {  	s22 =	sadd.s32 $0x2, s20;
	v30 =	vor.u32 v1, v30;
	v29 =	vld.idx.msk [tilespmem:v29+s8+$0x0], $0xffff  }
0x25c: {  	v31 =	vmov s22;
	_ =	sdelay $0x3  }
0x25d: {  	[tilespmem:v30+s17+$0x0] =	vst.idx.msk $0xffff, v29  }
0x25e: {  	v29 =	vld.idx.msk [tilespmem:v31+s3+$0x0], $0xffff;
	_ =	sdelay $0x4  }
0x25f: {  	v29 =	vand.u32 $0x7F, v29  }
0x260: {  	v29 =	vor.u32 v3, v29;
	_ =	sdelay $0x1  }
0x261: {  	v30 =	vshll.u32 v31, $0x3  }
0x262: {  	v31 =	vand.u32 $0x62, v31;
	v30 =	vand.u32 $0xC00, v30  }
0x263: {  	v30 =	vor.u32 v30, v31  }
0x264: {  	s24 =	sadd.s32 $0x3, s20;
	v30 =	vor.u32 v1, v30;
	v29 =	vld.idx.msk [tilespmem:v29+s8+$0x0], $0xffff  }
0x265: {  	v31 =	vmov s24;
	_ =	sdelay $0x3  }
0x266: {  	[tilespmem:v30+s17+$0x0] =	vst.idx.msk $0xffff, v29  }
0x267: {  	v29 =	vld.idx.msk [tilespmem:v31+s3+$0x0], $0xffff;
	_ =	sdelay $0x4  }
0x268: {  	v29 =	vand.u32 $0x7F, v29  }
0x269: {  	v29 =	vor.u32 v4, v29;
	_ =	sdelay $0x1  }
0x26a: {  	v30 =	vshll.u32 v31, $0x3  }
0x26b: {  	v31 =	vand.u32 $0x63, v31;
	v30 =	vand.u32 $0xC00, v30  }
0x26c: {  	v30 =	vor.u32 v30, v31  }
0x26d: {  	s22 =	sadd.s32 $0x4, s20;
	v30 =	vor.u32 v1, v30;
	v29 =	vld.idx.msk [tilespmem:v29+s8+$0x0], $0xffff  }
0x26e: {  	v31 =	vmov s22;
	_ =	sdelay $0x3  }
0x26f: {  	[tilespmem:v30+s17+$0x0] =	vst.idx.msk $0xffff, v29  }
0x270: {  	v29 =	vld.idx.msk [tilespmem:v31+s3+$0x0], $0xffff;
	_ =	sdelay $0x4  }
0x271: {  	v29 =	vand.u32 $0x7F, v29  }
0x272: {  	v29 =	vor.u32 v5, v29;
	_ =	sdelay $0x1  }
0x273: {  	v30 =	vshll.u32 v31, $0x3  }
0x274: {  	v31 =	vand.u32 $0x64, v31;
	v30 =	vand.u32 $0xC00, v30  }
0x275: {  	v30 =	vor.u32 v30, v31  }
0x276: {  	s24 =	sadd.s32 $0x5, s20;
	v30 =	vor.u32 v1, v30;
	v29 =	vld.idx.msk [tilespmem:v29+s8+$0x0], $0xffff  }
0x277: {  	v31 =	vmov s24;
	_ =	sdelay $0x3  }
0x278: {  	[tilespmem:v30+s17+$0x0] =	vst.idx.msk $0xffff, v29  }
0x279: {  	v29 =	vld.idx.msk [tilespmem:v31+s3+$0x0], $0xffff;
	_ =	sdelay $0x4  }
0x27a: {  	v29 =	vand.u32 $0x7F, v29  }
0x27b: {  	v29 =	vor.u32 v6, v29;
	_ =	sdelay $0x1  }
0x27c: {  	v30 =	vshll.u32 v31, $0x3  }
0x27d: {  	v31 =	vand.u32 $0x65, v31;
	v30 =	vand.u32 $0xC00, v30  }
0x27e: {  	v30 =	vor.u32 v30, v31  }
0x27f: {  	s22 =	sadd.s32 $0x6, s20;
	v30 =	vor.u32 v1, v30;
	v29 =	vld.idx.msk [tilespmem:v29+s8+$0x0], $0xffff  }
0x280: {  	v31 =	vmov s22;
	_ =	sdelay $0x3  }
0x281: {  	[tilespmem:v30+s17+$0x0] =	vst.idx.msk $0xffff, v29  }
0x282: {  	v29 =	vld.idx.msk [tilespmem:v31+s3+$0x0], $0xffff;
	_ =	sdelay $0x4  }
0x283: {  	v29 =	vand.u32 $0x7F, v29  }
0x284: {  	v29 =	vor.u32 v7, v29;
	_ =	sdelay $0x1  }
0x285: {  	v30 =	vshll.u32 v31, $0x3  }
0x286: {  	v31 =	vand.u32 $0x66, v31;
	v30 =	vand.u32 $0xC00, v30  }
0x287: {  	v30 =	vor.u32 v30, v31  }
0x288: {  	s24 =	sadd.s32 $0x7, s20;
	v30 =	vor.u32 v1, v30;
	v29 =	vld.idx.msk [tilespmem:v29+s8+$0x0], $0xffff  }
0x289: {  	v31 =	vmov s24;
	_ =	sdelay $0x3  }
0x28a: {  	[tilespmem:v30+s17+$0x0] =	vst.idx.msk $0xffff, v29  }
0x28b: {  	v29 =	vld.idx.msk [tilespmem:v31+s3+$0x0], $0xffff;
	_ =	sdelay $0x4  }
0x28c: {  	v29 =	vand.u32 $0x7F, v29  }
0x28d: {  	v29 =	vor.u32 v8, v29;
	_ =	sdelay $0x1  }
0x28e: {  	v30 =	vshll.u32 v31, $0x3  }
0x28f: {  	v31 =	vand.u32 $0x67, v31;
	v30 =	vand.u32 $0xC00, v30  }
0x290: {  	v30 =	vor.u32 v30, v31  }
0x291: {  	s22 =	sadd.s32 $0x8, s20;
	v30 =	vor.u32 v1, v30;
	v29 =	vld.idx.msk [tilespmem:v29+s8+$0x0], $0xffff  }
0x292: {  	v31 =	vmov s22;
	_ =	sdelay $0x3  }
0x293: {  	[tilespmem:v30+s17+$0x0] =	vst.idx.msk $0xffff, v29  }
0x294: {  	v29 =	vld.idx.msk [tilespmem:v31+s3+$0x0], $0xffff;
	_ =	sdelay $0x4  }
0x295: {  	v29 =	vand.u32 $0x7F, v29  }
0x296: {  	v29 =	vor.u32 v9, v29;
	_ =	sdelay $0x1  }
0x297: {  	v30 =	vshll.u32 v31, $0x3  }
0x298: {  	v31 =	vand.u32 $0x68, v31;
	v30 =	vand.u32 $0xC00, v30  }
0x299: {  	v30 =	vor.u32 v30, v31  }
0x29a: {  	s24 =	sadd.s32 $0x9, s20;
	v30 =	vor.u32 v1, v30;
	v29 =	vld.idx.msk [tilespmem:v29+s8+$0x0], $0xffff  }
0x29b: {  	v31 =	vmov s24;
	_ =	sdelay $0x3  }
0x29c: {  	[tilespmem:v30+s17+$0x0] =	vst.idx.msk $0xffff, v29  }
0x29d: {  	v29 =	vld.idx.msk [tilespmem:v31+s3+$0x0], $0xffff;
	_ =	sdelay $0x4  }
0x29e: {  	v29 =	vand.u32 $0x7F, v29  }
0x29f: {  	v29 =	vor.u32 v10, v29;
	_ =	sdelay $0x1  }
0x2a0: {  	v30 =	vshll.u32 v31, $0x3  }
0x2a1: {  	v31 =	vand.u32 $0x69, v31;
	v30 =	vand.u32 $0xC00, v30  }
0x2a2: {  	v30 =	vor.u32 v30, v31  }
0x2a3: {  	s22 =	sadd.s32 $0xA, s20;
	v30 =	vor.u32 v1, v30;
	v29 =	vld.idx.msk [tilespmem:v29+s8+$0x0], $0xffff  }
0x2a4: {  	v31 =	vmov s22;
	_ =	sdelay $0x3  }
0x2a5: {  	[tilespmem:v30+s17+$0x0] =	vst.idx.msk $0xffff, v29  }
0x2a6: {  	v29 =	vld.idx.msk [tilespmem:v31+s3+$0x0], $0xffff;
	_ =	sdelay $0x4  }
0x2a7: {  	v29 =	vand.u32 $0x7F, v29  }
0x2a8: {  	v29 =	vor.u32 v11, v29;
	_ =	sdelay $0x1  }
0x2a9: {  	v30 =	vshll.u32 v31, $0x3  }
0x2aa: {  	v31 =	vand.u32 $0x6A, v31;
	v30 =	vand.u32 $0xC00, v30  }
0x2ab: {  	v30 =	vor.u32 v30, v31  }
0x2ac: {  	s24 =	sadd.s32 $0xB, s20;
	v30 =	vor.u32 v1, v30;
	v29 =	vld.idx.msk [tilespmem:v29+s8+$0x0], $0xffff  }
0x2ad: {  	v31 =	vmov s24;
	_ =	sdelay $0x3  }
0x2ae: {  	[tilespmem:v30+s17+$0x0] =	vst.idx.msk $0xffff, v29  }
0x2af: {  	v29 =	vld.idx.msk [tilespmem:v31+s3+$0x0], $0xffff;
	_ =	sdelay $0x4  }
0x2b0: {  	v29 =	vand.u32 $0x7F, v29  }
0x2b1: {  	v29 =	vor.u32 v12, v29;
	_ =	sdelay $0x1  }
0x2b2: {  	v30 =	vshll.u32 v31, $0x3  }
0x2b3: {  	v31 =	vand.u32 $0x6B, v31;
	v30 =	vand.u32 $0xC00, v30  }
0x2b4: {  	v30 =	vor.u32 v30, v31  }
0x2b5: {  	s22 =	sadd.s32 $0xC, s20;
	v30 =	vor.u32 v1, v30;
	v29 =	vld.idx.msk [tilespmem:v29+s8+$0x0], $0xffff  }
0x2b6: {  	v31 =	vmov s22;
	_ =	sdelay $0x3  }
0x2b7: {  	[tilespmem:v30+s17+$0x0] =	vst.idx.msk $0xffff, v29  }
0x2b8: {  	v29 =	vld.idx.msk [tilespmem:v31+s3+$0x0], $0xffff;
	_ =	sdelay $0x4  }
0x2b9: {  	v29 =	vand.u32 $0x7F, v29  }
0x2ba: {  	v29 =	vor.u32 v13, v29;
	_ =	sdelay $0x1  }
0x2bb: {  	v30 =	vshll.u32 v31, $0x3  }
0x2bc: {  	v31 =	vand.u32 $0x6C, v31;
	v30 =	vand.u32 $0xC00, v30  }
0x2bd: {  	v30 =	vor.u32 v30, v31  }
0x2be: {  	s24 =	sadd.s32 $0xD, s20;
	v30 =	vor.u32 v1, v30;
	v29 =	vld.idx.msk [tilespmem:v29+s8+$0x0], $0xffff  }
0x2bf: {  	v31 =	vmov s24;
	_ =	sdelay $0x3  }
0x2c0: {  	[tilespmem:v30+s17+$0x0] =	vst.idx.msk $0xffff, v29  }
0x2c1: {  	v29 =	vld.idx.msk [tilespmem:v31+s3+$0x0], $0xffff;
	_ =	sdelay $0x4  }
0x2c2: {  	v29 =	vand.u32 $0x7F, v29  }
0x2c3: {  	v29 =	vor.u32 v14, v29;
	_ =	sdelay $0x1  }
0x2c4: {  	v30 =	vshll.u32 v31, $0x3  }
0x2c5: {  	v31 =	vand.u32 $0x6D, v31;
	v30 =	vand.u32 $0xC00, v30  }
0x2c6: {  	v30 =	vor.u32 v30, v31  }
0x2c7: {  	s22 =	sadd.s32 $0xE, s20;
	v30 =	vor.u32 v1, v30;
	v29 =	vld.idx.msk [tilespmem:v29+s8+$0x0], $0xffff  }
0x2c8: {  	v31 =	vmov s22;
	_ =	sdelay $0x3  }
0x2c9: {  	[tilespmem:v30+s17+$0x0] =	vst.idx.msk $0xffff, v29  }
0x2ca: {  	v29 =	vld.idx.msk [tilespmem:v31+s3+$0x0], $0xffff;
	_ =	sdelay $0x4  }
0x2cb: {  	v29 =	vand.u32 $0x7F, v29  }
0x2cc: {  	v29 =	vor.u32 v15, v29;
	_ =	sdelay $0x1  }
0x2cd: {  	v30 =	vshll.u32 v31, $0x3  }
0x2ce: {  	v31 =	vand.u32 $0x6E, v31;
	v30 =	vand.u32 $0xC00, v30  }
0x2cf: {  	v30 =	vor.u32 v30, v31  }
0x2d0: {  	s24 =	sadd.s32 $0xF, s20;
	v30 =	vor.u32 v1, v30;
	v29 =	vld.idx.msk [tilespmem:v29+s8+$0x0], $0xffff  }
0x2d1: {  	v31 =	vmov s24;
	_ =	sdelay $0x3  }
0x2d2: {  	[tilespmem:v30+s17+$0x0] =	vst.idx.msk $0xffff, v29  }
0x2d3: {  	v29 =	vld.idx.msk [tilespmem:v31+s3+$0x0], $0xffff;
	_ =	sdelay $0x4  }
0x2d4: {  	v29 =	vand.u32 $0x7F, v29  }
0x2d5: {  	v29 =	vor.u32 v16, v29;
	_ =	sdelay $0x1  }
0x2d6: {  	v30 =	vshll.u32 v31, $0x3  }
0x2d7: {  	v31 =	vand.u32 $0x6F, v31;
	v30 =	vand.u32 $0xC00, v30  }
0x2d8: {  	v30 =	vor.u32 v30, v31  }
0x2d9: {  	p0 =	seq.s32 s20, $0x1E0;
	v30 =	vor.u32 v1, v30;
	v29 =	vld.idx.msk [tilespmem:v29+s8+$0x0], $0xffff  }
.Ltmp4:
0x2da: {  	_ = 	snop;
	(pc) =	sbr.rel @p0 .LBB2_4-.Ltmp4, $2  }
0x2db: {  	_ =	sdelay $0x2  }
0x2dc: {  	[tilespmem:v30+s17+$0x0] =	vst.idx.msk $0xffff, v29  }
0x2dd: {  	v29 =	vld [tilespmem:s19+$0x0];
	_ =	sdelay $0x4  }
0x2de: {  	v29 =	vand.u32 $0xFFFFFF80, v29  }
0x2df: {  	v30 =	vnsel vm0, $0x0, v29  }
0x2e0: {  	v30 =	vxor.u32 $0x80000000, v30  }
0x2e1: {  	(xrf0) =	vmax.scan.msk.u32 $0xffff, v30;
	_ =	sdelay $0x5  }
0x2e2: {  	v30, _, _ =	vpop (xrf0)  }
0x2e3: {  	(v2sf) =	vpush v30, $0xF;
	v30 =	vsel vm1, $0x0, v29  }
0x2e4: {  	v30 =	vxor.u32 $0x80000000, v30  }
0x2e5: {  	(xrf0) =	vmax.scan.msk.u32 $0xffff, v30;
	_ =	sdelay $0x5  }
0x2e6: {  	v30, _, _ =	vpop (xrf0)  }
0x2e7: {  	(v2sf) =	vpush v30, $0xF;
	v30 =	vsel vm2, $0x0, v29  }
0x2e8: {  	v30 =	vxor.u32 $0x80000000, v30  }
0x2e9: {  	(xrf0) =	vmax.scan.msk.u32 $0xffff, v30;
	_ =	sdelay $0x5  }
0x2ea: {  	v30, _, _ =	vpop (xrf0)  }
0x2eb: {  	s21 =	spop (v2sf);
	(v2sf) =	vpush v30, $0xF;
	v30 =	vsel vm3, $0x0, v29  }
0x2ec: {  	v30 =	vxor.u32 $0x80000000, v30  }
0x2ed: {  	(xrf0) =	vmax.scan.msk.u32 $0xffff, v30;
	_ =	sdelay $0x1  }
0x2ee: {  	s21 =	sshll.u32 s21, $0x3  }
0x2ef: {  	s21 =	sand.u32 $0xFFFFFC00, s21  }
0x2f0: {  	s22 =	sshrl.u32 s21, $0x3  }
0x2f1: {  	s22 =	sadd.s32 s1, s22  }
0x2f2: {  	[tilespmem:s8], [sflag:$0x1] =	stream.linear.gather [hbm4b:s22+s3], $0x400, $0x38;
	v30, _, _ =	vpop (xrf0);
	[tilespmem:$0x12200] =	vst v63  }
0x2f3: {  	s21 =	sadd.s32 $0x7A1400, s21;
	s22 =	spop (v2sf);
	(v2sf) =	vpush v30, $0xF;
	v30 =	vsel vm4, $0x0, v29  }
0x2f4: {  	s21 =	sshrl.u32 s21, $0x3;
	v30 =	vxor.u32 $0x80000000, v30  }
0x2f5: {  	s24 =	simm.s32 $0x600;
	s21 =	sadd.s32 s1, s21;
	(xrf0) =	vmax.scan.msk.u32 $0xffff, v30  }
0x2f6: {  	[tilespmem:s24], [sflag:$0x1] =	stream.linear.gather [hbm4b:s21+s3], $0x400, $0x38;
	[tilespmem:$0x12200] =	vst v63  }
0x2f7: {  	s21 =	sshll.u32 s22, $0x3  }
0x2f8: {  	s21 =	sand.u32 $0xFFFFFC00, s21  }
0x2f9: {  	s23 =	sshrl.u32 s21, $0x3  }
0x2fa: {  	s22 =	sadd.s32 s1, s23;
	s23 =	simm.s32 $0xA00  }
0x2fb: {  	[tilespmem:s23], [sflag:$0x1] =	stream.linear.gather [hbm4b:s22+s3], $0x400, $0x38;
	v30, _, _ =	vpop (xrf0);
	[tilespmem:$0x12200] =	vst v63  }
0x2fc: {  	s21 =	sadd.s32 $0x7A1400, s21;
	s22 =	spop (v2sf);
	(v2sf) =	vpush v30, $0xF;
	v30 =	vsel vm5, $0x0, v29  }
0x2fd: {  	s21 =	sshrl.u32 s21, $0x3;
	v30 =	vxor.u32 $0x80000000, v30  }
0x2fe: {  	s24 =	simm.s32 $0xE00;
	s21 =	sadd.s32 s1, s21;
	(xrf0) =	vmax.scan.msk.u32 $0xffff, v30  }
0x2ff: {  	[tilespmem:s24], [sflag:$0x1] =	stream.linear.gather [hbm4b:s21+s3], $0x400, $0x38;
	[tilespmem:$0x12200] =	vst v63  }
0x300: {  	s21 =	sshll.u32 s22, $0x3  }
0x301: {  	s21 =	sand.u32 $0xFFFFFC00, s21  }
0x302: {  	s23 =	sshrl.u32 s21, $0x3  }
0x303: {  	s24 =	simm.s32 $0x1200;
	s22 =	sadd.s32 s1, s23  }
0x304: {  	[tilespmem:s24], [sflag:$0x1] =	stream.linear.gather [hbm4b:s22+s3], $0x400, $0x38;
	v30, _, _ =	vpop (xrf0);
	[tilespmem:$0x12200] =	vst v63  }
0x305: {  	s21 =	sadd.s32 $0x7A1400, s21;
	s22 =	spop (v2sf);
	(v2sf) =	vpush v30, $0xF;
	v30 =	vsel vm6, $0x0, v29  }
0x306: {  	s21 =	sshrl.u32 s21, $0x3;
	v30 =	vxor.u32 $0x80000000, v30  }
0x307: {  	s21 =	sadd.s32 s1, s21;
	s24 =	simm.s32 $0x1600;
	(xrf0) =	vmax.scan.msk.u32 $0xffff, v30  }
0x308: {  	[tilespmem:s24], [sflag:$0x1] =	stream.linear.gather [hbm4b:s21+s3], $0x400, $0x38;
	[tilespmem:$0x12200] =	vst v63  }
0x309: {  	s21 =	sshll.u32 s22, $0x3  }
0x30a: {  	s21 =	sand.u32 $0xFFFFFC00, s21  }
0x30b: {  	s23 =	sshrl.u32 s21, $0x3  }
0x30c: {  	s24 =	simm.s32 $0x1A00;
	s22 =	sadd.s32 s1, s23  }
0x30d: {  	[tilespmem:s24], [sflag:$0x1] =	stream.linear.gather [hbm4b:s22+s3], $0x400, $0x38;
	v30, _, _ =	vpop (xrf0);
	[tilespmem:$0x12200] =	vst v63  }
0x30e: {  	s21 =	sadd.s32 $0x7A1400, s21;
	s22 =	spop (v2sf);
	(v2sf) =	vpush v30, $0xF;
	v30 =	vsel vm7, $0x0, v29  }
0x30f: {  	s21 =	sshrl.u32 s21, $0x3;
	v30 =	vxor.u32 $0x80000000, v30  }
0x310: {  	s21 =	sadd.s32 s1, s21;
	s24 =	simm.s32 $0x1E00;
	(xrf0) =	vmax.scan.msk.u32 $0xffff, v30  }
0x311: {  	[tilespmem:s24], [sflag:$0x1] =	stream.linear.gather [hbm4b:s21+s3], $0x400, $0x38;
	[tilespmem:$0x12200] =	vst v63  }
0x312: {  	s21 =	sshll.u32 s22, $0x3  }
0x313: {  	s21 =	sand.u32 $0xFFFFFC00, s21  }
0x314: {  	s23 =	sshrl.u32 s21, $0x3  }
0x315: {  	s24 =	simm.s32 $0x2200;
	s22 =	sadd.s32 s1, s23  }
0x316: {  	[tilespmem:s24], [sflag:$0x1] =	stream.linear.gather [hbm4b:s22+s3], $0x400, $0x38;
	v30, _, _ =	vpop (xrf0);
	[tilespmem:$0x12200] =	vst v63  }
0x317: {  	s21 =	sadd.s32 $0x7A1400, s21;
	s22 =	spop (v2sf);
	(v2sf) =	vpush v30, $0xF;
	v30 =	vsel vm8, $0x0, v29  }
0x318: {  	s21 =	sshrl.u32 s21, $0x3;
	v30 =	vxor.u32 $0x80000000, v30  }
0x319: {  	s21 =	sadd.s32 s1, s21;
	s24 =	simm.s32 $0x2600;
	(xrf0) =	vmax.scan.msk.u32 $0xffff, v30  }
0x31a: {  	[tilespmem:s24], [sflag:$0x1] =	stream.linear.gather [hbm4b:s21+s3], $0x400, $0x38;
	[tilespmem:$0x12200] =	vst v63  }
0x31b: {  	s21 =	sshll.u32 s22, $0x3  }
0x31c: {  	s21 =	sand.u32 $0xFFFFFC00, s21  }
0x31d: {  	s23 =	sshrl.u32 s21, $0x3  }
0x31e: {  	s24 =	simm.s32 $0x2A00;
	s22 =	sadd.s32 s1, s23  }
0x31f: {  	[tilespmem:s24], [sflag:$0x1] =	stream.linear.gather [hbm4b:s22+s3], $0x400, $0x38;
	v30, _, _ =	vpop (xrf0);
	[tilespmem:$0x12200] =	vst v63  }
0x320: {  	s21 =	sadd.s32 $0x7A1400, s21;
	s22 =	spop (v2sf);
	(v2sf) =	vpush v30, $0xF;
	v30 =	vsel vm9, $0x0, v29  }
0x321: {  	s21 =	sshrl.u32 s21, $0x3;
	v30 =	vxor.u32 $0x80000000, v30  }
0x322: {  	s21 =	sadd.s32 s1, s21;
	s24 =	simm.s32 $0x2E00;
	(xrf0) =	vmax.scan.msk.u32 $0xffff, v30  }
0x323: {  	[tilespmem:s24], [sflag:$0x1] =	stream.linear.gather [hbm4b:s21+s3], $0x400, $0x38;
	[tilespmem:$0x12200] =	vst v63  }
0x324: {  	s21 =	sshll.u32 s22, $0x3  }
0x325: {  	s21 =	sand.u32 $0xFFFFFC00, s21  }
0x326: {  	s23 =	sshrl.u32 s21, $0x3  }
0x327: {  	s24 =	simm.s32 $0x3200;
	s22 =	sadd.s32 s1, s23  }
0x328: {  	[tilespmem:s24], [sflag:$0x1] =	stream.linear.gather [hbm4b:s22+s3], $0x400, $0x38;
	v30, _, _ =	vpop (xrf0);
	[tilespmem:$0x12200] =	vst v63  }
0x329: {  	s21 =	sadd.s32 $0x7A1400, s21;
	s22 =	spop (v2sf);
	(v2sf) =	vpush v30, $0xF;
	v30 =	vsel vm10, $0x0, v29  }
0x32a: {  	s21 =	sshrl.u32 s21, $0x3;
	v30 =	vxor.u32 $0x80000000, v30  }
0x32b: {  	s21 =	sadd.s32 s1, s21;
	s24 =	simm.s32 $0x3600;
	(xrf0) =	vmax.scan.msk.u32 $0xffff, v30  }
0x32c: {  	[tilespmem:s24], [sflag:$0x1] =	stream.linear.gather [hbm4b:s21+s3], $0x400, $0x38;
	[tilespmem:$0x12200] =	vst v63  }
0x32d: {  	s21 =	sshll.u32 s22, $0x3  }
0x32e: {  	s21 =	sand.u32 $0xFFFFFC00, s21  }
0x32f: {  	s23 =	sshrl.u32 s21, $0x3  }
0x330: {  	s24 =	simm.s32 $0x3A00;
	s22 =	sadd.s32 s1, s23  }
0x331: {  	[tilespmem:s24], [sflag:$0x1] =	stream.linear.gather [hbm4b:s22+s3], $0x400, $0x38;
	v30, _, _ =	vpop (xrf0);
	[tilespmem:$0x12200] =	vst v63  }
0x332: {  	s21 =	sadd.s32 $0x7A1400, s21;
	s22 =	spop (v2sf);
	(v2sf) =	vpush v30, $0xF;
	v30 =	vsel vm11, $0x0, v29  }
0x333: {  	s21 =	sshrl.u32 s21, $0x3;
	v30 =	vxor.u32 $0x80000000, v30  }
0x334: {  	s21 =	sadd.s32 s1, s21;
	s24 =	simm.s32 $0x3E00;
	(xrf0) =	vmax.scan.msk.u32 $0xffff, v30  }
0x335: {  	[tilespmem:s24], [sflag:$0x1] =	stream.linear.gather [hbm4b:s21+s3], $0x400, $0x38;
	[tilespmem:$0x12200] =	vst v63  }
0x336: {  	s21 =	sshll.u32 s22, $0x3  }
0x337: {  	s21 =	sand.u32 $0xFFFFFC00, s21  }
0x338: {  	s23 =	sshrl.u32 s21, $0x3;
	s21 =	sadd.s32 $0x7A1400, s21  }
0x339: {  	s24 =	simm.s32 $0x4200;
	s22 =	sadd.s32 s1, s23;
	s21 =	sshrl.u32 s21, $0x3  }
0x33a: {  	[tilespmem:s24], [sflag:$0x1] =	stream.linear.gather [hbm4b:s22+s3], $0x400, $0x38;
	v30, _, _ =	vpop (xrf0);
	[tilespmem:$0x12200] =	vst v63  }
0x33b: {  	s21 =	sadd.s32 s1, s21;
	s24 =	simm.s32 $0x4600;
	s22 =	spop (v2sf);
	(v2sf) =	vpush v30, $0xF;
	v30 =	vsel vm12, $0x0, v29  }
0x33c: {  	[tilespmem:s24], [sflag:$0x1] =	stream.linear.gather [hbm4b:s21+s3], $0x400, $0x38;
	v30 =	vxor.u32 $0x80000000, v30;
	[tilespmem:$0x12200] =	vst v63  }
0x33d: {  	s21 =	sshll.u32 s22, $0x3;
	(xrf0) =	vmax.scan.msk.u32 $0xffff, v30  }
0x33e: {  	s21 =	sand.u32 $0xFFFFFC00, s21  }
0x33f: {  	s23 =	sshrl.u32 s21, $0x3;
	s21 =	sadd.s32 $0x7A1400, s21  }
0x340: {  	s24 =	simm.s32 $0x4A00;
	s22 =	sadd.s32 s1, s23;
	s21 =	sshrl.u32 s21, $0x3  }
0x341: {  	[tilespmem:s24], [sflag:$0x1] =	stream.linear.gather [hbm4b:s22+s3], $0x400, $0x38;
	[tilespmem:$0x12200] =	vst v63  }
0x342: {  	s21 =	sadd.s32 s1, s21;
	s24 =	simm.s32 $0x4E00  }
0x343: {  	[tilespmem:s24], [sflag:$0x1] =	stream.linear.gather [hbm4b:s21+s3], $0x400, $0x38;
	v30, _, _ =	vpop (xrf0);
	[tilespmem:$0x12200] =	vst v63  }
0x344: {  	s22 =	spop (v2sf);
	(v2sf) =	vpush v30, $0xF;
	v30 =	vsel vm13, $0x0, v29  }
0x345: {  	s21 =	sshll.u32 s22, $0x3;
	v30 =	vxor.u32 $0x80000000, v30  }
0x346: {  	s21 =	sand.u32 $0xFFFFFC00, s21;
	(xrf0) =	vmax.scan.msk.u32 $0xffff, v30  }
0x347: {  	s23 =	sshrl.u32 s21, $0x3;
	s21 =	sadd.s32 $0x7A1400, s21  }
0x348: {  	s24 =	simm.s32 $0x5200;
	s22 =	sadd.s32 s1, s23;
	s21 =	sshrl.u32 s21, $0x3  }
0x349: {  	[tilespmem:s24], [sflag:$0x1] =	stream.linear.gather [hbm4b:s22+s3], $0x400, $0x38;
	[tilespmem:$0x12200] =	vst v63  }
0x34a: {  	s21 =	sadd.s32 s1, s21;
	s24 =	simm.s32 $0x5600  }
0x34b: {  	[tilespmem:s24], [sflag:$0x1] =	stream.linear.gather [hbm4b:s21+s3], $0x400, $0x38;
	[tilespmem:$0x12200] =	vst v63  }
0x34c: {  	v31 =	vsel vm14, $0x0, v29;
	s22 =	spop (v2sf);
	v30, _, _ =	vpop (xrf0)  }
0x34d: {  	s21 =	sshll.u32 s22, $0x3;
	(v2sf) =	vpush v30, $0xF;
	v30 =	vxor.u32 $0x80000000, v31  }
0x34e: {  	s21 =	sand.u32 $0xFFFFFC00, s21;
	(xrf0) =	vmax.scan.msk.u32 $0xffff, v30  }
0x34f: {  	s23 =	sshrl.u32 s21, $0x3;
	s21 =	sadd.s32 $0x7A1400, s21  }
0x350: {  	s24 =	simm.s32 $0x5A00;
	s22 =	sadd.s32 s1, s23;
	s21 =	sshrl.u32 s21, $0x3  }
0x351: {  	[tilespmem:s24], [sflag:$0x1] =	stream.linear.gather [hbm4b:s22+s3], $0x400, $0x38;
	[tilespmem:$0x12200] =	vst v63  }
0x352: {  	s21 =	sadd.s32 s1, s21;
	s24 =	simm.s32 $0x5E00  }
0x353: {  	[tilespmem:s24], [sflag:$0x1] =	stream.linear.gather [hbm4b:s21+s3], $0x400, $0x38;
	[tilespmem:$0x12200] =	vst v63  }
0x354: {  	v29 =	vsel vm15, $0x0, v29;
	s22 =	spop (v2sf);
	v30, _, _ =	vpop (xrf0)  }
0x355: {  	v29 =	vxor.u32 $0x80000000, v29;
	s21 =	sshll.u32 s22, $0x3;
	(v2sf) =	vpush v30, $0xF  }
0x356: {  	(xrf0) =	vmax.scan.msk.u32 $0xffff, v29;
	s21 =	sand.u32 $0xFFFFFC00, s21  }
0x357: {  	s23 =	sshrl.u32 s21, $0x3;
	s21 =	sadd.s32 $0x7A1400, s21  }
0x358: {  	s24 =	simm.s32 $0x6200;
	s22 =	sadd.s32 s1, s23;
	s21 =	sshrl.u32 s21, $0x3  }
0x359: {  	[tilespmem:s24], [sflag:$0x1] =	stream.linear.gather [hbm4b:s22+s3], $0x400, $0x38;
	[tilespmem:$0x12200] =	vst v63  }
0x35a: {  	s21 =	sadd.s32 s1, s21;
	s24 =	simm.s32 $0x6600  }
0x35b: {  	[tilespmem:s24], [sflag:$0x1] =	stream.linear.gather [hbm4b:s21+s3], $0x400, $0x38;
	[tilespmem:$0x12200] =	vst v63  }
0x35c: {  	v29, _, _ =	vpop (xrf0);
	s22 =	spop (v2sf)  }
0x35d: {  	(v2sf) =	vpush v29, $0xF;
	s21 =	sshll.u32 s22, $0x3  }
0x35e: {  	s21 =	sand.u32 $0xFFFFFC00, s21  }
0x35f: {  	s23 =	sshrl.u32 s21, $0x3;
	s21 =	sadd.s32 $0x7A1400, s21  }
0x360: {  	s24 =	simm.s32 $0x6A00;
	s22 =	sadd.s32 s1, s23;
	s21 =	sshrl.u32 s21, $0x3  }
0x361: {  	[tilespmem:s24], [sflag:$0x1] =	stream.linear.gather [hbm4b:s22+s3], $0x400, $0x38;
	[tilespmem:$0x12200] =	vst v63  }
0x362: {  	s21 =	sadd.s32 s1, s21;
	s24 =	simm.s32 $0x6E00  }
0x363: {  	[tilespmem:s24], [sflag:$0x1] =	stream.linear.gather [hbm4b:s21+s3], $0x400, $0x38;
	[tilespmem:$0x12200] =	vst v63  }
0x364: {  	s22 =	spop (v2sf)  }
0x365: {  	s22 =	sshll.u32 s22, $0x3  }
0x366: {  	s21 =	sand.u32 $0xFFFFFC00, s22  }
0x367: {  	s23 =	sshrl.u32 s21, $0x3;
	s21 =	sadd.s32 $0x7A1400, s21  }
0x368: {  	s24 =	simm.s32 $0x7200;
	s22 =	sadd.s32 s1, s23;
	s21 =	sshrl.u32 s21, $0x3  }
0x369: {  	[tilespmem:s24], [sflag:$0x1] =	stream.linear.gather [hbm4b:s22+s3], $0x400, $0x38;
	[tilespmem:$0x12200] =	vst v63  }
0x36a: {  	s21 =	sadd.s32 s1, s21;
	s24 =	simm.s32 $0x7600  }
0x36b: {  	[tilespmem:s24], [sflag:$0x1] =	stream.linear.gather [hbm4b:s21+s3], $0x400, $0x38;
	[tilespmem:$0x12200] =	vst v63  }
0x36c: {  	s22 =	spop (v2sf)  }
0x36d: {  	s21 =	sshll.u32 s22, $0x3  }
0x36e: {  	s21 =	sand.u32 $0xFFFFFC00, s21  }
.Ltmp5:
0x36f: {  	s23 =	sshrl.u32 s21, $0x3;
	s21 =	sadd.s32 $0x7A1400, s21;
	(pc) =	sbr.rel .LBB2_4-.Ltmp5, $4  }
0x370: {  	s24 =	simm.s32 $0x7A00;
	s22 =	sadd.s32 s1, s23;
	s21 =	sshrl.u32 s21, $0x3  }
0x371: {  	[tilespmem:s24], [sflag:$0x1] =	stream.linear.gather [hbm4b:s22+s3], $0x400, $0x38;
	[tilespmem:$0x12200] =	vst v63  }
0x372: {  	s23 =	simm.s32 $0x8200;
	s21 =	sadd.s32 s1, s21;
	s24 =	simm.s32 $0x7E00  }
0x373: {  	[tilespmem:s24], [sflag:$0x1] =	stream.linear.gather [hbm4b:s21+s3], $0x400, $0x38;
	[tilespmem:$0x12200] =	vst v63  }
.LBB2_6:
0x374: {  	_ =	sfence.sel $0x180000  }
0x375: {  	[bflag:$0x0] =	sbarrier.arrive $0xFFFF  }
0x376: {  	_ =	strace $0x90000047  }
0x377: {  	s0 =	stileid.u32;
	[bflag:$0x2] =	sbarrier.arrive $0xFFFF  }
0x378: {  	p0 =	sne.s32 s0, $0x0;
	s0 =	rddreg [dreg:$0x3]  }
0x379: {  	s0 =	sadd.s32 @!p0 $0x100000, s0  }
0x37a: {  	[sflag:s0] =	ssyncadd.tile.s32 @!p0 $0x1;
	_ =	shalt  }
.Lfunc_end2:
_tile_overlayer_lowered:
.L_overlay_start_2:
0x37b: {  	(tag) =	ssettag $0x2  }
0x37c: {  	s0 =	rddreg [dreg:$0x0];
	s2 =	stileid.u32  }
0x37d: {  	s1 =	rddreg [dreg:$0x1];
	p0 =	sne.s32 s2, $0x0  }
0x37e: {  	s3 =	rddreg [dreg:$0x2];
	[bflag:$0x3] =	sbarrier.arrive $0xFFFF;
	s2 =	simm.s32 @!p0 $0x1C04  }
0x37f: {  	[timem:s3], [sflag:s2] =	dma.local @!p0 [hbm:s0], s1  }
0x380: {  	s0 =	simm.s32 @!p0 $0x4  }
0x381: {  	_ =	swait.ge @!p0 [sflag:s0], s1  }
0x382: {  	s1 =	ssub.s32 @!p0 $0x0, s1;
	[sflag:s0] =	ssyncset.done @!p0 $0x0  }
0x383: {  	[sflag:s0] =	ssyncadd.s32 @!p0 s1  }
0x384: {  	[bflag:$0x3] =	sbarrier.arrive $0xFFFF  }
0x385: {  	_ =	shalt  }

</sc_bundles>
